<compile_context>
chip_gen: v7x
topology: tpu7x:2x2x1
jax: 0.10.2.dev20260603
libtpu: 0.0.44.dev20260713+nightly
codegen_flags: <defaults>
</compile_context>

<pallas_src>
import jax
import jax.numpy as jnp
from jax import lax
from jax.experimental import pallas as pl
from jax.experimental.pallas import tpu as pltpu
from jax.experimental.pallas import tpu_sc as plsc

N = 50000
R = 8
RT = 2 * R + 1
EMB = 16
C = 8

NC, NS = 2, 16
NW = NC * NS
LANES = 128
RPC = 8
K = LANES * RPC
DP = 16 * N + 16


def _mesh():
    return plsc.VectorSubcoreMesh(
        core_axis_name="c", subcore_axis_name="s", num_cores=NC, num_subcores=NS
    )


def _make_deg_vals(EP, CPW, NE):

    def body(ver_hbm, zdeg_hbm, vals_out, vidx, dval, ones_v, deg_sh,
             lsem, dsem, hsem, wsem):
        cid = lax.axis_index("c")
        sid = lax.axis_index("s")
        wid = cid * NS + sid

        @pl.when(sid == 0)
        def _():
            pltpu.sync_copy(zdeg_hbm, deg_sh)

        def fill(l, c0):
            ones_v[pl.ds(l * 16, 16)] = jnp.full((16,), 1.0, jnp.float32)
            return c0

        lax.fori_loop(0, LANES // 16, fill, 0)
        plsc.subcore_barrier()

        NCH = NC * CPW

        def ver_hist_desc(i, b):
            r0 = sid * (NCH * RPC) + i * RPC
            return pltpu.make_async_copy(
                ver_hbm.at[pl.ds(r0, RPC)], vidx.at[b], lsem)

        def hist_descs(b):
            return [pltpu.make_async_copy(
                        ones_v, deg_sh.at[vidx.at[b, j]], hsem)
                    for j in range(RPC)]

        ver_hist_desc(0, 0).start()
        ver_hist_desc(1, 1).start()

        def hstep(i, c0):
            b3 = i % 3
            ver_hist_desc(i, b3).wait()

            @pl.when(i >= 1)
            def _():
                for d in hist_descs((i - 1) % 3):
                    d.wait()

            for d in hist_descs(b3):
                d.start(add=True)

            @pl.when(i + 2 < NCH)
            def _():
                ver_hist_desc(i + 2, (i + 2) % 3).start()

            return c0

        lax.fori_loop(0, NCH, hstep, 0)
        for d in hist_descs((NCH - 1) % 3):
            d.wait()
        plsc.subcore_barrier()

        def ver_desc(i, b):
            r0 = (wid * CPW + i) * RPC
            return pltpu.make_async_copy(
                ver_hbm.at[pl.ds(r0, RPC)], vidx.at[b], lsem)

        def dg_descs(i3, i2):
            return [pltpu.make_async_copy(
                        deg_sh.at[vidx.at[i3, j]],
                        dval.at[i2, pl.ds(j * LANES, LANES)], dsem)
                    for j in range(RPC)]

        def wdesc(i2):
            return pltpu.make_async_copy(
                dval.at[i2], vals_out.at[pl.ds(0, K)], wsem)

        ver_desc(0, 0).start()
        ver_desc(1, 1).start()
        ver_desc(0, 0).wait()
        for d in dg_descs(0, 0):
            d.start()

        def step(i, c0):
            b3 = i % 3
            b2 = i & 1
            n3 = (i + 1) % 3
            n2 = 1 - b2
            for d in dg_descs(b3, b2):
                d.wait()
            e0 = (wid * CPW + i) * K

            def rec(l, c1):
                sl = pl.ds(l * 16, 16)
                eidx = e0 + l * 16 + lax.iota(jnp.int32, 16)
                dval[b2, sl] = jnp.where(eidx < NE, 1.0 / dval[b2, sl], 0.0)
                return c1

            lax.fori_loop(0, K // 16, rec, 0)

            @pl.when(i >= 1)
            def _():
                wdesc(n2).wait()

            pltpu.async_copy(dval.at[b2], vals_out.at[pl.ds(e0, K)], wsem)

            @pl.when(i + 1 < CPW)
            def _():
                ver_desc(i + 1, n3).wait()
                for d in dg_descs(n3, n2):
                    d.start()

            @pl.when(i + 2 < CPW)
            def _():
                ver_desc(i + 2, (i + 2) % 3).start()

            return c0

        lax.fori_loop(0, CPW, step, 0)
        wdesc((CPW - 1) & 1).wait()

    return pl.kernel(
        body,
        out_type=jax.ShapeDtypeStruct((EP,), jnp.float32),
        mesh=_mesh(),
        compiler_params=pltpu.CompilerParams(use_tc_tiling_on_sc=False),
        scratch_types=[
            pltpu.VMEM((3, RPC, LANES), jnp.int32),
            pltpu.VMEM((2, K), jnp.float32),
            pltpu.VMEM((LANES,), jnp.float32),
            pltpu.VMEM_SHARED((DP,), jnp.float32),
            pltpu.SemaphoreType.DMA,
            pltpu.SemaphoreType.DMA,
            pltpu.SemaphoreType.DMA,
            pltpu.SemaphoreType.DMA,
        ],
    )


def _make_gss(EP, CPW):

    def body(table_hbm, vals_hbm, hor_hbm, sct_hbm, zh_hbm, out_hbm,
             gidx, sidx, vval, rows, h_sh, lsem, gsem, ssem):
        cid = lax.axis_index("c")
        sid = lax.axis_index("s")
        wid = cid * NS + sid

        @pl.when(sid == 0)
        def _():
            pltpu.sync_copy(zh_hbm, h_sh)

        plsc.subcore_barrier()

        def idx_descs(i, b):
            r0 = (wid * CPW + i) * RPC
            return [
                pltpu.make_async_copy(hor_hbm.at[pl.ds(r0, RPC)], gidx.at[b], lsem),
                pltpu.make_async_copy(sct_hbm.at[pl.ds(r0, RPC)], sidx.at[b], lsem),
                pltpu.make_async_copy(
                    vals_hbm.at[pl.ds(r0 * LANES, K)], vval.at[b], lsem),
            ]

        def gather_descs(i3, i2):
            return [pltpu.make_async_copy(
                        table_hbm.at[gidx.at[i3, j]],
                        rows.at[i2, pl.ds(j * LANES, LANES)], gsem)
                    for j in range(RPC)]

        def scatter_descs(i3, i2):
            return [pltpu.make_async_copy(
                        rows.at[i2, pl.ds(j * LANES, LANES)],
                        h_sh.at[sidx.at[i3, j]], ssem)
                    for j in range(RPC)]

        for d in idx_descs(0, 0):
            d.start()
        for d in idx_descs(1, 1):
            d.start()
        for d in idx_descs(0, 0):
            d.wait()
        for d in gather_descs(0, 0):
            d.start()

        def step(i, c0):
            b3 = i % 3
            b2 = i & 1
            n3 = (i + 1) % 3
            n2 = 1 - b2
            for d in gather_descs(b3, b2):
                d.wait()

            def scale(l, c1):
                vv = vval[b3, pl.ds(l * 16, 16)]
                for t in range(16):
                    e = l * 16 + t
                    rows[b2, e, :] = rows[b2, e, :] * vv[t]
                return c1

            lax.fori_loop(0, K // 16, scale, 0)

            @pl.when(i >= 1)
            def _():
                for d in scatter_descs((i - 1) % 3, n2):
                    d.wait()

            for d in scatter_descs(b3, b2):
                d.start(add=True)

            @pl.when(i + 1 < CPW)
            def _():
                for d in idx_descs(i + 1, n3):
                    d.wait()
                for d in gather_descs(n3, n2):
                    d.start()

            @pl.when(i + 2 < CPW)
            def _():
                for d in idx_descs(i + 2, (i + 2) % 3):
                    d.start()

            return c0

        lax.fori_loop(0, CPW, step, 0)
        for d in scatter_descs((CPW - 1) % 3, (CPW - 1) & 1):
            d.wait()
        plsc.subcore_barrier()

        @pl.when(sid == 0)
        def _():
            pltpu.sync_copy(h_sh, out_hbm.at[cid])

    return pl.kernel(
        body,
        out_type=jax.ShapeDtypeStruct((NC, N, EMB), jnp.float32),
        mesh=_mesh(),
        compiler_params=pltpu.CompilerParams(use_tc_tiling_on_sc=False),
        scratch_types=[
            pltpu.VMEM((3, RPC, LANES), jnp.int32),
            pltpu.VMEM((3, RPC, LANES), jnp.int32),
            pltpu.VMEM((3, K), jnp.float32),
            pltpu.VMEM((2, K, EMB), jnp.float32),
            pltpu.VMEM_SHARED((N, EMB), jnp.float32),
            pltpu.SemaphoreType.DMA,
            pltpu.SemaphoreType.DMA,
            pltpu.SemaphoreType.DMA,
        ],
    )


_BN = 2000
NP = 51200
N8 = N // 8
NP8 = NP // 8
_BB = 640


def _dense1(hAp, hBp, wp, b128, bd):

    def body(a_ref, b_ref, w_ref, b1_ref, bd_ref, out_ref):
        h = a_ref[...] + b_ref[...] + w_ref[...] + b1_ref[0]
        h = jnp.maximum(h, 0.0)
        out_ref[0] = jnp.dot(h, bd_ref[0], preferred_element_type=jnp.float32)

    return pl.pallas_call(
        body,
        grid=(NP8 // _BB, RT),
        in_specs=[
            pl.BlockSpec((_BB, 128), lambda i, r: (i, 0)),
            pl.BlockSpec((_BB, 128), lambda i, r: (i, 0)),
            pl.BlockSpec((_BB, 128), lambda i, r: (i, 0)),
            pl.BlockSpec((1, 128), lambda i, r: (0, 0)),
            pl.BlockSpec((1, 128, 128), lambda i, r: (r, 0, 0)),
        ],
        out_specs=pl.BlockSpec((1, _BB, 128), lambda i, r: (r, i, 0)),
        out_shape=jax.ShapeDtypeStruct((RT, NP8, 128), jnp.float32),
    )(hAp, hBp, wp, b128, bd)


def _final(oA, oB, selfrow, b2):

    def body(a_ref, b_ref, s_ref, b2_ref, out_ref):
        o = a_ref[...] + b_ref[...] + s_ref[...]
        out_ref[...] = o[:, :C] + b2_ref[0]

    return pl.pallas_call(
        body,
        grid=(N // _BN,),
        in_specs=[
            pl.BlockSpec((_BN, EMB), lambda i: (i, 0)),
            pl.BlockSpec((_BN, EMB), lambda i: (i, 0)),
            pl.BlockSpec((_BN, EMB), lambda i: (i, 0)),
            pl.BlockSpec((1, C), lambda i: (0, 0)),
        ],
        out_specs=pl.BlockSpec((_BN, C), lambda i: (i, 0)),
        out_shape=jax.ShapeDtypeStruct((N, C), jnp.float32),
    )(oA, oB, selfrow, b2)


def kernel(src, dst, rel, weights1, weights2, bias1, bias2):
    E = src.shape[0]
    NE = 2 * E
    EP = ((NE + NW * K - 1) // (NW * K)) * (NW * K)
    CPW = EP // (NW * K)
    EPR = EP // LANES

    src = src.astype(jnp.int32)
    dst = dst.astype(jnp.int32)
    rel = rel.astype(jnp.int32)

    ver = jnp.concatenate([rel * N + src, (rel + R) * N + dst])
    hor = jnp.concatenate([rel * N + dst, (rel + R) * N + src])
    hor2 = jnp.concatenate([rel * NP + dst, (rel + R) * NP + src])
    sct = jnp.concatenate([src, dst])
    ar = jnp.arange(EP - NE, dtype=jnp.int32)
    ver = jnp.concatenate([ver, 16 * N + (ar & 15)]).reshape(EPR, LANES)
    hor = jnp.concatenate([hor, ar & 2047]).reshape(EPR, LANES)
    hor2 = jnp.concatenate([hor2, ar & 2047]).reshape(EPR, LANES)
    sct = jnp.concatenate([sct, ar & 7]).reshape(EPR, LANES)

    zdeg = jnp.zeros((DP,), jnp.float32)
    zh = jnp.zeros((N, EMB), jnp.float32)

    vals = _make_deg_vals(EP, CPW, NE)(ver, zdeg)

    w1f = weights1.reshape(RT * N, EMB)
    hpart = _make_gss(EP, CPW)(w1f, vals, hor, sct, zh)

    hAp = jnp.pad(hpart[0].reshape(N8, 128), ((0, NP8 - N8), (0, 0)))
    hBp = jnp.pad(hpart[1].reshape(N8, 128), ((0, NP8 - N8), (0, 0)))
    wp = jnp.pad(weights1[2 * R].reshape(N8, 128), ((0, NP8 - N8), (0, 0)))
    b128 = jnp.tile(bias1, 8).reshape(1, 128)
    w2p = jnp.pad(weights2, ((0, 0), (0, 0), (0, EMB - C)))
    bd = jnp.einsum('kl,rec->rkelc', jnp.eye(8, dtype=jnp.float32),
                    w2p).reshape(RT, 128, 128)

    hw2L = _dense1(hAp, hBp, wp, b128, bd)

    opart = _make_gss(EP, CPW)(hw2L.reshape(RT * NP, EMB), vals, hor2, sct, zh)

    selfrow = hw2L[2 * R, :N8].reshape(N, EMB)
    return _final(opart[0], opart[1], selfrow, bias2.reshape(1, C))

# --- scband reference (transcript-rebuilt; emitter-appended) ---
"""Pipeline reference for scband-rgcn-28819230556557 (READ-ONLY COPY).

The authoritative reference and input builder live on the scoring server;
editing this copy changes nothing except your own understanding.
"""

import jax, jax.numpy as jnp
import numpy as np

N = 50000      # num_nodes
E = 1600000    # num raw triples
R = 8          # num raw relations
EMB = 16       # emb_dim
C = 8          # num_classes
RT = 2 * R + 1 # enriched relation count (fwd + inverse + self-loop)


def setup_inputs(seed: int = 0) -> dict:
    key = jax.random.key(seed)
    ks = jax.random.split(key, 5)
    src = jax.random.randint(ks[0], (E,), 0, N, dtype=jnp.int32)
    dst = jax.random.randint(ks[1], (E,), 0, N, dtype=jnp.int32)
    rel = jax.random.randint(ks[2], (E,), 0, R, dtype=jnp.int32)
    gain = np.sqrt(2.0)  # calculate_gain('relu')
    b1 = gain * np.sqrt(6.0 / (N + EMB))
    weights1 = jax.random.uniform(ks[3], (RT, N, EMB), minval=-b1, maxval=b1, dtype=jnp.float32)
    b2 = gain * np.sqrt(6.0 / (EMB + C))
    weights2 = jax.random.uniform(ks[4], (RT, EMB, C), minval=-b2, maxval=b2, dtype=jnp.float32)
    bias1 = jnp.zeros((EMB,), dtype=jnp.float32)
    bias2 = jnp.zeros((C,), dtype=jnp.float32)
    return {"src": src, "dst": dst, "rel": rel,
            "weights1": weights1, "weights2": weights2,
            "bias1": bias1, "bias2": bias2}


def reference(src, dst, rel, weights1, weights2, bias1, bias2):
    # --- enrich(triples, N, R): add inverse relations and self-loops ---
    loop = jnp.arange(N, dtype=jnp.int32)
    s_all = jnp.concatenate([src, dst, loop])
    o_all = jnp.concatenate([dst, src, loop])
    p_all = jnp.concatenate([rel, rel + R, jnp.full((N,), 2 * R, dtype=jnp.int32)])
    # --- adj(): horizontal (N, RT*N) and vertical (RT*N, N) COO indices ---
    hor_rows = s_all
    hor_cols = p_all * N + o_all
    ver_rows = p_all * N + s_all
    ver_cols = o_all
    # --- sum_sparse(): normalize by row sums of the vertical adjacency ---
    ones = jnp.ones(s_all.shape[0], dtype=jnp.float32)
    row_sums = jax.ops.segment_sum(ones, ver_rows, num_segments=RT * N)
    vals = 1.0 / row_sums[ver_rows]
    # --- layer 1: h = hor_graph @ weights1.view(RT*N, EMB)  (spmm as gather + scatter-add) ---
    w1 = weights1.reshape(RT * N, EMB)
    h = jnp.zeros((N, EMB), dtype=jnp.float32).at[hor_rows].add(vals[:, None] * w1[hor_cols])
    h = jax.nn.relu(h + bias1)
    # --- layer 2: h = ver_graph @ h, then per-relation bmm with weights2, summed over relations ---
    h2 = jnp.zeros((RT * N, EMB), dtype=jnp.float32).at[ver_rows].add(vals[:, None] * h[ver_cols])
    h2 = h2.reshape(RT, N, EMB)
    out = jnp.einsum('rne,rec->nc', h2, weights2) + bias2
    return out

if __name__ == "__main__":
    import jax
    _d = setup_inputs()
    print(jax.jit(kernel)(*tuple(_d.values())))

</pallas_src>

<mosaic_0001>
#map = affine_map<(d0, d1) -> (0, 0)>
#map1 = affine_map<(d0, d1) -> (0)>
module attributes {stable_mosaic.version = 14 : i64} {
  func.func @body(%arg0: i32, %arg1: i32, %arg2: memref<25088x128xi32, #tpu.memory_space<hbm>>, %arg3: memref<800016xf32, #tpu.memory_space<hbm>>, %arg4: memref<3211264xf32, #tpu.memory_space<hbm>>, %arg5: memref<3x8x128xi32, #tpu.memory_space<vmem>>, %arg6: memref<2x1024xf32, #tpu.memory_space<vmem>>, %arg7: memref<128xf32, #tpu.memory_space<vmem>>, %arg8: memref<800016xf32, #tpu.memory_space<vmem_shared>>, %arg9: memref<!tpu.dma_semaphore, #tpu.memory_space<semaphore_mem>>, %arg10: memref<!tpu.dma_semaphore, #tpu.memory_space<semaphore_mem>>, %arg11: memref<!tpu.dma_semaphore, #tpu.memory_space<semaphore_mem>>, %arg12: memref<!tpu.dma_semaphore, #tpu.memory_space<semaphore_mem>>) attributes {dimension_semantics = [#tpu.dimension_semantics<core_parallel>, #tpu.dimension_semantics<subcore_parallel>], iteration_bounds = array<i64: 2, 16>, scalar_prefetch = 0 : i64, scratch_operands = 8 : i64, tpu.core_type = #tpu.core_type<sc_vector_subcore>, window_params = [{transform_indices = #map}, {transform_indices = #map1}, {transform_indices = #map1}]} {
    %mul3A = arith.constant 16 : i32
    %mul3A_0 = arith.muli %arg0, %mul3A : i32
    %add3A = arith.addi %mul3A_0, %arg1 : i32
    %eq3A = arith.constant 0 : i32
    %eq3A_1 = arith.cmpi eq, %arg1, %eq3A : i32
    %convert_element_type3A = arith.extui %eq3A_1 : i1 to i32
    %cond3A = arith.constant 0 : i32
    %cond3A_2 = arith.cmpi ne, %convert_element_type3A, %cond3A : i32
    scf.if %cond3A_2 {
      "tpu.region"() ({
        %run_scoped3A = tpu.sem_alloc : memref<!tpu.dma_semaphore, #tpu.memory_space<semaphore_mem>>
        tpu.enqueue_dma source(%arg3 : memref<800016xf32, #tpu.memory_space<hbm>>) target(%arg8 : memref<800016xf32, #tpu.memory_space<vmem_shared>>) target_semaphore(%run_scoped3A : memref<!tpu.dma_semaphore, #tpu.memory_space<semaphore_mem>>)
        tpu.wait_dma2 semaphore(%run_scoped3A : memref<!tpu.dma_semaphore, #tpu.memory_space<semaphore_mem>>) src(%arg3 : memref<800016xf32, #tpu.memory_space<hbm>>) dst(%arg8 : memref<800016xf32, #tpu.memory_space<vmem_shared>>)
        tpu.yield
      }) : () -> ()
    } else {
    }
    %scan3A = arith.constant 0 : i32
    %scan3A_3 = arith.constant 0 : i32
    %scan3A_4 = arith.constant 8 : i32
    %scan3A_5 = arith.addi %scan3A_3, %scan3A_4 : i32
    %scan3A_6 = arith.constant 1 : i32
    scf.for %scan3A_265 = %scan3A_3 to %scan3A_5 step %scan3A_6  : i32 {
      %broadcast_in_dim3A = arith.constant 1.000000e+00 : f32
      %broadcast_in_dim3A_266 = vector.broadcast %broadcast_in_dim3A : f32 to vector<16xf32>
      %mul3A_267 = arith.constant 16 : i32
      %mul3A_268 = arith.muli %scan3A_265, %mul3A_267 : i32
      %swap3A = arith.index_cast %mul3A_268 : i32 to index
      %swap3A_269 = tpu.vector_load %arg7[%swap3A] {strides = array<i32>} : memref<128xf32, #tpu.memory_space<vmem>>, vector<16xf32>,
      %swap3A_270 = vector.shape_cast %swap3A_269 : vector<16xf32> to vector<16xf32>
      %swap3A_271 = vector.shape_cast %broadcast_in_dim3A_266 : vector<16xf32> to vector<16xf32>
      tpu.vector_store %arg7[%swap3A], %swap3A_271 {strides = array<i32>} : memref<128xf32, #tpu.memory_space<vmem>>, vector<16xf32>,
    }
    %scan3A_7 = arith.constant 8 : i32
    %barrier3A = arith.constant 0 : index
    tpu.barrier barrier_id(%barrier3A)
    %mul3A_8 = arith.constant 1568 : i32
    %mul3A_9 = arith.muli %arg1, %mul3A_8 : i32
    %add3A_10 = arith.constant 0 : i32
    %add3A_11 = arith.addi %mul3A_9, %add3A_10 : i32
    %dma_start3A = arith.constant 0 : i32
    %dma_start3A_12 = arith.constant 0 : i32
    %dma_start3A_13 = arith.constant 0 : i32
    %dma_start3A_14 = tpu.memref_slice %arg5[%dma_start3A, %dma_start3A_12, %dma_start3A_13] : memref<3x8x128xi32, #tpu.memory_space<vmem>> -> memref<1x8x128xi32, #tpu.memory_space<vmem>>
    %dma_start3A_15 = tpu.memref_squeeze %dma_start3A_14 : memref<1x8x128xi32, #tpu.memory_space<vmem>> -> memref<8x128xi32, #tpu.memory_space<vmem>>
    %dma_start3A_16 = arith.constant 0 : i32
    %dma_start3A_17 = tpu.memref_slice %arg2[%add3A_11, %dma_start3A_16] : memref<25088x128xi32, #tpu.memory_space<hbm>> -> memref<8x128xi32, #tpu.memory_space<hbm>>
    %dma_start3A_18 = arith.constant 0 : i32
    %dma_start3A_19 = arith.constant 0 : i32
    %dma_start3A_20 = tpu.memref_slice %arg5[%dma_start3A, %dma_start3A_18, %dma_start3A_19] : memref<3x8x128xi32, #tpu.memory_space<vmem>> -> memref<1x8x128xi32, #tpu.memory_space<vmem>>
    %dma_start3A_21 = tpu.memref_squeeze %dma_start3A_20 : memref<1x8x128xi32, #tpu.memory_space<vmem>> -> memref<8x128xi32, #tpu.memory_space<vmem>>
    %dma_start3A_22 = arith.constant 0 : i32
    %dma_start3A_23 = tpu.memref_slice %arg2[%add3A_11, %dma_start3A_22] : memref<25088x128xi32, #tpu.memory_space<hbm>> -> memref<8x128xi32, #tpu.memory_space<hbm>>
    tpu.enqueue_dma source(%dma_start3A_23 : memref<8x128xi32, #tpu.memory_space<hbm>>) target(%dma_start3A_21 : memref<8x128xi32, #tpu.memory_space<vmem>>) target_semaphore(%arg9 : memref<!tpu.dma_semaphore, #tpu.memory_space<semaphore_mem>>)
    %mul3A_24 = arith.constant 1568 : i32
    %mul3A_25 = arith.muli %arg1, %mul3A_24 : i32
    %add3A_26 = arith.constant 8 : i32
    %add3A_27 = arith.addi %mul3A_25, %add3A_26 : i32
    %dma_start3A_28 = arith.constant 1 : i32
    %dma_start3A_29 = arith.constant 0 : i32
    %dma_start3A_30 = arith.constant 0 : i32
    %dma_start3A_31 = tpu.memref_slice %arg5[%dma_start3A_28, %dma_start3A_29, %dma_start3A_30] : memref<3x8x128xi32, #tpu.memory_space<vmem>> -> memref<1x8x128xi32, #tpu.memory_space<vmem>>
    %dma_start3A_32 = tpu.memref_squeeze %dma_start3A_31 : memref<1x8x128xi32, #tpu.memory_space<vmem>> -> memref<8x128xi32, #tpu.memory_space<vmem>>
    %dma_start3A_33 = arith.constant 0 : i32
    %dma_start3A_34 = tpu.memref_slice %arg2[%add3A_27, %dma_start3A_33] : memref<25088x128xi32, #tpu.memory_space<hbm>> -> memref<8x128xi32, #tpu.memory_space<hbm>>
    %dma_start3A_35 = arith.constant 0 : i32
    %dma_start3A_36 = arith.constant 0 : i32
    %dma_start3A_37 = tpu.memref_slice %arg5[%dma_start3A_28, %dma_start3A_35, %dma_start3A_36] : memref<3x8x128xi32, #tpu.memory_space<vmem>> -> memref<1x8x128xi32, #tpu.memory_space<vmem>>
    %dma_start3A_38 = tpu.memref_squeeze %dma_start3A_37 : memref<1x8x128xi32, #tpu.memory_space<vmem>> -> memref<8x128xi32, #tpu.memory_space<vmem>>
    %dma_start3A_39 = arith.constant 0 : i32
    %dma_start3A_40 = tpu.memref_slice %arg2[%add3A_27, %dma_start3A_39] : memref<25088x128xi32, #tpu.memory_space<hbm>> -> memref<8x128xi32, #tpu.memory_space<hbm>>
    tpu.enqueue_dma source(%dma_start3A_40 : memref<8x128xi32, #tpu.memory_space<hbm>>) target(%dma_start3A_38 : memref<8x128xi32, #tpu.memory_space<vmem>>) target_semaphore(%arg9 : memref<!tpu.dma_semaphore, #tpu.memory_space<semaphore_mem>>)
    %scan3A_41 = arith.constant 0 : i32
    %scan3A_42 = arith.constant 0 : i32
    %scan3A_43 = arith.constant 196 : i32
    %scan3A_44 = arith.addi %scan3A_42, %scan3A_43 : i32
    %scan3A_45 = arith.constant 1 : i32
    scf.for %scan3A_265 = %scan3A_42 to %scan3A_44 step %scan3A_45  : i32 {
      %jit3A = arith.constant 3 : i32
      %eq3A_266 = arith.constant 0 : i32
      %eq3A_267 = arith.cmpi eq, %jit3A, %eq3A_266 : i32
      %jit3A_268 = arith.constant 1 : i32
      %select_n3A = arith.select %eq3A_267, %jit3A_268, %jit3A : i32
      %rem3A = arith.remsi %scan3A_265, %select_n3A : i32
      %ne3A = arith.constant 0 : i32
      %ne3A_269 = arith.cmpi ne, %rem3A, %ne3A : i32
      %lt3A = arith.constant 0 : i32
      %lt3A_270 = arith.cmpi slt, %rem3A, %lt3A : i32
      %lt3A_271 = arith.constant 0 : i32
      %lt3A_272 = arith.cmpi slt, %select_n3A, %lt3A_271 : i32
      %ne3A_273 = arith.xori %lt3A_270, %lt3A_272 : i1
      %and3A = arith.andi %ne3A_273, %ne3A_269 : i1
      %add3A_274 = arith.addi %rem3A, %select_n3A : i32
      %select_n3A_275 = arith.select %and3A, %add3A_274, %rem3A : i32
      %mul3A_276 = arith.constant 1568 : i32
      %mul3A_277 = arith.muli %arg1, %mul3A_276 : i32
      %mul3A_278 = arith.constant 8 : i32
      %mul3A_279 = arith.muli %scan3A_265, %mul3A_278 : i32
      %add3A_280 = arith.addi %mul3A_277, %mul3A_279 : i32
      %dma_wait3A_281 = arith.constant 0 : i32
      %dma_wait3A_282 = arith.constant 0 : i32
      %dma_wait3A_283 = tpu.memref_slice %arg5[%select_n3A_275, %dma_wait3A_281, %dma_wait3A_282] : memref<3x8x128xi32, #tpu.memory_space<vmem>> -> memref<1x8x128xi32, #tpu.memory_space<vmem>>
      %dma_wait3A_284 = tpu.memref_squeeze %dma_wait3A_283 : memref<1x8x128xi32, #tpu.memory_space<vmem>> -> memref<8x128xi32, #tpu.memory_space<vmem>>
      %dma_wait3A_285 = arith.constant 0 : i32
      %dma_wait3A_286 = tpu.memref_slice %arg2[%add3A_280, %dma_wait3A_285] : memref<25088x128xi32, #tpu.memory_space<hbm>> -> memref<8x128xi32, #tpu.memory_space<hbm>>
      %dma_wait3A_287 = arith.constant 0 : i32
      %dma_wait3A_288 = arith.constant 0 : i32
      %dma_wait3A_289 = tpu.memref_slice %arg5[%select_n3A_275, %dma_wait3A_287, %dma_wait3A_288] : memref<3x8x128xi32, #tpu.memory_space<vmem>> -> memref<1x8x128xi32, #tpu.memory_space<vmem>>
      %dma_wait3A_290 = tpu.memref_squeeze %dma_wait3A_289 : memref<1x8x128xi32, #tpu.memory_space<vmem>> -> memref<8x128xi32, #tpu.memory_space<vmem>>
      %dma_wait3A_291 = arith.constant 0 : i32
      %dma_wait3A_292 = tpu.memref_slice %arg2[%add3A_280, %dma_wait3A_291] : memref<25088x128xi32, #tpu.memory_space<hbm>> -> memref<8x128xi32, #tpu.memory_space<hbm>>
      tpu.wait_dma2 semaphore(%arg9 : memref<!tpu.dma_semaphore, #tpu.memory_space<semaphore_mem>>) src(%dma_wait3A_292 : memref<8x128xi32, #tpu.memory_space<hbm>>) dst(%dma_wait3A_290 : memref<8x128xi32, #tpu.memory_space<vmem>>)
      %ge3A = arith.constant 1 : i32
      %ge3A_293 = arith.cmpi sge, %scan3A_265, %ge3A : i32
      %convert_element_type3A_294 = arith.extui %ge3A_293 : i1 to i32
      %cond3A_295 = arith.constant 0 : i32
      %cond3A_296 = arith.cmpi ne, %convert_element_type3A_294, %cond3A_295 : i32
      scf.if %cond3A_296 {
        %sub3A = arith.constant 1 : i32
        %sub3A_352 = arith.subi %scan3A_265, %sub3A : i32
        %jit3A_353 = arith.constant 3 : i32
        %eq3A_354 = arith.constant 0 : i32
        %eq3A_355 = arith.cmpi eq, %jit3A_353, %eq3A_354 : i32
        %jit3A_356 = arith.constant 1 : i32
        %select_n3A_357 = arith.select %eq3A_355, %jit3A_356, %jit3A_353 : i32
        %rem3A_358 = arith.remsi %sub3A_352, %select_n3A_357 : i32
        %ne3A_359 = arith.constant 0 : i32
        %ne3A_360 = arith.cmpi ne, %rem3A_358, %ne3A_359 : i32
        %lt3A_361 = arith.constant 0 : i32
        %lt3A_362 = arith.cmpi slt, %rem3A_358, %lt3A_361 : i32
        %lt3A_363 = arith.constant 0 : i32
        %lt3A_364 = arith.cmpi slt, %select_n3A_357, %lt3A_363 : i32
        %ne3A_365 = arith.xori %lt3A_362, %lt3A_364 : i1
        %and3A_366 = arith.andi %ne3A_365, %ne3A_360 : i1
        %add3A_367 = arith.addi %rem3A_358, %select_n3A_357 : i32
        %select_n3A_368 = arith.select %and3A_366, %add3A_367, %rem3A_358 : i32
        %dma_wait3A_369 = arith.constant 0 : i32
        %dma_wait3A_370 = arith.constant 0 : i32
        %dma_wait3A_371 = tpu.memref_slice %arg5[%select_n3A_368, %dma_wait3A_369, %dma_wait3A_370] : memref<3x8x128xi32, #tpu.memory_space<vmem>> -> memref<1x1x128xi32, #tpu.memory_space<vmem>>
        %dma_wait3A_372 = tpu.memref_squeeze %dma_wait3A_371 : memref<1x1x128xi32, #tpu.memory_space<vmem>> -> memref<128xi32, #tpu.memory_space<vmem>>
        %dma_wait3A_373 = arith.constant 0 : i32
        %dma_wait3A_374 = tpu.memref_slice %arg8[%dma_wait3A_373] : memref<800016xf32, #tpu.memory_space<vmem_shared>> -> memref<800016xf32, #tpu.memory_space<vmem_shared>>
        tpu.wait_indirect_dma semaphore(%arg11 : memref<!tpu.dma_semaphore, #tpu.memory_space<semaphore_mem>>) src(%arg7 : memref<128xf32, #tpu.memory_space<vmem>>) dst(%dma_wait3A_374 : memref<800016xf32, #tpu.memory_space<vmem_shared>>)
        %dma_wait3A_375 = arith.constant 1 : i32
        %dma_wait3A_376 = arith.constant 0 : i32
        %dma_wait3A_377 = tpu.memref_slice %arg5[%select_n3A_368, %dma_wait3A_375, %dma_wait3A_376] : memref<3x8x128xi32, #tpu.memory_space<vmem>> -> memref<1x1x128xi32, #tpu.memory_space<vmem>>
        %dma_wait3A_378 = tpu.memref_squeeze %dma_wait3A_377 : memref<1x1x128xi32, #tpu.memory_space<vmem>> -> memref<128xi32, #tpu.memory_space<vmem>>
        %dma_wait3A_379 = arith.constant 0 : i32
        %dma_wait3A_380 = tpu.memref_slice %arg8[%dma_wait3A_379] : memref<800016xf32, #tpu.memory_space<vmem_shared>> -> memref<800016xf32, #tpu.memory_space<vmem_shared>>
        tpu.wait_indirect_dma semaphore(%arg11 : memref<!tpu.dma_semaphore, #tpu.memory_space<semaphore_mem>>) src(%arg7 : memref<128xf32, #tpu.memory_space<vmem>>) dst(%dma_wait3A_380 : memref<800016xf32, #tpu.memory_space<vmem_shared>>)
        %dma_wait3A_381 = arith.constant 2 : i32
        %dma_wait3A_382 = arith.constant 0 : i32
        %dma_wait3A_383 = tpu.memref_slice %arg5[%select_n3A_368, %dma_wait3A_381, %dma_wait3A_382] : memref<3x8x128xi32, #tpu.memory_space<vmem>> -> memref<1x1x128xi32, #tpu.memory_space<vmem>>
        %dma_wait3A_384 = tpu.memref_squeeze %dma_wait3A_383 : memref<1x1x128xi32, #tpu.memory_space<vmem>> -> memref<128xi32, #tpu.memory_space<vmem>>
        %dma_wait3A_385 = arith.constant 0 : i32
        %dma_wait3A_386 = tpu.memref_slice %arg8[%dma_wait3A_385] : memref<800016xf32, #tpu.memory_space<vmem_shared>> -> memref<800016xf32, #tpu.memory_space<vmem_shared>>
        tpu.wait_indirect_dma semaphore(%arg11 : memref<!tpu.dma_semaphore, #tpu.memory_space<semaphore_mem>>) src(%arg7 : memref<128xf32, #tpu.memory_space<vmem>>) dst(%dma_wait3A_386 : memref<800016xf32, #tpu.memory_space<vmem_shared>>)
        %dma_wait3A_387 = arith.constant 3 : i32
        %dma_wait3A_388 = arith.constant 0 : i32
        %dma_wait3A_389 = tpu.memref_slice %arg5[%select_n3A_368, %dma_wait3A_387, %dma_wait3A_388] : memref<3x8x128xi32, #tpu.memory_space<vmem>> -> memref<1x1x128xi32, #tpu.memory_space<vmem>>
        %dma_wait3A_390 = tpu.memref_squeeze %dma_wait3A_389 : memref<1x1x128xi32, #tpu.memory_space<vmem>> -> memref<128xi32, #tpu.memory_space<vmem>>
        %dma_wait3A_391 = arith.constant 0 : i32
        %dma_wait3A_392 = tpu.memref_slice %arg8[%dma_wait3A_391] : memref<800016xf32, #tpu.memory_space<vmem_shared>> -> memref<800016xf32, #tpu.memory_space<vmem_shared>>
        tpu.wait_indirect_dma semaphore(%arg11 : memref<!tpu.dma_semaphore, #tpu.memory_space<semaphore_mem>>) src(%arg7 : memref<128xf32, #tpu.memory_space<vmem>>) dst(%dma_wait3A_392 : memref<800016xf32, #tpu.memory_space<vmem_shared>>)
        %dma_wait3A_393 = arith.constant 4 : i32
        %dma_wait3A_394 = arith.constant 0 : i32
        %dma_wait3A_395 = tpu.memref_slice %arg5[%select_n3A_368, %dma_wait3A_393, %dma_wait3A_394] : memref<3x8x128xi32, #tpu.memory_space<vmem>> -> memref<1x1x128xi32, #tpu.memory_space<vmem>>
        %dma_wait3A_396 = tpu.memref_squeeze %dma_wait3A_395 : memref<1x1x128xi32, #tpu.memory_space<vmem>> -> memref<128xi32, #tpu.memory_space<vmem>>
        %dma_wait3A_397 = arith.constant 0 : i32
        %dma_wait3A_398 = tpu.memref_slice %arg8[%dma_wait3A_397] : memref<800016xf32, #tpu.memory_space<vmem_shared>> -> memref<800016xf32, #tpu.memory_space<vmem_shared>>
        tpu.wait_indirect_dma semaphore(%arg11 : memref<!tpu.dma_semaphore, #tpu.memory_space<semaphore_mem>>) src(%arg7 : memref<128xf32, #tpu.memory_space<vmem>>) dst(%dma_wait3A_398 : memref<800016xf32, #tpu.memory_space<vmem_shared>>)
        %dma_wait3A_399 = arith.constant 5 : i32
        %dma_wait3A_400 = arith.constant 0 : i32
        %dma_wait3A_401 = tpu.memref_slice %arg5[%select_n3A_368, %dma_wait3A_399, %dma_wait3A_400] : memref<3x8x128xi32, #tpu.memory_space<vmem>> -> memref<1x1x128xi32, #tpu.memory_space<vmem>>
        %dma_wait3A_402 = tpu.memref_squeeze %dma_wait3A_401 : memref<1x1x128xi32, #tpu.memory_space<vmem>> -> memref<128xi32, #tpu.memory_space<vmem>>
        %dma_wait3A_403 = arith.constant 0 : i32
        %dma_wait3A_404 = tpu.memref_slice %arg8[%dma_wait3A_403] : memref<800016xf32, #tpu.memory_space<vmem_shared>> -> memref<800016xf32, #tpu.memory_space<vmem_shared>>
        tpu.wait_indirect_dma semaphore(%arg11 : memref<!tpu.dma_semaphore, #tpu.memory_space<semaphore_mem>>) src(%arg7 : memref<128xf32, #tpu.memory_space<vmem>>) dst(%dma_wait3A_404 : memref<800016xf32, #tpu.memory_space<vmem_shared>>)
        %dma_wait3A_405 = arith.constant 6 : i32
        %dma_wait3A_406 = arith.constant 0 : i32
        %dma_wait3A_407 = tpu.memref_slice %arg5[%select_n3A_368, %dma_wait3A_405, %dma_wait3A_406] : memref<3x8x128xi32, #tpu.memory_space<vmem>> -> memref<1x1x128xi32, #tpu.memory_space<vmem>>
        %dma_wait3A_408 = tpu.memref_squeeze %dma_wait3A_407 : memref<1x1x128xi32, #tpu.memory_space<vmem>> -> memref<128xi32, #tpu.memory_space<vmem>>
        %dma_wait3A_409 = arith.constant 0 : i32
        %dma_wait3A_410 = tpu.memref_slice %arg8[%dma_wait3A_409] : memref<800016xf32, #tpu.memory_space<vmem_shared>> -> memref<800016xf32, #tpu.memory_space<vmem_shared>>
        tpu.wait_indirect_dma semaphore(%arg11 : memref<!tpu.dma_semaphore, #tpu.memory_space<semaphore_mem>>) src(%arg7 : memref<128xf32, #tpu.memory_space<vmem>>) dst(%dma_wait3A_410 : memref<800016xf32, #tpu.memory_space<vmem_shared>>)
        %dma_wait3A_411 = arith.constant 7 : i32
        %dma_wait3A_412 = arith.constant 0 : i32
        %dma_wait3A_413 = tpu.memref_slice %arg5[%select_n3A_368, %dma_wait3A_411, %dma_wait3A_412] : memref<3x8x128xi32, #tpu.memory_space<vmem>> -> memref<1x1x128xi32, #tpu.memory_space<vmem>>
        %dma_wait3A_414 = tpu.memref_squeeze %dma_wait3A_413 : memref<1x1x128xi32, #tpu.memory_space<vmem>> -> memref<128xi32, #tpu.memory_space<vmem>>
        %dma_wait3A_415 = arith.constant 0 : i32
        %dma_wait3A_416 = tpu.memref_slice %arg8[%dma_wait3A_415] : memref<800016xf32, #tpu.memory_space<vmem_shared>> -> memref<800016xf32, #tpu.memory_space<vmem_shared>>
        tpu.wait_indirect_dma semaphore(%arg11 : memref<!tpu.dma_semaphore, #tpu.memory_space<semaphore_mem>>) src(%arg7 : memref<128xf32, #tpu.memory_space<vmem>>) dst(%dma_wait3A_416 : memref<800016xf32, #tpu.memory_space<vmem_shared>>)
      } else {
      }
      %dma_start3A_297 = arith.constant 0 : i32
      %dma_start3A_298 = arith.constant 0 : i32
      %dma_start3A_299 = tpu.memref_slice %arg5[%select_n3A_275, %dma_start3A_297, %dma_start3A_298] : memref<3x8x128xi32, #tpu.memory_space<vmem>> -> memref<1x1x128xi32, #tpu.memory_space<vmem>>
      %dma_start3A_300 = tpu.memref_squeeze %dma_start3A_299 : memref<1x1x128xi32, #tpu.memory_space<vmem>> -> memref<128xi32, #tpu.memory_space<vmem>>
      %dma_start3A_301 = arith.constant 0 : i32
      %dma_start3A_302 = tpu.memref_slice %arg8[%dma_start3A_301] : memref<800016xf32, #tpu.memory_space<vmem_shared>> -> memref<800016xf32, #tpu.memory_space<vmem_shared>>
      tpu.enqueue_indirect_dma source(%arg7 : memref<128xf32, #tpu.memory_space<vmem>>) target(%dma_start3A_302 : memref<800016xf32, #tpu.memory_space<vmem_shared>>) offsets(%dma_start3A_300 : memref<128xi32, #tpu.memory_space<vmem>>) semaphore(%arg11 : memref<!tpu.dma_semaphore, #tpu.memory_space<semaphore_mem>>) {add = true}
      %dma_start3A_303 = arith.constant 1 : i32
      %dma_start3A_304 = arith.constant 0 : i32
      %dma_start3A_305 = tpu.memref_slice %arg5[%select_n3A_275, %dma_start3A_303, %dma_start3A_304] : memref<3x8x128xi32, #tpu.memory_space<vmem>> -> memref<1x1x128xi32, #tpu.memory_space<vmem>>
      %dma_start3A_306 = tpu.memref_squeeze %dma_start3A_305 : memref<1x1x128xi32, #tpu.memory_space<vmem>> -> memref<128xi32, #tpu.memory_space<vmem>>
      %dma_start3A_307 = arith.constant 0 : i32
      %dma_start3A_308 = tpu.memref_slice %arg8[%dma_start3A_307] : memref<800016xf32, #tpu.memory_space<vmem_shared>> -> memref<800016xf32, #tpu.memory_space<vmem_shared>>
      tpu.enqueue_indirect_dma source(%arg7 : memref<128xf32, #tpu.memory_space<vmem>>) target(%dma_start3A_308 : memref<800016xf32, #tpu.memory_space<vmem_shared>>) offsets(%dma_start3A_306 : memref<128xi32, #tpu.memory_space<vmem>>) semaphore(%arg11 : memref<!tpu.dma_semaphore, #tpu.memory_space<semaphore_mem>>) {add = true}
      %dma_start3A_309 = arith.constant 2 : i32
      %dma_start3A_310 = arith.constant 0 : i32
      %dma_start3A_311 = tpu.memref_slice %arg5[%select_n3A_275, %dma_start3A_309, %dma_start3A_310] : memref<3x8x128xi32, #tpu.memory_space<vmem>> -> memref<1x1x128xi32, #tpu.memory_space<vmem>>
      %dma_start3A_312 = tpu.memref_squeeze %dma_start3A_311 : memref<1x1x128xi32, #tpu.memory_space<vmem>> -> memref<128xi32, #tpu.memory_space<vmem>>
      %dma_start3A_313 = arith.constant 0 : i32
      %dma_start3A_314 = tpu.memref_slice %arg8[%dma_start3A_313] : memref<800016xf32, #tpu.memory_space<vmem_shared>> -> memref<800016xf32, #tpu.memory_space<vmem_shared>>
      tpu.enqueue_indirect_dma source(%arg7 : memref<128xf32, #tpu.memory_space<vmem>>) target(%dma_start3A_314 : memref<800016xf32, #tpu.memory_space<vmem_shared>>) offsets(%dma_start3A_312 : memref<128xi32, #tpu.memory_space<vmem>>) semaphore(%arg11 : memref<!tpu.dma_semaphore, #tpu.memory_space<semaphore_mem>>) {add = true}
      %dma_start3A_315 = arith.constant 3 : i32
      %dma_start3A_316 = arith.constant 0 : i32
      %dma_start3A_317 = tpu.memref_slice %arg5[%select_n3A_275, %dma_start3A_315, %dma_start3A_316] : memref<3x8x128xi32, #tpu.memory_space<vmem>> -> memref<1x1x128xi32, #tpu.memory_space<vmem>>
      %dma_start3A_318 = tpu.memref_squeeze %dma_start3A_317 : memref<1x1x128xi32, #tpu.memory_space<vmem>> -> memref<128xi32, #tpu.memory_space<vmem>>
      %dma_start3A_319 = arith.constant 0 : i32
      %dma_start3A_320 = tpu.memref_slice %arg8[%dma_start3A_319] : memref<800016xf32, #tpu.memory_space<vmem_shared>> -> memref<800016xf32, #tpu.memory_space<vmem_shared>>
      tpu.enqueue_indirect_dma source(%arg7 : memref<128xf32, #tpu.memory_space<vmem>>) target(%dma_start3A_320 : memref<800016xf32, #tpu.memory_space<vmem_shared>>) offsets(%dma_start3A_318 : memref<128xi32, #tpu.memory_space<vmem>>) semaphore(%arg11 : memref<!tpu.dma_semaphore, #tpu.memory_space<semaphore_mem>>) {add = true}
      %dma_start3A_321 = arith.constant 4 : i32
      %dma_start3A_322 = arith.constant 0 : i32
      %dma_start3A_323 = tpu.memref_slice %arg5[%select_n3A_275, %dma_start3A_321, %dma_start3A_322] : memref<3x8x128xi32, #tpu.memory_space<vmem>> -> memref<1x1x128xi32, #tpu.memory_space<vmem>>
      %dma_start3A_324 = tpu.memref_squeeze %dma_start3A_323 : memref<1x1x128xi32, #tpu.memory_space<vmem>> -> memref<128xi32, #tpu.memory_space<vmem>>
      %dma_start3A_325 = arith.constant 0 : i32
      %dma_start3A_326 = tpu.memref_slice %arg8[%dma_start3A_325] : memref<800016xf32, #tpu.memory_space<vmem_shared>> -> memref<800016xf32, #tpu.memory_space<vmem_shared>>
      tpu.enqueue_indirect_dma source(%arg7 : memref<128xf32, #tpu.memory_space<vmem>>) target(%dma_start3A_326 : memref<800016xf32, #tpu.memory_space<vmem_shared>>) offsets(%dma_start3A_324 : memref<128xi32, #tpu.memory_space<vmem>>) semaphore(%arg11 : memref<!tpu.dma_semaphore, #tpu.memory_space<semaphore_mem>>) {add = true}
      %dma_start3A_327 = arith.constant 5 : i32
      %dma_start3A_328 = arith.constant 0 : i32
      %dma_start3A_329 = tpu.memref_slice %arg5[%select_n3A_275, %dma_start3A_327, %dma_start3A_328] : memref<3x8x128xi32, #tpu.memory_space<vmem>> -> memref<1x1x128xi32, #tpu.memory_space<vmem>>
      %dma_start3A_330 = tpu.memref_squeeze %dma_start3A_329 : memref<1x1x128xi32, #tpu.memory_space<vmem>> -> memref<128xi32, #tpu.memory_space<vmem>>
      %dma_start3A_331 = arith.constant 0 : i32
      %dma_start3A_332 = tpu.memref_slice %arg8[%dma_start3A_331] : memref<800016xf32, #tpu.memory_space<vmem_shared>> -> memref<800016xf32, #tpu.memory_space<vmem_shared>>
      tpu.enqueue_indirect_dma source(%arg7 : memref<128xf32, #tpu.memory_space<vmem>>) target(%dma_start3A_332 : memref<800016xf32, #tpu.memory_space<vmem_shared>>) offsets(%dma_start3A_330 : memref<128xi32, #tpu.memory_space<vmem>>) semaphore(%arg11 : memref<!tpu.dma_semaphore, #tpu.memory_space<semaphore_mem>>) {add = true}
      %dma_start3A_333 = arith.constant 6 : i32
      %dma_start3A_334 = arith.constant 0 : i32
      %dma_start3A_335 = tpu.memref_slice %arg5[%select_n3A_275, %dma_start3A_333, %dma_start3A_334] : memref<3x8x128xi32, #tpu.memory_space<vmem>> -> memref<1x1x128xi32, #tpu.memory_space<vmem>>
      %dma_start3A_336 = tpu.memref_squeeze %dma_start3A_335 : memref<1x1x128xi32, #tpu.memory_space<vmem>> -> memref<128xi32, #tpu.memory_space<vmem>>
      %dma_start3A_337 = arith.constant 0 : i32
      %dma_start3A_338 = tpu.memref_slice %arg8[%dma_start3A_337] : memref<800016xf32, #tpu.memory_space<vmem_shared>> -> memref<800016xf32, #tpu.memory_space<vmem_shared>>
      tpu.enqueue_indirect_dma source(%arg7 : memref<128xf32, #tpu.memory_space<vmem>>) target(%dma_start3A_338 : memref<800016xf32, #tpu.memory_space<vmem_shared>>) offsets(%dma_start3A_336 : memref<128xi32, #tpu.memory_space<vmem>>) semaphore(%arg11 : memref<!tpu.dma_semaphore, #tpu.memory_space<semaphore_mem>>) {add = true}
      %dma_start3A_339 = arith.constant 7 : i32
      %dma_start3A_340 = arith.constant 0 : i32
      %dma_start3A_341 = tpu.memref_slice %arg5[%select_n3A_275, %dma_start3A_339, %dma_start3A_340] : memref<3x8x128xi32, #tpu.memory_space<vmem>> -> memref<1x1x128xi32, #tpu.memory_space<vmem>>
      %dma_start3A_342 = tpu.memref_squeeze %dma_start3A_341 : memref<1x1x128xi32, #tpu.memory_space<vmem>> -> memref<128xi32, #tpu.memory_space<vmem>>
      %dma_start3A_343 = arith.constant 0 : i32
      %dma_start3A_344 = tpu.memref_slice %arg8[%dma_start3A_343] : memref<800016xf32, #tpu.memory_space<vmem_shared>> -> memref<800016xf32, #tpu.memory_space<vmem_shared>>
      tpu.enqueue_indirect_dma source(%arg7 : memref<128xf32, #tpu.memory_space<vmem>>) target(%dma_start3A_344 : memref<800016xf32, #tpu.memory_space<vmem_shared>>) offsets(%dma_start3A_342 : memref<128xi32, #tpu.memory_space<vmem>>) semaphore(%arg11 : memref<!tpu.dma_semaphore, #tpu.memory_space<semaphore_mem>>) {add = true}
      %add3A_345 = arith.constant 2 : i32
      %add3A_346 = arith.addi %scan3A_265, %add3A_345 : i32
      %lt3A_347 = arith.constant 196 : i32
      %lt3A_348 = arith.cmpi slt, %add3A_346, %lt3A_347 : i32
      %convert_element_type3A_349 = arith.extui %lt3A_348 : i1 to i32
      %cond3A_350 = arith.constant 0 : i32
      %cond3A_351 = arith.cmpi ne, %convert_element_type3A_349, %cond3A_350 : i32
      scf.if %cond3A_351 {
        %add3A_352 = arith.constant 2 : i32
        %add3A_353 = arith.addi %scan3A_265, %add3A_352 : i32
        %add3A_354 = arith.constant 2 : i32
        %add3A_355 = arith.addi %scan3A_265, %add3A_354 : i32
        %jit3A_356 = arith.constant 3 : i32
        %eq3A_357 = arith.constant 0 : i32
        %eq3A_358 = arith.cmpi eq, %jit3A_356, %eq3A_357 : i32
        %jit3A_359 = arith.constant 1 : i32
        %select_n3A_360 = arith.select %eq3A_358, %jit3A_359, %jit3A_356 : i32
        %rem3A_361 = arith.remsi %add3A_355, %select_n3A_360 : i32
        %ne3A_362 = arith.constant 0 : i32
        %ne3A_363 = arith.cmpi ne, %rem3A_361, %ne3A_362 : i32
        %lt3A_364 = arith.constant 0 : i32
        %lt3A_365 = arith.cmpi slt, %rem3A_361, %lt3A_364 : i32
        %lt3A_366 = arith.constant 0 : i32
        %lt3A_367 = arith.cmpi slt, %select_n3A_360, %lt3A_366 : i32
        %ne3A_368 = arith.xori %lt3A_365, %lt3A_367 : i1
        %and3A_369 = arith.andi %ne3A_368, %ne3A_363 : i1
        %add3A_370 = arith.addi %rem3A_361, %select_n3A_360 : i32
        %select_n3A_371 = arith.select %and3A_369, %add3A_370, %rem3A_361 : i32
        %mul3A_372 = arith.constant 1568 : i32
        %mul3A_373 = arith.muli %arg1, %mul3A_372 : i32
        %mul3A_374 = arith.constant 8 : i32
        %mul3A_375 = arith.muli %add3A_353, %mul3A_374 : i32
        %add3A_376 = arith.addi %mul3A_373, %mul3A_375 : i32
        %dma_start3A_377 = arith.constant 0 : i32
        %dma_start3A_378 = arith.constant 0 : i32
        %dma_start3A_379 = tpu.memref_slice %arg5[%select_n3A_371, %dma_start3A_377, %dma_start3A_378] : memref<3x8x128xi32, #tpu.memory_space<vmem>> -> memref<1x8x128xi32, #tpu.memory_space<vmem>>
        %dma_start3A_380 = tpu.memref_squeeze %dma_start3A_379 : memref<1x8x128xi32, #tpu.memory_space<vmem>> -> memref<8x128xi32, #tpu.memory_space<vmem>>
        %dma_start3A_381 = arith.constant 0 : i32
        %dma_start3A_382 = tpu.memref_slice %arg2[%add3A_376, %dma_start3A_381] : memref<25088x128xi32, #tpu.memory_space<hbm>> -> memref<8x128xi32, #tpu.memory_space<hbm>>
        %dma_start3A_383 = arith.constant 0 : i32
        %dma_start3A_384 = arith.constant 0 : i32
        %dma_start3A_385 = tpu.memref_slice %arg5[%select_n3A_371, %dma_start3A_383, %dma_start3A_384] : memref<3x8x128xi32, #tpu.memory_space<vmem>> -> memref<1x8x128xi32, #tpu.memory_space<vmem>>
        %dma_start3A_386 = tpu.memref_squeeze %dma_start3A_385 : memref<1x8x128xi32, #tpu.memory_space<vmem>> -> memref<8x128xi32, #tpu.memory_space<vmem>>
        %dma_start3A_387 = arith.constant 0 : i32
        %dma_start3A_388 = tpu.memref_slice %arg2[%add3A_376, %dma_start3A_387] : memref<25088x128xi32, #tpu.memory_space<hbm>> -> memref<8x128xi32, #tpu.memory_space<hbm>>
        tpu.enqueue_dma source(%dma_start3A_388 : memref<8x128xi32, #tpu.memory_space<hbm>>) target(%dma_start3A_386 : memref<8x128xi32, #tpu.memory_space<vmem>>) target_semaphore(%arg9 : memref<!tpu.dma_semaphore, #tpu.memory_space<semaphore_mem>>)
      } else {
      }
    }
    %scan3A_46 = arith.constant 196 : i32
    %dma_wait3A = arith.constant 0 : i32
    %dma_wait3A_47 = arith.constant 0 : i32
    %dma_wait3A_48 = arith.constant 0 : i32
    %dma_wait3A_49 = tpu.memref_slice %arg5[%dma_wait3A, %dma_wait3A_47, %dma_wait3A_48] : memref<3x8x128xi32, #tpu.memory_space<vmem>> -> memref<1x1x128xi32, #tpu.memory_space<vmem>>
    %dma_wait3A_50 = tpu.memref_squeeze %dma_wait3A_49 : memref<1x1x128xi32, #tpu.memory_space<vmem>> -> memref<128xi32, #tpu.memory_space<vmem>>
    %dma_wait3A_51 = arith.constant 0 : i32
    %dma_wait3A_52 = tpu.memref_slice %arg8[%dma_wait3A_51] : memref<800016xf32, #tpu.memory_space<vmem_shared>> -> memref<800016xf32, #tpu.memory_space<vmem_shared>>
    tpu.wait_indirect_dma semaphore(%arg11 : memref<!tpu.dma_semaphore, #tpu.memory_space<semaphore_mem>>) src(%arg7 : memref<128xf32, #tpu.memory_space<vmem>>) dst(%dma_wait3A_52 : memref<800016xf32, #tpu.memory_space<vmem_shared>>)
    %dma_wait3A_53 = arith.constant 0 : i32
    %dma_wait3A_54 = arith.constant 1 : i32
    %dma_wait3A_55 = arith.constant 0 : i32
    %dma_wait3A_56 = tpu.memref_slice %arg5[%dma_wait3A_53, %dma_wait3A_54, %dma_wait3A_55] : memref<3x8x128xi32, #tpu.memory_space<vmem>> -> memref<1x1x128xi32, #tpu.memory_space<vmem>>
    %dma_wait3A_57 = tpu.memref_squeeze %dma_wait3A_56 : memref<1x1x128xi32, #tpu.memory_space<vmem>> -> memref<128xi32, #tpu.memory_space<vmem>>
    %dma_wait3A_58 = arith.constant 0 : i32
    %dma_wait3A_59 = tpu.memref_slice %arg8[%dma_wait3A_58] : memref<800016xf32, #tpu.memory_space<vmem_shared>> -> memref<800016xf32, #tpu.memory_space<vmem_shared>>
    tpu.wait_indirect_dma semaphore(%arg11 : memref<!tpu.dma_semaphore, #tpu.memory_space<semaphore_mem>>) src(%arg7 : memref<128xf32, #tpu.memory_space<vmem>>) dst(%dma_wait3A_59 : memref<800016xf32, #tpu.memory_space<vmem_shared>>)
    %dma_wait3A_60 = arith.constant 0 : i32
    %dma_wait3A_61 = arith.constant 2 : i32
    %dma_wait3A_62 = arith.constant 0 : i32
    %dma_wait3A_63 = tpu.memref_slice %arg5[%dma_wait3A_60, %dma_wait3A_61, %dma_wait3A_62] : memref<3x8x128xi32, #tpu.memory_space<vmem>> -> memref<1x1x128xi32, #tpu.memory_space<vmem>>
    %dma_wait3A_64 = tpu.memref_squeeze %dma_wait3A_63 : memref<1x1x128xi32, #tpu.memory_space<vmem>> -> memref<128xi32, #tpu.memory_space<vmem>>
    %dma_wait3A_65 = arith.constant 0 : i32
    %dma_wait3A_66 = tpu.memref_slice %arg8[%dma_wait3A_65] : memref<800016xf32, #tpu.memory_space<vmem_shared>> -> memref<800016xf32, #tpu.memory_space<vmem_shared>>
    tpu.wait_indirect_dma semaphore(%arg11 : memref<!tpu.dma_semaphore, #tpu.memory_space<semaphore_mem>>) src(%arg7 : memref<128xf32, #tpu.memory_space<vmem>>) dst(%dma_wait3A_66 : memref<800016xf32, #tpu.memory_space<vmem_shared>>)
    %dma_wait3A_67 = arith.constant 0 : i32
    %dma_wait3A_68 = arith.constant 3 : i32
    %dma_wait3A_69 = arith.constant 0 : i32
    %dma_wait3A_70 = tpu.memref_slice %arg5[%dma_wait3A_67, %dma_wait3A_68, %dma_wait3A_69] : memref<3x8x128xi32, #tpu.memory_space<vmem>> -> memref<1x1x128xi32, #tpu.memory_space<vmem>>
    %dma_wait3A_71 = tpu.memref_squeeze %dma_wait3A_70 : memref<1x1x128xi32, #tpu.memory_space<vmem>> -> memref<128xi32, #tpu.memory_space<vmem>>
    %dma_wait3A_72 = arith.constant 0 : i32
    %dma_wait3A_73 = tpu.memref_slice %arg8[%dma_wait3A_72] : memref<800016xf32, #tpu.memory_space<vmem_shared>> -> memref<800016xf32, #tpu.memory_space<vmem_shared>>
    tpu.wait_indirect_dma semaphore(%arg11 : memref<!tpu.dma_semaphore, #tpu.memory_space<semaphore_mem>>) src(%arg7 : memref<128xf32, #tpu.memory_space<vmem>>) dst(%dma_wait3A_73 : memref<800016xf32, #tpu.memory_space<vmem_shared>>)
    %dma_wait3A_74 = arith.constant 0 : i32
    %dma_wait3A_75 = arith.constant 4 : i32
    %dma_wait3A_76 = arith.constant 0 : i32
    %dma_wait3A_77 = tpu.memref_slice %arg5[%dma_wait3A_74, %dma_wait3A_75, %dma_wait3A_76] : memref<3x8x128xi32, #tpu.memory_space<vmem>> -> memref<1x1x128xi32, #tpu.memory_space<vmem>>
    %dma_wait3A_78 = tpu.memref_squeeze %dma_wait3A_77 : memref<1x1x128xi32, #tpu.memory_space<vmem>> -> memref<128xi32, #tpu.memory_space<vmem>>
    %dma_wait3A_79 = arith.constant 0 : i32
    %dma_wait3A_80 = tpu.memref_slice %arg8[%dma_wait3A_79] : memref<800016xf32, #tpu.memory_space<vmem_shared>> -> memref<800016xf32, #tpu.memory_space<vmem_shared>>
    tpu.wait_indirect_dma semaphore(%arg11 : memref<!tpu.dma_semaphore, #tpu.memory_space<semaphore_mem>>) src(%arg7 : memref<128xf32, #tpu.memory_space<vmem>>) dst(%dma_wait3A_80 : memref<800016xf32, #tpu.memory_space<vmem_shared>>)
    %dma_wait3A_81 = arith.constant 0 : i32
    %dma_wait3A_82 = arith.constant 5 : i32
    %dma_wait3A_83 = arith.constant 0 : i32
    %dma_wait3A_84 = tpu.memref_slice %arg5[%dma_wait3A_81, %dma_wait3A_82, %dma_wait3A_83] : memref<3x8x128xi32, #tpu.memory_space<vmem>> -> memref<1x1x128xi32, #tpu.memory_space<vmem>>
    %dma_wait3A_85 = tpu.memref_squeeze %dma_wait3A_84 : memref<1x1x128xi32, #tpu.memory_space<vmem>> -> memref<128xi32, #tpu.memory_space<vmem>>
    %dma_wait3A_86 = arith.constant 0 : i32
    %dma_wait3A_87 = tpu.memref_slice %arg8[%dma_wait3A_86] : memref<800016xf32, #tpu.memory_space<vmem_shared>> -> memref<800016xf32, #tpu.memory_space<vmem_shared>>
    tpu.wait_indirect_dma semaphore(%arg11 : memref<!tpu.dma_semaphore, #tpu.memory_space<semaphore_mem>>) src(%arg7 : memref<128xf32, #tpu.memory_space<vmem>>) dst(%dma_wait3A_87 : memref<800016xf32, #tpu.memory_space<vmem_shared>>)
    %dma_wait3A_88 = arith.constant 0 : i32
    %dma_wait3A_89 = arith.constant 6 : i32
    %dma_wait3A_90 = arith.constant 0 : i32
    %dma_wait3A_91 = tpu.memref_slice %arg5[%dma_wait3A_88, %dma_wait3A_89, %dma_wait3A_90] : memref<3x8x128xi32, #tpu.memory_space<vmem>> -> memref<1x1x128xi32, #tpu.memory_space<vmem>>
    %dma_wait3A_92 = tpu.memref_squeeze %dma_wait3A_91 : memref<1x1x128xi32, #tpu.memory_space<vmem>> -> memref<128xi32, #tpu.memory_space<vmem>>
    %dma_wait3A_93 = arith.constant 0 : i32
    %dma_wait3A_94 = tpu.memref_slice %arg8[%dma_wait3A_93] : memref<800016xf32, #tpu.memory_space<vmem_shared>> -> memref<800016xf32, #tpu.memory_space<vmem_shared>>
    tpu.wait_indirect_dma semaphore(%arg11 : memref<!tpu.dma_semaphore, #tpu.memory_space<semaphore_mem>>) src(%arg7 : memref<128xf32, #tpu.memory_space<vmem>>) dst(%dma_wait3A_94 : memref<800016xf32, #tpu.memory_space<vmem_shared>>)
    %dma_wait3A_95 = arith.constant 0 : i32
    %dma_wait3A_96 = arith.constant 7 : i32
    %dma_wait3A_97 = arith.constant 0 : i32
    %dma_wait3A_98 = tpu.memref_slice %arg5[%dma_wait3A_95, %dma_wait3A_96, %dma_wait3A_97] : memref<3x8x128xi32, #tpu.memory_space<vmem>> -> memref<1x1x128xi32, #tpu.memory_space<vmem>>
    %dma_wait3A_99 = tpu.memref_squeeze %dma_wait3A_98 : memref<1x1x128xi32, #tpu.memory_space<vmem>> -> memref<128xi32, #tpu.memory_space<vmem>>
    %dma_wait3A_100 = arith.constant 0 : i32
    %dma_wait3A_101 = tpu.memref_slice %arg8[%dma_wait3A_100] : memref<800016xf32, #tpu.memory_space<vmem_shared>> -> memref<800016xf32, #tpu.memory_space<vmem_shared>>
    tpu.wait_indirect_dma semaphore(%arg11 : memref<!tpu.dma_semaphore, #tpu.memory_space<semaphore_mem>>) src(%arg7 : memref<128xf32, #tpu.memory_space<vmem>>) dst(%dma_wait3A_101 : memref<800016xf32, #tpu.memory_space<vmem_shared>>)
    %barrier3A_102 = arith.constant 0 : index
    tpu.barrier barrier_id(%barrier3A_102)
    %mul3A_103 = arith.constant 98 : i32
    %mul3A_104 = arith.muli %add3A, %mul3A_103 : i32
    %add3A_105 = arith.constant 0 : i32
    %add3A_106 = arith.addi %mul3A_104, %add3A_105 : i32
    %mul3A_107 = arith.constant 8 : i32
    %mul3A_108 = arith.muli %add3A_106, %mul3A_107 : i32
    %dma_start3A_109 = arith.constant 0 : i32
    %dma_start3A_110 = arith.constant 0 : i32
    %dma_start3A_111 = arith.constant 0 : i32
    %dma_start3A_112 = tpu.memref_slice %arg5[%dma_start3A_109, %dma_start3A_110, %dma_start3A_111] : memref<3x8x128xi32, #tpu.memory_space<vmem>> -> memref<1x8x128xi32, #tpu.memory_space<vmem>>
    %dma_start3A_113 = tpu.memref_squeeze %dma_start3A_112 : memref<1x8x128xi32, #tpu.memory_space<vmem>> -> memref<8x128xi32, #tpu.memory_space<vmem>>
    %dma_start3A_114 = arith.constant 0 : i32
    %dma_start3A_115 = tpu.memref_slice %arg2[%mul3A_108, %dma_start3A_114] : memref<25088x128xi32, #tpu.memory_space<hbm>> -> memref<8x128xi32, #tpu.memory_space<hbm>>
    %dma_start3A_116 = arith.constant 0 : i32
    %dma_start3A_117 = arith.constant 0 : i32
    %dma_start3A_118 = tpu.memref_slice %arg5[%dma_start3A_109, %dma_start3A_116, %dma_start3A_117] : memref<3x8x128xi32, #tpu.memory_space<vmem>> -> memref<1x8x128xi32, #tpu.memory_space<vmem>>
    %dma_start3A_119 = tpu.memref_squeeze %dma_start3A_118 : memref<1x8x128xi32, #tpu.memory_space<vmem>> -> memref<8x128xi32, #tpu.memory_space<vmem>>
    %dma_start3A_120 = arith.constant 0 : i32
    %dma_start3A_121 = tpu.memref_slice %arg2[%mul3A_108, %dma_start3A_120] : memref<25088x128xi32, #tpu.memory_space<hbm>> -> memref<8x128xi32, #tpu.memory_space<hbm>>
    tpu.enqueue_dma source(%dma_start3A_121 : memref<8x128xi32, #tpu.memory_space<hbm>>) target(%dma_start3A_119 : memref<8x128xi32, #tpu.memory_space<vmem>>) target_semaphore(%arg9 : memref<!tpu.dma_semaphore, #tpu.memory_space<semaphore_mem>>)
    %mul3A_122 = arith.constant 98 : i32
    %mul3A_123 = arith.muli %add3A, %mul3A_122 : i32
    %add3A_124 = arith.constant 1 : i32
    %add3A_125 = arith.addi %mul3A_123, %add3A_124 : i32
    %mul3A_126 = arith.constant 8 : i32
    %mul3A_127 = arith.muli %add3A_125, %mul3A_126 : i32
    %dma_start3A_128 = arith.constant 1 : i32
    %dma_start3A_129 = arith.constant 0 : i32
    %dma_start3A_130 = arith.constant 0 : i32
    %dma_start3A_131 = tpu.memref_slice %arg5[%dma_start3A_128, %dma_start3A_129, %dma_start3A_130] : memref<3x8x128xi32, #tpu.memory_space<vmem>> -> memref<1x8x128xi32, #tpu.memory_space<vmem>>
    %dma_start3A_132 = tpu.memref_squeeze %dma_start3A_131 : memref<1x8x128xi32, #tpu.memory_space<vmem>> -> memref<8x128xi32, #tpu.memory_space<vmem>>
    %dma_start3A_133 = arith.constant 0 : i32
    %dma_start3A_134 = tpu.memref_slice %arg2[%mul3A_127, %dma_start3A_133] : memref<25088x128xi32, #tpu.memory_space<hbm>> -> memref<8x128xi32, #tpu.memory_space<hbm>>
    %dma_start3A_135 = arith.constant 0 : i32
    %dma_start3A_136 = arith.constant 0 : i32
    %dma_start3A_137 = tpu.memref_slice %arg5[%dma_start3A_128, %dma_start3A_135, %dma_start3A_136] : memref<3x8x128xi32, #tpu.memory_space<vmem>> -> memref<1x8x128xi32, #tpu.memory_space<vmem>>
    %dma_start3A_138 = tpu.memref_squeeze %dma_start3A_137 : memref<1x8x128xi32, #tpu.memory_space<vmem>> -> memref<8x128xi32, #tpu.memory_space<vmem>>
    %dma_start3A_139 = arith.constant 0 : i32
    %dma_start3A_140 = tpu.memref_slice %arg2[%mul3A_127, %dma_start3A_139] : memref<25088x128xi32, #tpu.memory_space<hbm>> -> memref<8x128xi32, #tpu.memory_space<hbm>>
    tpu.enqueue_dma source(%dma_start3A_140 : memref<8x128xi32, #tpu.memory_space<hbm>>) target(%dma_start3A_138 : memref<8x128xi32, #tpu.memory_space<vmem>>) target_semaphore(%arg9 : memref<!tpu.dma_semaphore, #tpu.memory_space<semaphore_mem>>)
    %mul3A_141 = arith.constant 98 : i32
    %mul3A_142 = arith.muli %add3A, %mul3A_141 : i32
    %add3A_143 = arith.constant 0 : i32
    %add3A_144 = arith.addi %mul3A_142, %add3A_143 : i32
    %mul3A_145 = arith.constant 8 : i32
    %mul3A_146 = arith.muli %add3A_144, %mul3A_145 : i32
    %dma_wait3A_147 = arith.constant 0 : i32
    %dma_wait3A_148 = arith.constant 0 : i32
    %dma_wait3A_149 = arith.constant 0 : i32
    %dma_wait3A_150 = tpu.memref_slice %arg5[%dma_wait3A_147, %dma_wait3A_148, %dma_wait3A_149] : memref<3x8x128xi32, #tpu.memory_space<vmem>> -> memref<1x8x128xi32, #tpu.memory_space<vmem>>
    %dma_wait3A_151 = tpu.memref_squeeze %dma_wait3A_150 : memref<1x8x128xi32, #tpu.memory_space<vmem>> -> memref<8x128xi32, #tpu.memory_space<vmem>>
    %dma_wait3A_152 = arith.constant 0 : i32
    %dma_wait3A_153 = tpu.memref_slice %arg2[%mul3A_146, %dma_wait3A_152] : memref<25088x128xi32, #tpu.memory_space<hbm>> -> memref<8x128xi32, #tpu.memory_space<hbm>>
    %dma_wait3A_154 = arith.constant 0 : i32
    %dma_wait3A_155 = arith.constant 0 : i32
    %dma_wait3A_156 = tpu.memref_slice %arg5[%dma_wait3A_147, %dma_wait3A_154, %dma_wait3A_155] : memref<3x8x128xi32, #tpu.memory_space<vmem>> -> memref<1x8x128xi32, #tpu.memory_space<vmem>>
    %dma_wait3A_157 = tpu.memref_squeeze %dma_wait3A_156 : memref<1x8x128xi32, #tpu.memory_space<vmem>> -> memref<8x128xi32, #tpu.memory_space<vmem>>
    %dma_wait3A_158 = arith.constant 0 : i32
    %dma_wait3A_159 = tpu.memref_slice %arg2[%mul3A_146, %dma_wait3A_158] : memref<25088x128xi32, #tpu.memory_space<hbm>> -> memref<8x128xi32, #tpu.memory_space<hbm>>
    tpu.wait_dma2 semaphore(%arg9 : memref<!tpu.dma_semaphore, #tpu.memory_space<semaphore_mem>>) src(%dma_wait3A_159 : memref<8x128xi32, #tpu.memory_space<hbm>>) dst(%dma_wait3A_157 : memref<8x128xi32, #tpu.memory_space<vmem>>)
    %dma_start3A_160 = arith.constant 0 : i32
    %dma_start3A_161 = arith.constant 0 : i32
    %dma_start3A_162 = arith.constant 0 : i32
    %dma_start3A_163 = arith.constant 0 : i32
    %dma_start3A_164 = tpu.memref_slice %arg6[%dma_start3A_162, %dma_start3A_163] : memref<2x1024xf32, #tpu.memory_space<vmem>> -> memref<1x128xf32, #tpu.memory_space<vmem>>
    %dma_start3A_165 = tpu.memref_squeeze %dma_start3A_164 : memref<1x128xf32, #tpu.memory_space<vmem>> -> memref<128xf32, #tpu.memory_space<vmem>>
    %dma_start3A_166 = arith.constant 0 : i32
    %dma_start3A_167 = tpu.memref_slice %arg5[%dma_start3A_160, %dma_start3A_161, %dma_start3A_166] : memref<3x8x128xi32, #tpu.memory_space<vmem>> -> memref<1x1x128xi32, #tpu.memory_space<vmem>>
    %dma_start3A_168 = tpu.memref_squeeze %dma_start3A_167 : memref<1x1x128xi32, #tpu.memory_space<vmem>> -> memref<128xi32, #tpu.memory_space<vmem>>
    %dma_start3A_169 = arith.constant 0 : i32
    %dma_start3A_170 = tpu.memref_slice %arg8[%dma_start3A_169] : memref<800016xf32, #tpu.memory_space<vmem_shared>> -> memref<800016xf32, #tpu.memory_space<vmem_shared>>
    tpu.enqueue_indirect_dma source(%dma_start3A_170 : memref<800016xf32, #tpu.memory_space<vmem_shared>>) target(%dma_start3A_165 : memref<128xf32, #tpu.memory_space<vmem>>) offsets(%dma_start3A_168 : memref<128xi32, #tpu.memory_space<vmem>>) semaphore(%arg10 : memref<!tpu.dma_semaphore, #tpu.memory_space<semaphore_mem>>)
    %dma_start3A_171 = arith.constant 0 : i32
    %dma_start3A_172 = arith.constant 1 : i32
    %dma_start3A_173 = arith.constant 0 : i32
    %dma_start3A_174 = arith.constant 128 : i32
    %dma_start3A_175 = tpu.memref_slice %arg6[%dma_start3A_173, %dma_start3A_174] : memref<2x1024xf32, #tpu.memory_space<vmem>> -> memref<1x128xf32, #tpu.memory_space<vmem>>
    %dma_start3A_176 = tpu.memref_squeeze %dma_start3A_175 : memref<1x128xf32, #tpu.memory_space<vmem>> -> memref<128xf32, #tpu.memory_space<vmem>>
    %dma_start3A_177 = arith.constant 0 : i32
    %dma_start3A_178 = tpu.memref_slice %arg5[%dma_start3A_171, %dma_start3A_172, %dma_start3A_177] : memref<3x8x128xi32, #tpu.memory_space<vmem>> -> memref<1x1x128xi32, #tpu.memory_space<vmem>>
    %dma_start3A_179 = tpu.memref_squeeze %dma_start3A_178 : memref<1x1x128xi32, #tpu.memory_space<vmem>> -> memref<128xi32, #tpu.memory_space<vmem>>
    %dma_start3A_180 = arith.constant 0 : i32
    %dma_start3A_181 = tpu.memref_slice %arg8[%dma_start3A_180] : memref<800016xf32, #tpu.memory_space<vmem_shared>> -> memref<800016xf32, #tpu.memory_space<vmem_shared>>
    tpu.enqueue_indirect_dma source(%dma_start3A_181 : memref<800016xf32, #tpu.memory_space<vmem_shared>>) target(%dma_start3A_176 : memref<128xf32, #tpu.memory_space<vmem>>) offsets(%dma_start3A_179 : memref<128xi32, #tpu.memory_space<vmem>>) semaphore(%arg10 : memref<!tpu.dma_semaphore, #tpu.memory_space<semaphore_mem>>)
    %dma_start3A_182 = arith.constant 0 : i32
    %dma_start3A_183 = arith.constant 2 : i32
    %dma_start3A_184 = arith.constant 0 : i32
    %dma_start3A_185 = arith.constant 256 : i32
    %dma_start3A_186 = tpu.memref_slice %arg6[%dma_start3A_184, %dma_start3A_185] : memref<2x1024xf32, #tpu.memory_space<vmem>> -> memref<1x128xf32, #tpu.memory_space<vmem>>
    %dma_start3A_187 = tpu.memref_squeeze %dma_start3A_186 : memref<1x128xf32, #tpu.memory_space<vmem>> -> memref<128xf32, #tpu.memory_space<vmem>>
    %dma_start3A_188 = arith.constant 0 : i32
    %dma_start3A_189 = tpu.memref_slice %arg5[%dma_start3A_182, %dma_start3A_183, %dma_start3A_188] : memref<3x8x128xi32, #tpu.memory_space<vmem>> -> memref<1x1x128xi32, #tpu.memory_space<vmem>>
    %dma_start3A_190 = tpu.memref_squeeze %dma_start3A_189 : memref<1x1x128xi32, #tpu.memory_space<vmem>> -> memref<128xi32, #tpu.memory_space<vmem>>
    %dma_start3A_191 = arith.constant 0 : i32
    %dma_start3A_192 = tpu.memref_slice %arg8[%dma_start3A_191] : memref<800016xf32, #tpu.memory_space<vmem_shared>> -> memref<800016xf32, #tpu.memory_space<vmem_shared>>
    tpu.enqueue_indirect_dma source(%dma_start3A_192 : memref<800016xf32, #tpu.memory_space<vmem_shared>>) target(%dma_start3A_187 : memref<128xf32, #tpu.memory_space<vmem>>) offsets(%dma_start3A_190 : memref<128xi32, #tpu.memory_space<vmem>>) semaphore(%arg10 : memref<!tpu.dma_semaphore, #tpu.memory_space<semaphore_mem>>)
    %dma_start3A_193 = arith.constant 0 : i32
    %dma_start3A_194 = arith.constant 3 : i32
    %dma_start3A_195 = arith.constant 0 : i32
    %dma_start3A_196 = arith.constant 384 : i32
    %dma_start3A_197 = tpu.memref_slice %arg6[%dma_start3A_195, %dma_start3A_196] : memref<2x1024xf32, #tpu.memory_space<vmem>> -> memref<1x128xf32, #tpu.memory_space<vmem>>
    %dma_start3A_198 = tpu.memref_squeeze %dma_start3A_197 : memref<1x128xf32, #tpu.memory_space<vmem>> -> memref<128xf32, #tpu.memory_space<vmem>>
    %dma_start3A_199 = arith.constant 0 : i32
    %dma_start3A_200 = tpu.memref_slice %arg5[%dma_start3A_193, %dma_start3A_194, %dma_start3A_199] : memref<3x8x128xi32, #tpu.memory_space<vmem>> -> memref<1x1x128xi32, #tpu.memory_space<vmem>>
    %dma_start3A_201 = tpu.memref_squeeze %dma_start3A_200 : memref<1x1x128xi32, #tpu.memory_space<vmem>> -> memref<128xi32, #tpu.memory_space<vmem>>
    %dma_start3A_202 = arith.constant 0 : i32
    %dma_start3A_203 = tpu.memref_slice %arg8[%dma_start3A_202] : memref<800016xf32, #tpu.memory_space<vmem_shared>> -> memref<800016xf32, #tpu.memory_space<vmem_shared>>
    tpu.enqueue_indirect_dma source(%dma_start3A_203 : memref<800016xf32, #tpu.memory_space<vmem_shared>>) target(%dma_start3A_198 : memref<128xf32, #tpu.memory_space<vmem>>) offsets(%dma_start3A_201 : memref<128xi32, #tpu.memory_space<vmem>>) semaphore(%arg10 : memref<!tpu.dma_semaphore, #tpu.memory_space<semaphore_mem>>)
    %dma_start3A_204 = arith.constant 0 : i32
    %dma_start3A_205 = arith.constant 4 : i32
    %dma_start3A_206 = arith.constant 0 : i32
    %dma_start3A_207 = arith.constant 512 : i32
    %dma_start3A_208 = tpu.memref_slice %arg6[%dma_start3A_206, %dma_start3A_207] : memref<2x1024xf32, #tpu.memory_space<vmem>> -> memref<1x128xf32, #tpu.memory_space<vmem>>
    %dma_start3A_209 = tpu.memref_squeeze %dma_start3A_208 : memref<1x128xf32, #tpu.memory_space<vmem>> -> memref<128xf32, #tpu.memory_space<vmem>>
    %dma_start3A_210 = arith.constant 0 : i32
    %dma_start3A_211 = tpu.memref_slice %arg5[%dma_start3A_204, %dma_start3A_205, %dma_start3A_210] : memref<3x8x128xi32, #tpu.memory_space<vmem>> -> memref<1x1x128xi32, #tpu.memory_space<vmem>>
    %dma_start3A_212 = tpu.memref_squeeze %dma_start3A_211 : memref<1x1x128xi32, #tpu.memory_space<vmem>> -> memref<128xi32, #tpu.memory_space<vmem>>
    %dma_start3A_213 = arith.constant 0 : i32
    %dma_start3A_214 = tpu.memref_slice %arg8[%dma_start3A_213] : memref<800016xf32, #tpu.memory_space<vmem_shared>> -> memref<800016xf32, #tpu.memory_space<vmem_shared>>
    tpu.enqueue_indirect_dma source(%dma_start3A_214 : memref<800016xf32, #tpu.memory_space<vmem_shared>>) target(%dma_start3A_209 : memref<128xf32, #tpu.memory_space<vmem>>) offsets(%dma_start3A_212 : memref<128xi32, #tpu.memory_space<vmem>>) semaphore(%arg10 : memref<!tpu.dma_semaphore, #tpu.memory_space<semaphore_mem>>)
    %dma_start3A_215 = arith.constant 0 : i32
    %dma_start3A_216 = arith.constant 5 : i32
    %dma_start3A_217 = arith.constant 0 : i32
    %dma_start3A_218 = arith.constant 640 : i32
    %dma_start3A_219 = tpu.memref_slice %arg6[%dma_start3A_217, %dma_start3A_218] : memref<2x1024xf32, #tpu.memory_space<vmem>> -> memref<1x128xf32, #tpu.memory_space<vmem>>
    %dma_start3A_220 = tpu.memref_squeeze %dma_start3A_219 : memref<1x128xf32, #tpu.memory_space<vmem>> -> memref<128xf32, #tpu.memory_space<vmem>>
    %dma_start3A_221 = arith.constant 0 : i32
    %dma_start3A_222 = tpu.memref_slice %arg5[%dma_start3A_215, %dma_start3A_216, %dma_start3A_221] : memref<3x8x128xi32, #tpu.memory_space<vmem>> -> memref<1x1x128xi32, #tpu.memory_space<vmem>>
    %dma_start3A_223 = tpu.memref_squeeze %dma_start3A_222 : memref<1x1x128xi32, #tpu.memory_space<vmem>> -> memref<128xi32, #tpu.memory_space<vmem>>
    %dma_start3A_224 = arith.constant 0 : i32
    %dma_start3A_225 = tpu.memref_slice %arg8[%dma_start3A_224] : memref<800016xf32, #tpu.memory_space<vmem_shared>> -> memref<800016xf32, #tpu.memory_space<vmem_shared>>
    tpu.enqueue_indirect_dma source(%dma_start3A_225 : memref<800016xf32, #tpu.memory_space<vmem_shared>>) target(%dma_start3A_220 : memref<128xf32, #tpu.memory_space<vmem>>) offsets(%dma_start3A_223 : memref<128xi32, #tpu.memory_space<vmem>>) semaphore(%arg10 : memref<!tpu.dma_semaphore, #tpu.memory_space<semaphore_mem>>)
    %dma_start3A_226 = arith.constant 0 : i32
    %dma_start3A_227 = arith.constant 6 : i32
    %dma_start3A_228 = arith.constant 0 : i32
    %dma_start3A_229 = arith.constant 768 : i32
    %dma_start3A_230 = tpu.memref_slice %arg6[%dma_start3A_228, %dma_start3A_229] : memref<2x1024xf32, #tpu.memory_space<vmem>> -> memref<1x128xf32, #tpu.memory_space<vmem>>
    %dma_start3A_231 = tpu.memref_squeeze %dma_start3A_230 : memref<1x128xf32, #tpu.memory_space<vmem>> -> memref<128xf32, #tpu.memory_space<vmem>>
    %dma_start3A_232 = arith.constant 0 : i32
    %dma_start3A_233 = tpu.memref_slice %arg5[%dma_start3A_226, %dma_start3A_227, %dma_start3A_232] : memref<3x8x128xi32, #tpu.memory_space<vmem>> -> memref<1x1x128xi32, #tpu.memory_space<vmem>>
    %dma_start3A_234 = tpu.memref_squeeze %dma_start3A_233 : memref<1x1x128xi32, #tpu.memory_space<vmem>> -> memref<128xi32, #tpu.memory_space<vmem>>
    %dma_start3A_235 = arith.constant 0 : i32
    %dma_start3A_236 = tpu.memref_slice %arg8[%dma_start3A_235] : memref<800016xf32, #tpu.memory_space<vmem_shared>> -> memref<800016xf32, #tpu.memory_space<vmem_shared>>
    tpu.enqueue_indirect_dma source(%dma_start3A_236 : memref<800016xf32, #tpu.memory_space<vmem_shared>>) target(%dma_start3A_231 : memref<128xf32, #tpu.memory_space<vmem>>) offsets(%dma_start3A_234 : memref<128xi32, #tpu.memory_space<vmem>>) semaphore(%arg10 : memref<!tpu.dma_semaphore, #tpu.memory_space<semaphore_mem>>)
    %dma_start3A_237 = arith.constant 0 : i32
    %dma_start3A_238 = arith.constant 7 : i32
    %dma_start3A_239 = arith.constant 0 : i32
    %dma_start3A_240 = arith.constant 896 : i32
    %dma_start3A_241 = tpu.memref_slice %arg6[%dma_start3A_239, %dma_start3A_240] : memref<2x1024xf32, #tpu.memory_space<vmem>> -> memref<1x128xf32, #tpu.memory_space<vmem>>
    %dma_start3A_242 = tpu.memref_squeeze %dma_start3A_241 : memref<1x128xf32, #tpu.memory_space<vmem>> -> memref<128xf32, #tpu.memory_space<vmem>>
    %dma_start3A_243 = arith.constant 0 : i32
    %dma_start3A_244 = tpu.memref_slice %arg5[%dma_start3A_237, %dma_start3A_238, %dma_start3A_243] : memref<3x8x128xi32, #tpu.memory_space<vmem>> -> memref<1x1x128xi32, #tpu.memory_space<vmem>>
    %dma_start3A_245 = tpu.memref_squeeze %dma_start3A_244 : memref<1x1x128xi32, #tpu.memory_space<vmem>> -> memref<128xi32, #tpu.memory_space<vmem>>
    %dma_start3A_246 = arith.constant 0 : i32
    %dma_start3A_247 = tpu.memref_slice %arg8[%dma_start3A_246] : memref<800016xf32, #tpu.memory_space<vmem_shared>> -> memref<800016xf32, #tpu.memory_space<vmem_shared>>
    tpu.enqueue_indirect_dma source(%dma_start3A_247 : memref<800016xf32, #tpu.memory_space<vmem_shared>>) target(%dma_start3A_242 : memref<128xf32, #tpu.memory_space<vmem>>) offsets(%dma_start3A_245 : memref<128xi32, #tpu.memory_space<vmem>>) semaphore(%arg10 : memref<!tpu.dma_semaphore, #tpu.memory_space<semaphore_mem>>)
    %scan3A_248 = arith.constant 0 : i32
    %scan3A_249 = arith.constant 0 : i32
    %scan3A_250 = arith.constant 98 : i32
    %scan3A_251 = arith.addi %scan3A_249, %scan3A_250 : i32
    %scan3A_252 = arith.constant 1 : i32
    scf.for %scan3A_265 = %scan3A_249 to %scan3A_251 step %scan3A_252  : i32 {
      %jit3A = arith.constant 3 : i32
      %eq3A_266 = arith.constant 0 : i32
      %eq3A_267 = arith.cmpi eq, %jit3A, %eq3A_266 : i32
      %jit3A_268 = arith.constant 1 : i32
      %select_n3A = arith.select %eq3A_267, %jit3A_268, %jit3A : i32
      %rem3A = arith.remsi %scan3A_265, %select_n3A : i32
      %ne3A = arith.constant 0 : i32
      %ne3A_269 = arith.cmpi ne, %rem3A, %ne3A : i32
      %lt3A = arith.constant 0 : i32
      %lt3A_270 = arith.cmpi slt, %rem3A, %lt3A : i32
      %lt3A_271 = arith.constant 0 : i32
      %lt3A_272 = arith.cmpi slt, %select_n3A, %lt3A_271 : i32
      %ne3A_273 = arith.xori %lt3A_270, %lt3A_272 : i1
      %and3A = arith.andi %ne3A_273, %ne3A_269 : i1
      %add3A_274 = arith.addi %rem3A, %select_n3A : i32
      %select_n3A_275 = arith.select %and3A, %add3A_274, %rem3A : i32
      %and3A_276 = arith.constant 1 : i32
      %and3A_277 = arith.andi %scan3A_265, %and3A_276 : i32
      %add3A_278 = arith.constant 1 : i32
      %add3A_279 = arith.addi %scan3A_265, %add3A_278 : i32
      %jit3A_280 = arith.constant 3 : i32
      %eq3A_281 = arith.constant 0 : i32
      %eq3A_282 = arith.cmpi eq, %jit3A_280, %eq3A_281 : i32
      %jit3A_283 = arith.constant 1 : i32
      %select_n3A_284 = arith.select %eq3A_282, %jit3A_283, %jit3A_280 : i32
      %rem3A_285 = arith.remsi %add3A_279, %select_n3A_284 : i32
      %ne3A_286 = arith.constant 0 : i32
      %ne3A_287 = arith.cmpi ne, %rem3A_285, %ne3A_286 : i32
      %lt3A_288 = arith.constant 0 : i32
      %lt3A_289 = arith.cmpi slt, %rem3A_285, %lt3A_288 : i32
      %lt3A_290 = arith.constant 0 : i32
      %lt3A_291 = arith.cmpi slt, %select_n3A_284, %lt3A_290 : i32
      %ne3A_292 = arith.xori %lt3A_289, %lt3A_291 : i1
      %and3A_293 = arith.andi %ne3A_292, %ne3A_287 : i1
      %add3A_294 = arith.addi %rem3A_285, %select_n3A_284 : i32
      %select_n3A_295 = arith.select %and3A_293, %add3A_294, %rem3A_285 : i32
      %sub3A = arith.constant 1 : i32
      %sub3A_296 = arith.subi %sub3A, %and3A_277 : i32
      %dma_wait3A_297 = arith.constant 0 : i32
      %dma_wait3A_298 = arith.constant 0 : i32
      %dma_wait3A_299 = tpu.memref_slice %arg6[%and3A_277, %dma_wait3A_298] : memref<2x1024xf32, #tpu.memory_space<vmem>> -> memref<1x128xf32, #tpu.memory_space<vmem>>
      %dma_wait3A_300 = tpu.memref_squeeze %dma_wait3A_299 : memref<1x128xf32, #tpu.memory_space<vmem>> -> memref<128xf32, #tpu.memory_space<vmem>>
      %dma_wait3A_301 = arith.constant 0 : i32
      %dma_wait3A_302 = tpu.memref_slice %arg5[%select_n3A_275, %dma_wait3A_297, %dma_wait3A_301] : memref<3x8x128xi32, #tpu.memory_space<vmem>> -> memref<1x1x128xi32, #tpu.memory_space<vmem>>
      %dma_wait3A_303 = tpu.memref_squeeze %dma_wait3A_302 : memref<1x1x128xi32, #tpu.memory_space<vmem>> -> memref<128xi32, #tpu.memory_space<vmem>>
      %dma_wait3A_304 = arith.constant 0 : i32
      %dma_wait3A_305 = tpu.memref_slice %arg8[%dma_wait3A_304] : memref<800016xf32, #tpu.memory_space<vmem_shared>> -> memref<800016xf32, #tpu.memory_space<vmem_shared>>
      tpu.wait_indirect_dma semaphore(%arg10 : memref<!tpu.dma_semaphore, #tpu.memory_space<semaphore_mem>>) src(%dma_wait3A_305 : memref<800016xf32, #tpu.memory_space<vmem_shared>>) dst(%dma_wait3A_300 : memref<128xf32, #tpu.memory_space<vmem>>)
      %dma_wait3A_306 = arith.constant 1 : i32
      %dma_wait3A_307 = arith.constant 128 : i32
      %dma_wait3A_308 = tpu.memref_slice %arg6[%and3A_277, %dma_wait3A_307] : memref<2x1024xf32, #tpu.memory_space<vmem>> -> memref<1x128xf32, #tpu.memory_space<vmem>>
      %dma_wait3A_309 = tpu.memref_squeeze %dma_wait3A_308 : memref<1x128xf32, #tpu.memory_space<vmem>> -> memref<128xf32, #tpu.memory_space<vmem>>
      %dma_wait3A_310 = arith.constant 0 : i32
      %dma_wait3A_311 = tpu.memref_slice %arg5[%select_n3A_275, %dma_wait3A_306, %dma_wait3A_310] : memref<3x8x128xi32, #tpu.memory_space<vmem>> -> memref<1x1x128xi32, #tpu.memory_space<vmem>>
      %dma_wait3A_312 = tpu.memref_squeeze %dma_wait3A_311 : memref<1x1x128xi32, #tpu.memory_space<vmem>> -> memref<128xi32, #tpu.memory_space<vmem>>
      %dma_wait3A_313 = arith.constant 0 : i32
      %dma_wait3A_314 = tpu.memref_slice %arg8[%dma_wait3A_313] : memref<800016xf32, #tpu.memory_space<vmem_shared>> -> memref<800016xf32, #tpu.memory_space<vmem_shared>>
      tpu.wait_indirect_dma semaphore(%arg10 : memref<!tpu.dma_semaphore, #tpu.memory_space<semaphore_mem>>) src(%dma_wait3A_314 : memref<800016xf32, #tpu.memory_space<vmem_shared>>) dst(%dma_wait3A_309 : memref<128xf32, #tpu.memory_space<vmem>>)
      %dma_wait3A_315 = arith.constant 2 : i32
      %dma_wait3A_316 = arith.constant 256 : i32
      %dma_wait3A_317 = tpu.memref_slice %arg6[%and3A_277, %dma_wait3A_316] : memref<2x1024xf32, #tpu.memory_space<vmem>> -> memref<1x128xf32, #tpu.memory_space<vmem>>
      %dma_wait3A_318 = tpu.memref_squeeze %dma_wait3A_317 : memref<1x128xf32, #tpu.memory_space<vmem>> -> memref<128xf32, #tpu.memory_space<vmem>>
      %dma_wait3A_319 = arith.constant 0 : i32
      %dma_wait3A_320 = tpu.memref_slice %arg5[%select_n3A_275, %dma_wait3A_315, %dma_wait3A_319] : memref<3x8x128xi32, #tpu.memory_space<vmem>> -> memref<1x1x128xi32, #tpu.memory_space<vmem>>
      %dma_wait3A_321 = tpu.memref_squeeze %dma_wait3A_320 : memref<1x1x128xi32, #tpu.memory_space<vmem>> -> memref<128xi32, #tpu.memory_space<vmem>>
      %dma_wait3A_322 = arith.constant 0 : i32
      %dma_wait3A_323 = tpu.memref_slice %arg8[%dma_wait3A_322] : memref<800016xf32, #tpu.memory_space<vmem_shared>> -> memref<800016xf32, #tpu.memory_space<vmem_shared>>
      tpu.wait_indirect_dma semaphore(%arg10 : memref<!tpu.dma_semaphore, #tpu.memory_space<semaphore_mem>>) src(%dma_wait3A_323 : memref<800016xf32, #tpu.memory_space<vmem_shared>>) dst(%dma_wait3A_318 : memref<128xf32, #tpu.memory_space<vmem>>)
      %dma_wait3A_324 = arith.constant 3 : i32
      %dma_wait3A_325 = arith.constant 384 : i32
      %dma_wait3A_326 = tpu.memref_slice %arg6[%and3A_277, %dma_wait3A_325] : memref<2x1024xf32, #tpu.memory_space<vmem>> -> memref<1x128xf32, #tpu.memory_space<vmem>>
      %dma_wait3A_327 = tpu.memref_squeeze %dma_wait3A_326 : memref<1x128xf32, #tpu.memory_space<vmem>> -> memref<128xf32, #tpu.memory_space<vmem>>
      %dma_wait3A_328 = arith.constant 0 : i32
      %dma_wait3A_329 = tpu.memref_slice %arg5[%select_n3A_275, %dma_wait3A_324, %dma_wait3A_328] : memref<3x8x128xi32, #tpu.memory_space<vmem>> -> memref<1x1x128xi32, #tpu.memory_space<vmem>>
      %dma_wait3A_330 = tpu.memref_squeeze %dma_wait3A_329 : memref<1x1x128xi32, #tpu.memory_space<vmem>> -> memref<128xi32, #tpu.memory_space<vmem>>
      %dma_wait3A_331 = arith.constant 0 : i32
      %dma_wait3A_332 = tpu.memref_slice %arg8[%dma_wait3A_331] : memref<800016xf32, #tpu.memory_space<vmem_shared>> -> memref<800016xf32, #tpu.memory_space<vmem_shared>>
      tpu.wait_indirect_dma semaphore(%arg10 : memref<!tpu.dma_semaphore, #tpu.memory_space<semaphore_mem>>) src(%dma_wait3A_332 : memref<800016xf32, #tpu.memory_space<vmem_shared>>) dst(%dma_wait3A_327 : memref<128xf32, #tpu.memory_space<vmem>>)
      %dma_wait3A_333 = arith.constant 4 : i32
      %dma_wait3A_334 = arith.constant 512 : i32
      %dma_wait3A_335 = tpu.memref_slice %arg6[%and3A_277, %dma_wait3A_334] : memref<2x1024xf32, #tpu.memory_space<vmem>> -> memref<1x128xf32, #tpu.memory_space<vmem>>
      %dma_wait3A_336 = tpu.memref_squeeze %dma_wait3A_335 : memref<1x128xf32, #tpu.memory_space<vmem>> -> memref<128xf32, #tpu.memory_space<vmem>>
      %dma_wait3A_337 = arith.constant 0 : i32
      %dma_wait3A_338 = tpu.memref_slice %arg5[%select_n3A_275, %dma_wait3A_333, %dma_wait3A_337] : memref<3x8x128xi32, #tpu.memory_space<vmem>> -> memref<1x1x128xi32, #tpu.memory_space<vmem>>
      %dma_wait3A_339 = tpu.memref_squeeze %dma_wait3A_338 : memref<1x1x128xi32, #tpu.memory_space<vmem>> -> memref<128xi32, #tpu.memory_space<vmem>>
      %dma_wait3A_340 = arith.constant 0 : i32
      %dma_wait3A_341 = tpu.memref_slice %arg8[%dma_wait3A_340] : memref<800016xf32, #tpu.memory_space<vmem_shared>> -> memref<800016xf32, #tpu.memory_space<vmem_shared>>
      tpu.wait_indirect_dma semaphore(%arg10 : memref<!tpu.dma_semaphore, #tpu.memory_space<semaphore_mem>>) src(%dma_wait3A_341 : memref<800016xf32, #tpu.memory_space<vmem_shared>>) dst(%dma_wait3A_336 : memref<128xf32, #tpu.memory_space<vmem>>)
      %dma_wait3A_342 = arith.constant 5 : i32
      %dma_wait3A_343 = arith.constant 640 : i32
      %dma_wait3A_344 = tpu.memref_slice %arg6[%and3A_277, %dma_wait3A_343] : memref<2x1024xf32, #tpu.memory_space<vmem>> -> memref<1x128xf32, #tpu.memory_space<vmem>>
      %dma_wait3A_345 = tpu.memref_squeeze %dma_wait3A_344 : memref<1x128xf32, #tpu.memory_space<vmem>> -> memref<128xf32, #tpu.memory_space<vmem>>
      %dma_wait3A_346 = arith.constant 0 : i32
      %dma_wait3A_347 = tpu.memref_slice %arg5[%select_n3A_275, %dma_wait3A_342, %dma_wait3A_346] : memref<3x8x128xi32, #tpu.memory_space<vmem>> -> memref<1x1x128xi32, #tpu.memory_space<vmem>>
      %dma_wait3A_348 = tpu.memref_squeeze %dma_wait3A_347 : memref<1x1x128xi32, #tpu.memory_space<vmem>> -> memref<128xi32, #tpu.memory_space<vmem>>
      %dma_wait3A_349 = arith.constant 0 : i32
      %dma_wait3A_350 = tpu.memref_slice %arg8[%dma_wait3A_349] : memref<800016xf32, #tpu.memory_space<vmem_shared>> -> memref<800016xf32, #tpu.memory_space<vmem_shared>>
      tpu.wait_indirect_dma semaphore(%arg10 : memref<!tpu.dma_semaphore, #tpu.memory_space<semaphore_mem>>) src(%dma_wait3A_350 : memref<800016xf32, #tpu.memory_space<vmem_shared>>) dst(%dma_wait3A_345 : memref<128xf32, #tpu.memory_space<vmem>>)
      %dma_wait3A_351 = arith.constant 6 : i32
      %dma_wait3A_352 = arith.constant 768 : i32
      %dma_wait3A_353 = tpu.memref_slice %arg6[%and3A_277, %dma_wait3A_352] : memref<2x1024xf32, #tpu.memory_space<vmem>> -> memref<1x128xf32, #tpu.memory_space<vmem>>
      %dma_wait3A_354 = tpu.memref_squeeze %dma_wait3A_353 : memref<1x128xf32, #tpu.memory_space<vmem>> -> memref<128xf32, #tpu.memory_space<vmem>>
      %dma_wait3A_355 = arith.constant 0 : i32
      %dma_wait3A_356 = tpu.memref_slice %arg5[%select_n3A_275, %dma_wait3A_351, %dma_wait3A_355] : memref<3x8x128xi32, #tpu.memory_space<vmem>> -> memref<1x1x128xi32, #tpu.memory_space<vmem>>
      %dma_wait3A_357 = tpu.memref_squeeze %dma_wait3A_356 : memref<1x1x128xi32, #tpu.memory_space<vmem>> -> memref<128xi32, #tpu.memory_space<vmem>>
      %dma_wait3A_358 = arith.constant 0 : i32
      %dma_wait3A_359 = tpu.memref_slice %arg8[%dma_wait3A_358] : memref<800016xf32, #tpu.memory_space<vmem_shared>> -> memref<800016xf32, #tpu.memory_space<vmem_shared>>
      tpu.wait_indirect_dma semaphore(%arg10 : memref<!tpu.dma_semaphore, #tpu.memory_space<semaphore_mem>>) src(%dma_wait3A_359 : memref<800016xf32, #tpu.memory_space<vmem_shared>>) dst(%dma_wait3A_354 : memref<128xf32, #tpu.memory_space<vmem>>)
      %dma_wait3A_360 = arith.constant 7 : i32
      %dma_wait3A_361 = arith.constant 896 : i32
      %dma_wait3A_362 = tpu.memref_slice %arg6[%and3A_277, %dma_wait3A_361] : memref<2x1024xf32, #tpu.memory_space<vmem>> -> memref<1x128xf32, #tpu.memory_space<vmem>>
      %dma_wait3A_363 = tpu.memref_squeeze %dma_wait3A_362 : memref<1x128xf32, #tpu.memory_space<vmem>> -> memref<128xf32, #tpu.memory_space<vmem>>
      %dma_wait3A_364 = arith.constant 0 : i32
      %dma_wait3A_365 = tpu.memref_slice %arg5[%select_n3A_275, %dma_wait3A_360, %dma_wait3A_364] : memref<3x8x128xi32, #tpu.memory_space<vmem>> -> memref<1x1x128xi32, #tpu.memory_space<vmem>>
      %dma_wait3A_366 = tpu.memref_squeeze %dma_wait3A_365 : memref<1x1x128xi32, #tpu.memory_space<vmem>> -> memref<128xi32, #tpu.memory_space<vmem>>
      %dma_wait3A_367 = arith.constant 0 : i32
      %dma_wait3A_368 = tpu.memref_slice %arg8[%dma_wait3A_367] : memref<800016xf32, #tpu.memory_space<vmem_shared>> -> memref<800016xf32, #tpu.memory_space<vmem_shared>>
      tpu.wait_indirect_dma semaphore(%arg10 : memref<!tpu.dma_semaphore, #tpu.memory_space<semaphore_mem>>) src(%dma_wait3A_368 : memref<800016xf32, #tpu.memory_space<vmem_shared>>) dst(%dma_wait3A_363 : memref<128xf32, #tpu.memory_space<vmem>>)
      %mul3A_369 = arith.constant 98 : i32
      %mul3A_370 = arith.muli %add3A, %mul3A_369 : i32
      %add3A_371 = arith.addi %mul3A_370, %scan3A_265 : i32
      %mul3A_372 = arith.constant 1024 : i32
      %mul3A_373 = arith.muli %add3A_371, %mul3A_372 : i32
      %scan3A_374 = arith.constant 0 : i32
      %scan3A_375 = arith.constant 0 : i32
      %scan3A_376 = arith.constant 64 : i32
      %scan3A_377 = arith.addi %scan3A_375, %scan3A_376 : i32
      %scan3A_378 = arith.constant 1 : i32
      scf.for %scan3A_406 = %scan3A_375 to %scan3A_377 step %scan3A_378  : i32 {
        %mul3A_407 = arith.constant 16 : i32
        %mul3A_408 = arith.muli %scan3A_406, %mul3A_407 : i32
        %mul3A_409 = arith.constant 16 : i32
        %mul3A_410 = arith.muli %scan3A_406, %mul3A_409 : i32
        %add3A_411 = arith.addi %mul3A_373, %mul3A_410 : i32
        %iota3A = tpu.iota {dimensions = array<i32: 0>} : vector<16xi32>
        %add3A_412 = vector.broadcast %add3A_411 : i32 to vector<16xi32>
        %add3A_413 = arith.addi %add3A_412, %iota3A : vector<16xi32>
        %lt3A_414 = arith.constant 3200000 : i32
        %lt3A_415 = vector.broadcast %lt3A_414 : i32 to vector<16xi32>
        %lt3A_416 = arith.cmpi slt, %add3A_413, %lt3A_415 : vector<16xi32>
        %get3A = arith.index_cast %and3A_277 : i32 to index
        %get3A_417 = arith.index_cast %mul3A_408 : i32 to index
        %get3A_418 = tpu.vector_load %arg6[%get3A, %get3A_417] {strides = array<i32>} : memref<2x1024xf32, #tpu.memory_space<vmem>>, vector<1x16xf32>,
        %get3A_419 = vector.shape_cast %get3A_418 : vector<1x16xf32> to vector<16xf32>
        %div3A = arith.constant 1.000000e+00 : f32
        %div3A_420 = vector.broadcast %div3A : f32 to vector<16xf32>
        %div3A_421 = arith.divf %div3A_420, %get3A_419 : vector<16xf32>
        %jit3A_422 = arith.constant 0.000000e+00 : f32
        %broadcast_in_dim3A = vector.broadcast %jit3A_422 : f32 to vector<16xf32>
        %select_n3A_423 = arith.select %lt3A_416, %div3A_421, %broadcast_in_dim3A : vector<16xi1>, vector<16xf32>
        %swap3A = arith.index_cast %and3A_277 : i32 to index
        %swap3A_424 = arith.index_cast %mul3A_408 : i32 to index
        %swap3A_425 = tpu.vector_load %arg6[%swap3A, %swap3A_424] {strides = array<i32>} : memref<2x1024xf32, #tpu.memory_space<vmem>>, vector<1x16xf32>,
        %swap3A_426 = vector.shape_cast %swap3A_425 : vector<1x16xf32> to vector<16xf32>
        %swap3A_427 = vector.shape_cast %select_n3A_423 : vector<16xf32> to vector<1x16xf32>
        tpu.vector_store %arg6[%swap3A, %swap3A_424], %swap3A_427 {strides = array<i32>} : memref<2x1024xf32, #tpu.memory_space<vmem>>, vector<1x16xf32>,
      }
      %scan3A_379 = arith.constant 64 : i32
      %ge3A = arith.constant 1 : i32
      %ge3A_380 = arith.cmpi sge, %scan3A_265, %ge3A : i32
      %convert_element_type3A_381 = arith.extui %ge3A_380 : i1 to i32
      %cond3A_382 = arith.constant 0 : i32
      %cond3A_383 = arith.cmpi ne, %convert_element_type3A_381, %cond3A_382 : i32
      scf.if %cond3A_383 {
        %dma_wait3A_406 = arith.constant 0 : i32
        %dma_wait3A_407 = tpu.memref_slice %arg6[%sub3A_296, %dma_wait3A_406] : memref<2x1024xf32, #tpu.memory_space<vmem>> -> memref<1x1024xf32, #tpu.memory_space<vmem>>
        %dma_wait3A_408 = tpu.memref_squeeze %dma_wait3A_407 : memref<1x1024xf32, #tpu.memory_space<vmem>> -> memref<1024xf32, #tpu.memory_space<vmem>>
        %dma_wait3A_409 = arith.constant 0 : i32
        %dma_wait3A_410 = tpu.memref_slice %arg4[%dma_wait3A_409] : memref<3211264xf32, #tpu.memory_space<hbm>> -> memref<1024xf32, #tpu.memory_space<hbm>>
        %dma_wait3A_411 = arith.constant 0 : i32
        %dma_wait3A_412 = tpu.memref_slice %arg4[%dma_wait3A_411] : memref<3211264xf32, #tpu.memory_space<hbm>> -> memref<1024xf32, #tpu.memory_space<hbm>>
        %dma_wait3A_413 = arith.constant 0 : i32
        %dma_wait3A_414 = tpu.memref_slice %arg6[%sub3A_296, %dma_wait3A_413] : memref<2x1024xf32, #tpu.memory_space<vmem>> -> memref<1x1024xf32, #tpu.memory_space<vmem>>
        %dma_wait3A_415 = tpu.memref_squeeze %dma_wait3A_414 : memref<1x1024xf32, #tpu.memory_space<vmem>> -> memref<1024xf32, #tpu.memory_space<vmem>>
        tpu.wait_dma2 semaphore(%arg12 : memref<!tpu.dma_semaphore, #tpu.memory_space<semaphore_mem>>) src(%dma_wait3A_415 : memref<1024xf32, #tpu.memory_space<vmem>>) dst(%dma_wait3A_412 : memref<1024xf32, #tpu.memory_space<hbm>>)
      } else {
      }
      %dma_start3A_384 = arith.constant 0 : i32
      %dma_start3A_385 = tpu.memref_slice %arg6[%and3A_277, %dma_start3A_384] : memref<2x1024xf32, #tpu.memory_space<vmem>> -> memref<1x1024xf32, #tpu.memory_space<vmem>>
      %dma_start3A_386 = tpu.memref_squeeze %dma_start3A_385 : memref<1x1024xf32, #tpu.memory_space<vmem>> -> memref<1024xf32, #tpu.memory_space<vmem>>
      %dma_start3A_387 = tpu.memref_slice %arg4[%mul3A_373] : memref<3211264xf32, #tpu.memory_space<hbm>> -> memref<1024xf32, #tpu.memory_space<hbm>>
      %dma_start3A_388 = tpu.memref_slice %arg4[%mul3A_373] : memref<3211264xf32, #tpu.memory_space<hbm>> -> memref<1024xf32, #tpu.memory_space<hbm>>
      %dma_start3A_389 = arith.constant 0 : i32
      %dma_start3A_390 = tpu.memref_slice %arg6[%and3A_277, %dma_start3A_389] : memref<2x1024xf32, #tpu.memory_space<vmem>> -> memref<1x1024xf32, #tpu.memory_space<vmem>>
      %dma_start3A_391 = tpu.memref_squeeze %dma_start3A_390 : memref<1x1024xf32, #tpu.memory_space<vmem>> -> memref<1024xf32, #tpu.memory_space<vmem>>
      tpu.enqueue_dma source(%dma_start3A_391 : memref<1024xf32, #tpu.memory_space<vmem>>) target(%dma_start3A_388 : memref<1024xf32, #tpu.memory_space<hbm>>) target_semaphore(%arg12 : memref<!tpu.dma_semaphore, #tpu.memory_space<semaphore_mem>>)
      %add3A_392 = arith.constant 1 : i32
      %add3A_393 = arith.addi %scan3A_265, %add3A_392 : i32
      %lt3A_394 = arith.constant 98 : i32
      %lt3A_395 = arith.cmpi slt, %add3A_393, %lt3A_394 : i32
      %convert_element_type3A_396 = arith.extui %lt3A_395 : i1 to i32
      %cond3A_397 = arith.constant 0 : i32
      %cond3A_398 = arith.cmpi ne, %convert_element_type3A_396, %cond3A_397 : i32
      scf.if %cond3A_398 {
        %add3A_406 = arith.constant 1 : i32
        %add3A_407 = arith.addi %scan3A_265, %add3A_406 : i32
        %mul3A_408 = arith.constant 98 : i32
        %mul3A_409 = arith.muli %add3A, %mul3A_408 : i32
        %add3A_410 = arith.addi %mul3A_409, %add3A_407 : i32
        %mul3A_411 = arith.constant 8 : i32
        %mul3A_412 = arith.muli %add3A_410, %mul3A_411 : i32
        %dma_wait3A_413 = arith.constant 0 : i32
        %dma_wait3A_414 = arith.constant 0 : i32
        %dma_wait3A_415 = tpu.memref_slice %arg5[%select_n3A_295, %dma_wait3A_413, %dma_wait3A_414] : memref<3x8x128xi32, #tpu.memory_space<vmem>> -> memref<1x8x128xi32, #tpu.memory_space<vmem>>
        %dma_wait3A_416 = tpu.memref_squeeze %dma_wait3A_415 : memref<1x8x128xi32, #tpu.memory_space<vmem>> -> memref<8x128xi32, #tpu.memory_space<vmem>>
        %dma_wait3A_417 = arith.constant 0 : i32
        %dma_wait3A_418 = tpu.memref_slice %arg2[%mul3A_412, %dma_wait3A_417] : memref<25088x128xi32, #tpu.memory_space<hbm>> -> memref<8x128xi32, #tpu.memory_space<hbm>>
        %dma_wait3A_419 = arith.constant 0 : i32
        %dma_wait3A_420 = arith.constant 0 : i32
        %dma_wait3A_421 = tpu.memref_slice %arg5[%select_n3A_295, %dma_wait3A_419, %dma_wait3A_420] : memref<3x8x128xi32, #tpu.memory_space<vmem>> -> memref<1x8x128xi32, #tpu.memory_space<vmem>>
        %dma_wait3A_422 = tpu.memref_squeeze %dma_wait3A_421 : memref<1x8x128xi32, #tpu.memory_space<vmem>> -> memref<8x128xi32, #tpu.memory_space<vmem>>
        %dma_wait3A_423 = arith.constant 0 : i32
        %dma_wait3A_424 = tpu.memref_slice %arg2[%mul3A_412, %dma_wait3A_423] : memref<25088x128xi32, #tpu.memory_space<hbm>> -> memref<8x128xi32, #tpu.memory_space<hbm>>
        tpu.wait_dma2 semaphore(%arg9 : memref<!tpu.dma_semaphore, #tpu.memory_space<semaphore_mem>>) src(%dma_wait3A_424 : memref<8x128xi32, #tpu.memory_space<hbm>>) dst(%dma_wait3A_422 : memref<8x128xi32, #tpu.memory_space<vmem>>)
        %dma_start3A_425 = arith.constant 0 : i32
        %dma_start3A_426 = arith.constant 0 : i32
        %dma_start3A_427 = tpu.memref_slice %arg6[%sub3A_296, %dma_start3A_426] : memref<2x1024xf32, #tpu.memory_space<vmem>> -> memref<1x128xf32, #tpu.memory_space<vmem>>
        %dma_start3A_428 = tpu.memref_squeeze %dma_start3A_427 : memref<1x128xf32, #tpu.memory_space<vmem>> -> memref<128xf32, #tpu.memory_space<vmem>>
        %dma_start3A_429 = arith.constant 0 : i32
        %dma_start3A_430 = tpu.memref_slice %arg5[%select_n3A_295, %dma_start3A_425, %dma_start3A_429] : memref<3x8x128xi32, #tpu.memory_space<vmem>> -> memref<1x1x128xi32, #tpu.memory_space<vmem>>
        %dma_start3A_431 = tpu.memref_squeeze %dma_start3A_430 : memref<1x1x128xi32, #tpu.memory_space<vmem>> -> memref<128xi32, #tpu.memory_space<vmem>>
        %dma_start3A_432 = arith.constant 0 : i32
        %dma_start3A_433 = tpu.memref_slice %arg8[%dma_start3A_432] : memref<800016xf32, #tpu.memory_space<vmem_shared>> -> memref<800016xf32, #tpu.memory_space<vmem_shared>>
        tpu.enqueue_indirect_dma source(%dma_start3A_433 : memref<800016xf32, #tpu.memory_space<vmem_shared>>) target(%dma_start3A_428 : memref<128xf32, #tpu.memory_space<vmem>>) offsets(%dma_start3A_431 : memref<128xi32, #tpu.memory_space<vmem>>) semaphore(%arg10 : memref<!tpu.dma_semaphore, #tpu.memory_space<semaphore_mem>>)
        %dma_start3A_434 = arith.constant 1 : i32
        %dma_start3A_435 = arith.constant 128 : i32
        %dma_start3A_436 = tpu.memref_slice %arg6[%sub3A_296, %dma_start3A_435] : memref<2x1024xf32, #tpu.memory_space<vmem>> -> memref<1x128xf32, #tpu.memory_space<vmem>>
        %dma_start3A_437 = tpu.memref_squeeze %dma_start3A_436 : memref<1x128xf32, #tpu.memory_space<vmem>> -> memref<128xf32, #tpu.memory_space<vmem>>
        %dma_start3A_438 = arith.constant 0 : i32
        %dma_start3A_439 = tpu.memref_slice %arg5[%select_n3A_295, %dma_start3A_434, %dma_start3A_438] : memref<3x8x128xi32, #tpu.memory_space<vmem>> -> memref<1x1x128xi32, #tpu.memory_space<vmem>>
        %dma_start3A_440 = tpu.memref_squeeze %dma_start3A_439 : memref<1x1x128xi32, #tpu.memory_space<vmem>> -> memref<128xi32, #tpu.memory_space<vmem>>
        %dma_start3A_441 = arith.constant 0 : i32
        %dma_start3A_442 = tpu.memref_slice %arg8[%dma_start3A_441] : memref<800016xf32, #tpu.memory_space<vmem_shared>> -> memref<800016xf32, #tpu.memory_space<vmem_shared>>
        tpu.enqueue_indirect_dma source(%dma_start3A_442 : memref<800016xf32, #tpu.memory_space<vmem_shared>>) target(%dma_start3A_437 : memref<128xf32, #tpu.memory_space<vmem>>) offsets(%dma_start3A_440 : memref<128xi32, #tpu.memory_space<vmem>>) semaphore(%arg10 : memref<!tpu.dma_semaphore, #tpu.memory_space<semaphore_mem>>)
        %dma_start3A_443 = arith.constant 2 : i32
        %dma_start3A_444 = arith.constant 256 : i32
        %dma_start3A_445 = tpu.memref_slice %arg6[%sub3A_296, %dma_start3A_444] : memref<2x1024xf32, #tpu.memory_space<vmem>> -> memref<1x128xf32, #tpu.memory_space<vmem>>
        %dma_start3A_446 = tpu.memref_squeeze %dma_start3A_445 : memref<1x128xf32, #tpu.memory_space<vmem>> -> memref<128xf32, #tpu.memory_space<vmem>>
        %dma_start3A_447 = arith.constant 0 : i32
        %dma_start3A_448 = tpu.memref_slice %arg5[%select_n3A_295, %dma_start3A_443, %dma_start3A_447] : memref<3x8x128xi32, #tpu.memory_space<vmem>> -> memref<1x1x128xi32, #tpu.memory_space<vmem>>
        %dma_start3A_449 = tpu.memref_squeeze %dma_start3A_448 : memref<1x1x128xi32, #tpu.memory_space<vmem>> -> memref<128xi32, #tpu.memory_space<vmem>>
        %dma_start3A_450 = arith.constant 0 : i32
        %dma_start3A_451 = tpu.memref_slice %arg8[%dma_start3A_450] : memref<800016xf32, #tpu.memory_space<vmem_shared>> -> memref<800016xf32, #tpu.memory_space<vmem_shared>>
        tpu.enqueue_indirect_dma source(%dma_start3A_451 : memref<800016xf32, #tpu.memory_space<vmem_shared>>) target(%dma_start3A_446 : memref<128xf32, #tpu.memory_space<vmem>>) offsets(%dma_start3A_449 : memref<128xi32, #tpu.memory_space<vmem>>) semaphore(%arg10 : memref<!tpu.dma_semaphore, #tpu.memory_space<semaphore_mem>>)
        %dma_start3A_452 = arith.constant 3 : i32
        %dma_start3A_453 = arith.constant 384 : i32
        %dma_start3A_454 = tpu.memref_slice %arg6[%sub3A_296, %dma_start3A_453] : memref<2x1024xf32, #tpu.memory_space<vmem>> -> memref<1x128xf32, #tpu.memory_space<vmem>>
        %dma_start3A_455 = tpu.memref_squeeze %dma_start3A_454 : memref<1x128xf32, #tpu.memory_space<vmem>> -> memref<128xf32, #tpu.memory_space<vmem>>
        %dma_start3A_456 = arith.constant 0 : i32
        %dma_start3A_457 = tpu.memref_slice %arg5[%select_n3A_295, %dma_start3A_452, %dma_start3A_456] : memref<3x8x128xi32, #tpu.memory_space<vmem>> -> memref<1x1x128xi32, #tpu.memory_space<vmem>>
        %dma_start3A_458 = tpu.memref_squeeze %dma_start3A_457 : memref<1x1x128xi32, #tpu.memory_space<vmem>> -> memref<128xi32, #tpu.memory_space<vmem>>
        %dma_start3A_459 = arith.constant 0 : i32
        %dma_start3A_460 = tpu.memref_slice %arg8[%dma_start3A_459] : memref<800016xf32, #tpu.memory_space<vmem_shared>> -> memref<800016xf32, #tpu.memory_space<vmem_shared>>
        tpu.enqueue_indirect_dma source(%dma_start3A_460 : memref<800016xf32, #tpu.memory_space<vmem_shared>>) target(%dma_start3A_455 : memref<128xf32, #tpu.memory_space<vmem>>) offsets(%dma_start3A_458 : memref<128xi32, #tpu.memory_space<vmem>>) semaphore(%arg10 : memref<!tpu.dma_semaphore, #tpu.memory_space<semaphore_mem>>)
        %dma_start3A_461 = arith.constant 4 : i32
        %dma_start3A_462 = arith.constant 512 : i32
        %dma_start3A_463 = tpu.memref_slice %arg6[%sub3A_296, %dma_start3A_462] : memref<2x1024xf32, #tpu.memory_space<vmem>> -> memref<1x128xf32, #tpu.memory_space<vmem>>
        %dma_start3A_464 = tpu.memref_squeeze %dma_start3A_463 : memref<1x128xf32, #tpu.memory_space<vmem>> -> memref<128xf32, #tpu.memory_space<vmem>>
        %dma_start3A_465 = arith.constant 0 : i32
        %dma_start3A_466 = tpu.memref_slice %arg5[%select_n3A_295, %dma_start3A_461, %dma_start3A_465] : memref<3x8x128xi32, #tpu.memory_space<vmem>> -> memref<1x1x128xi32, #tpu.memory_space<vmem>>
        %dma_start3A_467 = tpu.memref_squeeze %dma_start3A_466 : memref<1x1x128xi32, #tpu.memory_space<vmem>> -> memref<128xi32, #tpu.memory_space<vmem>>
        %dma_start3A_468 = arith.constant 0 : i32
        %dma_start3A_469 = tpu.memref_slice %arg8[%dma_start3A_468] : memref<800016xf32, #tpu.memory_space<vmem_shared>> -> memref<800016xf32, #tpu.memory_space<vmem_shared>>
        tpu.enqueue_indirect_dma source(%dma_start3A_469 : memref<800016xf32, #tpu.memory_space<vmem_shared>>) target(%dma_start3A_464 : memref<128xf32, #tpu.memory_space<vmem>>) offsets(%dma_start3A_467 : memref<128xi32, #tpu.memory_space<vmem>>) semaphore(%arg10 : memref<!tpu.dma_semaphore, #tpu.memory_space<semaphore_mem>>)
        %dma_start3A_470 = arith.constant 5 : i32
        %dma_start3A_471 = arith.constant 640 : i32
        %dma_start3A_472 = tpu.memref_slice %arg6[%sub3A_296, %dma_start3A_471] : memref<2x1024xf32, #tpu.memory_space<vmem>> -> memref<1x128xf32, #tpu.memory_space<vmem>>
        %dma_start3A_473 = tpu.memref_squeeze %dma_start3A_472 : memref<1x128xf32, #tpu.memory_space<vmem>> -> memref<128xf32, #tpu.memory_space<vmem>>
        %dma_start3A_474 = arith.constant 0 : i32
        %dma_start3A_475 = tpu.memref_slice %arg5[%select_n3A_295, %dma_start3A_470, %dma_start3A_474] : memref<3x8x128xi32, #tpu.memory_space<vmem>> -> memref<1x1x128xi32, #tpu.memory_space<vmem>>
        %dma_start3A_476 = tpu.memref_squeeze %dma_start3A_475 : memref<1x1x128xi32, #tpu.memory_space<vmem>> -> memref<128xi32, #tpu.memory_space<vmem>>
        %dma_start3A_477 = arith.constant 0 : i32
        %dma_start3A_478 = tpu.memref_slice %arg8[%dma_start3A_477] : memref<800016xf32, #tpu.memory_space<vmem_shared>> -> memref<800016xf32, #tpu.memory_space<vmem_shared>>
        tpu.enqueue_indirect_dma source(%dma_start3A_478 : memref<800016xf32, #tpu.memory_space<vmem_shared>>) target(%dma_start3A_473 : memref<128xf32, #tpu.memory_space<vmem>>) offsets(%dma_start3A_476 : memref<128xi32, #tpu.memory_space<vmem>>) semaphore(%arg10 : memref<!tpu.dma_semaphore, #tpu.memory_space<semaphore_mem>>)
        %dma_start3A_479 = arith.constant 6 : i32
        %dma_start3A_480 = arith.constant 768 : i32
        %dma_start3A_481 = tpu.memref_slice %arg6[%sub3A_296, %dma_start3A_480] : memref<2x1024xf32, #tpu.memory_space<vmem>> -> memref<1x128xf32, #tpu.memory_space<vmem>>
        %dma_start3A_482 = tpu.memref_squeeze %dma_start3A_481 : memref<1x128xf32, #tpu.memory_space<vmem>> -> memref<128xf32, #tpu.memory_space<vmem>>
        %dma_start3A_483 = arith.constant 0 : i32
        %dma_start3A_484 = tpu.memref_slice %arg5[%select_n3A_295, %dma_start3A_479, %dma_start3A_483] : memref<3x8x128xi32, #tpu.memory_space<vmem>> -> memref<1x1x128xi32, #tpu.memory_space<vmem>>
        %dma_start3A_485 = tpu.memref_squeeze %dma_start3A_484 : memref<1x1x128xi32, #tpu.memory_space<vmem>> -> memref<128xi32, #tpu.memory_space<vmem>>
        %dma_start3A_486 = arith.constant 0 : i32
        %dma_start3A_487 = tpu.memref_slice %arg8[%dma_start3A_486] : memref<800016xf32, #tpu.memory_space<vmem_shared>> -> memref<800016xf32, #tpu.memory_space<vmem_shared>>
        tpu.enqueue_indirect_dma source(%dma_start3A_487 : memref<800016xf32, #tpu.memory_space<vmem_shared>>) target(%dma_start3A_482 : memref<128xf32, #tpu.memory_space<vmem>>) offsets(%dma_start3A_485 : memref<128xi32, #tpu.memory_space<vmem>>) semaphore(%arg10 : memref<!tpu.dma_semaphore, #tpu.memory_space<semaphore_mem>>)
        %dma_start3A_488 = arith.constant 7 : i32
        %dma_start3A_489 = arith.constant 896 : i32
        %dma_start3A_490 = tpu.memref_slice %arg6[%sub3A_296, %dma_start3A_489] : memref<2x1024xf32, #tpu.memory_space<vmem>> -> memref<1x128xf32, #tpu.memory_space<vmem>>
        %dma_start3A_491 = tpu.memref_squeeze %dma_start3A_490 : memref<1x128xf32, #tpu.memory_space<vmem>> -> memref<128xf32, #tpu.memory_space<vmem>>
        %dma_start3A_492 = arith.constant 0 : i32
        %dma_start3A_493 = tpu.memref_slice %arg5[%select_n3A_295, %dma_start3A_488, %dma_start3A_492] : memref<3x8x128xi32, #tpu.memory_space<vmem>> -> memref<1x1x128xi32, #tpu.memory_space<vmem>>
        %dma_start3A_494 = tpu.memref_squeeze %dma_start3A_493 : memref<1x1x128xi32, #tpu.memory_space<vmem>> -> memref<128xi32, #tpu.memory_space<vmem>>
        %dma_start3A_495 = arith.constant 0 : i32
        %dma_start3A_496 = tpu.memref_slice %arg8[%dma_start3A_495] : memref<800016xf32, #tpu.memory_space<vmem_shared>> -> memref<800016xf32, #tpu.memory_space<vmem_shared>>
        tpu.enqueue_indirect_dma source(%dma_start3A_496 : memref<800016xf32, #tpu.memory_space<vmem_shared>>) target(%dma_start3A_491 : memref<128xf32, #tpu.memory_space<vmem>>) offsets(%dma_start3A_494 : memref<128xi32, #tpu.memory_space<vmem>>) semaphore(%arg10 : memref<!tpu.dma_semaphore, #tpu.memory_space<semaphore_mem>>)
      } else {
      }
      %add3A_399 = arith.constant 2 : i32
      %add3A_400 = arith.addi %scan3A_265, %add3A_399 : i32
      %lt3A_401 = arith.constant 98 : i32
      %lt3A_402 = arith.cmpi slt, %add3A_400, %lt3A_401 : i32
      %convert_element_type3A_403 = arith.extui %lt3A_402 : i1 to i32
      %cond3A_404 = arith.constant 0 : i32
      %cond3A_405 = arith.cmpi ne, %convert_element_type3A_403, %cond3A_404 : i32
      scf.if %cond3A_405 {
        %add3A_406 = arith.constant 2 : i32
        %add3A_407 = arith.addi %scan3A_265, %add3A_406 : i32
        %add3A_408 = arith.constant 2 : i32
        %add3A_409 = arith.addi %scan3A_265, %add3A_408 : i32
        %jit3A_410 = arith.constant 3 : i32
        %eq3A_411 = arith.constant 0 : i32
        %eq3A_412 = arith.cmpi eq, %jit3A_410, %eq3A_411 : i32
        %jit3A_413 = arith.constant 1 : i32
        %select_n3A_414 = arith.select %eq3A_412, %jit3A_413, %jit3A_410 : i32
        %rem3A_415 = arith.remsi %add3A_409, %select_n3A_414 : i32
        %ne3A_416 = arith.constant 0 : i32
        %ne3A_417 = arith.cmpi ne, %rem3A_415, %ne3A_416 : i32
        %lt3A_418 = arith.constant 0 : i32
        %lt3A_419 = arith.cmpi slt, %rem3A_415, %lt3A_418 : i32
        %lt3A_420 = arith.constant 0 : i32
        %lt3A_421 = arith.cmpi slt, %select_n3A_414, %lt3A_420 : i32
        %ne3A_422 = arith.xori %lt3A_419, %lt3A_421 : i1
        %and3A_423 = arith.andi %ne3A_422, %ne3A_417 : i1
        %add3A_424 = arith.addi %rem3A_415, %select_n3A_414 : i32
        %select_n3A_425 = arith.select %and3A_423, %add3A_424, %rem3A_415 : i32
        %mul3A_426 = arith.constant 98 : i32
        %mul3A_427 = arith.muli %add3A, %mul3A_426 : i32
        %add3A_428 = arith.addi %mul3A_427, %add3A_407 : i32
        %mul3A_429 = arith.constant 8 : i32
        %mul3A_430 = arith.muli %add3A_428, %mul3A_429 : i32
        %dma_start3A_431 = arith.constant 0 : i32
        %dma_start3A_432 = arith.constant 0 : i32
        %dma_start3A_433 = tpu.memref_slice %arg5[%select_n3A_425, %dma_start3A_431, %dma_start3A_432] : memref<3x8x128xi32, #tpu.memory_space<vmem>> -> memref<1x8x128xi32, #tpu.memory_space<vmem>>
        %dma_start3A_434 = tpu.memref_squeeze %dma_start3A_433 : memref<1x8x128xi32, #tpu.memory_space<vmem>> -> memref<8x128xi32, #tpu.memory_space<vmem>>
        %dma_start3A_435 = arith.constant 0 : i32
        %dma_start3A_436 = tpu.memref_slice %arg2[%mul3A_430, %dma_start3A_435] : memref<25088x128xi32, #tpu.memory_space<hbm>> -> memref<8x128xi32, #tpu.memory_space<hbm>>
        %dma_start3A_437 = arith.constant 0 : i32
        %dma_start3A_438 = arith.constant 0 : i32
        %dma_start3A_439 = tpu.memref_slice %arg5[%select_n3A_425, %dma_start3A_437, %dma_start3A_438] : memref<3x8x128xi32, #tpu.memory_space<vmem>> -> memref<1x8x128xi32, #tpu.memory_space<vmem>>
        %dma_start3A_440 = tpu.memref_squeeze %dma_start3A_439 : memref<1x8x128xi32, #tpu.memory_space<vmem>> -> memref<8x128xi32, #tpu.memory_space<vmem>>
        %dma_start3A_441 = arith.constant 0 : i32
        %dma_start3A_442 = tpu.memref_slice %arg2[%mul3A_430, %dma_start3A_441] : memref<25088x128xi32, #tpu.memory_space<hbm>> -> memref<8x128xi32, #tpu.memory_space<hbm>>
        tpu.enqueue_dma source(%dma_start3A_442 : memref<8x128xi32, #tpu.memory_space<hbm>>) target(%dma_start3A_440 : memref<8x128xi32, #tpu.memory_space<vmem>>) target_semaphore(%arg9 : memref<!tpu.dma_semaphore, #tpu.memory_space<semaphore_mem>>)
      } else {
      }
    }
    %scan3A_253 = arith.constant 98 : i32
    %dma_wait3A_254 = arith.constant 1 : i32
    %dma_wait3A_255 = arith.constant 0 : i32
    %dma_wait3A_256 = tpu.memref_slice %arg6[%dma_wait3A_254, %dma_wait3A_255] : memref<2x1024xf32, #tpu.memory_space<vmem>> -> memref<1x1024xf32, #tpu.memory_space<vmem>>
    %dma_wait3A_257 = tpu.memref_squeeze %dma_wait3A_256 : memref<1x1024xf32, #tpu.memory_space<vmem>> -> memref<1024xf32, #tpu.memory_space<vmem>>
    %dma_wait3A_258 = arith.constant 0 : i32
    %dma_wait3A_259 = tpu.memref_slice %arg4[%dma_wait3A_258] : memref<3211264xf32, #tpu.memory_space<hbm>> -> memref<1024xf32, #tpu.memory_space<hbm>>
    %dma_wait3A_260 = arith.constant 0 : i32
    %dma_wait3A_261 = tpu.memref_slice %arg4[%dma_wait3A_260] : memref<3211264xf32, #tpu.memory_space<hbm>> -> memref<1024xf32, #tpu.memory_space<hbm>>
    %dma_wait3A_262 = arith.constant 0 : i32
    %dma_wait3A_263 = tpu.memref_slice %arg6[%dma_wait3A_254, %dma_wait3A_262] : memref<2x1024xf32, #tpu.memory_space<vmem>> -> memref<1x1024xf32, #tpu.memory_space<vmem>>
    %dma_wait3A_264 = tpu.memref_squeeze %dma_wait3A_263 : memref<1x1024xf32, #tpu.memory_space<vmem>> -> memref<1024xf32, #tpu.memory_space<vmem>>
    tpu.wait_dma2 semaphore(%arg12 : memref<!tpu.dma_semaphore, #tpu.memory_space<semaphore_mem>>) src(%dma_wait3A_264 : memref<1024xf32, #tpu.memory_space<vmem>>) dst(%dma_wait3A_261 : memref<1024xf32, #tpu.memory_space<hbm>>)
    return
  }
}

#map = affine_map<(d0, d1) -> (0, 0)>
#map1 = affine_map<(d0, d1) -> (0)>
#map2 = affine_map<(d0, d1) -> (0, 0, 0)>
module attributes {stable_mosaic.version = 14 : i64} {
  func.func @body(%arg0: i32, %arg1: i32, %arg2: memref<870400x16xf32, #tpu.memory_space<hbm>>, %arg3: memref<3211264xf32, #tpu.memory_space<hbm>>, %arg4: memref<25088x128xi32, #tpu.memory_space<hbm>>, %arg5: memref<25088x128xi32, #tpu.memory_space<hbm>>, %arg6: memref<50000x16xf32, #tpu.memory_space<hbm>>, %arg7: memref<2x50000x16xf32, #tpu.memory_space<hbm>>, %arg8: memref<3x8x128xi32, #tpu.memory_space<vmem>>, %arg9: memref<3x8x128xi32, #tpu.memory_space<vmem>>, %arg10: memref<3x1024xf32, #tpu.memory_space<vmem>>, %arg11: memref<2x1024x16xf32, #tpu.memory_space<vmem>>, %arg12: memref<50000x16xf32, #tpu.memory_space<vmem_shared>>, %arg13: memref<!tpu.dma_semaphore, #tpu.memory_space<semaphore_mem>>, %arg14: memref<!tpu.dma_semaphore, #tpu.memory_space<semaphore_mem>>, %arg15: memref<!tpu.dma_semaphore, #tpu.memory_space<semaphore_mem>>) attributes {dimension_semantics = [#tpu.dimension_semantics<core_parallel>, #tpu.dimension_semantics<subcore_parallel>], iteration_bounds = array<i64: 2, 16>, scalar_prefetch = 0 : i64, scratch_operands = 8 : i64, tpu.core_type = #tpu.core_type<sc_vector_subcore>, window_params = [{transform_indices = #map}, {transform_indices = #map1}, {transform_indices = #map}, {transform_indices = #map}, {transform_indices = #map}, {transform_indices = #map2}]} {
    %mul3A = arith.constant 16 : i32
    %mul3A_0 = arith.muli %arg0, %mul3A : i32
    %add3A = arith.addi %mul3A_0, %arg1 : i32
    %eq3A = arith.constant 0 : i32
    %eq3A_1 = arith.cmpi eq, %arg1, %eq3A : i32
    %convert_element_type3A = arith.extui %eq3A_1 : i1 to i32
    %cond3A = arith.constant 0 : i32
    %cond3A_2 = arith.cmpi ne, %convert_element_type3A, %cond3A : i32
    scf.if %cond3A_2 {
      "tpu.region"() ({
        %run_scoped3A = tpu.sem_alloc : memref<!tpu.dma_semaphore, #tpu.memory_space<semaphore_mem>>
        tpu.enqueue_dma source(%arg6 : memref<50000x16xf32, #tpu.memory_space<hbm>>) target(%arg12 : memref<50000x16xf32, #tpu.memory_space<vmem_shared>>) target_semaphore(%run_scoped3A : memref<!tpu.dma_semaphore, #tpu.memory_space<semaphore_mem>>)
        tpu.wait_dma2 semaphore(%run_scoped3A : memref<!tpu.dma_semaphore, #tpu.memory_space<semaphore_mem>>) src(%arg6 : memref<50000x16xf32, #tpu.memory_space<hbm>>) dst(%arg12 : memref<50000x16xf32, #tpu.memory_space<vmem_shared>>)
        tpu.yield
      }) : () -> ()
    } else {
    }
    %barrier3A = arith.constant 0 : index
    tpu.barrier barrier_id(%barrier3A)
    %mul3A_3 = arith.constant 98 : i32
    %mul3A_4 = arith.muli %add3A, %mul3A_3 : i32
    %add3A_5 = arith.constant 0 : i32
    %add3A_6 = arith.addi %mul3A_4, %add3A_5 : i32
    %mul3A_7 = arith.constant 8 : i32
    %mul3A_8 = arith.muli %add3A_6, %mul3A_7 : i32
    %mul3A_9 = arith.constant 128 : i32
    %mul3A_10 = arith.muli %mul3A_8, %mul3A_9 : i32
    %dma_start3A = arith.constant 0 : i32
    %dma_start3A_11 = arith.constant 0 : i32
    %dma_start3A_12 = arith.constant 0 : i32
    %dma_start3A_13 = tpu.memref_slice %arg8[%dma_start3A, %dma_start3A_11, %dma_start3A_12] : memref<3x8x128xi32, #tpu.memory_space<vmem>> -> memref<1x8x128xi32, #tpu.memory_space<vmem>>
    %dma_start3A_14 = tpu.memref_squeeze %dma_start3A_13 : memref<1x8x128xi32, #tpu.memory_space<vmem>> -> memref<8x128xi32, #tpu.memory_space<vmem>>
    %dma_start3A_15 = arith.constant 0 : i32
    %dma_start3A_16 = tpu.memref_slice %arg4[%mul3A_8, %dma_start3A_15] : memref<25088x128xi32, #tpu.memory_space<hbm>> -> memref<8x128xi32, #tpu.memory_space<hbm>>
    %dma_start3A_17 = arith.constant 0 : i32
    %dma_start3A_18 = arith.constant 0 : i32
    %dma_start3A_19 = tpu.memref_slice %arg8[%dma_start3A, %dma_start3A_17, %dma_start3A_18] : memref<3x8x128xi32, #tpu.memory_space<vmem>> -> memref<1x8x128xi32, #tpu.memory_space<vmem>>
    %dma_start3A_20 = tpu.memref_squeeze %dma_start3A_19 : memref<1x8x128xi32, #tpu.memory_space<vmem>> -> memref<8x128xi32, #tpu.memory_space<vmem>>
    %dma_start3A_21 = arith.constant 0 : i32
    %dma_start3A_22 = tpu.memref_slice %arg4[%mul3A_8, %dma_start3A_21] : memref<25088x128xi32, #tpu.memory_space<hbm>> -> memref<8x128xi32, #tpu.memory_space<hbm>>
    tpu.enqueue_dma source(%dma_start3A_22 : memref<8x128xi32, #tpu.memory_space<hbm>>) target(%dma_start3A_20 : memref<8x128xi32, #tpu.memory_space<vmem>>) target_semaphore(%arg13 : memref<!tpu.dma_semaphore, #tpu.memory_space<semaphore_mem>>)
    %dma_start3A_23 = arith.constant 0 : i32
    %dma_start3A_24 = arith.constant 0 : i32
    %dma_start3A_25 = arith.constant 0 : i32
    %dma_start3A_26 = tpu.memref_slice %arg9[%dma_start3A_23, %dma_start3A_24, %dma_start3A_25] : memref<3x8x128xi32, #tpu.memory_space<vmem>> -> memref<1x8x128xi32, #tpu.memory_space<vmem>>
    %dma_start3A_27 = tpu.memref_squeeze %dma_start3A_26 : memref<1x8x128xi32, #tpu.memory_space<vmem>> -> memref<8x128xi32, #tpu.memory_space<vmem>>
    %dma_start3A_28 = arith.constant 0 : i32
    %dma_start3A_29 = tpu.memref_slice %arg5[%mul3A_8, %dma_start3A_28] : memref<25088x128xi32, #tpu.memory_space<hbm>> -> memref<8x128xi32, #tpu.memory_space<hbm>>
    %dma_start3A_30 = arith.constant 0 : i32
    %dma_start3A_31 = arith.constant 0 : i32
    %dma_start3A_32 = tpu.memref_slice %arg9[%dma_start3A_23, %dma_start3A_30, %dma_start3A_31] : memref<3x8x128xi32, #tpu.memory_space<vmem>> -> memref<1x8x128xi32, #tpu.memory_space<vmem>>
    %dma_start3A_33 = tpu.memref_squeeze %dma_start3A_32 : memref<1x8x128xi32, #tpu.memory_space<vmem>> -> memref<8x128xi32, #tpu.memory_space<vmem>>
    %dma_start3A_34 = arith.constant 0 : i32
    %dma_start3A_35 = tpu.memref_slice %arg5[%mul3A_8, %dma_start3A_34] : memref<25088x128xi32, #tpu.memory_space<hbm>> -> memref<8x128xi32, #tpu.memory_space<hbm>>
    tpu.enqueue_dma source(%dma_start3A_35 : memref<8x128xi32, #tpu.memory_space<hbm>>) target(%dma_start3A_33 : memref<8x128xi32, #tpu.memory_space<vmem>>) target_semaphore(%arg13 : memref<!tpu.dma_semaphore, #tpu.memory_space<semaphore_mem>>)
    %dma_start3A_36 = arith.constant 0 : i32
    %dma_start3A_37 = arith.constant 0 : i32
    %dma_start3A_38 = tpu.memref_slice %arg10[%dma_start3A_36, %dma_start3A_37] : memref<3x1024xf32, #tpu.memory_space<vmem>> -> memref<1x1024xf32, #tpu.memory_space<vmem>>
    %dma_start3A_39 = tpu.memref_squeeze %dma_start3A_38 : memref<1x1024xf32, #tpu.memory_space<vmem>> -> memref<1024xf32, #tpu.memory_space<vmem>>
    %dma_start3A_40 = tpu.memref_slice %arg3[%mul3A_10] : memref<3211264xf32, #tpu.memory_space<hbm>> -> memref<1024xf32, #tpu.memory_space<hbm>>
    %dma_start3A_41 = arith.constant 0 : i32
    %dma_start3A_42 = tpu.memref_slice %arg10[%dma_start3A_36, %dma_start3A_41] : memref<3x1024xf32, #tpu.memory_space<vmem>> -> memref<1x1024xf32, #tpu.memory_space<vmem>>
    %dma_start3A_43 = tpu.memref_squeeze %dma_start3A_42 : memref<1x1024xf32, #tpu.memory_space<vmem>> -> memref<1024xf32, #tpu.memory_space<vmem>>
    %dma_start3A_44 = tpu.memref_slice %arg3[%mul3A_10] : memref<3211264xf32, #tpu.memory_space<hbm>> -> memref<1024xf32, #tpu.memory_space<hbm>>
    tpu.enqueue_dma source(%dma_start3A_44 : memref<1024xf32, #tpu.memory_space<hbm>>) target(%dma_start3A_43 : memref<1024xf32, #tpu.memory_space<vmem>>) target_semaphore(%arg13 : memref<!tpu.dma_semaphore, #tpu.memory_space<semaphore_mem>>)
    %mul3A_45 = arith.constant 98 : i32
    %mul3A_46 = arith.muli %add3A, %mul3A_45 : i32
    %add3A_47 = arith.constant 1 : i32
    %add3A_48 = arith.addi %mul3A_46, %add3A_47 : i32
    %mul3A_49 = arith.constant 8 : i32
    %mul3A_50 = arith.muli %add3A_48, %mul3A_49 : i32
    %mul3A_51 = arith.constant 128 : i32
    %mul3A_52 = arith.muli %mul3A_50, %mul3A_51 : i32
    %dma_start3A_53 = arith.constant 1 : i32
    %dma_start3A_54 = arith.constant 0 : i32
    %dma_start3A_55 = arith.constant 0 : i32
    %dma_start3A_56 = tpu.memref_slice %arg8[%dma_start3A_53, %dma_start3A_54, %dma_start3A_55] : memref<3x8x128xi32, #tpu.memory_space<vmem>> -> memref<1x8x128xi32, #tpu.memory_space<vmem>>
    %dma_start3A_57 = tpu.memref_squeeze %dma_start3A_56 : memref<1x8x128xi32, #tpu.memory_space<vmem>> -> memref<8x128xi32, #tpu.memory_space<vmem>>
    %dma_start3A_58 = arith.constant 0 : i32
    %dma_start3A_59 = tpu.memref_slice %arg4[%mul3A_50, %dma_start3A_58] : memref<25088x128xi32, #tpu.memory_space<hbm>> -> memref<8x128xi32, #tpu.memory_space<hbm>>
    %dma_start3A_60 = arith.constant 0 : i32
    %dma_start3A_61 = arith.constant 0 : i32
    %dma_start3A_62 = tpu.memref_slice %arg8[%dma_start3A_53, %dma_start3A_60, %dma_start3A_61] : memref<3x8x128xi32, #tpu.memory_space<vmem>> -> memref<1x8x128xi32, #tpu.memory_space<vmem>>
    %dma_start3A_63 = tpu.memref_squeeze %dma_start3A_62 : memref<1x8x128xi32, #tpu.memory_space<vmem>> -> memref<8x128xi32, #tpu.memory_space<vmem>>
    %dma_start3A_64 = arith.constant 0 : i32
    %dma_start3A_65 = tpu.memref_slice %arg4[%mul3A_50, %dma_start3A_64] : memref<25088x128xi32, #tpu.memory_space<hbm>> -> memref<8x128xi32, #tpu.memory_space<hbm>>
    tpu.enqueue_dma source(%dma_start3A_65 : memref<8x128xi32, #tpu.memory_space<hbm>>) target(%dma_start3A_63 : memref<8x128xi32, #tpu.memory_space<vmem>>) target_semaphore(%arg13 : memref<!tpu.dma_semaphore, #tpu.memory_space<semaphore_mem>>)
    %dma_start3A_66 = arith.constant 1 : i32
    %dma_start3A_67 = arith.constant 0 : i32
    %dma_start3A_68 = arith.constant 0 : i32
    %dma_start3A_69 = tpu.memref_slice %arg9[%dma_start3A_66, %dma_start3A_67, %dma_start3A_68] : memref<3x8x128xi32, #tpu.memory_space<vmem>> -> memref<1x8x128xi32, #tpu.memory_space<vmem>>
    %dma_start3A_70 = tpu.memref_squeeze %dma_start3A_69 : memref<1x8x128xi32, #tpu.memory_space<vmem>> -> memref<8x128xi32, #tpu.memory_space<vmem>>
    %dma_start3A_71 = arith.constant 0 : i32
    %dma_start3A_72 = tpu.memref_slice %arg5[%mul3A_50, %dma_start3A_71] : memref<25088x128xi32, #tpu.memory_space<hbm>> -> memref<8x128xi32, #tpu.memory_space<hbm>>
    %dma_start3A_73 = arith.constant 0 : i32
    %dma_start3A_74 = arith.constant 0 : i32
    %dma_start3A_75 = tpu.memref_slice %arg9[%dma_start3A_66, %dma_start3A_73, %dma_start3A_74] : memref<3x8x128xi32, #tpu.memory_space<vmem>> -> memref<1x8x128xi32, #tpu.memory_space<vmem>>
    %dma_start3A_76 = tpu.memref_squeeze %dma_start3A_75 : memref<1x8x128xi32, #tpu.memory_space<vmem>> -> memref<8x128xi32, #tpu.memory_space<vmem>>
    %dma_start3A_77 = arith.constant 0 : i32
    %dma_start3A_78 = tpu.memref_slice %arg5[%mul3A_50, %dma_start3A_77] : memref<25088x128xi32, #tpu.memory_space<hbm>> -> memref<8x128xi32, #tpu.memory_space<hbm>>
    tpu.enqueue_dma source(%dma_start3A_78 : memref<8x128xi32, #tpu.memory_space<hbm>>) target(%dma_start3A_76 : memref<8x128xi32, #tpu.memory_space<vmem>>) target_semaphore(%arg13 : memref<!tpu.dma_semaphore, #tpu.memory_space<semaphore_mem>>)
    %dma_start3A_79 = arith.constant 1 : i32
    %dma_start3A_80 = arith.constant 0 : i32
    %dma_start3A_81 = tpu.memref_slice %arg10[%dma_start3A_79, %dma_start3A_80] : memref<3x1024xf32, #tpu.memory_space<vmem>> -> memref<1x1024xf32, #tpu.memory_space<vmem>>
    %dma_start3A_82 = tpu.memref_squeeze %dma_start3A_81 : memref<1x1024xf32, #tpu.memory_space<vmem>> -> memref<1024xf32, #tpu.memory_space<vmem>>
    %dma_start3A_83 = tpu.memref_slice %arg3[%mul3A_52] : memref<3211264xf32, #tpu.memory_space<hbm>> -> memref<1024xf32, #tpu.memory_space<hbm>>
    %dma_start3A_84 = arith.constant 0 : i32
    %dma_start3A_85 = tpu.memref_slice %arg10[%dma_start3A_79, %dma_start3A_84] : memref<3x1024xf32, #tpu.memory_space<vmem>> -> memref<1x1024xf32, #tpu.memory_space<vmem>>
    %dma_start3A_86 = tpu.memref_squeeze %dma_start3A_85 : memref<1x1024xf32, #tpu.memory_space<vmem>> -> memref<1024xf32, #tpu.memory_space<vmem>>
    %dma_start3A_87 = tpu.memref_slice %arg3[%mul3A_52] : memref<3211264xf32, #tpu.memory_space<hbm>> -> memref<1024xf32, #tpu.memory_space<hbm>>
    tpu.enqueue_dma source(%dma_start3A_87 : memref<1024xf32, #tpu.memory_space<hbm>>) target(%dma_start3A_86 : memref<1024xf32, #tpu.memory_space<vmem>>) target_semaphore(%arg13 : memref<!tpu.dma_semaphore, #tpu.memory_space<semaphore_mem>>)
    %mul3A_88 = arith.constant 98 : i32
    %mul3A_89 = arith.muli %add3A, %mul3A_88 : i32
    %add3A_90 = arith.constant 0 : i32
    %add3A_91 = arith.addi %mul3A_89, %add3A_90 : i32
    %mul3A_92 = arith.constant 8 : i32
    %mul3A_93 = arith.muli %add3A_91, %mul3A_92 : i32
    %mul3A_94 = arith.constant 128 : i32
    %mul3A_95 = arith.muli %mul3A_93, %mul3A_94 : i32
    %dma_wait3A = arith.constant 0 : i32
    %dma_wait3A_96 = arith.constant 0 : i32
    %dma_wait3A_97 = arith.constant 0 : i32
    %dma_wait3A_98 = tpu.memref_slice %arg8[%dma_wait3A, %dma_wait3A_96, %dma_wait3A_97] : memref<3x8x128xi32, #tpu.memory_space<vmem>> -> memref<1x8x128xi32, #tpu.memory_space<vmem>>
    %dma_wait3A_99 = tpu.memref_squeeze %dma_wait3A_98 : memref<1x8x128xi32, #tpu.memory_space<vmem>> -> memref<8x128xi32, #tpu.memory_space<vmem>>
    %dma_wait3A_100 = arith.constant 0 : i32
    %dma_wait3A_101 = tpu.memref_slice %arg4[%mul3A_93, %dma_wait3A_100] : memref<25088x128xi32, #tpu.memory_space<hbm>> -> memref<8x128xi32, #tpu.memory_space<hbm>>
    %dma_wait3A_102 = arith.constant 0 : i32
    %dma_wait3A_103 = arith.constant 0 : i32
    %dma_wait3A_104 = tpu.memref_slice %arg8[%dma_wait3A, %dma_wait3A_102, %dma_wait3A_103] : memref<3x8x128xi32, #tpu.memory_space<vmem>> -> memref<1x8x128xi32, #tpu.memory_space<vmem>>
    %dma_wait3A_105 = tpu.memref_squeeze %dma_wait3A_104 : memref<1x8x128xi32, #tpu.memory_space<vmem>> -> memref<8x128xi32, #tpu.memory_space<vmem>>
    %dma_wait3A_106 = arith.constant 0 : i32
    %dma_wait3A_107 = tpu.memref_slice %arg4[%mul3A_93, %dma_wait3A_106] : memref<25088x128xi32, #tpu.memory_space<hbm>> -> memref<8x128xi32, #tpu.memory_space<hbm>>
    tpu.wait_dma2 semaphore(%arg13 : memref<!tpu.dma_semaphore, #tpu.memory_space<semaphore_mem>>) src(%dma_wait3A_107 : memref<8x128xi32, #tpu.memory_space<hbm>>) dst(%dma_wait3A_105 : memref<8x128xi32, #tpu.memory_space<vmem>>)
    %dma_wait3A_108 = arith.constant 0 : i32
    %dma_wait3A_109 = arith.constant 0 : i32
    %dma_wait3A_110 = arith.constant 0 : i32
    %dma_wait3A_111 = tpu.memref_slice %arg9[%dma_wait3A_108, %dma_wait3A_109, %dma_wait3A_110] : memref<3x8x128xi32, #tpu.memory_space<vmem>> -> memref<1x8x128xi32, #tpu.memory_space<vmem>>
    %dma_wait3A_112 = tpu.memref_squeeze %dma_wait3A_111 : memref<1x8x128xi32, #tpu.memory_space<vmem>> -> memref<8x128xi32, #tpu.memory_space<vmem>>
    %dma_wait3A_113 = arith.constant 0 : i32
    %dma_wait3A_114 = tpu.memref_slice %arg5[%mul3A_93, %dma_wait3A_113] : memref<25088x128xi32, #tpu.memory_space<hbm>> -> memref<8x128xi32, #tpu.memory_space<hbm>>
    %dma_wait3A_115 = arith.constant 0 : i32
    %dma_wait3A_116 = arith.constant 0 : i32
    %dma_wait3A_117 = tpu.memref_slice %arg9[%dma_wait3A_108, %dma_wait3A_115, %dma_wait3A_116] : memref<3x8x128xi32, #tpu.memory_space<vmem>> -> memref<1x8x128xi32, #tpu.memory_space<vmem>>
    %dma_wait3A_118 = tpu.memref_squeeze %dma_wait3A_117 : memref<1x8x128xi32, #tpu.memory_space<vmem>> -> memref<8x128xi32, #tpu.memory_space<vmem>>
    %dma_wait3A_119 = arith.constant 0 : i32
    %dma_wait3A_120 = tpu.memref_slice %arg5[%mul3A_93, %dma_wait3A_119] : memref<25088x128xi32, #tpu.memory_space<hbm>> -> memref<8x128xi32, #tpu.memory_space<hbm>>
    tpu.wait_dma2 semaphore(%arg13 : memref<!tpu.dma_semaphore, #tpu.memory_space<semaphore_mem>>) src(%dma_wait3A_120 : memref<8x128xi32, #tpu.memory_space<hbm>>) dst(%dma_wait3A_118 : memref<8x128xi32, #tpu.memory_space<vmem>>)
    %dma_wait3A_121 = arith.constant 0 : i32
    %dma_wait3A_122 = arith.constant 0 : i32
    %dma_wait3A_123 = tpu.memref_slice %arg10[%dma_wait3A_121, %dma_wait3A_122] : memref<3x1024xf32, #tpu.memory_space<vmem>> -> memref<1x1024xf32, #tpu.memory_space<vmem>>
    %dma_wait3A_124 = tpu.memref_squeeze %dma_wait3A_123 : memref<1x1024xf32, #tpu.memory_space<vmem>> -> memref<1024xf32, #tpu.memory_space<vmem>>
    %dma_wait3A_125 = tpu.memref_slice %arg3[%mul3A_95] : memref<3211264xf32, #tpu.memory_space<hbm>> -> memref<1024xf32, #tpu.memory_space<hbm>>
    %dma_wait3A_126 = arith.constant 0 : i32
    %dma_wait3A_127 = tpu.memref_slice %arg10[%dma_wait3A_121, %dma_wait3A_126] : memref<3x1024xf32, #tpu.memory_space<vmem>> -> memref<1x1024xf32, #tpu.memory_space<vmem>>
    %dma_wait3A_128 = tpu.memref_squeeze %dma_wait3A_127 : memref<1x1024xf32, #tpu.memory_space<vmem>> -> memref<1024xf32, #tpu.memory_space<vmem>>
    %dma_wait3A_129 = tpu.memref_slice %arg3[%mul3A_95] : memref<3211264xf32, #tpu.memory_space<hbm>> -> memref<1024xf32, #tpu.memory_space<hbm>>
    tpu.wait_dma2 semaphore(%arg13 : memref<!tpu.dma_semaphore, #tpu.memory_space<semaphore_mem>>) src(%dma_wait3A_129 : memref<1024xf32, #tpu.memory_space<hbm>>) dst(%dma_wait3A_128 : memref<1024xf32, #tpu.memory_space<vmem>>)
    %dma_start3A_130 = arith.constant 0 : i32
    %dma_start3A_131 = arith.constant 0 : i32
    %dma_start3A_132 = arith.constant 0 : i32
    %dma_start3A_133 = arith.constant 0 : i32
    %dma_start3A_134 = arith.constant 0 : i32
    %dma_start3A_135 = tpu.memref_slice %arg11[%dma_start3A_132, %dma_start3A_133, %dma_start3A_134] : memref<2x1024x16xf32, #tpu.memory_space<vmem>> -> memref<1x128x16xf32, #tpu.memory_space<vmem>>
    %dma_start3A_136 = tpu.memref_squeeze %dma_start3A_135 : memref<1x128x16xf32, #tpu.memory_space<vmem>> -> memref<128x16xf32, #tpu.memory_space<vmem>>
    %dma_start3A_137 = arith.constant 0 : i32
    %dma_start3A_138 = tpu.memref_slice %arg8[%dma_start3A_130, %dma_start3A_131, %dma_start3A_137] : memref<3x8x128xi32, #tpu.memory_space<vmem>> -> memref<1x1x128xi32, #tpu.memory_space<vmem>>
    %dma_start3A_139 = tpu.memref_squeeze %dma_start3A_138 : memref<1x1x128xi32, #tpu.memory_space<vmem>> -> memref<128xi32, #tpu.memory_space<vmem>>
    %dma_start3A_140 = arith.constant 0 : i32
    %dma_start3A_141 = arith.constant 0 : i32
    %dma_start3A_142 = tpu.memref_slice %arg2[%dma_start3A_140, %dma_start3A_141] : memref<870400x16xf32, #tpu.memory_space<hbm>> -> memref<870400x16xf32, #tpu.memory_space<hbm>>
    tpu.enqueue_indirect_dma source(%dma_start3A_142 : memref<870400x16xf32, #tpu.memory_space<hbm>>) target(%dma_start3A_136 : memref<128x16xf32, #tpu.memory_space<vmem>>) offsets(%dma_start3A_139 : memref<128xi32, #tpu.memory_space<vmem>>) semaphore(%arg14 : memref<!tpu.dma_semaphore, #tpu.memory_space<semaphore_mem>>)
    %dma_start3A_143 = arith.constant 0 : i32
    %dma_start3A_144 = arith.constant 1 : i32
    %dma_start3A_145 = arith.constant 0 : i32
    %dma_start3A_146 = arith.constant 128 : i32
    %dma_start3A_147 = arith.constant 0 : i32
    %dma_start3A_148 = tpu.memref_slice %arg11[%dma_start3A_145, %dma_start3A_146, %dma_start3A_147] : memref<2x1024x16xf32, #tpu.memory_space<vmem>> -> memref<1x128x16xf32, #tpu.memory_space<vmem>>
    %dma_start3A_149 = tpu.memref_squeeze %dma_start3A_148 : memref<1x128x16xf32, #tpu.memory_space<vmem>> -> memref<128x16xf32, #tpu.memory_space<vmem>>
    %dma_start3A_150 = arith.constant 0 : i32
    %dma_start3A_151 = tpu.memref_slice %arg8[%dma_start3A_143, %dma_start3A_144, %dma_start3A_150] : memref<3x8x128xi32, #tpu.memory_space<vmem>> -> memref<1x1x128xi32, #tpu.memory_space<vmem>>
    %dma_start3A_152 = tpu.memref_squeeze %dma_start3A_151 : memref<1x1x128xi32, #tpu.memory_space<vmem>> -> memref<128xi32, #tpu.memory_space<vmem>>
    %dma_start3A_153 = arith.constant 0 : i32
    %dma_start3A_154 = arith.constant 0 : i32
    %dma_start3A_155 = tpu.memref_slice %arg2[%dma_start3A_153, %dma_start3A_154] : memref<870400x16xf32, #tpu.memory_space<hbm>> -> memref<870400x16xf32, #tpu.memory_space<hbm>>
    tpu.enqueue_indirect_dma source(%dma_start3A_155 : memref<870400x16xf32, #tpu.memory_space<hbm>>) target(%dma_start3A_149 : memref<128x16xf32, #tpu.memory_space<vmem>>) offsets(%dma_start3A_152 : memref<128xi32, #tpu.memory_space<vmem>>) semaphore(%arg14 : memref<!tpu.dma_semaphore, #tpu.memory_space<semaphore_mem>>)
    %dma_start3A_156 = arith.constant 0 : i32
    %dma_start3A_157 = arith.constant 2 : i32
    %dma_start3A_158 = arith.constant 0 : i32
    %dma_start3A_159 = arith.constant 256 : i32
    %dma_start3A_160 = arith.constant 0 : i32
    %dma_start3A_161 = tpu.memref_slice %arg11[%dma_start3A_158, %dma_start3A_159, %dma_start3A_160] : memref<2x1024x16xf32, #tpu.memory_space<vmem>> -> memref<1x128x16xf32, #tpu.memory_space<vmem>>
    %dma_start3A_162 = tpu.memref_squeeze %dma_start3A_161 : memref<1x128x16xf32, #tpu.memory_space<vmem>> -> memref<128x16xf32, #tpu.memory_space<vmem>>
    %dma_start3A_163 = arith.constant 0 : i32
    %dma_start3A_164 = tpu.memref_slice %arg8[%dma_start3A_156, %dma_start3A_157, %dma_start3A_163] : memref<3x8x128xi32, #tpu.memory_space<vmem>> -> memref<1x1x128xi32, #tpu.memory_space<vmem>>
    %dma_start3A_165 = tpu.memref_squeeze %dma_start3A_164 : memref<1x1x128xi32, #tpu.memory_space<vmem>> -> memref<128xi32, #tpu.memory_space<vmem>>
    %dma_start3A_166 = arith.constant 0 : i32
    %dma_start3A_167 = arith.constant 0 : i32
    %dma_start3A_168 = tpu.memref_slice %arg2[%dma_start3A_166, %dma_start3A_167] : memref<870400x16xf32, #tpu.memory_space<hbm>> -> memref<870400x16xf32, #tpu.memory_space<hbm>>
    tpu.enqueue_indirect_dma source(%dma_start3A_168 : memref<870400x16xf32, #tpu.memory_space<hbm>>) target(%dma_start3A_162 : memref<128x16xf32, #tpu.memory_space<vmem>>) offsets(%dma_start3A_165 : memref<128xi32, #tpu.memory_space<vmem>>) semaphore(%arg14 : memref<!tpu.dma_semaphore, #tpu.memory_space<semaphore_mem>>)
    %dma_start3A_169 = arith.constant 0 : i32
    %dma_start3A_170 = arith.constant 3 : i32
    %dma_start3A_171 = arith.constant 0 : i32
    %dma_start3A_172 = arith.constant 384 : i32
    %dma_start3A_173 = arith.constant 0 : i32
    %dma_start3A_174 = tpu.memref_slice %arg11[%dma_start3A_171, %dma_start3A_172, %dma_start3A_173] : memref<2x1024x16xf32, #tpu.memory_space<vmem>> -> memref<1x128x16xf32, #tpu.memory_space<vmem>>
    %dma_start3A_175 = tpu.memref_squeeze %dma_start3A_174 : memref<1x128x16xf32, #tpu.memory_space<vmem>> -> memref<128x16xf32, #tpu.memory_space<vmem>>
    %dma_start3A_176 = arith.constant 0 : i32
    %dma_start3A_177 = tpu.memref_slice %arg8[%dma_start3A_169, %dma_start3A_170, %dma_start3A_176] : memref<3x8x128xi32, #tpu.memory_space<vmem>> -> memref<1x1x128xi32, #tpu.memory_space<vmem>>
    %dma_start3A_178 = tpu.memref_squeeze %dma_start3A_177 : memref<1x1x128xi32, #tpu.memory_space<vmem>> -> memref<128xi32, #tpu.memory_space<vmem>>
    %dma_start3A_179 = arith.constant 0 : i32
    %dma_start3A_180 = arith.constant 0 : i32
    %dma_start3A_181 = tpu.memref_slice %arg2[%dma_start3A_179, %dma_start3A_180] : memref<870400x16xf32, #tpu.memory_space<hbm>> -> memref<870400x16xf32, #tpu.memory_space<hbm>>
    tpu.enqueue_indirect_dma source(%dma_start3A_181 : memref<870400x16xf32, #tpu.memory_space<hbm>>) target(%dma_start3A_175 : memref<128x16xf32, #tpu.memory_space<vmem>>) offsets(%dma_start3A_178 : memref<128xi32, #tpu.memory_space<vmem>>) semaphore(%arg14 : memref<!tpu.dma_semaphore, #tpu.memory_space<semaphore_mem>>)
    %dma_start3A_182 = arith.constant 0 : i32
    %dma_start3A_183 = arith.constant 4 : i32
    %dma_start3A_184 = arith.constant 0 : i32
    %dma_start3A_185 = arith.constant 512 : i32
    %dma_start3A_186 = arith.constant 0 : i32
    %dma_start3A_187 = tpu.memref_slice %arg11[%dma_start3A_184, %dma_start3A_185, %dma_start3A_186] : memref<2x1024x16xf32, #tpu.memory_space<vmem>> -> memref<1x128x16xf32, #tpu.memory_space<vmem>>
    %dma_start3A_188 = tpu.memref_squeeze %dma_start3A_187 : memref<1x128x16xf32, #tpu.memory_space<vmem>> -> memref<128x16xf32, #tpu.memory_space<vmem>>
    %dma_start3A_189 = arith.constant 0 : i32
    %dma_start3A_190 = tpu.memref_slice %arg8[%dma_start3A_182, %dma_start3A_183, %dma_start3A_189] : memref<3x8x128xi32, #tpu.memory_space<vmem>> -> memref<1x1x128xi32, #tpu.memory_space<vmem>>
    %dma_start3A_191 = tpu.memref_squeeze %dma_start3A_190 : memref<1x1x128xi32, #tpu.memory_space<vmem>> -> memref<128xi32, #tpu.memory_space<vmem>>
    %dma_start3A_192 = arith.constant 0 : i32
    %dma_start3A_193 = arith.constant 0 : i32
    %dma_start3A_194 = tpu.memref_slice %arg2[%dma_start3A_192, %dma_start3A_193] : memref<870400x16xf32, #tpu.memory_space<hbm>> -> memref<870400x16xf32, #tpu.memory_space<hbm>>
    tpu.enqueue_indirect_dma source(%dma_start3A_194 : memref<870400x16xf32, #tpu.memory_space<hbm>>) target(%dma_start3A_188 : memref<128x16xf32, #tpu.memory_space<vmem>>) offsets(%dma_start3A_191 : memref<128xi32, #tpu.memory_space<vmem>>) semaphore(%arg14 : memref<!tpu.dma_semaphore, #tpu.memory_space<semaphore_mem>>)
    %dma_start3A_195 = arith.constant 0 : i32
    %dma_start3A_196 = arith.constant 5 : i32
    %dma_start3A_197 = arith.constant 0 : i32
    %dma_start3A_198 = arith.constant 640 : i32
    %dma_start3A_199 = arith.constant 0 : i32
    %dma_start3A_200 = tpu.memref_slice %arg11[%dma_start3A_197, %dma_start3A_198, %dma_start3A_199] : memref<2x1024x16xf32, #tpu.memory_space<vmem>> -> memref<1x128x16xf32, #tpu.memory_space<vmem>>
    %dma_start3A_201 = tpu.memref_squeeze %dma_start3A_200 : memref<1x128x16xf32, #tpu.memory_space<vmem>> -> memref<128x16xf32, #tpu.memory_space<vmem>>
    %dma_start3A_202 = arith.constant 0 : i32
    %dma_start3A_203 = tpu.memref_slice %arg8[%dma_start3A_195, %dma_start3A_196, %dma_start3A_202] : memref<3x8x128xi32, #tpu.memory_space<vmem>> -> memref<1x1x128xi32, #tpu.memory_space<vmem>>
    %dma_start3A_204 = tpu.memref_squeeze %dma_start3A_203 : memref<1x1x128xi32, #tpu.memory_space<vmem>> -> memref<128xi32, #tpu.memory_space<vmem>>
    %dma_start3A_205 = arith.constant 0 : i32
    %dma_start3A_206 = arith.constant 0 : i32
    %dma_start3A_207 = tpu.memref_slice %arg2[%dma_start3A_205, %dma_start3A_206] : memref<870400x16xf32, #tpu.memory_space<hbm>> -> memref<870400x16xf32, #tpu.memory_space<hbm>>
    tpu.enqueue_indirect_dma source(%dma_start3A_207 : memref<870400x16xf32, #tpu.memory_space<hbm>>) target(%dma_start3A_201 : memref<128x16xf32, #tpu.memory_space<vmem>>) offsets(%dma_start3A_204 : memref<128xi32, #tpu.memory_space<vmem>>) semaphore(%arg14 : memref<!tpu.dma_semaphore, #tpu.memory_space<semaphore_mem>>)
    %dma_start3A_208 = arith.constant 0 : i32
    %dma_start3A_209 = arith.constant 6 : i32
    %dma_start3A_210 = arith.constant 0 : i32
    %dma_start3A_211 = arith.constant 768 : i32
    %dma_start3A_212 = arith.constant 0 : i32
    %dma_start3A_213 = tpu.memref_slice %arg11[%dma_start3A_210, %dma_start3A_211, %dma_start3A_212] : memref<2x1024x16xf32, #tpu.memory_space<vmem>> -> memref<1x128x16xf32, #tpu.memory_space<vmem>>
    %dma_start3A_214 = tpu.memref_squeeze %dma_start3A_213 : memref<1x128x16xf32, #tpu.memory_space<vmem>> -> memref<128x16xf32, #tpu.memory_space<vmem>>
    %dma_start3A_215 = arith.constant 0 : i32
    %dma_start3A_216 = tpu.memref_slice %arg8[%dma_start3A_208, %dma_start3A_209, %dma_start3A_215] : memref<3x8x128xi32, #tpu.memory_space<vmem>> -> memref<1x1x128xi32, #tpu.memory_space<vmem>>
    %dma_start3A_217 = tpu.memref_squeeze %dma_start3A_216 : memref<1x1x128xi32, #tpu.memory_space<vmem>> -> memref<128xi32, #tpu.memory_space<vmem>>
    %dma_start3A_218 = arith.constant 0 : i32
    %dma_start3A_219 = arith.constant 0 : i32
    %dma_start3A_220 = tpu.memref_slice %arg2[%dma_start3A_218, %dma_start3A_219] : memref<870400x16xf32, #tpu.memory_space<hbm>> -> memref<870400x16xf32, #tpu.memory_space<hbm>>
    tpu.enqueue_indirect_dma source(%dma_start3A_220 : memref<870400x16xf32, #tpu.memory_space<hbm>>) target(%dma_start3A_214 : memref<128x16xf32, #tpu.memory_space<vmem>>) offsets(%dma_start3A_217 : memref<128xi32, #tpu.memory_space<vmem>>) semaphore(%arg14 : memref<!tpu.dma_semaphore, #tpu.memory_space<semaphore_mem>>)
    %dma_start3A_221 = arith.constant 0 : i32
    %dma_start3A_222 = arith.constant 7 : i32
    %dma_start3A_223 = arith.constant 0 : i32
    %dma_start3A_224 = arith.constant 896 : i32
    %dma_start3A_225 = arith.constant 0 : i32
    %dma_start3A_226 = tpu.memref_slice %arg11[%dma_start3A_223, %dma_start3A_224, %dma_start3A_225] : memref<2x1024x16xf32, #tpu.memory_space<vmem>> -> memref<1x128x16xf32, #tpu.memory_space<vmem>>
    %dma_start3A_227 = tpu.memref_squeeze %dma_start3A_226 : memref<1x128x16xf32, #tpu.memory_space<vmem>> -> memref<128x16xf32, #tpu.memory_space<vmem>>
    %dma_start3A_228 = arith.constant 0 : i32
    %dma_start3A_229 = tpu.memref_slice %arg8[%dma_start3A_221, %dma_start3A_222, %dma_start3A_228] : memref<3x8x128xi32, #tpu.memory_space<vmem>> -> memref<1x1x128xi32, #tpu.memory_space<vmem>>
    %dma_start3A_230 = tpu.memref_squeeze %dma_start3A_229 : memref<1x1x128xi32, #tpu.memory_space<vmem>> -> memref<128xi32, #tpu.memory_space<vmem>>
    %dma_start3A_231 = arith.constant 0 : i32
    %dma_start3A_232 = arith.constant 0 : i32
    %dma_start3A_233 = tpu.memref_slice %arg2[%dma_start3A_231, %dma_start3A_232] : memref<870400x16xf32, #tpu.memory_space<hbm>> -> memref<870400x16xf32, #tpu.memory_space<hbm>>
    tpu.enqueue_indirect_dma source(%dma_start3A_233 : memref<870400x16xf32, #tpu.memory_space<hbm>>) target(%dma_start3A_227 : memref<128x16xf32, #tpu.memory_space<vmem>>) offsets(%dma_start3A_230 : memref<128xi32, #tpu.memory_space<vmem>>) semaphore(%arg14 : memref<!tpu.dma_semaphore, #tpu.memory_space<semaphore_mem>>)
    %scan3A = arith.constant 0 : i32
    %scan3A_234 = arith.constant 0 : i32
    %scan3A_235 = arith.constant 98 : i32
    %scan3A_236 = arith.addi %scan3A_234, %scan3A_235 : i32
    %scan3A_237 = arith.constant 1 : i32
    scf.for %scan3A_349 = %scan3A_234 to %scan3A_236 step %scan3A_237  : i32 {
      %jit3A = arith.constant 3 : i32
      %eq3A_350 = arith.constant 0 : i32
      %eq3A_351 = arith.cmpi eq, %jit3A, %eq3A_350 : i32
      %jit3A_352 = arith.constant 1 : i32
      %select_n3A = arith.select %eq3A_351, %jit3A_352, %jit3A : i32
      %rem3A = arith.remsi %scan3A_349, %select_n3A : i32
      %ne3A = arith.constant 0 : i32
      %ne3A_353 = arith.cmpi ne, %rem3A, %ne3A : i32
      %lt3A = arith.constant 0 : i32
      %lt3A_354 = arith.cmpi slt, %rem3A, %lt3A : i32
      %lt3A_355 = arith.constant 0 : i32
      %lt3A_356 = arith.cmpi slt, %select_n3A, %lt3A_355 : i32
      %ne3A_357 = arith.xori %lt3A_354, %lt3A_356 : i1
      %and3A = arith.andi %ne3A_357, %ne3A_353 : i1
      %add3A_358 = arith.addi %rem3A, %select_n3A : i32
      %select_n3A_359 = arith.select %and3A, %add3A_358, %rem3A : i32
      %and3A_360 = arith.constant 1 : i32
      %and3A_361 = arith.andi %scan3A_349, %and3A_360 : i32
      %add3A_362 = arith.constant 1 : i32
      %add3A_363 = arith.addi %scan3A_349, %add3A_362 : i32
      %jit3A_364 = arith.constant 3 : i32
      %eq3A_365 = arith.constant 0 : i32
      %eq3A_366 = arith.cmpi eq, %jit3A_364, %eq3A_365 : i32
      %jit3A_367 = arith.constant 1 : i32
      %select_n3A_368 = arith.select %eq3A_366, %jit3A_367, %jit3A_364 : i32
      %rem3A_369 = arith.remsi %add3A_363, %select_n3A_368 : i32
      %ne3A_370 = arith.constant 0 : i32
      %ne3A_371 = arith.cmpi ne, %rem3A_369, %ne3A_370 : i32
      %lt3A_372 = arith.constant 0 : i32
      %lt3A_373 = arith.cmpi slt, %rem3A_369, %lt3A_372 : i32
      %lt3A_374 = arith.constant 0 : i32
      %lt3A_375 = arith.cmpi slt, %select_n3A_368, %lt3A_374 : i32
      %ne3A_376 = arith.xori %lt3A_373, %lt3A_375 : i1
      %and3A_377 = arith.andi %ne3A_376, %ne3A_371 : i1
      %add3A_378 = arith.addi %rem3A_369, %select_n3A_368 : i32
      %select_n3A_379 = arith.select %and3A_377, %add3A_378, %rem3A_369 : i32
      %sub3A = arith.constant 1 : i32
      %sub3A_380 = arith.subi %sub3A, %and3A_361 : i32
      %dma_wait3A_381 = arith.constant 0 : i32
      %dma_wait3A_382 = arith.constant 0 : i32
      %dma_wait3A_383 = arith.constant 0 : i32
      %dma_wait3A_384 = tpu.memref_slice %arg11[%and3A_361, %dma_wait3A_382, %dma_wait3A_383] : memref<2x1024x16xf32, #tpu.memory_space<vmem>> -> memref<1x128x16xf32, #tpu.memory_space<vmem>>
      %dma_wait3A_385 = tpu.memref_squeeze %dma_wait3A_384 : memref<1x128x16xf32, #tpu.memory_space<vmem>> -> memref<128x16xf32, #tpu.memory_space<vmem>>
      %dma_wait3A_386 = arith.constant 0 : i32
      %dma_wait3A_387 = tpu.memref_slice %arg8[%select_n3A_359, %dma_wait3A_381, %dma_wait3A_386] : memref<3x8x128xi32, #tpu.memory_space<vmem>> -> memref<1x1x128xi32, #tpu.memory_space<vmem>>
      %dma_wait3A_388 = tpu.memref_squeeze %dma_wait3A_387 : memref<1x1x128xi32, #tpu.memory_space<vmem>> -> memref<128xi32, #tpu.memory_space<vmem>>
      %dma_wait3A_389 = arith.constant 0 : i32
      %dma_wait3A_390 = arith.constant 0 : i32
      %dma_wait3A_391 = tpu.memref_slice %arg2[%dma_wait3A_389, %dma_wait3A_390] : memref<870400x16xf32, #tpu.memory_space<hbm>> -> memref<870400x16xf32, #tpu.memory_space<hbm>>
      tpu.wait_indirect_dma semaphore(%arg14 : memref<!tpu.dma_semaphore, #tpu.memory_space<semaphore_mem>>) src(%dma_wait3A_391 : memref<870400x16xf32, #tpu.memory_space<hbm>>) dst(%dma_wait3A_385 : memref<128x16xf32, #tpu.memory_space<vmem>>)
      %dma_wait3A_392 = arith.constant 1 : i32
      %dma_wait3A_393 = arith.constant 128 : i32
      %dma_wait3A_394 = arith.constant 0 : i32
      %dma_wait3A_395 = tpu.memref_slice %arg11[%and3A_361, %dma_wait3A_393, %dma_wait3A_394] : memref<2x1024x16xf32, #tpu.memory_space<vmem>> -> memref<1x128x16xf32, #tpu.memory_space<vmem>>
      %dma_wait3A_396 = tpu.memref_squeeze %dma_wait3A_395 : memref<1x128x16xf32, #tpu.memory_space<vmem>> -> memref<128x16xf32, #tpu.memory_space<vmem>>
      %dma_wait3A_397 = arith.constant 0 : i32
      %dma_wait3A_398 = tpu.memref_slice %arg8[%select_n3A_359, %dma_wait3A_392, %dma_wait3A_397] : memref<3x8x128xi32, #tpu.memory_space<vmem>> -> memref<1x1x128xi32, #tpu.memory_space<vmem>>
      %dma_wait3A_399 = tpu.memref_squeeze %dma_wait3A_398 : memref<1x1x128xi32, #tpu.memory_space<vmem>> -> memref<128xi32, #tpu.memory_space<vmem>>
      %dma_wait3A_400 = arith.constant 0 : i32
      %dma_wait3A_401 = arith.constant 0 : i32
      %dma_wait3A_402 = tpu.memref_slice %arg2[%dma_wait3A_400, %dma_wait3A_401] : memref<870400x16xf32, #tpu.memory_space<hbm>> -> memref<870400x16xf32, #tpu.memory_space<hbm>>
      tpu.wait_indirect_dma semaphore(%arg14 : memref<!tpu.dma_semaphore, #tpu.memory_space<semaphore_mem>>) src(%dma_wait3A_402 : memref<870400x16xf32, #tpu.memory_space<hbm>>) dst(%dma_wait3A_396 : memref<128x16xf32, #tpu.memory_space<vmem>>)
      %dma_wait3A_403 = arith.constant 2 : i32
      %dma_wait3A_404 = arith.constant 256 : i32
      %dma_wait3A_405 = arith.constant 0 : i32
      %dma_wait3A_406 = tpu.memref_slice %arg11[%and3A_361, %dma_wait3A_404, %dma_wait3A_405] : memref<2x1024x16xf32, #tpu.memory_space<vmem>> -> memref<1x128x16xf32, #tpu.memory_space<vmem>>
      %dma_wait3A_407 = tpu.memref_squeeze %dma_wait3A_406 : memref<1x128x16xf32, #tpu.memory_space<vmem>> -> memref<128x16xf32, #tpu.memory_space<vmem>>
      %dma_wait3A_408 = arith.constant 0 : i32
      %dma_wait3A_409 = tpu.memref_slice %arg8[%select_n3A_359, %dma_wait3A_403, %dma_wait3A_408] : memref<3x8x128xi32, #tpu.memory_space<vmem>> -> memref<1x1x128xi32, #tpu.memory_space<vmem>>
      %dma_wait3A_410 = tpu.memref_squeeze %dma_wait3A_409 : memref<1x1x128xi32, #tpu.memory_space<vmem>> -> memref<128xi32, #tpu.memory_space<vmem>>
      %dma_wait3A_411 = arith.constant 0 : i32
      %dma_wait3A_412 = arith.constant 0 : i32
      %dma_wait3A_413 = tpu.memref_slice %arg2[%dma_wait3A_411, %dma_wait3A_412] : memref<870400x16xf32, #tpu.memory_space<hbm>> -> memref<870400x16xf32, #tpu.memory_space<hbm>>
      tpu.wait_indirect_dma semaphore(%arg14 : memref<!tpu.dma_semaphore, #tpu.memory_space<semaphore_mem>>) src(%dma_wait3A_413 : memref<870400x16xf32, #tpu.memory_space<hbm>>) dst(%dma_wait3A_407 : memref<128x16xf32, #tpu.memory_space<vmem>>)
      %dma_wait3A_414 = arith.constant 3 : i32
      %dma_wait3A_415 = arith.constant 384 : i32
      %dma_wait3A_416 = arith.constant 0 : i32
      %dma_wait3A_417 = tpu.memref_slice %arg11[%and3A_361, %dma_wait3A_415, %dma_wait3A_416] : memref<2x1024x16xf32, #tpu.memory_space<vmem>> -> memref<1x128x16xf32, #tpu.memory_space<vmem>>
      %dma_wait3A_418 = tpu.memref_squeeze %dma_wait3A_417 : memref<1x128x16xf32, #tpu.memory_space<vmem>> -> memref<128x16xf32, #tpu.memory_space<vmem>>
      %dma_wait3A_419 = arith.constant 0 : i32
      %dma_wait3A_420 = tpu.memref_slice %arg8[%select_n3A_359, %dma_wait3A_414, %dma_wait3A_419] : memref<3x8x128xi32, #tpu.memory_space<vmem>> -> memref<1x1x128xi32, #tpu.memory_space<vmem>>
      %dma_wait3A_421 = tpu.memref_squeeze %dma_wait3A_420 : memref<1x1x128xi32, #tpu.memory_space<vmem>> -> memref<128xi32, #tpu.memory_space<vmem>>
      %dma_wait3A_422 = arith.constant 0 : i32
      %dma_wait3A_423 = arith.constant 0 : i32
      %dma_wait3A_424 = tpu.memref_slice %arg2[%dma_wait3A_422, %dma_wait3A_423] : memref<870400x16xf32, #tpu.memory_space<hbm>> -> memref<870400x16xf32, #tpu.memory_space<hbm>>
      tpu.wait_indirect_dma semaphore(%arg14 : memref<!tpu.dma_semaphore, #tpu.memory_space<semaphore_mem>>) src(%dma_wait3A_424 : memref<870400x16xf32, #tpu.memory_space<hbm>>) dst(%dma_wait3A_418 : memref<128x16xf32, #tpu.memory_space<vmem>>)
      %dma_wait3A_425 = arith.constant 4 : i32
      %dma_wait3A_426 = arith.constant 512 : i32
      %dma_wait3A_427 = arith.constant 0 : i32
      %dma_wait3A_428 = tpu.memref_slice %arg11[%and3A_361, %dma_wait3A_426, %dma_wait3A_427] : memref<2x1024x16xf32, #tpu.memory_space<vmem>> -> memref<1x128x16xf32, #tpu.memory_space<vmem>>
      %dma_wait3A_429 = tpu.memref_squeeze %dma_wait3A_428 : memref<1x128x16xf32, #tpu.memory_space<vmem>> -> memref<128x16xf32, #tpu.memory_space<vmem>>
      %dma_wait3A_430 = arith.constant 0 : i32
      %dma_wait3A_431 = tpu.memref_slice %arg8[%select_n3A_359, %dma_wait3A_425, %dma_wait3A_430] : memref<3x8x128xi32, #tpu.memory_space<vmem>> -> memref<1x1x128xi32, #tpu.memory_space<vmem>>
      %dma_wait3A_432 = tpu.memref_squeeze %dma_wait3A_431 : memref<1x1x128xi32, #tpu.memory_space<vmem>> -> memref<128xi32, #tpu.memory_space<vmem>>
      %dma_wait3A_433 = arith.constant 0 : i32
      %dma_wait3A_434 = arith.constant 0 : i32
      %dma_wait3A_435 = tpu.memref_slice %arg2[%dma_wait3A_433, %dma_wait3A_434] : memref<870400x16xf32, #tpu.memory_space<hbm>> -> memref<870400x16xf32, #tpu.memory_space<hbm>>
      tpu.wait_indirect_dma semaphore(%arg14 : memref<!tpu.dma_semaphore, #tpu.memory_space<semaphore_mem>>) src(%dma_wait3A_435 : memref<870400x16xf32, #tpu.memory_space<hbm>>) dst(%dma_wait3A_429 : memref<128x16xf32, #tpu.memory_space<vmem>>)
      %dma_wait3A_436 = arith.constant 5 : i32
      %dma_wait3A_437 = arith.constant 640 : i32
      %dma_wait3A_438 = arith.constant 0 : i32
      %dma_wait3A_439 = tpu.memref_slice %arg11[%and3A_361, %dma_wait3A_437, %dma_wait3A_438] : memref<2x1024x16xf32, #tpu.memory_space<vmem>> -> memref<1x128x16xf32, #tpu.memory_space<vmem>>
      %dma_wait3A_440 = tpu.memref_squeeze %dma_wait3A_439 : memref<1x128x16xf32, #tpu.memory_space<vmem>> -> memref<128x16xf32, #tpu.memory_space<vmem>>
      %dma_wait3A_441 = arith.constant 0 : i32
      %dma_wait3A_442 = tpu.memref_slice %arg8[%select_n3A_359, %dma_wait3A_436, %dma_wait3A_441] : memref<3x8x128xi32, #tpu.memory_space<vmem>> -> memref<1x1x128xi32, #tpu.memory_space<vmem>>
      %dma_wait3A_443 = tpu.memref_squeeze %dma_wait3A_442 : memref<1x1x128xi32, #tpu.memory_space<vmem>> -> memref<128xi32, #tpu.memory_space<vmem>>
      %dma_wait3A_444 = arith.constant 0 : i32
      %dma_wait3A_445 = arith.constant 0 : i32
      %dma_wait3A_446 = tpu.memref_slice %arg2[%dma_wait3A_444, %dma_wait3A_445] : memref<870400x16xf32, #tpu.memory_space<hbm>> -> memref<870400x16xf32, #tpu.memory_space<hbm>>
      tpu.wait_indirect_dma semaphore(%arg14 : memref<!tpu.dma_semaphore, #tpu.memory_space<semaphore_mem>>) src(%dma_wait3A_446 : memref<870400x16xf32, #tpu.memory_space<hbm>>) dst(%dma_wait3A_440 : memref<128x16xf32, #tpu.memory_space<vmem>>)
      %dma_wait3A_447 = arith.constant 6 : i32
      %dma_wait3A_448 = arith.constant 768 : i32
      %dma_wait3A_449 = arith.constant 0 : i32
      %dma_wait3A_450 = tpu.memref_slice %arg11[%and3A_361, %dma_wait3A_448, %dma_wait3A_449] : memref<2x1024x16xf32, #tpu.memory_space<vmem>> -> memref<1x128x16xf32, #tpu.memory_space<vmem>>
      %dma_wait3A_451 = tpu.memref_squeeze %dma_wait3A_450 : memref<1x128x16xf32, #tpu.memory_space<vmem>> -> memref<128x16xf32, #tpu.memory_space<vmem>>
      %dma_wait3A_452 = arith.constant 0 : i32
      %dma_wait3A_453 = tpu.memref_slice %arg8[%select_n3A_359, %dma_wait3A_447, %dma_wait3A_452] : memref<3x8x128xi32, #tpu.memory_space<vmem>> -> memref<1x1x128xi32, #tpu.memory_space<vmem>>
      %dma_wait3A_454 = tpu.memref_squeeze %dma_wait3A_453 : memref<1x1x128xi32, #tpu.memory_space<vmem>> -> memref<128xi32, #tpu.memory_space<vmem>>
      %dma_wait3A_455 = arith.constant 0 : i32
      %dma_wait3A_456 = arith.constant 0 : i32
      %dma_wait3A_457 = tpu.memref_slice %arg2[%dma_wait3A_455, %dma_wait3A_456] : memref<870400x16xf32, #tpu.memory_space<hbm>> -> memref<870400x16xf32, #tpu.memory_space<hbm>>
      tpu.wait_indirect_dma semaphore(%arg14 : memref<!tpu.dma_semaphore, #tpu.memory_space<semaphore_mem>>) src(%dma_wait3A_457 : memref<870400x16xf32, #tpu.memory_space<hbm>>) dst(%dma_wait3A_451 : memref<128x16xf32, #tpu.memory_space<vmem>>)
      %dma_wait3A_458 = arith.constant 7 : i32
      %dma_wait3A_459 = arith.constant 896 : i32
      %dma_wait3A_460 = arith.constant 0 : i32
      %dma_wait3A_461 = tpu.memref_slice %arg11[%and3A_361, %dma_wait3A_459, %dma_wait3A_460] : memref<2x1024x16xf32, #tpu.memory_space<vmem>> -> memref<1x128x16xf32, #tpu.memory_space<vmem>>
      %dma_wait3A_462 = tpu.memref_squeeze %dma_wait3A_461 : memref<1x128x16xf32, #tpu.memory_space<vmem>> -> memref<128x16xf32, #tpu.memory_space<vmem>>
      %dma_wait3A_463 = arith.constant 0 : i32
      %dma_wait3A_464 = tpu.memref_slice %arg8[%select_n3A_359, %dma_wait3A_458, %dma_wait3A_463] : memref<3x8x128xi32, #tpu.memory_space<vmem>> -> memref<1x1x128xi32, #tpu.memory_space<vmem>>
      %dma_wait3A_465 = tpu.memref_squeeze %dma_wait3A_464 : memref<1x1x128xi32, #tpu.memory_space<vmem>> -> memref<128xi32, #tpu.memory_space<vmem>>
      %dma_wait3A_466 = arith.constant 0 : i32
      %dma_wait3A_467 = arith.constant 0 : i32
      %dma_wait3A_468 = tpu.memref_slice %arg2[%dma_wait3A_466, %dma_wait3A_467] : memref<870400x16xf32, #tpu.memory_space<hbm>> -> memref<870400x16xf32, #tpu.memory_space<hbm>>
      tpu.wait_indirect_dma semaphore(%arg14 : memref<!tpu.dma_semaphore, #tpu.memory_space<semaphore_mem>>) src(%dma_wait3A_468 : memref<870400x16xf32, #tpu.memory_space<hbm>>) dst(%dma_wait3A_462 : memref<128x16xf32, #tpu.memory_space<vmem>>)
      %scan3A_469 = arith.constant 0 : i32
      %scan3A_470 = arith.constant 0 : i32
      %scan3A_471 = arith.constant 64 : i32
      %scan3A_472 = arith.addi %scan3A_470, %scan3A_471 : i32
      %scan3A_473 = arith.constant 1 : i32
      scf.for %scan3A_581 = %scan3A_470 to %scan3A_472 step %scan3A_473  : i32 {
        %mul3A_582 = arith.constant 16 : i32
        %mul3A_583 = arith.muli %scan3A_581, %mul3A_582 : i32
        %get3A = arith.index_cast %select_n3A_359 : i32 to index
        %get3A_584 = arith.index_cast %mul3A_583 : i32 to index
        %get3A_585 = tpu.vector_load %arg10[%get3A, %get3A_584] {strides = array<i32>} : memref<3x1024xf32, #tpu.memory_space<vmem>>, vector<1x16xf32>,
        %get3A_586 = vector.shape_cast %get3A_585 : vector<1x16xf32> to vector<16xf32>
        %mul3A_587 = arith.constant 16 : i32
        %mul3A_588 = arith.muli %scan3A_581, %mul3A_587 : i32
        %add3A_589 = arith.constant 0 : i32
        %add3A_590 = arith.addi %mul3A_588, %add3A_589 : i32
        %get3A_591 = arith.index_cast %and3A_361 : i32 to index
        %get3A_592 = arith.index_cast %add3A_590 : i32 to index
        %get3A_593 = arith.constant 0 : index
        %get3A_594 = tpu.vector_load %arg11[%get3A_591, %get3A_592, %get3A_593] {strides = array<i32>} : memref<2x1024x16xf32, #tpu.memory_space<vmem>>, vector<1x1x16xf32>,
        %get3A_595 = vector.shape_cast %get3A_594 : vector<1x1x16xf32> to vector<16xf32>
        %slice3A = vector.extract_strided_slice %get3A_586 {offsets = [0], sizes = [1], strides = [1]} : vector<16xf32> to vector<1xf32>
        %squeeze3A = vector.extract %slice3A[0] : f32 from vector<1xf32>
        %mul3A_596 = vector.broadcast %squeeze3A : f32 to vector<16xf32>
        %mul3A_597 = arith.mulf %get3A_595, %mul3A_596 : vector<16xf32>
        %swap3A = arith.index_cast %and3A_361 : i32 to index
        %swap3A_598 = arith.index_cast %add3A_590 : i32 to index
        %swap3A_599 = arith.constant 0 : index
        %swap3A_600 = tpu.vector_load %arg11[%swap3A, %swap3A_598, %swap3A_599] {strides = array<i32>} : memref<2x1024x16xf32, #tpu.memory_space<vmem>>, vector<1x1x16xf32>,
        %swap3A_601 = vector.shape_cast %swap3A_600 : vector<1x1x16xf32> to vector<16xf32>
        %swap3A_602 = vector.shape_cast %mul3A_597 : vector<16xf32> to vector<1x1x16xf32>
        tpu.vector_store %arg11[%swap3A, %swap3A_598, %swap3A_599], %swap3A_602 {strides = array<i32>} : memref<2x1024x16xf32, #tpu.memory_space<vmem>>, vector<1x1x16xf32>,
        %mul3A_603 = arith.constant 16 : i32
        %mul3A_604 = arith.muli %scan3A_581, %mul3A_603 : i32
        %add3A_605 = arith.constant 1 : i32
        %add3A_606 = arith.addi %mul3A_604, %add3A_605 : i32
        %get3A_607 = arith.index_cast %and3A_361 : i32 to index
        %get3A_608 = arith.index_cast %add3A_606 : i32 to index
        %get3A_609 = arith.constant 0 : index
        %get3A_610 = tpu.vector_load %arg11[%get3A_607, %get3A_608, %get3A_609] {strides = array<i32>} : memref<2x1024x16xf32, #tpu.memory_space<vmem>>, vector<1x1x16xf32>,
        %get3A_611 = vector.shape_cast %get3A_610 : vector<1x1x16xf32> to vector<16xf32>
        %slice3A_612 = vector.extract_strided_slice %get3A_586 {offsets = [1], sizes = [1], strides = [1]} : vector<16xf32> to vector<1xf32>
        %squeeze3A_613 = vector.extract %slice3A_612[0] : f32 from vector<1xf32>
        %mul3A_614 = vector.broadcast %squeeze3A_613 : f32 to vector<16xf32>
        %mul3A_615 = arith.mulf %get3A_611, %mul3A_614 : vector<16xf32>
        %swap3A_616 = arith.index_cast %and3A_361 : i32 to index
        %swap3A_617 = arith.index_cast %add3A_606 : i32 to index
        %swap3A_618 = arith.constant 0 : index
        %swap3A_619 = tpu.vector_load %arg11[%swap3A_616, %swap3A_617, %swap3A_618] {strides = array<i32>} : memref<2x1024x16xf32, #tpu.memory_space<vmem>>, vector<1x1x16xf32>,
        %swap3A_620 = vector.shape_cast %swap3A_619 : vector<1x1x16xf32> to vector<16xf32>
        %swap3A_621 = vector.shape_cast %mul3A_615 : vector<16xf32> to vector<1x1x16xf32>
        tpu.vector_store %arg11[%swap3A_616, %swap3A_617, %swap3A_618], %swap3A_621 {strides = array<i32>} : memref<2x1024x16xf32, #tpu.memory_space<vmem>>, vector<1x1x16xf32>,
        %mul3A_622 = arith.constant 16 : i32
        %mul3A_623 = arith.muli %scan3A_581, %mul3A_622 : i32
        %add3A_624 = arith.constant 2 : i32
        %add3A_625 = arith.addi %mul3A_623, %add3A_624 : i32
        %get3A_626 = arith.index_cast %and3A_361 : i32 to index
        %get3A_627 = arith.index_cast %add3A_625 : i32 to index
        %get3A_628 = arith.constant 0 : index
        %get3A_629 = tpu.vector_load %arg11[%get3A_626, %get3A_627, %get3A_628] {strides = array<i32>} : memref<2x1024x16xf32, #tpu.memory_space<vmem>>, vector<1x1x16xf32>,
        %get3A_630 = vector.shape_cast %get3A_629 : vector<1x1x16xf32> to vector<16xf32>
        %slice3A_631 = vector.extract_strided_slice %get3A_586 {offsets = [2], sizes = [1], strides = [1]} : vector<16xf32> to vector<1xf32>
        %squeeze3A_632 = vector.extract %slice3A_631[0] : f32 from vector<1xf32>
        %mul3A_633 = vector.broadcast %squeeze3A_632 : f32 to vector<16xf32>
        %mul3A_634 = arith.mulf %get3A_630, %mul3A_633 : vector<16xf32>
        %swap3A_635 = arith.index_cast %and3A_361 : i32 to index
        %swap3A_636 = arith.index_cast %add3A_625 : i32 to index
        %swap3A_637 = arith.constant 0 : index
        %swap3A_638 = tpu.vector_load %arg11[%swap3A_635, %swap3A_636, %swap3A_637] {strides = array<i32>} : memref<2x1024x16xf32, #tpu.memory_space<vmem>>, vector<1x1x16xf32>,
        %swap3A_639 = vector.shape_cast %swap3A_638 : vector<1x1x16xf32> to vector<16xf32>
        %swap3A_640 = vector.shape_cast %mul3A_634 : vector<16xf32> to vector<1x1x16xf32>
        tpu.vector_store %arg11[%swap3A_635, %swap3A_636, %swap3A_637], %swap3A_640 {strides = array<i32>} : memref<2x1024x16xf32, #tpu.memory_space<vmem>>, vector<1x1x16xf32>,
        %mul3A_641 = arith.constant 16 : i32
        %mul3A_642 = arith.muli %scan3A_581, %mul3A_641 : i32
        %add3A_643 = arith.constant 3 : i32
        %add3A_644 = arith.addi %mul3A_642, %add3A_643 : i32
        %get3A_645 = arith.index_cast %and3A_361 : i32 to index
        %get3A_646 = arith.index_cast %add3A_644 : i32 to index
        %get3A_647 = arith.constant 0 : index
        %get3A_648 = tpu.vector_load %arg11[%get3A_645, %get3A_646, %get3A_647] {strides = array<i32>} : memref<2x1024x16xf32, #tpu.memory_space<vmem>>, vector<1x1x16xf32>,
        %get3A_649 = vector.shape_cast %get3A_648 : vector<1x1x16xf32> to vector<16xf32>
        %slice3A_650 = vector.extract_strided_slice %get3A_586 {offsets = [3], sizes = [1], strides = [1]} : vector<16xf32> to vector<1xf32>
        %squeeze3A_651 = vector.extract %slice3A_650[0] : f32 from vector<1xf32>
        %mul3A_652 = vector.broadcast %squeeze3A_651 : f32 to vector<16xf32>
        %mul3A_653 = arith.mulf %get3A_649, %mul3A_652 : vector<16xf32>
        %swap3A_654 = arith.index_cast %and3A_361 : i32 to index
        %swap3A_655 = arith.index_cast %add3A_644 : i32 to index
        %swap3A_656 = arith.constant 0 : index
        %swap3A_657 = tpu.vector_load %arg11[%swap3A_654, %swap3A_655, %swap3A_656] {strides = array<i32>} : memref<2x1024x16xf32, #tpu.memory_space<vmem>>, vector<1x1x16xf32>,
        %swap3A_658 = vector.shape_cast %swap3A_657 : vector<1x1x16xf32> to vector<16xf32>
        %swap3A_659 = vector.shape_cast %mul3A_653 : vector<16xf32> to vector<1x1x16xf32>
        tpu.vector_store %arg11[%swap3A_654, %swap3A_655, %swap3A_656], %swap3A_659 {strides = array<i32>} : memref<2x1024x16xf32, #tpu.memory_space<vmem>>, vector<1x1x16xf32>,
        %mul3A_660 = arith.constant 16 : i32
        %mul3A_661 = arith.muli %scan3A_581, %mul3A_660 : i32
        %add3A_662 = arith.constant 4 : i32
        %add3A_663 = arith.addi %mul3A_661, %add3A_662 : i32
        %get3A_664 = arith.index_cast %and3A_361 : i32 to index
        %get3A_665 = arith.index_cast %add3A_663 : i32 to index
        %get3A_666 = arith.constant 0 : index
        %get3A_667 = tpu.vector_load %arg11[%get3A_664, %get3A_665, %get3A_666] {strides = array<i32>} : memref<2x1024x16xf32, #tpu.memory_space<vmem>>, vector<1x1x16xf32>,
        %get3A_668 = vector.shape_cast %get3A_667 : vector<1x1x16xf32> to vector<16xf32>
        %slice3A_669 = vector.extract_strided_slice %get3A_586 {offsets = [4], sizes = [1], strides = [1]} : vector<16xf32> to vector<1xf32>
        %squeeze3A_670 = vector.extract %slice3A_669[0] : f32 from vector<1xf32>
        %mul3A_671 = vector.broadcast %squeeze3A_670 : f32 to vector<16xf32>
        %mul3A_672 = arith.mulf %get3A_668, %mul3A_671 : vector<16xf32>
        %swap3A_673 = arith.index_cast %and3A_361 : i32 to index
        %swap3A_674 = arith.index_cast %add3A_663 : i32 to index
        %swap3A_675 = arith.constant 0 : index
        %swap3A_676 = tpu.vector_load %arg11[%swap3A_673, %swap3A_674, %swap3A_675] {strides = array<i32>} : memref<2x1024x16xf32, #tpu.memory_space<vmem>>, vector<1x1x16xf32>,
        %swap3A_677 = vector.shape_cast %swap3A_676 : vector<1x1x16xf32> to vector<16xf32>
        %swap3A_678 = vector.shape_cast %mul3A_672 : vector<16xf32> to vector<1x1x16xf32>
        tpu.vector_store %arg11[%swap3A_673, %swap3A_674, %swap3A_675], %swap3A_678 {strides = array<i32>} : memref<2x1024x16xf32, #tpu.memory_space<vmem>>, vector<1x1x16xf32>,
        %mul3A_679 = arith.constant 16 : i32
        %mul3A_680 = arith.muli %scan3A_581, %mul3A_679 : i32
        %add3A_681 = arith.constant 5 : i32
        %add3A_682 = arith.addi %mul3A_680, %add3A_681 : i32
        %get3A_683 = arith.index_cast %and3A_361 : i32 to index
        %get3A_684 = arith.index_cast %add3A_682 : i32 to index
        %get3A_685 = arith.constant 0 : index
        %get3A_686 = tpu.vector_load %arg11[%get3A_683, %get3A_684, %get3A_685] {strides = array<i32>} : memref<2x1024x16xf32, #tpu.memory_space<vmem>>, vector<1x1x16xf32>,
        %get3A_687 = vector.shape_cast %get3A_686 : vector<1x1x16xf32> to vector<16xf32>
        %slice3A_688 = vector.extract_strided_slice %get3A_586 {offsets = [5], sizes = [1], strides = [1]} : vector<16xf32> to vector<1xf32>
        %squeeze3A_689 = vector.extract %slice3A_688[0] : f32 from vector<1xf32>
        %mul3A_690 = vector.broadcast %squeeze3A_689 : f32 to vector<16xf32>
        %mul3A_691 = arith.mulf %get3A_687, %mul3A_690 : vector<16xf32>
        %swap3A_692 = arith.index_cast %and3A_361 : i32 to index
        %swap3A_693 = arith.index_cast %add3A_682 : i32 to index
        %swap3A_694 = arith.constant 0 : index
        %swap3A_695 = tpu.vector_load %arg11[%swap3A_692, %swap3A_693, %swap3A_694] {strides = array<i32>} : memref<2x1024x16xf32, #tpu.memory_space<vmem>>, vector<1x1x16xf32>,
        %swap3A_696 = vector.shape_cast %swap3A_695 : vector<1x1x16xf32> to vector<16xf32>
        %swap3A_697 = vector.shape_cast %mul3A_691 : vector<16xf32> to vector<1x1x16xf32>
        tpu.vector_store %arg11[%swap3A_692, %swap3A_693, %swap3A_694], %swap3A_697 {strides = array<i32>} : memref<2x1024x16xf32, #tpu.memory_space<vmem>>, vector<1x1x16xf32>,
        %mul3A_698 = arith.constant 16 : i32
        %mul3A_699 = arith.muli %scan3A_581, %mul3A_698 : i32
        %add3A_700 = arith.constant 6 : i32
        %add3A_701 = arith.addi %mul3A_699, %add3A_700 : i32
        %get3A_702 = arith.index_cast %and3A_361 : i32 to index
        %get3A_703 = arith.index_cast %add3A_701 : i32 to index
        %get3A_704 = arith.constant 0 : index
        %get3A_705 = tpu.vector_load %arg11[%get3A_702, %get3A_703, %get3A_704] {strides = array<i32>} : memref<2x1024x16xf32, #tpu.memory_space<vmem>>, vector<1x1x16xf32>,
        %get3A_706 = vector.shape_cast %get3A_705 : vector<1x1x16xf32> to vector<16xf32>
        %slice3A_707 = vector.extract_strided_slice %get3A_586 {offsets = [6], sizes = [1], strides = [1]} : vector<16xf32> to vector<1xf32>
        %squeeze3A_708 = vector.extract %slice3A_707[0] : f32 from vector<1xf32>
        %mul3A_709 = vector.broadcast %squeeze3A_708 : f32 to vector<16xf32>
        %mul3A_710 = arith.mulf %get3A_706, %mul3A_709 : vector<16xf32>
        %swap3A_711 = arith.index_cast %and3A_361 : i32 to index
        %swap3A_712 = arith.index_cast %add3A_701 : i32 to index
        %swap3A_713 = arith.constant 0 : index
        %swap3A_714 = tpu.vector_load %arg11[%swap3A_711, %swap3A_712, %swap3A_713] {strides = array<i32>} : memref<2x1024x16xf32, #tpu.memory_space<vmem>>, vector<1x1x16xf32>,
        %swap3A_715 = vector.shape_cast %swap3A_714 : vector<1x1x16xf32> to vector<16xf32>
        %swap3A_716 = vector.shape_cast %mul3A_710 : vector<16xf32> to vector<1x1x16xf32>
        tpu.vector_store %arg11[%swap3A_711, %swap3A_712, %swap3A_713], %swap3A_716 {strides = array<i32>} : memref<2x1024x16xf32, #tpu.memory_space<vmem>>, vector<1x1x16xf32>,
        %mul3A_717 = arith.constant 16 : i32
        %mul3A_718 = arith.muli %scan3A_581, %mul3A_717 : i32
        %add3A_719 = arith.constant 7 : i32
        %add3A_720 = arith.addi %mul3A_718, %add3A_719 : i32
        %get3A_721 = arith.index_cast %and3A_361 : i32 to index
        %get3A_722 = arith.index_cast %add3A_720 : i32 to index
        %get3A_723 = arith.constant 0 : index
        %get3A_724 = tpu.vector_load %arg11[%get3A_721, %get3A_722, %get3A_723] {strides = array<i32>} : memref<2x1024x16xf32, #tpu.memory_space<vmem>>, vector<1x1x16xf32>,
        %get3A_725 = vector.shape_cast %get3A_724 : vector<1x1x16xf32> to vector<16xf32>
        %slice3A_726 = vector.extract_strided_slice %get3A_586 {offsets = [7], sizes = [1], strides = [1]} : vector<16xf32> to vector<1xf32>
        %squeeze3A_727 = vector.extract %slice3A_726[0] : f32 from vector<1xf32>
        %mul3A_728 = vector.broadcast %squeeze3A_727 : f32 to vector<16xf32>
        %mul3A_729 = arith.mulf %get3A_725, %mul3A_728 : vector<16xf32>
        %swap3A_730 = arith.index_cast %and3A_361 : i32 to index
        %swap3A_731 = arith.index_cast %add3A_720 : i32 to index
        %swap3A_732 = arith.constant 0 : index
        %swap3A_733 = tpu.vector_load %arg11[%swap3A_730, %swap3A_731, %swap3A_732] {strides = array<i32>} : memref<2x1024x16xf32, #tpu.memory_space<vmem>>, vector<1x1x16xf32>,
        %swap3A_734 = vector.shape_cast %swap3A_733 : vector<1x1x16xf32> to vector<16xf32>
        %swap3A_735 = vector.shape_cast %mul3A_729 : vector<16xf32> to vector<1x1x16xf32>
        tpu.vector_store %arg11[%swap3A_730, %swap3A_731, %swap3A_732], %swap3A_735 {strides = array<i32>} : memref<2x1024x16xf32, #tpu.memory_space<vmem>>, vector<1x1x16xf32>,
        %mul3A_736 = arith.constant 16 : i32
        %mul3A_737 = arith.muli %scan3A_581, %mul3A_736 : i32
        %add3A_738 = arith.constant 8 : i32
        %add3A_739 = arith.addi %mul3A_737, %add3A_738 : i32
        %get3A_740 = arith.index_cast %and3A_361 : i32 to index
        %get3A_741 = arith.index_cast %add3A_739 : i32 to index
        %get3A_742 = arith.constant 0 : index
        %get3A_743 = tpu.vector_load %arg11[%get3A_740, %get3A_741, %get3A_742] {strides = array<i32>} : memref<2x1024x16xf32, #tpu.memory_space<vmem>>, vector<1x1x16xf32>,
        %get3A_744 = vector.shape_cast %get3A_743 : vector<1x1x16xf32> to vector<16xf32>
        %slice3A_745 = vector.extract_strided_slice %get3A_586 {offsets = [8], sizes = [1], strides = [1]} : vector<16xf32> to vector<1xf32>
        %squeeze3A_746 = vector.extract %slice3A_745[0] : f32 from vector<1xf32>
        %mul3A_747 = vector.broadcast %squeeze3A_746 : f32 to vector<16xf32>
        %mul3A_748 = arith.mulf %get3A_744, %mul3A_747 : vector<16xf32>
        %swap3A_749 = arith.index_cast %and3A_361 : i32 to index
        %swap3A_750 = arith.index_cast %add3A_739 : i32 to index
        %swap3A_751 = arith.constant 0 : index
        %swap3A_752 = tpu.vector_load %arg11[%swap3A_749, %swap3A_750, %swap3A_751] {strides = array<i32>} : memref<2x1024x16xf32, #tpu.memory_space<vmem>>, vector<1x1x16xf32>,
        %swap3A_753 = vector.shape_cast %swap3A_752 : vector<1x1x16xf32> to vector<16xf32>
        %swap3A_754 = vector.shape_cast %mul3A_748 : vector<16xf32> to vector<1x1x16xf32>
        tpu.vector_store %arg11[%swap3A_749, %swap3A_750, %swap3A_751], %swap3A_754 {strides = array<i32>} : memref<2x1024x16xf32, #tpu.memory_space<vmem>>, vector<1x1x16xf32>,
        %mul3A_755 = arith.constant 16 : i32
        %mul3A_756 = arith.muli %scan3A_581, %mul3A_755 : i32
        %add3A_757 = arith.constant 9 : i32
        %add3A_758 = arith.addi %mul3A_756, %add3A_757 : i32
        %get3A_759 = arith.index_cast %and3A_361 : i32 to index
        %get3A_760 = arith.index_cast %add3A_758 : i32 to index
        %get3A_761 = arith.constant 0 : index
        %get3A_762 = tpu.vector_load %arg11[%get3A_759, %get3A_760, %get3A_761] {strides = array<i32>} : memref<2x1024x16xf32, #tpu.memory_space<vmem>>, vector<1x1x16xf32>,
        %get3A_763 = vector.shape_cast %get3A_762 : vector<1x1x16xf32> to vector<16xf32>
        %slice3A_764 = vector.extract_strided_slice %get3A_586 {offsets = [9], sizes = [1], strides = [1]} : vector<16xf32> to vector<1xf32>
        %squeeze3A_765 = vector.extract %slice3A_764[0] : f32 from vector<1xf32>
        %mul3A_766 = vector.broadcast %squeeze3A_765 : f32 to vector<16xf32>
        %mul3A_767 = arith.mulf %get3A_763, %mul3A_766 : vector<16xf32>
        %swap3A_768 = arith.index_cast %and3A_361 : i32 to index
        %swap3A_769 = arith.index_cast %add3A_758 : i32 to index
        %swap3A_770 = arith.constant 0 : index
        %swap3A_771 = tpu.vector_load %arg11[%swap3A_768, %swap3A_769, %swap3A_770] {strides = array<i32>} : memref<2x1024x16xf32, #tpu.memory_space<vmem>>, vector<1x1x16xf32>,
        %swap3A_772 = vector.shape_cast %swap3A_771 : vector<1x1x16xf32> to vector<16xf32>
        %swap3A_773 = vector.shape_cast %mul3A_767 : vector<16xf32> to vector<1x1x16xf32>
        tpu.vector_store %arg11[%swap3A_768, %swap3A_769, %swap3A_770], %swap3A_773 {strides = array<i32>} : memref<2x1024x16xf32, #tpu.memory_space<vmem>>, vector<1x1x16xf32>,
        %mul3A_774 = arith.constant 16 : i32
        %mul3A_775 = arith.muli %scan3A_581, %mul3A_774 : i32
        %add3A_776 = arith.constant 10 : i32
        %add3A_777 = arith.addi %mul3A_775, %add3A_776 : i32
        %get3A_778 = arith.index_cast %and3A_361 : i32 to index
        %get3A_779 = arith.index_cast %add3A_777 : i32 to index
        %get3A_780 = arith.constant 0 : index
        %get3A_781 = tpu.vector_load %arg11[%get3A_778, %get3A_779, %get3A_780] {strides = array<i32>} : memref<2x1024x16xf32, #tpu.memory_space<vmem>>, vector<1x1x16xf32>,
        %get3A_782 = vector.shape_cast %get3A_781 : vector<1x1x16xf32> to vector<16xf32>
        %slice3A_783 = vector.extract_strided_slice %get3A_586 {offsets = [10], sizes = [1], strides = [1]} : vector<16xf32> to vector<1xf32>
        %squeeze3A_784 = vector.extract %slice3A_783[0] : f32 from vector<1xf32>
        %mul3A_785 = vector.broadcast %squeeze3A_784 : f32 to vector<16xf32>
        %mul3A_786 = arith.mulf %get3A_782, %mul3A_785 : vector<16xf32>
        %swap3A_787 = arith.index_cast %and3A_361 : i32 to index
        %swap3A_788 = arith.index_cast %add3A_777 : i32 to index
        %swap3A_789 = arith.constant 0 : index
        %swap3A_790 = tpu.vector_load %arg11[%swap3A_787, %swap3A_788, %swap3A_789] {strides = array<i32>} : memref<2x1024x16xf32, #tpu.memory_space<vmem>>, vector<1x1x16xf32>,
        %swap3A_791 = vector.shape_cast %swap3A_790 : vector<1x1x16xf32> to vector<16xf32>
        %swap3A_792 = vector.shape_cast %mul3A_786 : vector<16xf32> to vector<1x1x16xf32>
        tpu.vector_store %arg11[%swap3A_787, %swap3A_788, %swap3A_789], %swap3A_792 {strides = array<i32>} : memref<2x1024x16xf32, #tpu.memory_space<vmem>>, vector<1x1x16xf32>,
        %mul3A_793 = arith.constant 16 : i32
        %mul3A_794 = arith.muli %scan3A_581, %mul3A_793 : i32
        %add3A_795 = arith.constant 11 : i32
        %add3A_796 = arith.addi %mul3A_794, %add3A_795 : i32
        %get3A_797 = arith.index_cast %and3A_361 : i32 to index
        %get3A_798 = arith.index_cast %add3A_796 : i32 to index
        %get3A_799 = arith.constant 0 : index
        %get3A_800 = tpu.vector_load %arg11[%get3A_797, %get3A_798, %get3A_799] {strides = array<i32>} : memref<2x1024x16xf32, #tpu.memory_space<vmem>>, vector<1x1x16xf32>,
        %get3A_801 = vector.shape_cast %get3A_800 : vector<1x1x16xf32> to vector<16xf32>
        %slice3A_802 = vector.extract_strided_slice %get3A_586 {offsets = [11], sizes = [1], strides = [1]} : vector<16xf32> to vector<1xf32>
        %squeeze3A_803 = vector.extract %slice3A_802[0] : f32 from vector<1xf32>
        %mul3A_804 = vector.broadcast %squeeze3A_803 : f32 to vector<16xf32>
        %mul3A_805 = arith.mulf %get3A_801, %mul3A_804 : vector<16xf32>
        %swap3A_806 = arith.index_cast %and3A_361 : i32 to index
        %swap3A_807 = arith.index_cast %add3A_796 : i32 to index
        %swap3A_808 = arith.constant 0 : index
        %swap3A_809 = tpu.vector_load %arg11[%swap3A_806, %swap3A_807, %swap3A_808] {strides = array<i32>} : memref<2x1024x16xf32, #tpu.memory_space<vmem>>, vector<1x1x16xf32>,
        %swap3A_810 = vector.shape_cast %swap3A_809 : vector<1x1x16xf32> to vector<16xf32>
        %swap3A_811 = vector.shape_cast %mul3A_805 : vector<16xf32> to vector<1x1x16xf32>
        tpu.vector_store %arg11[%swap3A_806, %swap3A_807, %swap3A_808], %swap3A_811 {strides = array<i32>} : memref<2x1024x16xf32, #tpu.memory_space<vmem>>, vector<1x1x16xf32>,
        %mul3A_812 = arith.constant 16 : i32
        %mul3A_813 = arith.muli %scan3A_581, %mul3A_812 : i32
        %add3A_814 = arith.constant 12 : i32
        %add3A_815 = arith.addi %mul3A_813, %add3A_814 : i32
        %get3A_816 = arith.index_cast %and3A_361 : i32 to index
        %get3A_817 = arith.index_cast %add3A_815 : i32 to index
        %get3A_818 = arith.constant 0 : index
        %get3A_819 = tpu.vector_load %arg11[%get3A_816, %get3A_817, %get3A_818] {strides = array<i32>} : memref<2x1024x16xf32, #tpu.memory_space<vmem>>, vector<1x1x16xf32>,
        %get3A_820 = vector.shape_cast %get3A_819 : vector<1x1x16xf32> to vector<16xf32>
        %slice3A_821 = vector.extract_strided_slice %get3A_586 {offsets = [12], sizes = [1], strides = [1]} : vector<16xf32> to vector<1xf32>
        %squeeze3A_822 = vector.extract %slice3A_821[0] : f32 from vector<1xf32>
        %mul3A_823 = vector.broadcast %squeeze3A_822 : f32 to vector<16xf32>
        %mul3A_824 = arith.mulf %get3A_820, %mul3A_823 : vector<16xf32>
        %swap3A_825 = arith.index_cast %and3A_361 : i32 to index
        %swap3A_826 = arith.index_cast %add3A_815 : i32 to index
        %swap3A_827 = arith.constant 0 : index
        %swap3A_828 = tpu.vector_load %arg11[%swap3A_825, %swap3A_826, %swap3A_827] {strides = array<i32>} : memref<2x1024x16xf32, #tpu.memory_space<vmem>>, vector<1x1x16xf32>,
        %swap3A_829 = vector.shape_cast %swap3A_828 : vector<1x1x16xf32> to vector<16xf32>
        %swap3A_830 = vector.shape_cast %mul3A_824 : vector<16xf32> to vector<1x1x16xf32>
        tpu.vector_store %arg11[%swap3A_825, %swap3A_826, %swap3A_827], %swap3A_830 {strides = array<i32>} : memref<2x1024x16xf32, #tpu.memory_space<vmem>>, vector<1x1x16xf32>,
        %mul3A_831 = arith.constant 16 : i32
        %mul3A_832 = arith.muli %scan3A_581, %mul3A_831 : i32
        %add3A_833 = arith.constant 13 : i32
        %add3A_834 = arith.addi %mul3A_832, %add3A_833 : i32
        %get3A_835 = arith.index_cast %and3A_361 : i32 to index
        %get3A_836 = arith.index_cast %add3A_834 : i32 to index
        %get3A_837 = arith.constant 0 : index
        %get3A_838 = tpu.vector_load %arg11[%get3A_835, %get3A_836, %get3A_837] {strides = array<i32>} : memref<2x1024x16xf32, #tpu.memory_space<vmem>>, vector<1x1x16xf32>,
        %get3A_839 = vector.shape_cast %get3A_838 : vector<1x1x16xf32> to vector<16xf32>
        %slice3A_840 = vector.extract_strided_slice %get3A_586 {offsets = [13], sizes = [1], strides = [1]} : vector<16xf32> to vector<1xf32>
        %squeeze3A_841 = vector.extract %slice3A_840[0] : f32 from vector<1xf32>
        %mul3A_842 = vector.broadcast %squeeze3A_841 : f32 to vector<16xf32>
        %mul3A_843 = arith.mulf %get3A_839, %mul3A_842 : vector<16xf32>
        %swap3A_844 = arith.index_cast %and3A_361 : i32 to index
        %swap3A_845 = arith.index_cast %add3A_834 : i32 to index
        %swap3A_846 = arith.constant 0 : index
        %swap3A_847 = tpu.vector_load %arg11[%swap3A_844, %swap3A_845, %swap3A_846] {strides = array<i32>} : memref<2x1024x16xf32, #tpu.memory_space<vmem>>, vector<1x1x16xf32>,
        %swap3A_848 = vector.shape_cast %swap3A_847 : vector<1x1x16xf32> to vector<16xf32>
        %swap3A_849 = vector.shape_cast %mul3A_843 : vector<16xf32> to vector<1x1x16xf32>
        tpu.vector_store %arg11[%swap3A_844, %swap3A_845, %swap3A_846], %swap3A_849 {strides = array<i32>} : memref<2x1024x16xf32, #tpu.memory_space<vmem>>, vector<1x1x16xf32>,
        %mul3A_850 = arith.constant 16 : i32
        %mul3A_851 = arith.muli %scan3A_581, %mul3A_850 : i32
        %add3A_852 = arith.constant 14 : i32
        %add3A_853 = arith.addi %mul3A_851, %add3A_852 : i32
        %get3A_854 = arith.index_cast %and3A_361 : i32 to index
        %get3A_855 = arith.index_cast %add3A_853 : i32 to index
        %get3A_856 = arith.constant 0 : index
        %get3A_857 = tpu.vector_load %arg11[%get3A_854, %get3A_855, %get3A_856] {strides = array<i32>} : memref<2x1024x16xf32, #tpu.memory_space<vmem>>, vector<1x1x16xf32>,
        %get3A_858 = vector.shape_cast %get3A_857 : vector<1x1x16xf32> to vector<16xf32>
        %slice3A_859 = vector.extract_strided_slice %get3A_586 {offsets = [14], sizes = [1], strides = [1]} : vector<16xf32> to vector<1xf32>
        %squeeze3A_860 = vector.extract %slice3A_859[0] : f32 from vector<1xf32>
        %mul3A_861 = vector.broadcast %squeeze3A_860 : f32 to vector<16xf32>
        %mul3A_862 = arith.mulf %get3A_858, %mul3A_861 : vector<16xf32>
        %swap3A_863 = arith.index_cast %and3A_361 : i32 to index
        %swap3A_864 = arith.index_cast %add3A_853 : i32 to index
        %swap3A_865 = arith.constant 0 : index
        %swap3A_866 = tpu.vector_load %arg11[%swap3A_863, %swap3A_864, %swap3A_865] {strides = array<i32>} : memref<2x1024x16xf32, #tpu.memory_space<vmem>>, vector<1x1x16xf32>,
        %swap3A_867 = vector.shape_cast %swap3A_866 : vector<1x1x16xf32> to vector<16xf32>
        %swap3A_868 = vector.shape_cast %mul3A_862 : vector<16xf32> to vector<1x1x16xf32>
        tpu.vector_store %arg11[%swap3A_863, %swap3A_864, %swap3A_865], %swap3A_868 {strides = array<i32>} : memref<2x1024x16xf32, #tpu.memory_space<vmem>>, vector<1x1x16xf32>,
        %mul3A_869 = arith.constant 16 : i32
        %mul3A_870 = arith.muli %scan3A_581, %mul3A_869 : i32
        %add3A_871 = arith.constant 15 : i32
        %add3A_872 = arith.addi %mul3A_870, %add3A_871 : i32
        %get3A_873 = arith.index_cast %and3A_361 : i32 to index
        %get3A_874 = arith.index_cast %add3A_872 : i32 to index
        %get3A_875 = arith.constant 0 : index
        %get3A_876 = tpu.vector_load %arg11[%get3A_873, %get3A_874, %get3A_875] {strides = array<i32>} : memref<2x1024x16xf32, #tpu.memory_space<vmem>>, vector<1x1x16xf32>,
        %get3A_877 = vector.shape_cast %get3A_876 : vector<1x1x16xf32> to vector<16xf32>
        %slice3A_878 = vector.extract_strided_slice %get3A_586 {offsets = [15], sizes = [1], strides = [1]} : vector<16xf32> to vector<1xf32>
        %squeeze3A_879 = vector.extract %slice3A_878[0] : f32 from vector<1xf32>
        %mul3A_880 = vector.broadcast %squeeze3A_879 : f32 to vector<16xf32>
        %mul3A_881 = arith.mulf %get3A_877, %mul3A_880 : vector<16xf32>
        %swap3A_882 = arith.index_cast %and3A_361 : i32 to index
        %swap3A_883 = arith.index_cast %add3A_872 : i32 to index
        %swap3A_884 = arith.constant 0 : index
        %swap3A_885 = tpu.vector_load %arg11[%swap3A_882, %swap3A_883, %swap3A_884] {strides = array<i32>} : memref<2x1024x16xf32, #tpu.memory_space<vmem>>, vector<1x1x16xf32>,
        %swap3A_886 = vector.shape_cast %swap3A_885 : vector<1x1x16xf32> to vector<16xf32>
        %swap3A_887 = vector.shape_cast %mul3A_881 : vector<16xf32> to vector<1x1x16xf32>
        tpu.vector_store %arg11[%swap3A_882, %swap3A_883, %swap3A_884], %swap3A_887 {strides = array<i32>} : memref<2x1024x16xf32, #tpu.memory_space<vmem>>, vector<1x1x16xf32>,
      }
      %scan3A_474 = arith.constant 64 : i32
      %ge3A = arith.constant 1 : i32
      %ge3A_475 = arith.cmpi sge, %scan3A_349, %ge3A : i32
      %convert_element_type3A_476 = arith.extui %ge3A_475 : i1 to i32
      %cond3A_477 = arith.constant 0 : i32
      %cond3A_478 = arith.cmpi ne, %convert_element_type3A_476, %cond3A_477 : i32
      scf.if %cond3A_478 {
        %sub3A_581 = arith.constant 1 : i32
        %sub3A_582 = arith.subi %scan3A_349, %sub3A_581 : i32
        %jit3A_583 = arith.constant 3 : i32
        %eq3A_584 = arith.constant 0 : i32
        %eq3A_585 = arith.cmpi eq, %jit3A_583, %eq3A_584 : i32
        %jit3A_586 = arith.constant 1 : i32
        %select_n3A_587 = arith.select %eq3A_585, %jit3A_586, %jit3A_583 : i32
        %rem3A_588 = arith.remsi %sub3A_582, %select_n3A_587 : i32
        %ne3A_589 = arith.constant 0 : i32
        %ne3A_590 = arith.cmpi ne, %rem3A_588, %ne3A_589 : i32
        %lt3A_591 = arith.constant 0 : i32
        %lt3A_592 = arith.cmpi slt, %rem3A_588, %lt3A_591 : i32
        %lt3A_593 = arith.constant 0 : i32
        %lt3A_594 = arith.cmpi slt, %select_n3A_587, %lt3A_593 : i32
        %ne3A_595 = arith.xori %lt3A_592, %lt3A_594 : i1
        %and3A_596 = arith.andi %ne3A_595, %ne3A_590 : i1
        %add3A_597 = arith.addi %rem3A_588, %select_n3A_587 : i32
        %select_n3A_598 = arith.select %and3A_596, %add3A_597, %rem3A_588 : i32
        %dma_wait3A_599 = arith.constant 0 : i32
        %dma_wait3A_600 = arith.constant 0 : i32
        %dma_wait3A_601 = arith.constant 0 : i32
        %dma_wait3A_602 = tpu.memref_slice %arg11[%sub3A_380, %dma_wait3A_600, %dma_wait3A_601] : memref<2x1024x16xf32, #tpu.memory_space<vmem>> -> memref<1x128x16xf32, #tpu.memory_space<vmem>>
        %dma_wait3A_603 = tpu.memref_squeeze %dma_wait3A_602 : memref<1x128x16xf32, #tpu.memory_space<vmem>> -> memref<128x16xf32, #tpu.memory_space<vmem>>
        %dma_wait3A_604 = arith.constant 0 : i32
        %dma_wait3A_605 = tpu.memref_slice %arg9[%select_n3A_598, %dma_wait3A_599, %dma_wait3A_604] : memref<3x8x128xi32, #tpu.memory_space<vmem>> -> memref<1x1x128xi32, #tpu.memory_space<vmem>>
        %dma_wait3A_606 = tpu.memref_squeeze %dma_wait3A_605 : memref<1x1x128xi32, #tpu.memory_space<vmem>> -> memref<128xi32, #tpu.memory_space<vmem>>
        %dma_wait3A_607 = arith.constant 0 : i32
        %dma_wait3A_608 = arith.constant 0 : i32
        %dma_wait3A_609 = tpu.memref_slice %arg12[%dma_wait3A_607, %dma_wait3A_608] : memref<50000x16xf32, #tpu.memory_space<vmem_shared>> -> memref<50000x16xf32, #tpu.memory_space<vmem_shared>>
        tpu.wait_indirect_dma semaphore(%arg15 : memref<!tpu.dma_semaphore, #tpu.memory_space<semaphore_mem>>) src(%dma_wait3A_603 : memref<128x16xf32, #tpu.memory_space<vmem>>) dst(%dma_wait3A_609 : memref<50000x16xf32, #tpu.memory_space<vmem_shared>>)
        %dma_wait3A_610 = arith.constant 1 : i32
        %dma_wait3A_611 = arith.constant 128 : i32
        %dma_wait3A_612 = arith.constant 0 : i32
        %dma_wait3A_613 = tpu.memref_slice %arg11[%sub3A_380, %dma_wait3A_611, %dma_wait3A_612] : memref<2x1024x16xf32, #tpu.memory_space<vmem>> -> memref<1x128x16xf32, #tpu.memory_space<vmem>>
        %dma_wait3A_614 = tpu.memref_squeeze %dma_wait3A_613 : memref<1x128x16xf32, #tpu.memory_space<vmem>> -> memref<128x16xf32, #tpu.memory_space<vmem>>
        %dma_wait3A_615 = arith.constant 0 : i32
        %dma_wait3A_616 = tpu.memref_slice %arg9[%select_n3A_598, %dma_wait3A_610, %dma_wait3A_615] : memref<3x8x128xi32, #tpu.memory_space<vmem>> -> memref<1x1x128xi32, #tpu.memory_space<vmem>>
        %dma_wait3A_617 = tpu.memref_squeeze %dma_wait3A_616 : memref<1x1x128xi32, #tpu.memory_space<vmem>> -> memref<128xi32, #tpu.memory_space<vmem>>
        %dma_wait3A_618 = arith.constant 0 : i32
        %dma_wait3A_619 = arith.constant 0 : i32
        %dma_wait3A_620 = tpu.memref_slice %arg12[%dma_wait3A_618, %dma_wait3A_619] : memref<50000x16xf32, #tpu.memory_space<vmem_shared>> -> memref<50000x16xf32, #tpu.memory_space<vmem_shared>>
        tpu.wait_indirect_dma semaphore(%arg15 : memref<!tpu.dma_semaphore, #tpu.memory_space<semaphore_mem>>) src(%dma_wait3A_614 : memref<128x16xf32, #tpu.memory_space<vmem>>) dst(%dma_wait3A_620 : memref<50000x16xf32, #tpu.memory_space<vmem_shared>>)
        %dma_wait3A_621 = arith.constant 2 : i32
        %dma_wait3A_622 = arith.constant 256 : i32
        %dma_wait3A_623 = arith.constant 0 : i32
        %dma_wait3A_624 = tpu.memref_slice %arg11[%sub3A_380, %dma_wait3A_622, %dma_wait3A_623] : memref<2x1024x16xf32, #tpu.memory_space<vmem>> -> memref<1x128x16xf32, #tpu.memory_space<vmem>>
        %dma_wait3A_625 = tpu.memref_squeeze %dma_wait3A_624 : memref<1x128x16xf32, #tpu.memory_space<vmem>> -> memref<128x16xf32, #tpu.memory_space<vmem>>
        %dma_wait3A_626 = arith.constant 0 : i32
        %dma_wait3A_627 = tpu.memref_slice %arg9[%select_n3A_598, %dma_wait3A_621, %dma_wait3A_626] : memref<3x8x128xi32, #tpu.memory_space<vmem>> -> memref<1x1x128xi32, #tpu.memory_space<vmem>>
        %dma_wait3A_628 = tpu.memref_squeeze %dma_wait3A_627 : memref<1x1x128xi32, #tpu.memory_space<vmem>> -> memref<128xi32, #tpu.memory_space<vmem>>
        %dma_wait3A_629 = arith.constant 0 : i32
        %dma_wait3A_630 = arith.constant 0 : i32
        %dma_wait3A_631 = tpu.memref_slice %arg12[%dma_wait3A_629, %dma_wait3A_630] : memref<50000x16xf32, #tpu.memory_space<vmem_shared>> -> memref<50000x16xf32, #tpu.memory_space<vmem_shared>>
        tpu.wait_indirect_dma semaphore(%arg15 : memref<!tpu.dma_semaphore, #tpu.memory_space<semaphore_mem>>) src(%dma_wait3A_625 : memref<128x16xf32, #tpu.memory_space<vmem>>) dst(%dma_wait3A_631 : memref<50000x16xf32, #tpu.memory_space<vmem_shared>>)
        %dma_wait3A_632 = arith.constant 3 : i32
        %dma_wait3A_633 = arith.constant 384 : i32
        %dma_wait3A_634 = arith.constant 0 : i32
        %dma_wait3A_635 = tpu.memref_slice %arg11[%sub3A_380, %dma_wait3A_633, %dma_wait3A_634] : memref<2x1024x16xf32, #tpu.memory_space<vmem>> -> memref<1x128x16xf32, #tpu.memory_space<vmem>>
        %dma_wait3A_636 = tpu.memref_squeeze %dma_wait3A_635 : memref<1x128x16xf32, #tpu.memory_space<vmem>> -> memref<128x16xf32, #tpu.memory_space<vmem>>
        %dma_wait3A_637 = arith.constant 0 : i32
        %dma_wait3A_638 = tpu.memref_slice %arg9[%select_n3A_598, %dma_wait3A_632, %dma_wait3A_637] : memref<3x8x128xi32, #tpu.memory_space<vmem>> -> memref<1x1x128xi32, #tpu.memory_space<vmem>>
        %dma_wait3A_639 = tpu.memref_squeeze %dma_wait3A_638 : memref<1x1x128xi32, #tpu.memory_space<vmem>> -> memref<128xi32, #tpu.memory_space<vmem>>
        %dma_wait3A_640 = arith.constant 0 : i32
        %dma_wait3A_641 = arith.constant 0 : i32
        %dma_wait3A_642 = tpu.memref_slice %arg12[%dma_wait3A_640, %dma_wait3A_641] : memref<50000x16xf32, #tpu.memory_space<vmem_shared>> -> memref<50000x16xf32, #tpu.memory_space<vmem_shared>>
        tpu.wait_indirect_dma semaphore(%arg15 : memref<!tpu.dma_semaphore, #tpu.memory_space<semaphore_mem>>) src(%dma_wait3A_636 : memref<128x16xf32, #tpu.memory_space<vmem>>) dst(%dma_wait3A_642 : memref<50000x16xf32, #tpu.memory_space<vmem_shared>>)
        %dma_wait3A_643 = arith.constant 4 : i32
        %dma_wait3A_644 = arith.constant 512 : i32
        %dma_wait3A_645 = arith.constant 0 : i32
        %dma_wait3A_646 = tpu.memref_slice %arg11[%sub3A_380, %dma_wait3A_644, %dma_wait3A_645] : memref<2x1024x16xf32, #tpu.memory_space<vmem>> -> memref<1x128x16xf32, #tpu.memory_space<vmem>>
        %dma_wait3A_647 = tpu.memref_squeeze %dma_wait3A_646 : memref<1x128x16xf32, #tpu.memory_space<vmem>> -> memref<128x16xf32, #tpu.memory_space<vmem>>
        %dma_wait3A_648 = arith.constant 0 : i32
        %dma_wait3A_649 = tpu.memref_slice %arg9[%select_n3A_598, %dma_wait3A_643, %dma_wait3A_648] : memref<3x8x128xi32, #tpu.memory_space<vmem>> -> memref<1x1x128xi32, #tpu.memory_space<vmem>>
        %dma_wait3A_650 = tpu.memref_squeeze %dma_wait3A_649 : memref<1x1x128xi32, #tpu.memory_space<vmem>> -> memref<128xi32, #tpu.memory_space<vmem>>
        %dma_wait3A_651 = arith.constant 0 : i32
        %dma_wait3A_652 = arith.constant 0 : i32
        %dma_wait3A_653 = tpu.memref_slice %arg12[%dma_wait3A_651, %dma_wait3A_652] : memref<50000x16xf32, #tpu.memory_space<vmem_shared>> -> memref<50000x16xf32, #tpu.memory_space<vmem_shared>>
        tpu.wait_indirect_dma semaphore(%arg15 : memref<!tpu.dma_semaphore, #tpu.memory_space<semaphore_mem>>) src(%dma_wait3A_647 : memref<128x16xf32, #tpu.memory_space<vmem>>) dst(%dma_wait3A_653 : memref<50000x16xf32, #tpu.memory_space<vmem_shared>>)
        %dma_wait3A_654 = arith.constant 5 : i32
        %dma_wait3A_655 = arith.constant 640 : i32
        %dma_wait3A_656 = arith.constant 0 : i32
        %dma_wait3A_657 = tpu.memref_slice %arg11[%sub3A_380, %dma_wait3A_655, %dma_wait3A_656] : memref<2x1024x16xf32, #tpu.memory_space<vmem>> -> memref<1x128x16xf32, #tpu.memory_space<vmem>>
        %dma_wait3A_658 = tpu.memref_squeeze %dma_wait3A_657 : memref<1x128x16xf32, #tpu.memory_space<vmem>> -> memref<128x16xf32, #tpu.memory_space<vmem>>
        %dma_wait3A_659 = arith.constant 0 : i32
        %dma_wait3A_660 = tpu.memref_slice %arg9[%select_n3A_598, %dma_wait3A_654, %dma_wait3A_659] : memref<3x8x128xi32, #tpu.memory_space<vmem>> -> memref<1x1x128xi32, #tpu.memory_space<vmem>>
        %dma_wait3A_661 = tpu.memref_squeeze %dma_wait3A_660 : memref<1x1x128xi32, #tpu.memory_space<vmem>> -> memref<128xi32, #tpu.memory_space<vmem>>
        %dma_wait3A_662 = arith.constant 0 : i32
        %dma_wait3A_663 = arith.constant 0 : i32
        %dma_wait3A_664 = tpu.memref_slice %arg12[%dma_wait3A_662, %dma_wait3A_663] : memref<50000x16xf32, #tpu.memory_space<vmem_shared>> -> memref<50000x16xf32, #tpu.memory_space<vmem_shared>>
        tpu.wait_indirect_dma semaphore(%arg15 : memref<!tpu.dma_semaphore, #tpu.memory_space<semaphore_mem>>) src(%dma_wait3A_658 : memref<128x16xf32, #tpu.memory_space<vmem>>) dst(%dma_wait3A_664 : memref<50000x16xf32, #tpu.memory_space<vmem_shared>>)
        %dma_wait3A_665 = arith.constant 6 : i32
        %dma_wait3A_666 = arith.constant 768 : i32
        %dma_wait3A_667 = arith.constant 0 : i32
        %dma_wait3A_668 = tpu.memref_slice %arg11[%sub3A_380, %dma_wait3A_666, %dma_wait3A_667] : memref<2x1024x16xf32, #tpu.memory_space<vmem>> -> memref<1x128x16xf32, #tpu.memory_space<vmem>>
        %dma_wait3A_669 = tpu.memref_squeeze %dma_wait3A_668 : memref<1x128x16xf32, #tpu.memory_space<vmem>> -> memref<128x16xf32, #tpu.memory_space<vmem>>
        %dma_wait3A_670 = arith.constant 0 : i32
        %dma_wait3A_671 = tpu.memref_slice %arg9[%select_n3A_598, %dma_wait3A_665, %dma_wait3A_670] : memref<3x8x128xi32, #tpu.memory_space<vmem>> -> memref<1x1x128xi32, #tpu.memory_space<vmem>>
        %dma_wait3A_672 = tpu.memref_squeeze %dma_wait3A_671 : memref<1x1x128xi32, #tpu.memory_space<vmem>> -> memref<128xi32, #tpu.memory_space<vmem>>
        %dma_wait3A_673 = arith.constant 0 : i32
        %dma_wait3A_674 = arith.constant 0 : i32
        %dma_wait3A_675 = tpu.memref_slice %arg12[%dma_wait3A_673, %dma_wait3A_674] : memref<50000x16xf32, #tpu.memory_space<vmem_shared>> -> memref<50000x16xf32, #tpu.memory_space<vmem_shared>>
        tpu.wait_indirect_dma semaphore(%arg15 : memref<!tpu.dma_semaphore, #tpu.memory_space<semaphore_mem>>) src(%dma_wait3A_669 : memref<128x16xf32, #tpu.memory_space<vmem>>) dst(%dma_wait3A_675 : memref<50000x16xf32, #tpu.memory_space<vmem_shared>>)
        %dma_wait3A_676 = arith.constant 7 : i32
        %dma_wait3A_677 = arith.constant 896 : i32
        %dma_wait3A_678 = arith.constant 0 : i32
        %dma_wait3A_679 = tpu.memref_slice %arg11[%sub3A_380, %dma_wait3A_677, %dma_wait3A_678] : memref<2x1024x16xf32, #tpu.memory_space<vmem>> -> memref<1x128x16xf32, #tpu.memory_space<vmem>>
        %dma_wait3A_680 = tpu.memref_squeeze %dma_wait3A_679 : memref<1x128x16xf32, #tpu.memory_space<vmem>> -> memref<128x16xf32, #tpu.memory_space<vmem>>
        %dma_wait3A_681 = arith.constant 0 : i32
        %dma_wait3A_682 = tpu.memref_slice %arg9[%select_n3A_598, %dma_wait3A_676, %dma_wait3A_681] : memref<3x8x128xi32, #tpu.memory_space<vmem>> -> memref<1x1x128xi32, #tpu.memory_space<vmem>>
        %dma_wait3A_683 = tpu.memref_squeeze %dma_wait3A_682 : memref<1x1x128xi32, #tpu.memory_space<vmem>> -> memref<128xi32, #tpu.memory_space<vmem>>
        %dma_wait3A_684 = arith.constant 0 : i32
        %dma_wait3A_685 = arith.constant 0 : i32
        %dma_wait3A_686 = tpu.memref_slice %arg12[%dma_wait3A_684, %dma_wait3A_685] : memref<50000x16xf32, #tpu.memory_space<vmem_shared>> -> memref<50000x16xf32, #tpu.memory_space<vmem_shared>>
        tpu.wait_indirect_dma semaphore(%arg15 : memref<!tpu.dma_semaphore, #tpu.memory_space<semaphore_mem>>) src(%dma_wait3A_680 : memref<128x16xf32, #tpu.memory_space<vmem>>) dst(%dma_wait3A_686 : memref<50000x16xf32, #tpu.memory_space<vmem_shared>>)
      } else {
      }
      %dma_start3A_479 = arith.constant 0 : i32
      %dma_start3A_480 = arith.constant 0 : i32
      %dma_start3A_481 = arith.constant 0 : i32
      %dma_start3A_482 = tpu.memref_slice %arg11[%and3A_361, %dma_start3A_480, %dma_start3A_481] : memref<2x1024x16xf32, #tpu.memory_space<vmem>> -> memref<1x128x16xf32, #tpu.memory_space<vmem>>
      %dma_start3A_483 = tpu.memref_squeeze %dma_start3A_482 : memref<1x128x16xf32, #tpu.memory_space<vmem>> -> memref<128x16xf32, #tpu.memory_space<vmem>>
      %dma_start3A_484 = arith.constant 0 : i32
      %dma_start3A_485 = tpu.memref_slice %arg9[%select_n3A_359, %dma_start3A_479, %dma_start3A_484] : memref<3x8x128xi32, #tpu.memory_space<vmem>> -> memref<1x1x128xi32, #tpu.memory_space<vmem>>
      %dma_start3A_486 = tpu.memref_squeeze %dma_start3A_485 : memref<1x1x128xi32, #tpu.memory_space<vmem>> -> memref<128xi32, #tpu.memory_space<vmem>>
      %dma_start3A_487 = arith.constant 0 : i32
      %dma_start3A_488 = arith.constant 0 : i32
      %dma_start3A_489 = tpu.memref_slice %arg12[%dma_start3A_487, %dma_start3A_488] : memref<50000x16xf32, #tpu.memory_space<vmem_shared>> -> memref<50000x16xf32, #tpu.memory_space<vmem_shared>>
      tpu.enqueue_indirect_dma source(%dma_start3A_483 : memref<128x16xf32, #tpu.memory_space<vmem>>) target(%dma_start3A_489 : memref<50000x16xf32, #tpu.memory_space<vmem_shared>>) offsets(%dma_start3A_486 : memref<128xi32, #tpu.memory_space<vmem>>) semaphore(%arg15 : memref<!tpu.dma_semaphore, #tpu.memory_space<semaphore_mem>>) {add = true}
      %dma_start3A_490 = arith.constant 1 : i32
      %dma_start3A_491 = arith.constant 128 : i32
      %dma_start3A_492 = arith.constant 0 : i32
      %dma_start3A_493 = tpu.memref_slice %arg11[%and3A_361, %dma_start3A_491, %dma_start3A_492] : memref<2x1024x16xf32, #tpu.memory_space<vmem>> -> memref<1x128x16xf32, #tpu.memory_space<vmem>>
      %dma_start3A_494 = tpu.memref_squeeze %dma_start3A_493 : memref<1x128x16xf32, #tpu.memory_space<vmem>> -> memref<128x16xf32, #tpu.memory_space<vmem>>
      %dma_start3A_495 = arith.constant 0 : i32
      %dma_start3A_496 = tpu.memref_slice %arg9[%select_n3A_359, %dma_start3A_490, %dma_start3A_495] : memref<3x8x128xi32, #tpu.memory_space<vmem>> -> memref<1x1x128xi32, #tpu.memory_space<vmem>>
      %dma_start3A_497 = tpu.memref_squeeze %dma_start3A_496 : memref<1x1x128xi32, #tpu.memory_space<vmem>> -> memref<128xi32, #tpu.memory_space<vmem>>
      %dma_start3A_498 = arith.constant 0 : i32
      %dma_start3A_499 = arith.constant 0 : i32
      %dma_start3A_500 = tpu.memref_slice %arg12[%dma_start3A_498, %dma_start3A_499] : memref<50000x16xf32, #tpu.memory_space<vmem_shared>> -> memref<50000x16xf32, #tpu.memory_space<vmem_shared>>
      tpu.enqueue_indirect_dma source(%dma_start3A_494 : memref<128x16xf32, #tpu.memory_space<vmem>>) target(%dma_start3A_500 : memref<50000x16xf32, #tpu.memory_space<vmem_shared>>) offsets(%dma_start3A_497 : memref<128xi32, #tpu.memory_space<vmem>>) semaphore(%arg15 : memref<!tpu.dma_semaphore, #tpu.memory_space<semaphore_mem>>) {add = true}
      %dma_start3A_501 = arith.constant 2 : i32
      %dma_start3A_502 = arith.constant 256 : i32
      %dma_start3A_503 = arith.constant 0 : i32
      %dma_start3A_504 = tpu.memref_slice %arg11[%and3A_361, %dma_start3A_502, %dma_start3A_503] : memref<2x1024x16xf32, #tpu.memory_space<vmem>> -> memref<1x128x16xf32, #tpu.memory_space<vmem>>
      %dma_start3A_505 = tpu.memref_squeeze %dma_start3A_504 : memref<1x128x16xf32, #tpu.memory_space<vmem>> -> memref<128x16xf32, #tpu.memory_space<vmem>>
      %dma_start3A_506 = arith.constant 0 : i32
      %dma_start3A_507 = tpu.memref_slice %arg9[%select_n3A_359, %dma_start3A_501, %dma_start3A_506] : memref<3x8x128xi32, #tpu.memory_space<vmem>> -> memref<1x1x128xi32, #tpu.memory_space<vmem>>
      %dma_start3A_508 = tpu.memref_squeeze %dma_start3A_507 : memref<1x1x128xi32, #tpu.memory_space<vmem>> -> memref<128xi32, #tpu.memory_space<vmem>>
      %dma_start3A_509 = arith.constant 0 : i32
      %dma_start3A_510 = arith.constant 0 : i32
      %dma_start3A_511 = tpu.memref_slice %arg12[%dma_start3A_509, %dma_start3A_510] : memref<50000x16xf32, #tpu.memory_space<vmem_shared>> -> memref<50000x16xf32, #tpu.memory_space<vmem_shared>>
      tpu.enqueue_indirect_dma source(%dma_start3A_505 : memref<128x16xf32, #tpu.memory_space<vmem>>) target(%dma_start3A_511 : memref<50000x16xf32, #tpu.memory_space<vmem_shared>>) offsets(%dma_start3A_508 : memref<128xi32, #tpu.memory_space<vmem>>) semaphore(%arg15 : memref<!tpu.dma_semaphore, #tpu.memory_space<semaphore_mem>>) {add = true}
      %dma_start3A_512 = arith.constant 3 : i32
      %dma_start3A_513 = arith.constant 384 : i32
      %dma_start3A_514 = arith.constant 0 : i32
      %dma_start3A_515 = tpu.memref_slice %arg11[%and3A_361, %dma_start3A_513, %dma_start3A_514] : memref<2x1024x16xf32, #tpu.memory_space<vmem>> -> memref<1x128x16xf32, #tpu.memory_space<vmem>>
      %dma_start3A_516 = tpu.memref_squeeze %dma_start3A_515 : memref<1x128x16xf32, #tpu.memory_space<vmem>> -> memref<128x16xf32, #tpu.memory_space<vmem>>
      %dma_start3A_517 = arith.constant 0 : i32
      %dma_start3A_518 = tpu.memref_slice %arg9[%select_n3A_359, %dma_start3A_512, %dma_start3A_517] : memref<3x8x128xi32, #tpu.memory_space<vmem>> -> memref<1x1x128xi32, #tpu.memory_space<vmem>>
      %dma_start3A_519 = tpu.memref_squeeze %dma_start3A_518 : memref<1x1x128xi32, #tpu.memory_space<vmem>> -> memref<128xi32, #tpu.memory_space<vmem>>
      %dma_start3A_520 = arith.constant 0 : i32
      %dma_start3A_521 = arith.constant 0 : i32
      %dma_start3A_522 = tpu.memref_slice %arg12[%dma_start3A_520, %dma_start3A_521] : memref<50000x16xf32, #tpu.memory_space<vmem_shared>> -> memref<50000x16xf32, #tpu.memory_space<vmem_shared>>
      tpu.enqueue_indirect_dma source(%dma_start3A_516 : memref<128x16xf32, #tpu.memory_space<vmem>>) target(%dma_start3A_522 : memref<50000x16xf32, #tpu.memory_space<vmem_shared>>) offsets(%dma_start3A_519 : memref<128xi32, #tpu.memory_space<vmem>>) semaphore(%arg15 : memref<!tpu.dma_semaphore, #tpu.memory_space<semaphore_mem>>) {add = true}
      %dma_start3A_523 = arith.constant 4 : i32
      %dma_start3A_524 = arith.constant 512 : i32
      %dma_start3A_525 = arith.constant 0 : i32
      %dma_start3A_526 = tpu.memref_slice %arg11[%and3A_361, %dma_start3A_524, %dma_start3A_525] : memref<2x1024x16xf32, #tpu.memory_space<vmem>> -> memref<1x128x16xf32, #tpu.memory_space<vmem>>
      %dma_start3A_527 = tpu.memref_squeeze %dma_start3A_526 : memref<1x128x16xf32, #tpu.memory_space<vmem>> -> memref<128x16xf32, #tpu.memory_space<vmem>>
      %dma_start3A_528 = arith.constant 0 : i32
      %dma_start3A_529 = tpu.memref_slice %arg9[%select_n3A_359, %dma_start3A_523, %dma_start3A_528] : memref<3x8x128xi32, #tpu.memory_space<vmem>> -> memref<1x1x128xi32, #tpu.memory_space<vmem>>
      %dma_start3A_530 = tpu.memref_squeeze %dma_start3A_529 : memref<1x1x128xi32, #tpu.memory_space<vmem>> -> memref<128xi32, #tpu.memory_space<vmem>>
      %dma_start3A_531 = arith.constant 0 : i32
      %dma_start3A_532 = arith.constant 0 : i32
      %dma_start3A_533 = tpu.memref_slice %arg12[%dma_start3A_531, %dma_start3A_532] : memref<50000x16xf32, #tpu.memory_space<vmem_shared>> -> memref<50000x16xf32, #tpu.memory_space<vmem_shared>>
      tpu.enqueue_indirect_dma source(%dma_start3A_527 : memref<128x16xf32, #tpu.memory_space<vmem>>) target(%dma_start3A_533 : memref<50000x16xf32, #tpu.memory_space<vmem_shared>>) offsets(%dma_start3A_530 : memref<128xi32, #tpu.memory_space<vmem>>) semaphore(%arg15 : memref<!tpu.dma_semaphore, #tpu.memory_space<semaphore_mem>>) {add = true}
      %dma_start3A_534 = arith.constant 5 : i32
      %dma_start3A_535 = arith.constant 640 : i32
      %dma_start3A_536 = arith.constant 0 : i32
      %dma_start3A_537 = tpu.memref_slice %arg11[%and3A_361, %dma_start3A_535, %dma_start3A_536] : memref<2x1024x16xf32, #tpu.memory_space<vmem>> -> memref<1x128x16xf32, #tpu.memory_space<vmem>>
      %dma_start3A_538 = tpu.memref_squeeze %dma_start3A_537 : memref<1x128x16xf32, #tpu.memory_space<vmem>> -> memref<128x16xf32, #tpu.memory_space<vmem>>
      %dma_start3A_539 = arith.constant 0 : i32
      %dma_start3A_540 = tpu.memref_slice %arg9[%select_n3A_359, %dma_start3A_534, %dma_start3A_539] : memref<3x8x128xi32, #tpu.memory_space<vmem>> -> memref<1x1x128xi32, #tpu.memory_space<vmem>>
      %dma_start3A_541 = tpu.memref_squeeze %dma_start3A_540 : memref<1x1x128xi32, #tpu.memory_space<vmem>> -> memref<128xi32, #tpu.memory_space<vmem>>
      %dma_start3A_542 = arith.constant 0 : i32
      %dma_start3A_543 = arith.constant 0 : i32
      %dma_start3A_544 = tpu.memref_slice %arg12[%dma_start3A_542, %dma_start3A_543] : memref<50000x16xf32, #tpu.memory_space<vmem_shared>> -> memref<50000x16xf32, #tpu.memory_space<vmem_shared>>
      tpu.enqueue_indirect_dma source(%dma_start3A_538 : memref<128x16xf32, #tpu.memory_space<vmem>>) target(%dma_start3A_544 : memref<50000x16xf32, #tpu.memory_space<vmem_shared>>) offsets(%dma_start3A_541 : memref<128xi32, #tpu.memory_space<vmem>>) semaphore(%arg15 : memref<!tpu.dma_semaphore, #tpu.memory_space<semaphore_mem>>) {add = true}
      %dma_start3A_545 = arith.constant 6 : i32
      %dma_start3A_546 = arith.constant 768 : i32
      %dma_start3A_547 = arith.constant 0 : i32
      %dma_start3A_548 = tpu.memref_slice %arg11[%and3A_361, %dma_start3A_546, %dma_start3A_547] : memref<2x1024x16xf32, #tpu.memory_space<vmem>> -> memref<1x128x16xf32, #tpu.memory_space<vmem>>
      %dma_start3A_549 = tpu.memref_squeeze %dma_start3A_548 : memref<1x128x16xf32, #tpu.memory_space<vmem>> -> memref<128x16xf32, #tpu.memory_space<vmem>>
      %dma_start3A_550 = arith.constant 0 : i32
      %dma_start3A_551 = tpu.memref_slice %arg9[%select_n3A_359, %dma_start3A_545, %dma_start3A_550] : memref<3x8x128xi32, #tpu.memory_space<vmem>> -> memref<1x1x128xi32, #tpu.memory_space<vmem>>
      %dma_start3A_552 = tpu.memref_squeeze %dma_start3A_551 : memref<1x1x128xi32, #tpu.memory_space<vmem>> -> memref<128xi32, #tpu.memory_space<vmem>>
      %dma_start3A_553 = arith.constant 0 : i32
      %dma_start3A_554 = arith.constant 0 : i32
      %dma_start3A_555 = tpu.memref_slice %arg12[%dma_start3A_553, %dma_start3A_554] : memref<50000x16xf32, #tpu.memory_space<vmem_shared>> -> memref<50000x16xf32, #tpu.memory_space<vmem_shared>>
      tpu.enqueue_indirect_dma source(%dma_start3A_549 : memref<128x16xf32, #tpu.memory_space<vmem>>) target(%dma_start3A_555 : memref<50000x16xf32, #tpu.memory_space<vmem_shared>>) offsets(%dma_start3A_552 : memref<128xi32, #tpu.memory_space<vmem>>) semaphore(%arg15 : memref<!tpu.dma_semaphore, #tpu.memory_space<semaphore_mem>>) {add = true}
      %dma_start3A_556 = arith.constant 7 : i32
      %dma_start3A_557 = arith.constant 896 : i32
      %dma_start3A_558 = arith.constant 0 : i32
      %dma_start3A_559 = tpu.memref_slice %arg11[%and3A_361, %dma_start3A_557, %dma_start3A_558] : memref<2x1024x16xf32, #tpu.memory_space<vmem>> -> memref<1x128x16xf32, #tpu.memory_space<vmem>>
      %dma_start3A_560 = tpu.memref_squeeze %dma_start3A_559 : memref<1x128x16xf32, #tpu.memory_space<vmem>> -> memref<128x16xf32, #tpu.memory_space<vmem>>
      %dma_start3A_561 = arith.constant 0 : i32
      %dma_start3A_562 = tpu.memref_slice %arg9[%select_n3A_359, %dma_start3A_556, %dma_start3A_561] : memref<3x8x128xi32, #tpu.memory_space<vmem>> -> memref<1x1x128xi32, #tpu.memory_space<vmem>>
      %dma_start3A_563 = tpu.memref_squeeze %dma_start3A_562 : memref<1x1x128xi32, #tpu.memory_space<vmem>> -> memref<128xi32, #tpu.memory_space<vmem>>
      %dma_start3A_564 = arith.constant 0 : i32
      %dma_start3A_565 = arith.constant 0 : i32
      %dma_start3A_566 = tpu.memref_slice %arg12[%dma_start3A_564, %dma_start3A_565] : memref<50000x16xf32, #tpu.memory_space<vmem_shared>> -> memref<50000x16xf32, #tpu.memory_space<vmem_shared>>
      tpu.enqueue_indirect_dma source(%dma_start3A_560 : memref<128x16xf32, #tpu.memory_space<vmem>>) target(%dma_start3A_566 : memref<50000x16xf32, #tpu.memory_space<vmem_shared>>) offsets(%dma_start3A_563 : memref<128xi32, #tpu.memory_space<vmem>>) semaphore(%arg15 : memref<!tpu.dma_semaphore, #tpu.memory_space<semaphore_mem>>) {add = true}
      %add3A_567 = arith.constant 1 : i32
      %add3A_568 = arith.addi %scan3A_349, %add3A_567 : i32
      %lt3A_569 = arith.constant 98 : i32
      %lt3A_570 = arith.cmpi slt, %add3A_568, %lt3A_569 : i32
      %convert_element_type3A_571 = arith.extui %lt3A_570 : i1 to i32
      %cond3A_572 = arith.constant 0 : i32
      %cond3A_573 = arith.cmpi ne, %convert_element_type3A_571, %cond3A_572 : i32
      scf.if %cond3A_573 {
        %add3A_581 = arith.constant 1 : i32
        %add3A_582 = arith.addi %scan3A_349, %add3A_581 : i32
        %mul3A_583 = arith.constant 98 : i32
        %mul3A_584 = arith.muli %add3A, %mul3A_583 : i32
        %add3A_585 = arith.addi %mul3A_584, %add3A_582 : i32
        %mul3A_586 = arith.constant 8 : i32
        %mul3A_587 = arith.muli %add3A_585, %mul3A_586 : i32
        %mul3A_588 = arith.constant 128 : i32
        %mul3A_589 = arith.muli %mul3A_587, %mul3A_588 : i32
        %dma_wait3A_590 = arith.constant 0 : i32
        %dma_wait3A_591 = arith.constant 0 : i32
        %dma_wait3A_592 = tpu.memref_slice %arg8[%select_n3A_379, %dma_wait3A_590, %dma_wait3A_591] : memref<3x8x128xi32, #tpu.memory_space<vmem>> -> memref<1x8x128xi32, #tpu.memory_space<vmem>>
        %dma_wait3A_593 = tpu.memref_squeeze %dma_wait3A_592 : memref<1x8x128xi32, #tpu.memory_space<vmem>> -> memref<8x128xi32, #tpu.memory_space<vmem>>
        %dma_wait3A_594 = arith.constant 0 : i32
        %dma_wait3A_595 = tpu.memref_slice %arg4[%mul3A_587, %dma_wait3A_594] : memref<25088x128xi32, #tpu.memory_space<hbm>> -> memref<8x128xi32, #tpu.memory_space<hbm>>
        %dma_wait3A_596 = arith.constant 0 : i32
        %dma_wait3A_597 = arith.constant 0 : i32
        %dma_wait3A_598 = tpu.memref_slice %arg8[%select_n3A_379, %dma_wait3A_596, %dma_wait3A_597] : memref<3x8x128xi32, #tpu.memory_space<vmem>> -> memref<1x8x128xi32, #tpu.memory_space<vmem>>
        %dma_wait3A_599 = tpu.memref_squeeze %dma_wait3A_598 : memref<1x8x128xi32, #tpu.memory_space<vmem>> -> memref<8x128xi32, #tpu.memory_space<vmem>>
        %dma_wait3A_600 = arith.constant 0 : i32
        %dma_wait3A_601 = tpu.memref_slice %arg4[%mul3A_587, %dma_wait3A_600] : memref<25088x128xi32, #tpu.memory_space<hbm>> -> memref<8x128xi32, #tpu.memory_space<hbm>>
        tpu.wait_dma2 semaphore(%arg13 : memref<!tpu.dma_semaphore, #tpu.memory_space<semaphore_mem>>) src(%dma_wait3A_601 : memref<8x128xi32, #tpu.memory_space<hbm>>) dst(%dma_wait3A_599 : memref<8x128xi32, #tpu.memory_space<vmem>>)
        %dma_wait3A_602 = arith.constant 0 : i32
        %dma_wait3A_603 = arith.constant 0 : i32
        %dma_wait3A_604 = tpu.memref_slice %arg9[%select_n3A_379, %dma_wait3A_602, %dma_wait3A_603] : memref<3x8x128xi32, #tpu.memory_space<vmem>> -> memref<1x8x128xi32, #tpu.memory_space<vmem>>
        %dma_wait3A_605 = tpu.memref_squeeze %dma_wait3A_604 : memref<1x8x128xi32, #tpu.memory_space<vmem>> -> memref<8x128xi32, #tpu.memory_space<vmem>>
        %dma_wait3A_606 = arith.constant 0 : i32
        %dma_wait3A_607 = tpu.memref_slice %arg5[%mul3A_587, %dma_wait3A_606] : memref<25088x128xi32, #tpu.memory_space<hbm>> -> memref<8x128xi32, #tpu.memory_space<hbm>>
        %dma_wait3A_608 = arith.constant 0 : i32
        %dma_wait3A_609 = arith.constant 0 : i32
        %dma_wait3A_610 = tpu.memref_slice %arg9[%select_n3A_379, %dma_wait3A_608, %dma_wait3A_609] : memref<3x8x128xi32, #tpu.memory_space<vmem>> -> memref<1x8x128xi32, #tpu.memory_space<vmem>>
        %dma_wait3A_611 = tpu.memref_squeeze %dma_wait3A_610 : memref<1x8x128xi32, #tpu.memory_space<vmem>> -> memref<8x128xi32, #tpu.memory_space<vmem>>
        %dma_wait3A_612 = arith.constant 0 : i32
        %dma_wait3A_613 = tpu.memref_slice %arg5[%mul3A_587, %dma_wait3A_612] : memref<25088x128xi32, #tpu.memory_space<hbm>> -> memref<8x128xi32, #tpu.memory_space<hbm>>
        tpu.wait_dma2 semaphore(%arg13 : memref<!tpu.dma_semaphore, #tpu.memory_space<semaphore_mem>>) src(%dma_wait3A_613 : memref<8x128xi32, #tpu.memory_space<hbm>>) dst(%dma_wait3A_611 : memref<8x128xi32, #tpu.memory_space<vmem>>)
        %dma_wait3A_614 = arith.constant 0 : i32
        %dma_wait3A_615 = tpu.memref_slice %arg10[%select_n3A_379, %dma_wait3A_614] : memref<3x1024xf32, #tpu.memory_space<vmem>> -> memref<1x1024xf32, #tpu.memory_space<vmem>>
        %dma_wait3A_616 = tpu.memref_squeeze %dma_wait3A_615 : memref<1x1024xf32, #tpu.memory_space<vmem>> -> memref<1024xf32, #tpu.memory_space<vmem>>
        %dma_wait3A_617 = tpu.memref_slice %arg3[%mul3A_589] : memref<3211264xf32, #tpu.memory_space<hbm>> -> memref<1024xf32, #tpu.memory_space<hbm>>
        %dma_wait3A_618 = arith.constant 0 : i32
        %dma_wait3A_619 = tpu.memref_slice %arg10[%select_n3A_379, %dma_wait3A_618] : memref<3x1024xf32, #tpu.memory_space<vmem>> -> memref<1x1024xf32, #tpu.memory_space<vmem>>
        %dma_wait3A_620 = tpu.memref_squeeze %dma_wait3A_619 : memref<1x1024xf32, #tpu.memory_space<vmem>> -> memref<1024xf32, #tpu.memory_space<vmem>>
        %dma_wait3A_621 = tpu.memref_slice %arg3[%mul3A_589] : memref<3211264xf32, #tpu.memory_space<hbm>> -> memref<1024xf32, #tpu.memory_space<hbm>>
        tpu.wait_dma2 semaphore(%arg13 : memref<!tpu.dma_semaphore, #tpu.memory_space<semaphore_mem>>) src(%dma_wait3A_621 : memref<1024xf32, #tpu.memory_space<hbm>>) dst(%dma_wait3A_620 : memref<1024xf32, #tpu.memory_space<vmem>>)
        %dma_start3A_622 = arith.constant 0 : i32
        %dma_start3A_623 = arith.constant 0 : i32
        %dma_start3A_624 = arith.constant 0 : i32
        %dma_start3A_625 = tpu.memref_slice %arg11[%sub3A_380, %dma_start3A_623, %dma_start3A_624] : memref<2x1024x16xf32, #tpu.memory_space<vmem>> -> memref<1x128x16xf32, #tpu.memory_space<vmem>>
        %dma_start3A_626 = tpu.memref_squeeze %dma_start3A_625 : memref<1x128x16xf32, #tpu.memory_space<vmem>> -> memref<128x16xf32, #tpu.memory_space<vmem>>
        %dma_start3A_627 = arith.constant 0 : i32
        %dma_start3A_628 = tpu.memref_slice %arg8[%select_n3A_379, %dma_start3A_622, %dma_start3A_627] : memref<3x8x128xi32, #tpu.memory_space<vmem>> -> memref<1x1x128xi32, #tpu.memory_space<vmem>>
        %dma_start3A_629 = tpu.memref_squeeze %dma_start3A_628 : memref<1x1x128xi32, #tpu.memory_space<vmem>> -> memref<128xi32, #tpu.memory_space<vmem>>
        %dma_start3A_630 = arith.constant 0 : i32
        %dma_start3A_631 = arith.constant 0 : i32
        %dma_start3A_632 = tpu.memref_slice %arg2[%dma_start3A_630, %dma_start3A_631] : memref<870400x16xf32, #tpu.memory_space<hbm>> -> memref<870400x16xf32, #tpu.memory_space<hbm>>
        tpu.enqueue_indirect_dma source(%dma_start3A_632 : memref<870400x16xf32, #tpu.memory_space<hbm>>) target(%dma_start3A_626 : memref<128x16xf32, #tpu.memory_space<vmem>>) offsets(%dma_start3A_629 : memref<128xi32, #tpu.memory_space<vmem>>) semaphore(%arg14 : memref<!tpu.dma_semaphore, #tpu.memory_space<semaphore_mem>>)
        %dma_start3A_633 = arith.constant 1 : i32
        %dma_start3A_634 = arith.constant 128 : i32
        %dma_start3A_635 = arith.constant 0 : i32
        %dma_start3A_636 = tpu.memref_slice %arg11[%sub3A_380, %dma_start3A_634, %dma_start3A_635] : memref<2x1024x16xf32, #tpu.memory_space<vmem>> -> memref<1x128x16xf32, #tpu.memory_space<vmem>>
        %dma_start3A_637 = tpu.memref_squeeze %dma_start3A_636 : memref<1x128x16xf32, #tpu.memory_space<vmem>> -> memref<128x16xf32, #tpu.memory_space<vmem>>
        %dma_start3A_638 = arith.constant 0 : i32
        %dma_start3A_639 = tpu.memref_slice %arg8[%select_n3A_379, %dma_start3A_633, %dma_start3A_638] : memref<3x8x128xi32, #tpu.memory_space<vmem>> -> memref<1x1x128xi32, #tpu.memory_space<vmem>>
        %dma_start3A_640 = tpu.memref_squeeze %dma_start3A_639 : memref<1x1x128xi32, #tpu.memory_space<vmem>> -> memref<128xi32, #tpu.memory_space<vmem>>
        %dma_start3A_641 = arith.constant 0 : i32
        %dma_start3A_642 = arith.constant 0 : i32
        %dma_start3A_643 = tpu.memref_slice %arg2[%dma_start3A_641, %dma_start3A_642] : memref<870400x16xf32, #tpu.memory_space<hbm>> -> memref<870400x16xf32, #tpu.memory_space<hbm>>
        tpu.enqueue_indirect_dma source(%dma_start3A_643 : memref<870400x16xf32, #tpu.memory_space<hbm>>) target(%dma_start3A_637 : memref<128x16xf32, #tpu.memory_space<vmem>>) offsets(%dma_start3A_640 : memref<128xi32, #tpu.memory_space<vmem>>) semaphore(%arg14 : memref<!tpu.dma_semaphore, #tpu.memory_space<semaphore_mem>>)
        %dma_start3A_644 = arith.constant 2 : i32
        %dma_start3A_645 = arith.constant 256 : i32
        %dma_start3A_646 = arith.constant 0 : i32
        %dma_start3A_647 = tpu.memref_slice %arg11[%sub3A_380, %dma_start3A_645, %dma_start3A_646] : memref<2x1024x16xf32, #tpu.memory_space<vmem>> -> memref<1x128x16xf32, #tpu.memory_space<vmem>>
        %dma_start3A_648 = tpu.memref_squeeze %dma_start3A_647 : memref<1x128x16xf32, #tpu.memory_space<vmem>> -> memref<128x16xf32, #tpu.memory_space<vmem>>
        %dma_start3A_649 = arith.constant 0 : i32
        %dma_start3A_650 = tpu.memref_slice %arg8[%select_n3A_379, %dma_start3A_644, %dma_start3A_649] : memref<3x8x128xi32, #tpu.memory_space<vmem>> -> memref<1x1x128xi32, #tpu.memory_space<vmem>>
        %dma_start3A_651 = tpu.memref_squeeze %dma_start3A_650 : memref<1x1x128xi32, #tpu.memory_space<vmem>> -> memref<128xi32, #tpu.memory_space<vmem>>
        %dma_start3A_652 = arith.constant 0 : i32
        %dma_start3A_653 = arith.constant 0 : i32
        %dma_start3A_654 = tpu.memref_slice %arg2[%dma_start3A_652, %dma_start3A_653] : memref<870400x16xf32, #tpu.memory_space<hbm>> -> memref<870400x16xf32, #tpu.memory_space<hbm>>
        tpu.enqueue_indirect_dma source(%dma_start3A_654 : memref<870400x16xf32, #tpu.memory_space<hbm>>) target(%dma_start3A_648 : memref<128x16xf32, #tpu.memory_space<vmem>>) offsets(%dma_start3A_651 : memref<128xi32, #tpu.memory_space<vmem>>) semaphore(%arg14 : memref<!tpu.dma_semaphore, #tpu.memory_space<semaphore_mem>>)
        %dma_start3A_655 = arith.constant 3 : i32
        %dma_start3A_656 = arith.constant 384 : i32
        %dma_start3A_657 = arith.constant 0 : i32
        %dma_start3A_658 = tpu.memref_slice %arg11[%sub3A_380, %dma_start3A_656, %dma_start3A_657] : memref<2x1024x16xf32, #tpu.memory_space<vmem>> -> memref<1x128x16xf32, #tpu.memory_space<vmem>>
        %dma_start3A_659 = tpu.memref_squeeze %dma_start3A_658 : memref<1x128x16xf32, #tpu.memory_space<vmem>> -> memref<128x16xf32, #tpu.memory_space<vmem>>
        %dma_start3A_660 = arith.constant 0 : i32
        %dma_start3A_661 = tpu.memref_slice %arg8[%select_n3A_379, %dma_start3A_655, %dma_start3A_660] : memref<3x8x128xi32, #tpu.memory_space<vmem>> -> memref<1x1x128xi32, #tpu.memory_space<vmem>>
        %dma_start3A_662 = tpu.memref_squeeze %dma_start3A_661 : memref<1x1x128xi32, #tpu.memory_space<vmem>> -> memref<128xi32, #tpu.memory_space<vmem>>
        %dma_start3A_663 = arith.constant 0 : i32
        %dma_start3A_664 = arith.constant 0 : i32
        %dma_start3A_665 = tpu.memref_slice %arg2[%dma_start3A_663, %dma_start3A_664] : memref<870400x16xf32, #tpu.memory_space<hbm>> -> memref<870400x16xf32, #tpu.memory_space<hbm>>
        tpu.enqueue_indirect_dma source(%dma_start3A_665 : memref<870400x16xf32, #tpu.memory_space<hbm>>) target(%dma_start3A_659 : memref<128x16xf32, #tpu.memory_space<vmem>>) offsets(%dma_start3A_662 : memref<128xi32, #tpu.memory_space<vmem>>) semaphore(%arg14 : memref<!tpu.dma_semaphore, #tpu.memory_space<semaphore_mem>>)
        %dma_start3A_666 = arith.constant 4 : i32
        %dma_start3A_667 = arith.constant 512 : i32
        %dma_start3A_668 = arith.constant 0 : i32
        %dma_start3A_669 = tpu.memref_slice %arg11[%sub3A_380, %dma_start3A_667, %dma_start3A_668] : memref<2x1024x16xf32, #tpu.memory_space<vmem>> -> memref<1x128x16xf32, #tpu.memory_space<vmem>>
        %dma_start3A_670 = tpu.memref_squeeze %dma_start3A_669 : memref<1x128x16xf32, #tpu.memory_space<vmem>> -> memref<128x16xf32, #tpu.memory_space<vmem>>
        %dma_start3A_671 = arith.constant 0 : i32
        %dma_start3A_672 = tpu.memref_slice %arg8[%select_n3A_379, %dma_start3A_666, %dma_start3A_671] : memref<3x8x128xi32, #tpu.memory_space<vmem>> -> memref<1x1x128xi32, #tpu.memory_space<vmem>>
        %dma_start3A_673 = tpu.memref_squeeze %dma_start3A_672 : memref<1x1x128xi32, #tpu.memory_space<vmem>> -> memref<128xi32, #tpu.memory_space<vmem>>
        %dma_start3A_674 = arith.constant 0 : i32
        %dma_start3A_675 = arith.constant 0 : i32
        %dma_start3A_676 = tpu.memref_slice %arg2[%dma_start3A_674, %dma_start3A_675] : memref<870400x16xf32, #tpu.memory_space<hbm>> -> memref<870400x16xf32, #tpu.memory_space<hbm>>
        tpu.enqueue_indirect_dma source(%dma_start3A_676 : memref<870400x16xf32, #tpu.memory_space<hbm>>) target(%dma_start3A_670 : memref<128x16xf32, #tpu.memory_space<vmem>>) offsets(%dma_start3A_673 : memref<128xi32, #tpu.memory_space<vmem>>) semaphore(%arg14 : memref<!tpu.dma_semaphore, #tpu.memory_space<semaphore_mem>>)
        %dma_start3A_677 = arith.constant 5 : i32
        %dma_start3A_678 = arith.constant 640 : i32
        %dma_start3A_679 = arith.constant 0 : i32
        %dma_start3A_680 = tpu.memref_slice %arg11[%sub3A_380, %dma_start3A_678, %dma_start3A_679] : memref<2x1024x16xf32, #tpu.memory_space<vmem>> -> memref<1x128x16xf32, #tpu.memory_space<vmem>>
        %dma_start3A_681 = tpu.memref_squeeze %dma_start3A_680 : memref<1x128x16xf32, #tpu.memory_space<vmem>> -> memref<128x16xf32, #tpu.memory_space<vmem>>
        %dma_start3A_682 = arith.constant 0 : i32
        %dma_start3A_683 = tpu.memref_slice %arg8[%select_n3A_379, %dma_start3A_677, %dma_start3A_682] : memref<3x8x128xi32, #tpu.memory_space<vmem>> -> memref<1x1x128xi32, #tpu.memory_space<vmem>>
        %dma_start3A_684 = tpu.memref_squeeze %dma_start3A_683 : memref<1x1x128xi32, #tpu.memory_space<vmem>> -> memref<128xi32, #tpu.memory_space<vmem>>
        %dma_start3A_685 = arith.constant 0 : i32
        %dma_start3A_686 = arith.constant 0 : i32
        %dma_start3A_687 = tpu.memref_slice %arg2[%dma_start3A_685, %dma_start3A_686] : memref<870400x16xf32, #tpu.memory_space<hbm>> -> memref<870400x16xf32, #tpu.memory_space<hbm>>
        tpu.enqueue_indirect_dma source(%dma_start3A_687 : memref<870400x16xf32, #tpu.memory_space<hbm>>) target(%dma_start3A_681 : memref<128x16xf32, #tpu.memory_space<vmem>>) offsets(%dma_start3A_684 : memref<128xi32, #tpu.memory_space<vmem>>) semaphore(%arg14 : memref<!tpu.dma_semaphore, #tpu.memory_space<semaphore_mem>>)
        %dma_start3A_688 = arith.constant 6 : i32
        %dma_start3A_689 = arith.constant 768 : i32
        %dma_start3A_690 = arith.constant 0 : i32
        %dma_start3A_691 = tpu.memref_slice %arg11[%sub3A_380, %dma_start3A_689, %dma_start3A_690] : memref<2x1024x16xf32, #tpu.memory_space<vmem>> -> memref<1x128x16xf32, #tpu.memory_space<vmem>>
        %dma_start3A_692 = tpu.memref_squeeze %dma_start3A_691 : memref<1x128x16xf32, #tpu.memory_space<vmem>> -> memref<128x16xf32, #tpu.memory_space<vmem>>
        %dma_start3A_693 = arith.constant 0 : i32
        %dma_start3A_694 = tpu.memref_slice %arg8[%select_n3A_379, %dma_start3A_688, %dma_start3A_693] : memref<3x8x128xi32, #tpu.memory_space<vmem>> -> memref<1x1x128xi32, #tpu.memory_space<vmem>>
        %dma_start3A_695 = tpu.memref_squeeze %dma_start3A_694 : memref<1x1x128xi32, #tpu.memory_space<vmem>> -> memref<128xi32, #tpu.memory_space<vmem>>
        %dma_start3A_696 = arith.constant 0 : i32
        %dma_start3A_697 = arith.constant 0 : i32
        %dma_start3A_698 = tpu.memref_slice %arg2[%dma_start3A_696, %dma_start3A_697] : memref<870400x16xf32, #tpu.memory_space<hbm>> -> memref<870400x16xf32, #tpu.memory_space<hbm>>
        tpu.enqueue_indirect_dma source(%dma_start3A_698 : memref<870400x16xf32, #tpu.memory_space<hbm>>) target(%dma_start3A_692 : memref<128x16xf32, #tpu.memory_space<vmem>>) offsets(%dma_start3A_695 : memref<128xi32, #tpu.memory_space<vmem>>) semaphore(%arg14 : memref<!tpu.dma_semaphore, #tpu.memory_space<semaphore_mem>>)
        %dma_start3A_699 = arith.constant 7 : i32
        %dma_start3A_700 = arith.constant 896 : i32
        %dma_start3A_701 = arith.constant 0 : i32
        %dma_start3A_702 = tpu.memref_slice %arg11[%sub3A_380, %dma_start3A_700, %dma_start3A_701] : memref<2x1024x16xf32, #tpu.memory_space<vmem>> -> memref<1x128x16xf32, #tpu.memory_space<vmem>>
        %dma_start3A_703 = tpu.memref_squeeze %dma_start3A_702 : memref<1x128x16xf32, #tpu.memory_space<vmem>> -> memref<128x16xf32, #tpu.memory_space<vmem>>
        %dma_start3A_704 = arith.constant 0 : i32
        %dma_start3A_705 = tpu.memref_slice %arg8[%select_n3A_379, %dma_start3A_699, %dma_start3A_704] : memref<3x8x128xi32, #tpu.memory_space<vmem>> -> memref<1x1x128xi32, #tpu.memory_space<vmem>>
        %dma_start3A_706 = tpu.memref_squeeze %dma_start3A_705 : memref<1x1x128xi32, #tpu.memory_space<vmem>> -> memref<128xi32, #tpu.memory_space<vmem>>
        %dma_start3A_707 = arith.constant 0 : i32
        %dma_start3A_708 = arith.constant 0 : i32
        %dma_start3A_709 = tpu.memref_slice %arg2[%dma_start3A_707, %dma_start3A_708] : memref<870400x16xf32, #tpu.memory_space<hbm>> -> memref<870400x16xf32, #tpu.memory_space<hbm>>
        tpu.enqueue_indirect_dma source(%dma_start3A_709 : memref<870400x16xf32, #tpu.memory_space<hbm>>) target(%dma_start3A_703 : memref<128x16xf32, #tpu.memory_space<vmem>>) offsets(%dma_start3A_706 : memref<128xi32, #tpu.memory_space<vmem>>) semaphore(%arg14 : memref<!tpu.dma_semaphore, #tpu.memory_space<semaphore_mem>>)
      } else {
      }
      %add3A_574 = arith.constant 2 : i32
      %add3A_575 = arith.addi %scan3A_349, %add3A_574 : i32
      %lt3A_576 = arith.constant 98 : i32
      %lt3A_577 = arith.cmpi slt, %add3A_575, %lt3A_576 : i32
      %convert_element_type3A_578 = arith.extui %lt3A_577 : i1 to i32
      %cond3A_579 = arith.constant 0 : i32
      %cond3A_580 = arith.cmpi ne, %convert_element_type3A_578, %cond3A_579 : i32
      scf.if %cond3A_580 {
        %add3A_581 = arith.constant 2 : i32
        %add3A_582 = arith.addi %scan3A_349, %add3A_581 : i32
        %add3A_583 = arith.constant 2 : i32
        %add3A_584 = arith.addi %scan3A_349, %add3A_583 : i32
        %jit3A_585 = arith.constant 3 : i32
        %eq3A_586 = arith.constant 0 : i32
        %eq3A_587 = arith.cmpi eq, %jit3A_585, %eq3A_586 : i32
        %jit3A_588 = arith.constant 1 : i32
        %select_n3A_589 = arith.select %eq3A_587, %jit3A_588, %jit3A_585 : i32
        %rem3A_590 = arith.remsi %add3A_584, %select_n3A_589 : i32
        %ne3A_591 = arith.constant 0 : i32
        %ne3A_592 = arith.cmpi ne, %rem3A_590, %ne3A_591 : i32
        %lt3A_593 = arith.constant 0 : i32
        %lt3A_594 = arith.cmpi slt, %rem3A_590, %lt3A_593 : i32
        %lt3A_595 = arith.constant 0 : i32
        %lt3A_596 = arith.cmpi slt, %select_n3A_589, %lt3A_595 : i32
        %ne3A_597 = arith.xori %lt3A_594, %lt3A_596 : i1
        %and3A_598 = arith.andi %ne3A_597, %ne3A_592 : i1
        %add3A_599 = arith.addi %rem3A_590, %select_n3A_589 : i32
        %select_n3A_600 = arith.select %and3A_598, %add3A_599, %rem3A_590 : i32
        %mul3A_601 = arith.constant 98 : i32
        %mul3A_602 = arith.muli %add3A, %mul3A_601 : i32
        %add3A_603 = arith.addi %mul3A_602, %add3A_582 : i32
        %mul3A_604 = arith.constant 8 : i32
        %mul3A_605 = arith.muli %add3A_603, %mul3A_604 : i32
        %mul3A_606 = arith.constant 128 : i32
        %mul3A_607 = arith.muli %mul3A_605, %mul3A_606 : i32
        %dma_start3A_608 = arith.constant 0 : i32
        %dma_start3A_609 = arith.constant 0 : i32
        %dma_start3A_610 = tpu.memref_slice %arg8[%select_n3A_600, %dma_start3A_608, %dma_start3A_609] : memref<3x8x128xi32, #tpu.memory_space<vmem>> -> memref<1x8x128xi32, #tpu.memory_space<vmem>>
        %dma_start3A_611 = tpu.memref_squeeze %dma_start3A_610 : memref<1x8x128xi32, #tpu.memory_space<vmem>> -> memref<8x128xi32, #tpu.memory_space<vmem>>
        %dma_start3A_612 = arith.constant 0 : i32
        %dma_start3A_613 = tpu.memref_slice %arg4[%mul3A_605, %dma_start3A_612] : memref<25088x128xi32, #tpu.memory_space<hbm>> -> memref<8x128xi32, #tpu.memory_space<hbm>>
        %dma_start3A_614 = arith.constant 0 : i32
        %dma_start3A_615 = arith.constant 0 : i32
        %dma_start3A_616 = tpu.memref_slice %arg8[%select_n3A_600, %dma_start3A_614, %dma_start3A_615] : memref<3x8x128xi32, #tpu.memory_space<vmem>> -> memref<1x8x128xi32, #tpu.memory_space<vmem>>
        %dma_start3A_617 = tpu.memref_squeeze %dma_start3A_616 : memref<1x8x128xi32, #tpu.memory_space<vmem>> -> memref<8x128xi32, #tpu.memory_space<vmem>>
        %dma_start3A_618 = arith.constant 0 : i32
        %dma_start3A_619 = tpu.memref_slice %arg4[%mul3A_605, %dma_start3A_618] : memref<25088x128xi32, #tpu.memory_space<hbm>> -> memref<8x128xi32, #tpu.memory_space<hbm>>
        tpu.enqueue_dma source(%dma_start3A_619 : memref<8x128xi32, #tpu.memory_space<hbm>>) target(%dma_start3A_617 : memref<8x128xi32, #tpu.memory_space<vmem>>) target_semaphore(%arg13 : memref<!tpu.dma_semaphore, #tpu.memory_space<semaphore_mem>>)
        %dma_start3A_620 = arith.constant 0 : i32
        %dma_start3A_621 = arith.constant 0 : i32
        %dma_start3A_622 = tpu.memref_slice %arg9[%select_n3A_600, %dma_start3A_620, %dma_start3A_621] : memref<3x8x128xi32, #tpu.memory_space<vmem>> -> memref<1x8x128xi32, #tpu.memory_space<vmem>>
        %dma_start3A_623 = tpu.memref_squeeze %dma_start3A_622 : memref<1x8x128xi32, #tpu.memory_space<vmem>> -> memref<8x128xi32, #tpu.memory_space<vmem>>
        %dma_start3A_624 = arith.constant 0 : i32
        %dma_start3A_625 = tpu.memref_slice %arg5[%mul3A_605, %dma_start3A_624] : memref<25088x128xi32, #tpu.memory_space<hbm>> -> memref<8x128xi32, #tpu.memory_space<hbm>>
        %dma_start3A_626 = arith.constant 0 : i32
        %dma_start3A_627 = arith.constant 0 : i32
        %dma_start3A_628 = tpu.memref_slice %arg9[%select_n3A_600, %dma_start3A_626, %dma_start3A_627] : memref<3x8x128xi32, #tpu.memory_space<vmem>> -> memref<1x8x128xi32, #tpu.memory_space<vmem>>
        %dma_start3A_629 = tpu.memref_squeeze %dma_start3A_628 : memref<1x8x128xi32, #tpu.memory_space<vmem>> -> memref<8x128xi32, #tpu.memory_space<vmem>>
        %dma_start3A_630 = arith.constant 0 : i32
        %dma_start3A_631 = tpu.memref_slice %arg5[%mul3A_605, %dma_start3A_630] : memref<25088x128xi32, #tpu.memory_space<hbm>> -> memref<8x128xi32, #tpu.memory_space<hbm>>
        tpu.enqueue_dma source(%dma_start3A_631 : memref<8x128xi32, #tpu.memory_space<hbm>>) target(%dma_start3A_629 : memref<8x128xi32, #tpu.memory_space<vmem>>) target_semaphore(%arg13 : memref<!tpu.dma_semaphore, #tpu.memory_space<semaphore_mem>>)
        %dma_start3A_632 = arith.constant 0 : i32
        %dma_start3A_633 = tpu.memref_slice %arg10[%select_n3A_600, %dma_start3A_632] : memref<3x1024xf32, #tpu.memory_space<vmem>> -> memref<1x1024xf32, #tpu.memory_space<vmem>>
        %dma_start3A_634 = tpu.memref_squeeze %dma_start3A_633 : memref<1x1024xf32, #tpu.memory_space<vmem>> -> memref<1024xf32, #tpu.memory_space<vmem>>
        %dma_start3A_635 = tpu.memref_slice %arg3[%mul3A_607] : memref<3211264xf32, #tpu.memory_space<hbm>> -> memref<1024xf32, #tpu.memory_space<hbm>>
        %dma_start3A_636 = arith.constant 0 : i32
        %dma_start3A_637 = tpu.memref_slice %arg10[%select_n3A_600, %dma_start3A_636] : memref<3x1024xf32, #tpu.memory_space<vmem>> -> memref<1x1024xf32, #tpu.memory_space<vmem>>
        %dma_start3A_638 = tpu.memref_squeeze %dma_start3A_637 : memref<1x1024xf32, #tpu.memory_space<vmem>> -> memref<1024xf32, #tpu.memory_space<vmem>>
        %dma_start3A_639 = tpu.memref_slice %arg3[%mul3A_607] : memref<3211264xf32, #tpu.memory_space<hbm>> -> memref<1024xf32, #tpu.memory_space<hbm>>
        tpu.enqueue_dma source(%dma_start3A_639 : memref<1024xf32, #tpu.memory_space<hbm>>) target(%dma_start3A_638 : memref<1024xf32, #tpu.memory_space<vmem>>) target_semaphore(%arg13 : memref<!tpu.dma_semaphore, #tpu.memory_space<semaphore_mem>>)
      } else {
      }
    }
    %scan3A_238 = arith.constant 98 : i32
    %dma_wait3A_239 = arith.constant 1 : i32
    %dma_wait3A_240 = arith.constant 1 : i32
    %dma_wait3A_241 = arith.constant 0 : i32
    %dma_wait3A_242 = arith.constant 0 : i32
    %dma_wait3A_243 = arith.constant 0 : i32
    %dma_wait3A_244 = tpu.memref_slice %arg11[%dma_wait3A_239, %dma_wait3A_242, %dma_wait3A_243] : memref<2x1024x16xf32, #tpu.memory_space<vmem>> -> memref<1x128x16xf32, #tpu.memory_space<vmem>>
    %dma_wait3A_245 = tpu.memref_squeeze %dma_wait3A_244 : memref<1x128x16xf32, #tpu.memory_space<vmem>> -> memref<128x16xf32, #tpu.memory_space<vmem>>
    %dma_wait3A_246 = arith.constant 0 : i32
    %dma_wait3A_247 = tpu.memref_slice %arg9[%dma_wait3A_240, %dma_wait3A_241, %dma_wait3A_246] : memref<3x8x128xi32, #tpu.memory_space<vmem>> -> memref<1x1x128xi32, #tpu.memory_space<vmem>>
    %dma_wait3A_248 = tpu.memref_squeeze %dma_wait3A_247 : memref<1x1x128xi32, #tpu.memory_space<vmem>> -> memref<128xi32, #tpu.memory_space<vmem>>
    %dma_wait3A_249 = arith.constant 0 : i32
    %dma_wait3A_250 = arith.constant 0 : i32
    %dma_wait3A_251 = tpu.memref_slice %arg12[%dma_wait3A_249, %dma_wait3A_250] : memref<50000x16xf32, #tpu.memory_space<vmem_shared>> -> memref<50000x16xf32, #tpu.memory_space<vmem_shared>>
    tpu.wait_indirect_dma semaphore(%arg15 : memref<!tpu.dma_semaphore, #tpu.memory_space<semaphore_mem>>) src(%dma_wait3A_245 : memref<128x16xf32, #tpu.memory_space<vmem>>) dst(%dma_wait3A_251 : memref<50000x16xf32, #tpu.memory_space<vmem_shared>>)
    %dma_wait3A_252 = arith.constant 1 : i32
    %dma_wait3A_253 = arith.constant 1 : i32
    %dma_wait3A_254 = arith.constant 1 : i32
    %dma_wait3A_255 = arith.constant 128 : i32
    %dma_wait3A_256 = arith.constant 0 : i32
    %dma_wait3A_257 = tpu.memref_slice %arg11[%dma_wait3A_252, %dma_wait3A_255, %dma_wait3A_256] : memref<2x1024x16xf32, #tpu.memory_space<vmem>> -> memref<1x128x16xf32, #tpu.memory_space<vmem>>
    %dma_wait3A_258 = tpu.memref_squeeze %dma_wait3A_257 : memref<1x128x16xf32, #tpu.memory_space<vmem>> -> memref<128x16xf32, #tpu.memory_space<vmem>>
    %dma_wait3A_259 = arith.constant 0 : i32
    %dma_wait3A_260 = tpu.memref_slice %arg9[%dma_wait3A_253, %dma_wait3A_254, %dma_wait3A_259] : memref<3x8x128xi32, #tpu.memory_space<vmem>> -> memref<1x1x128xi32, #tpu.memory_space<vmem>>
    %dma_wait3A_261 = tpu.memref_squeeze %dma_wait3A_260 : memref<1x1x128xi32, #tpu.memory_space<vmem>> -> memref<128xi32, #tpu.memory_space<vmem>>
    %dma_wait3A_262 = arith.constant 0 : i32
    %dma_wait3A_263 = arith.constant 0 : i32
    %dma_wait3A_264 = tpu.memref_slice %arg12[%dma_wait3A_262, %dma_wait3A_263] : memref<50000x16xf32, #tpu.memory_space<vmem_shared>> -> memref<50000x16xf32, #tpu.memory_space<vmem_shared>>
    tpu.wait_indirect_dma semaphore(%arg15 : memref<!tpu.dma_semaphore, #tpu.memory_space<semaphore_mem>>) src(%dma_wait3A_258 : memref<128x16xf32, #tpu.memory_space<vmem>>) dst(%dma_wait3A_264 : memref<50000x16xf32, #tpu.memory_space<vmem_shared>>)
    %dma_wait3A_265 = arith.constant 1 : i32
    %dma_wait3A_266 = arith.constant 1 : i32
    %dma_wait3A_267 = arith.constant 2 : i32
    %dma_wait3A_268 = arith.constant 256 : i32
    %dma_wait3A_269 = arith.constant 0 : i32
    %dma_wait3A_270 = tpu.memref_slice %arg11[%dma_wait3A_265, %dma_wait3A_268, %dma_wait3A_269] : memref<2x1024x16xf32, #tpu.memory_space<vmem>> -> memref<1x128x16xf32, #tpu.memory_space<vmem>>
    %dma_wait3A_271 = tpu.memref_squeeze %dma_wait3A_270 : memref<1x128x16xf32, #tpu.memory_space<vmem>> -> memref<128x16xf32, #tpu.memory_space<vmem>>
    %dma_wait3A_272 = arith.constant 0 : i32
    %dma_wait3A_273 = tpu.memref_slice %arg9[%dma_wait3A_266, %dma_wait3A_267, %dma_wait3A_272] : memref<3x8x128xi32, #tpu.memory_space<vmem>> -> memref<1x1x128xi32, #tpu.memory_space<vmem>>
    %dma_wait3A_274 = tpu.memref_squeeze %dma_wait3A_273 : memref<1x1x128xi32, #tpu.memory_space<vmem>> -> memref<128xi32, #tpu.memory_space<vmem>>
    %dma_wait3A_275 = arith.constant 0 : i32
    %dma_wait3A_276 = arith.constant 0 : i32
    %dma_wait3A_277 = tpu.memref_slice %arg12[%dma_wait3A_275, %dma_wait3A_276] : memref<50000x16xf32, #tpu.memory_space<vmem_shared>> -> memref<50000x16xf32, #tpu.memory_space<vmem_shared>>
    tpu.wait_indirect_dma semaphore(%arg15 : memref<!tpu.dma_semaphore, #tpu.memory_space<semaphore_mem>>) src(%dma_wait3A_271 : memref<128x16xf32, #tpu.memory_space<vmem>>) dst(%dma_wait3A_277 : memref<50000x16xf32, #tpu.memory_space<vmem_shared>>)
    %dma_wait3A_278 = arith.constant 1 : i32
    %dma_wait3A_279 = arith.constant 1 : i32
    %dma_wait3A_280 = arith.constant 3 : i32
    %dma_wait3A_281 = arith.constant 384 : i32
    %dma_wait3A_282 = arith.constant 0 : i32
    %dma_wait3A_283 = tpu.memref_slice %arg11[%dma_wait3A_278, %dma_wait3A_281, %dma_wait3A_282] : memref<2x1024x16xf32, #tpu.memory_space<vmem>> -> memref<1x128x16xf32, #tpu.memory_space<vmem>>
    %dma_wait3A_284 = tpu.memref_squeeze %dma_wait3A_283 : memref<1x128x16xf32, #tpu.memory_space<vmem>> -> memref<128x16xf32, #tpu.memory_space<vmem>>
    %dma_wait3A_285 = arith.constant 0 : i32
    %dma_wait3A_286 = tpu.memref_slice %arg9[%dma_wait3A_279, %dma_wait3A_280, %dma_wait3A_285] : memref<3x8x128xi32, #tpu.memory_space<vmem>> -> memref<1x1x128xi32, #tpu.memory_space<vmem>>
    %dma_wait3A_287 = tpu.memref_squeeze %dma_wait3A_286 : memref<1x1x128xi32, #tpu.memory_space<vmem>> -> memref<128xi32, #tpu.memory_space<vmem>>
    %dma_wait3A_288 = arith.constant 0 : i32
    %dma_wait3A_289 = arith.constant 0 : i32
    %dma_wait3A_290 = tpu.memref_slice %arg12[%dma_wait3A_288, %dma_wait3A_289] : memref<50000x16xf32, #tpu.memory_space<vmem_shared>> -> memref<50000x16xf32, #tpu.memory_space<vmem_shared>>
    tpu.wait_indirect_dma semaphore(%arg15 : memref<!tpu.dma_semaphore, #tpu.memory_space<semaphore_mem>>) src(%dma_wait3A_284 : memref<128x16xf32, #tpu.memory_space<vmem>>) dst(%dma_wait3A_290 : memref<50000x16xf32, #tpu.memory_space<vmem_shared>>)
    %dma_wait3A_291 = arith.constant 1 : i32
    %dma_wait3A_292 = arith.constant 1 : i32
    %dma_wait3A_293 = arith.constant 4 : i32
    %dma_wait3A_294 = arith.constant 512 : i32
    %dma_wait3A_295 = arith.constant 0 : i32
    %dma_wait3A_296 = tpu.memref_slice %arg11[%dma_wait3A_291, %dma_wait3A_294, %dma_wait3A_295] : memref<2x1024x16xf32, #tpu.memory_space<vmem>> -> memref<1x128x16xf32, #tpu.memory_space<vmem>>
    %dma_wait3A_297 = tpu.memref_squeeze %dma_wait3A_296 : memref<1x128x16xf32, #tpu.memory_space<vmem>> -> memref<128x16xf32, #tpu.memory_space<vmem>>
    %dma_wait3A_298 = arith.constant 0 : i32
    %dma_wait3A_299 = tpu.memref_slice %arg9[%dma_wait3A_292, %dma_wait3A_293, %dma_wait3A_298] : memref<3x8x128xi32, #tpu.memory_space<vmem>> -> memref<1x1x128xi32, #tpu.memory_space<vmem>>
    %dma_wait3A_300 = tpu.memref_squeeze %dma_wait3A_299 : memref<1x1x128xi32, #tpu.memory_space<vmem>> -> memref<128xi32, #tpu.memory_space<vmem>>
    %dma_wait3A_301 = arith.constant 0 : i32
    %dma_wait3A_302 = arith.constant 0 : i32
    %dma_wait3A_303 = tpu.memref_slice %arg12[%dma_wait3A_301, %dma_wait3A_302] : memref<50000x16xf32, #tpu.memory_space<vmem_shared>> -> memref<50000x16xf32, #tpu.memory_space<vmem_shared>>
    tpu.wait_indirect_dma semaphore(%arg15 : memref<!tpu.dma_semaphore, #tpu.memory_space<semaphore_mem>>) src(%dma_wait3A_297 : memref<128x16xf32, #tpu.memory_space<vmem>>) dst(%dma_wait3A_303 : memref<50000x16xf32, #tpu.memory_space<vmem_shared>>)
    %dma_wait3A_304 = arith.constant 1 : i32
    %dma_wait3A_305 = arith.constant 1 : i32
    %dma_wait3A_306 = arith.constant 5 : i32
    %dma_wait3A_307 = arith.constant 640 : i32
    %dma_wait3A_308 = arith.constant 0 : i32
    %dma_wait3A_309 = tpu.memref_slice %arg11[%dma_wait3A_304, %dma_wait3A_307, %dma_wait3A_308] : memref<2x1024x16xf32, #tpu.memory_space<vmem>> -> memref<1x128x16xf32, #tpu.memory_space<vmem>>
    %dma_wait3A_310 = tpu.memref_squeeze %dma_wait3A_309 : memref<1x128x16xf32, #tpu.memory_space<vmem>> -> memref<128x16xf32, #tpu.memory_space<vmem>>
    %dma_wait3A_311 = arith.constant 0 : i32
    %dma_wait3A_312 = tpu.memref_slice %arg9[%dma_wait3A_305, %dma_wait3A_306, %dma_wait3A_311] : memref<3x8x128xi32, #tpu.memory_space<vmem>> -> memref<1x1x128xi32, #tpu.memory_space<vmem>>
    %dma_wait3A_313 = tpu.memref_squeeze %dma_wait3A_312 : memref<1x1x128xi32, #tpu.memory_space<vmem>> -> memref<128xi32, #tpu.memory_space<vmem>>
    %dma_wait3A_314 = arith.constant 0 : i32
    %dma_wait3A_315 = arith.constant 0 : i32
    %dma_wait3A_316 = tpu.memref_slice %arg12[%dma_wait3A_314, %dma_wait3A_315] : memref<50000x16xf32, #tpu.memory_space<vmem_shared>> -> memref<50000x16xf32, #tpu.memory_space<vmem_shared>>
    tpu.wait_indirect_dma semaphore(%arg15 : memref<!tpu.dma_semaphore, #tpu.memory_space<semaphore_mem>>) src(%dma_wait3A_310 : memref<128x16xf32, #tpu.memory_space<vmem>>) dst(%dma_wait3A_316 : memref<50000x16xf32, #tpu.memory_space<vmem_shared>>)
    %dma_wait3A_317 = arith.constant 1 : i32
    %dma_wait3A_318 = arith.constant 1 : i32
    %dma_wait3A_319 = arith.constant 6 : i32
    %dma_wait3A_320 = arith.constant 768 : i32
    %dma_wait3A_321 = arith.constant 0 : i32
    %dma_wait3A_322 = tpu.memref_slice %arg11[%dma_wait3A_317, %dma_wait3A_320, %dma_wait3A_321] : memref<2x1024x16xf32, #tpu.memory_space<vmem>> -> memref<1x128x16xf32, #tpu.memory_space<vmem>>
    %dma_wait3A_323 = tpu.memref_squeeze %dma_wait3A_322 : memref<1x128x16xf32, #tpu.memory_space<vmem>> -> memref<128x16xf32, #tpu.memory_space<vmem>>
    %dma_wait3A_324 = arith.constant 0 : i32
    %dma_wait3A_325 = tpu.memref_slice %arg9[%dma_wait3A_318, %dma_wait3A_319, %dma_wait3A_324] : memref<3x8x128xi32, #tpu.memory_space<vmem>> -> memref<1x1x128xi32, #tpu.memory_space<vmem>>
    %dma_wait3A_326 = tpu.memref_squeeze %dma_wait3A_325 : memref<1x1x128xi32, #tpu.memory_space<vmem>> -> memref<128xi32, #tpu.memory_space<vmem>>
    %dma_wait3A_327 = arith.constant 0 : i32
    %dma_wait3A_328 = arith.constant 0 : i32
    %dma_wait3A_329 = tpu.memref_slice %arg12[%dma_wait3A_327, %dma_wait3A_328] : memref<50000x16xf32, #tpu.memory_space<vmem_shared>> -> memref<50000x16xf32, #tpu.memory_space<vmem_shared>>
    tpu.wait_indirect_dma semaphore(%arg15 : memref<!tpu.dma_semaphore, #tpu.memory_space<semaphore_mem>>) src(%dma_wait3A_323 : memref<128x16xf32, #tpu.memory_space<vmem>>) dst(%dma_wait3A_329 : memref<50000x16xf32, #tpu.memory_space<vmem_shared>>)
    %dma_wait3A_330 = arith.constant 1 : i32
    %dma_wait3A_331 = arith.constant 1 : i32
    %dma_wait3A_332 = arith.constant 7 : i32
    %dma_wait3A_333 = arith.constant 896 : i32
    %dma_wait3A_334 = arith.constant 0 : i32
    %dma_wait3A_335 = tpu.memref_slice %arg11[%dma_wait3A_330, %dma_wait3A_333, %dma_wait3A_334] : memref<2x1024x16xf32, #tpu.memory_space<vmem>> -> memref<1x128x16xf32, #tpu.memory_space<vmem>>
    %dma_wait3A_336 = tpu.memref_squeeze %dma_wait3A_335 : memref<1x128x16xf32, #tpu.memory_space<vmem>> -> memref<128x16xf32, #tpu.memory_space<vmem>>
    %dma_wait3A_337 = arith.constant 0 : i32
    %dma_wait3A_338 = tpu.memref_slice %arg9[%dma_wait3A_331, %dma_wait3A_332, %dma_wait3A_337] : memref<3x8x128xi32, #tpu.memory_space<vmem>> -> memref<1x1x128xi32, #tpu.memory_space<vmem>>
    %dma_wait3A_339 = tpu.memref_squeeze %dma_wait3A_338 : memref<1x1x128xi32, #tpu.memory_space<vmem>> -> memref<128xi32, #tpu.memory_space<vmem>>
    %dma_wait3A_340 = arith.constant 0 : i32
    %dma_wait3A_341 = arith.constant 0 : i32
    %dma_wait3A_342 = tpu.memref_slice %arg12[%dma_wait3A_340, %dma_wait3A_341] : memref<50000x16xf32, #tpu.memory_space<vmem_shared>> -> memref<50000x16xf32, #tpu.memory_space<vmem_shared>>
    tpu.wait_indirect_dma semaphore(%arg15 : memref<!tpu.dma_semaphore, #tpu.memory_space<semaphore_mem>>) src(%dma_wait3A_336 : memref<128x16xf32, #tpu.memory_space<vmem>>) dst(%dma_wait3A_342 : memref<50000x16xf32, #tpu.memory_space<vmem_shared>>)
    %barrier3A_343 = arith.constant 0 : index
    tpu.barrier barrier_id(%barrier3A_343)
    %eq3A_344 = arith.constant 0 : i32
    %eq3A_345 = arith.cmpi eq, %arg1, %eq3A_344 : i32
    %convert_element_type3A_346 = arith.extui %eq3A_345 : i1 to i32
    %cond3A_347 = arith.constant 0 : i32
    %cond3A_348 = arith.cmpi ne, %convert_element_type3A_346, %cond3A_347 : i32
    scf.if %cond3A_348 {
      "tpu.region"() ({
        %run_scoped3A = tpu.sem_alloc : memref<!tpu.dma_semaphore, #tpu.memory_space<semaphore_mem>>
        %dma_start3A_349 = arith.constant 0 : i32
        %dma_start3A_350 = arith.constant 0 : i32
        %dma_start3A_351 = tpu.memref_slice %arg7[%arg0, %dma_start3A_349, %dma_start3A_350] : memref<2x50000x16xf32, #tpu.memory_space<hbm>> -> memref<1x50000x16xf32, #tpu.memory_space<hbm>>
        %dma_start3A_352 = tpu.memref_squeeze %dma_start3A_351 : memref<1x50000x16xf32, #tpu.memory_space<hbm>> -> memref<50000x16xf32, #tpu.memory_space<hbm>>
        tpu.enqueue_dma source(%arg12 : memref<50000x16xf32, #tpu.memory_space<vmem_shared>>) target(%dma_start3A_352 : memref<50000x16xf32, #tpu.memory_space<hbm>>) target_semaphore(%run_scoped3A : memref<!tpu.dma_semaphore, #tpu.memory_space<semaphore_mem>>)
        %dma_wait3A_353 = arith.constant 0 : i32
        %dma_wait3A_354 = arith.constant 0 : i32
        %dma_wait3A_355 = tpu.memref_slice %arg7[%arg0, %dma_wait3A_353, %dma_wait3A_354] : memref<2x50000x16xf32, #tpu.memory_space<hbm>> -> memref<1x50000x16xf32, #tpu.memory_space<hbm>>
        %dma_wait3A_356 = tpu.memref_squeeze %dma_wait3A_355 : memref<1x50000x16xf32, #tpu.memory_space<hbm>> -> memref<50000x16xf32, #tpu.memory_space<hbm>>
        tpu.wait_dma2 semaphore(%run_scoped3A : memref<!tpu.dma_semaphore, #tpu.memory_space<semaphore_mem>>) src(%arg12 : memref<50000x16xf32, #tpu.memory_space<vmem_shared>>) dst(%dma_wait3A_356 : memref<50000x16xf32, #tpu.memory_space<hbm>>)
        tpu.yield
      }) : () -> ()
    } else {
    }
    return
  }
}

#map = affine_map<(d0, d1) -> (0, 0)>
#map1 = affine_map<(d0, d1) -> (0)>
#map2 = affine_map<(d0, d1) -> (0, 0, 0)>
module attributes {stable_mosaic.version = 14 : i64} {
  func.func @body(%arg0: i32, %arg1: i32, %arg2: memref<850000x16xf32, #tpu.memory_space<hbm>>, %arg3: memref<3211264xf32, #tpu.memory_space<hbm>>, %arg4: memref<25088x128xi32, #tpu.memory_space<hbm>>, %arg5: memref<25088x128xi32, #tpu.memory_space<hbm>>, %arg6: memref<50000x16xf32, #tpu.memory_space<hbm>>, %arg7: memref<2x50000x16xf32, #tpu.memory_space<hbm>>, %arg8: memref<3x8x128xi32, #tpu.memory_space<vmem>>, %arg9: memref<3x8x128xi32, #tpu.memory_space<vmem>>, %arg10: memref<3x1024xf32, #tpu.memory_space<vmem>>, %arg11: memref<2x1024x16xf32, #tpu.memory_space<vmem>>, %arg12: memref<50000x16xf32, #tpu.memory_space<vmem_shared>>, %arg13: memref<!tpu.dma_semaphore, #tpu.memory_space<semaphore_mem>>, %arg14: memref<!tpu.dma_semaphore, #tpu.memory_space<semaphore_mem>>, %arg15: memref<!tpu.dma_semaphore, #tpu.memory_space<semaphore_mem>>) attributes {dimension_semantics = [#tpu.dimension_semantics<core_parallel>, #tpu.dimension_semantics<subcore_parallel>], iteration_bounds = array<i64: 2, 16>, scalar_prefetch = 0 : i64, scratch_operands = 8 : i64, tpu.core_type = #tpu.core_type<sc_vector_subcore>, window_params = [{transform_indices = #map}, {transform_indices = #map1}, {transform_indices = #map}, {transform_indices = #map}, {transform_indices = #map}, {transform_indices = #map2}]} {
    %mul3A = arith.constant 16 : i32
    %mul3A_0 = arith.muli %arg0, %mul3A : i32
    %add3A = arith.addi %mul3A_0, %arg1 : i32
    %eq3A = arith.constant 0 : i32
    %eq3A_1 = arith.cmpi eq, %arg1, %eq3A : i32
    %convert_element_type3A = arith.extui %eq3A_1 : i1 to i32
    %cond3A = arith.constant 0 : i32
    %cond3A_2 = arith.cmpi ne, %convert_element_type3A, %cond3A : i32
    scf.if %cond3A_2 {
      "tpu.region"() ({
        %run_scoped3A = tpu.sem_alloc : memref<!tpu.dma_semaphore, #tpu.memory_space<semaphore_mem>>
        tpu.enqueue_dma source(%arg6 : memref<50000x16xf32, #tpu.memory_space<hbm>>) target(%arg12 : memref<50000x16xf32, #tpu.memory_space<vmem_shared>>) target_semaphore(%run_scoped3A : memref<!tpu.dma_semaphore, #tpu.memory_space<semaphore_mem>>)
        tpu.wait_dma2 semaphore(%run_scoped3A : memref<!tpu.dma_semaphore, #tpu.memory_space<semaphore_mem>>) src(%arg6 : memref<50000x16xf32, #tpu.memory_space<hbm>>) dst(%arg12 : memref<50000x16xf32, #tpu.memory_space<vmem_shared>>)
        tpu.yield
      }) : () -> ()
    } else {
    }
    %barrier3A = arith.constant 0 : index
    tpu.barrier barrier_id(%barrier3A)
    %mul3A_3 = arith.constant 98 : i32
    %mul3A_4 = arith.muli %add3A, %mul3A_3 : i32
    %add3A_5 = arith.constant 0 : i32
    %add3A_6 = arith.addi %mul3A_4, %add3A_5 : i32
    %mul3A_7 = arith.constant 8 : i32
    %mul3A_8 = arith.muli %add3A_6, %mul3A_7 : i32
    %mul3A_9 = arith.constant 128 : i32
    %mul3A_10 = arith.muli %mul3A_8, %mul3A_9 : i32
    %dma_start3A = arith.constant 0 : i32
    %dma_start3A_11 = arith.constant 0 : i32
    %dma_start3A_12 = arith.constant 0 : i32
    %dma_start3A_13 = tpu.memref_slice %arg8[%dma_start3A, %dma_start3A_11, %dma_start3A_12] : memref<3x8x128xi32, #tpu.memory_space<vmem>> -> memref<1x8x128xi32, #tpu.memory_space<vmem>>
    %dma_start3A_14 = tpu.memref_squeeze %dma_start3A_13 : memref<1x8x128xi32, #tpu.memory_space<vmem>> -> memref<8x128xi32, #tpu.memory_space<vmem>>
    %dma_start3A_15 = arith.constant 0 : i32
    %dma_start3A_16 = tpu.memref_slice %arg4[%mul3A_8, %dma_start3A_15] : memref<25088x128xi32, #tpu.memory_space<hbm>> -> memref<8x128xi32, #tpu.memory_space<hbm>>
    %dma_start3A_17 = arith.constant 0 : i32
    %dma_start3A_18 = arith.constant 0 : i32
    %dma_start3A_19 = tpu.memref_slice %arg8[%dma_start3A, %dma_start3A_17, %dma_start3A_18] : memref<3x8x128xi32, #tpu.memory_space<vmem>> -> memref<1x8x128xi32, #tpu.memory_space<vmem>>
    %dma_start3A_20 = tpu.memref_squeeze %dma_start3A_19 : memref<1x8x128xi32, #tpu.memory_space<vmem>> -> memref<8x128xi32, #tpu.memory_space<vmem>>
    %dma_start3A_21 = arith.constant 0 : i32
    %dma_start3A_22 = tpu.memref_slice %arg4[%mul3A_8, %dma_start3A_21] : memref<25088x128xi32, #tpu.memory_space<hbm>> -> memref<8x128xi32, #tpu.memory_space<hbm>>
    tpu.enqueue_dma source(%dma_start3A_22 : memref<8x128xi32, #tpu.memory_space<hbm>>) target(%dma_start3A_20 : memref<8x128xi32, #tpu.memory_space<vmem>>) target_semaphore(%arg13 : memref<!tpu.dma_semaphore, #tpu.memory_space<semaphore_mem>>)
    %dma_start3A_23 = arith.constant 0 : i32
    %dma_start3A_24 = arith.constant 0 : i32
    %dma_start3A_25 = arith.constant 0 : i32
    %dma_start3A_26 = tpu.memref_slice %arg9[%dma_start3A_23, %dma_start3A_24, %dma_start3A_25] : memref<3x8x128xi32, #tpu.memory_space<vmem>> -> memref<1x8x128xi32, #tpu.memory_space<vmem>>
    %dma_start3A_27 = tpu.memref_squeeze %dma_start3A_26 : memref<1x8x128xi32, #tpu.memory_space<vmem>> -> memref<8x128xi32, #tpu.memory_space<vmem>>
    %dma_start3A_28 = arith.constant 0 : i32
    %dma_start3A_29 = tpu.memref_slice %arg5[%mul3A_8, %dma_start3A_28] : memref<25088x128xi32, #tpu.memory_space<hbm>> -> memref<8x128xi32, #tpu.memory_space<hbm>>
    %dma_start3A_30 = arith.constant 0 : i32
    %dma_start3A_31 = arith.constant 0 : i32
    %dma_start3A_32 = tpu.memref_slice %arg9[%dma_start3A_23, %dma_start3A_30, %dma_start3A_31] : memref<3x8x128xi32, #tpu.memory_space<vmem>> -> memref<1x8x128xi32, #tpu.memory_space<vmem>>
    %dma_start3A_33 = tpu.memref_squeeze %dma_start3A_32 : memref<1x8x128xi32, #tpu.memory_space<vmem>> -> memref<8x128xi32, #tpu.memory_space<vmem>>
    %dma_start3A_34 = arith.constant 0 : i32
    %dma_start3A_35 = tpu.memref_slice %arg5[%mul3A_8, %dma_start3A_34] : memref<25088x128xi32, #tpu.memory_space<hbm>> -> memref<8x128xi32, #tpu.memory_space<hbm>>
    tpu.enqueue_dma source(%dma_start3A_35 : memref<8x128xi32, #tpu.memory_space<hbm>>) target(%dma_start3A_33 : memref<8x128xi32, #tpu.memory_space<vmem>>) target_semaphore(%arg13 : memref<!tpu.dma_semaphore, #tpu.memory_space<semaphore_mem>>)
    %dma_start3A_36 = arith.constant 0 : i32
    %dma_start3A_37 = arith.constant 0 : i32
    %dma_start3A_38 = tpu.memref_slice %arg10[%dma_start3A_36, %dma_start3A_37] : memref<3x1024xf32, #tpu.memory_space<vmem>> -> memref<1x1024xf32, #tpu.memory_space<vmem>>
    %dma_start3A_39 = tpu.memref_squeeze %dma_start3A_38 : memref<1x1024xf32, #tpu.memory_space<vmem>> -> memref<1024xf32, #tpu.memory_space<vmem>>
    %dma_start3A_40 = tpu.memref_slice %arg3[%mul3A_10] : memref<3211264xf32, #tpu.memory_space<hbm>> -> memref<1024xf32, #tpu.memory_space<hbm>>
    %dma_start3A_41 = arith.constant 0 : i32
    %dma_start3A_42 = tpu.memref_slice %arg10[%dma_start3A_36, %dma_start3A_41] : memref<3x1024xf32, #tpu.memory_space<vmem>> -> memref<1x1024xf32, #tpu.memory_space<vmem>>
    %dma_start3A_43 = tpu.memref_squeeze %dma_start3A_42 : memref<1x1024xf32, #tpu.memory_space<vmem>> -> memref<1024xf32, #tpu.memory_space<vmem>>
    %dma_start3A_44 = tpu.memref_slice %arg3[%mul3A_10] : memref<3211264xf32, #tpu.memory_space<hbm>> -> memref<1024xf32, #tpu.memory_space<hbm>>
    tpu.enqueue_dma source(%dma_start3A_44 : memref<1024xf32, #tpu.memory_space<hbm>>) target(%dma_start3A_43 : memref<1024xf32, #tpu.memory_space<vmem>>) target_semaphore(%arg13 : memref<!tpu.dma_semaphore, #tpu.memory_space<semaphore_mem>>)
    %mul3A_45 = arith.constant 98 : i32
    %mul3A_46 = arith.muli %add3A, %mul3A_45 : i32
    %add3A_47 = arith.constant 1 : i32
    %add3A_48 = arith.addi %mul3A_46, %add3A_47 : i32
    %mul3A_49 = arith.constant 8 : i32
    %mul3A_50 = arith.muli %add3A_48, %mul3A_49 : i32
    %mul3A_51 = arith.constant 128 : i32
    %mul3A_52 = arith.muli %mul3A_50, %mul3A_51 : i32
    %dma_start3A_53 = arith.constant 1 : i32
    %dma_start3A_54 = arith.constant 0 : i32
    %dma_start3A_55 = arith.constant 0 : i32
    %dma_start3A_56 = tpu.memref_slice %arg8[%dma_start3A_53, %dma_start3A_54, %dma_start3A_55] : memref<3x8x128xi32, #tpu.memory_space<vmem>> -> memref<1x8x128xi32, #tpu.memory_space<vmem>>
    %dma_start3A_57 = tpu.memref_squeeze %dma_start3A_56 : memref<1x8x128xi32, #tpu.memory_space<vmem>> -> memref<8x128xi32, #tpu.memory_space<vmem>>
    %dma_start3A_58 = arith.constant 0 : i32
    %dma_start3A_59 = tpu.memref_slice %arg4[%mul3A_50, %dma_start3A_58] : memref<25088x128xi32, #tpu.memory_space<hbm>> -> memref<8x128xi32, #tpu.memory_space<hbm>>
    %dma_start3A_60 = arith.constant 0 : i32
    %dma_start3A_61 = arith.constant 0 : i32
    %dma_start3A_62 = tpu.memref_slice %arg8[%dma_start3A_53, %dma_start3A_60, %dma_start3A_61] : memref<3x8x128xi32, #tpu.memory_space<vmem>> -> memref<1x8x128xi32, #tpu.memory_space<vmem>>
    %dma_start3A_63 = tpu.memref_squeeze %dma_start3A_62 : memref<1x8x128xi32, #tpu.memory_space<vmem>> -> memref<8x128xi32, #tpu.memory_space<vmem>>
    %dma_start3A_64 = arith.constant 0 : i32
    %dma_start3A_65 = tpu.memref_slice %arg4[%mul3A_50, %dma_start3A_64] : memref<25088x128xi32, #tpu.memory_space<hbm>> -> memref<8x128xi32, #tpu.memory_space<hbm>>
    tpu.enqueue_dma source(%dma_start3A_65 : memref<8x128xi32, #tpu.memory_space<hbm>>) target(%dma_start3A_63 : memref<8x128xi32, #tpu.memory_space<vmem>>) target_semaphore(%arg13 : memref<!tpu.dma_semaphore, #tpu.memory_space<semaphore_mem>>)
    %dma_start3A_66 = arith.constant 1 : i32
    %dma_start3A_67 = arith.constant 0 : i32
    %dma_start3A_68 = arith.constant 0 : i32
    %dma_start3A_69 = tpu.memref_slice %arg9[%dma_start3A_66, %dma_start3A_67, %dma_start3A_68] : memref<3x8x128xi32, #tpu.memory_space<vmem>> -> memref<1x8x128xi32, #tpu.memory_space<vmem>>
    %dma_start3A_70 = tpu.memref_squeeze %dma_start3A_69 : memref<1x8x128xi32, #tpu.memory_space<vmem>> -> memref<8x128xi32, #tpu.memory_space<vmem>>
    %dma_start3A_71 = arith.constant 0 : i32
    %dma_start3A_72 = tpu.memref_slice %arg5[%mul3A_50, %dma_start3A_71] : memref<25088x128xi32, #tpu.memory_space<hbm>> -> memref<8x128xi32, #tpu.memory_space<hbm>>
    %dma_start3A_73 = arith.constant 0 : i32
    %dma_start3A_74 = arith.constant 0 : i32
    %dma_start3A_75 = tpu.memref_slice %arg9[%dma_start3A_66, %dma_start3A_73, %dma_start3A_74] : memref<3x8x128xi32, #tpu.memory_space<vmem>> -> memref<1x8x128xi32, #tpu.memory_space<vmem>>
    %dma_start3A_76 = tpu.memref_squeeze %dma_start3A_75 : memref<1x8x128xi32, #tpu.memory_space<vmem>> -> memref<8x128xi32, #tpu.memory_space<vmem>>
    %dma_start3A_77 = arith.constant 0 : i32
    %dma_start3A_78 = tpu.memref_slice %arg5[%mul3A_50, %dma_start3A_77] : memref<25088x128xi32, #tpu.memory_space<hbm>> -> memref<8x128xi32, #tpu.memory_space<hbm>>
    tpu.enqueue_dma source(%dma_start3A_78 : memref<8x128xi32, #tpu.memory_space<hbm>>) target(%dma_start3A_76 : memref<8x128xi32, #tpu.memory_space<vmem>>) target_semaphore(%arg13 : memref<!tpu.dma_semaphore, #tpu.memory_space<semaphore_mem>>)
    %dma_start3A_79 = arith.constant 1 : i32
    %dma_start3A_80 = arith.constant 0 : i32
    %dma_start3A_81 = tpu.memref_slice %arg10[%dma_start3A_79, %dma_start3A_80] : memref<3x1024xf32, #tpu.memory_space<vmem>> -> memref<1x1024xf32, #tpu.memory_space<vmem>>
    %dma_start3A_82 = tpu.memref_squeeze %dma_start3A_81 : memref<1x1024xf32, #tpu.memory_space<vmem>> -> memref<1024xf32, #tpu.memory_space<vmem>>
    %dma_start3A_83 = tpu.memref_slice %arg3[%mul3A_52] : memref<3211264xf32, #tpu.memory_space<hbm>> -> memref<1024xf32, #tpu.memory_space<hbm>>
    %dma_start3A_84 = arith.constant 0 : i32
    %dma_start3A_85 = tpu.memref_slice %arg10[%dma_start3A_79, %dma_start3A_84] : memref<3x1024xf32, #tpu.memory_space<vmem>> -> memref<1x1024xf32, #tpu.memory_space<vmem>>
    %dma_start3A_86 = tpu.memref_squeeze %dma_start3A_85 : memref<1x1024xf32, #tpu.memory_space<vmem>> -> memref<1024xf32, #tpu.memory_space<vmem>>
    %dma_start3A_87 = tpu.memref_slice %arg3[%mul3A_52] : memref<3211264xf32, #tpu.memory_space<hbm>> -> memref<1024xf32, #tpu.memory_space<hbm>>
    tpu.enqueue_dma source(%dma_start3A_87 : memref<1024xf32, #tpu.memory_space<hbm>>) target(%dma_start3A_86 : memref<1024xf32, #tpu.memory_space<vmem>>) target_semaphore(%arg13 : memref<!tpu.dma_semaphore, #tpu.memory_space<semaphore_mem>>)
    %mul3A_88 = arith.constant 98 : i32
    %mul3A_89 = arith.muli %add3A, %mul3A_88 : i32
    %add3A_90 = arith.constant 0 : i32
    %add3A_91 = arith.addi %mul3A_89, %add3A_90 : i32
    %mul3A_92 = arith.constant 8 : i32
    %mul3A_93 = arith.muli %add3A_91, %mul3A_92 : i32
    %mul3A_94 = arith.constant 128 : i32
    %mul3A_95 = arith.muli %mul3A_93, %mul3A_94 : i32
    %dma_wait3A = arith.constant 0 : i32
    %dma_wait3A_96 = arith.constant 0 : i32
    %dma_wait3A_97 = arith.constant 0 : i32
    %dma_wait3A_98 = tpu.memref_slice %arg8[%dma_wait3A, %dma_wait3A_96, %dma_wait3A_97] : memref<3x8x128xi32, #tpu.memory_space<vmem>> -> memref<1x8x128xi32, #tpu.memory_space<vmem>>
    %dma_wait3A_99 = tpu.memref_squeeze %dma_wait3A_98 : memref<1x8x128xi32, #tpu.memory_space<vmem>> -> memref<8x128xi32, #tpu.memory_space<vmem>>
    %dma_wait3A_100 = arith.constant 0 : i32
    %dma_wait3A_101 = tpu.memref_slice %arg4[%mul3A_93, %dma_wait3A_100] : memref<25088x128xi32, #tpu.memory_space<hbm>> -> memref<8x128xi32, #tpu.memory_space<hbm>>
    %dma_wait3A_102 = arith.constant 0 : i32
    %dma_wait3A_103 = arith.constant 0 : i32
    %dma_wait3A_104 = tpu.memref_slice %arg8[%dma_wait3A, %dma_wait3A_102, %dma_wait3A_103] : memref<3x8x128xi32, #tpu.memory_space<vmem>> -> memref<1x8x128xi32, #tpu.memory_space<vmem>>
    %dma_wait3A_105 = tpu.memref_squeeze %dma_wait3A_104 : memref<1x8x128xi32, #tpu.memory_space<vmem>> -> memref<8x128xi32, #tpu.memory_space<vmem>>
    %dma_wait3A_106 = arith.constant 0 : i32
    %dma_wait3A_107 = tpu.memref_slice %arg4[%mul3A_93, %dma_wait3A_106] : memref<25088x128xi32, #tpu.memory_space<hbm>> -> memref<8x128xi32, #tpu.memory_space<hbm>>
    tpu.wait_dma2 semaphore(%arg13 : memref<!tpu.dma_semaphore, #tpu.memory_space<semaphore_mem>>) src(%dma_wait3A_107 : memref<8x128xi32, #tpu.memory_space<hbm>>) dst(%dma_wait3A_105 : memref<8x128xi32, #tpu.memory_space<vmem>>)
    %dma_wait3A_108 = arith.constant 0 : i32
    %dma_wait3A_109 = arith.constant 0 : i32
    %dma_wait3A_110 = arith.constant 0 : i32
    %dma_wait3A_111 = tpu.memref_slice %arg9[%dma_wait3A_108, %dma_wait3A_109, %dma_wait3A_110] : memref<3x8x128xi32, #tpu.memory_space<vmem>> -> memref<1x8x128xi32, #tpu.memory_space<vmem>>
    %dma_wait3A_112 = tpu.memref_squeeze %dma_wait3A_111 : memref<1x8x128xi32, #tpu.memory_space<vmem>> -> memref<8x128xi32, #tpu.memory_space<vmem>>
    %dma_wait3A_113 = arith.constant 0 : i32
    %dma_wait3A_114 = tpu.memref_slice %arg5[%mul3A_93, %dma_wait3A_113] : memref<25088x128xi32, #tpu.memory_space<hbm>> -> memref<8x128xi32, #tpu.memory_space<hbm>>
    %dma_wait3A_115 = arith.constant 0 : i32
    %dma_wait3A_116 = arith.constant 0 : i32
    %dma_wait3A_117 = tpu.memref_slice %arg9[%dma_wait3A_108, %dma_wait3A_115, %dma_wait3A_116] : memref<3x8x128xi32, #tpu.memory_space<vmem>> -> memref<1x8x128xi32, #tpu.memory_space<vmem>>
    %dma_wait3A_118 = tpu.memref_squeeze %dma_wait3A_117 : memref<1x8x128xi32, #tpu.memory_space<vmem>> -> memref<8x128xi32, #tpu.memory_space<vmem>>
    %dma_wait3A_119 = arith.constant 0 : i32
    %dma_wait3A_120 = tpu.memref_slice %arg5[%mul3A_93, %dma_wait3A_119] : memref<25088x128xi32, #tpu.memory_space<hbm>> -> memref<8x128xi32, #tpu.memory_space<hbm>>
    tpu.wait_dma2 semaphore(%arg13 : memref<!tpu.dma_semaphore, #tpu.memory_space<semaphore_mem>>) src(%dma_wait3A_120 : memref<8x128xi32, #tpu.memory_space<hbm>>) dst(%dma_wait3A_118 : memref<8x128xi32, #tpu.memory_space<vmem>>)
    %dma_wait3A_121 = arith.constant 0 : i32
    %dma_wait3A_122 = arith.constant 0 : i32
    %dma_wait3A_123 = tpu.memref_slice %arg10[%dma_wait3A_121, %dma_wait3A_122] : memref<3x1024xf32, #tpu.memory_space<vmem>> -> memref<1x1024xf32, #tpu.memory_space<vmem>>
    %dma_wait3A_124 = tpu.memref_squeeze %dma_wait3A_123 : memref<1x1024xf32, #tpu.memory_space<vmem>> -> memref<1024xf32, #tpu.memory_space<vmem>>
    %dma_wait3A_125 = tpu.memref_slice %arg3[%mul3A_95] : memref<3211264xf32, #tpu.memory_space<hbm>> -> memref<1024xf32, #tpu.memory_space<hbm>>
    %dma_wait3A_126 = arith.constant 0 : i32
    %dma_wait3A_127 = tpu.memref_slice %arg10[%dma_wait3A_121, %dma_wait3A_126] : memref<3x1024xf32, #tpu.memory_space<vmem>> -> memref<1x1024xf32, #tpu.memory_space<vmem>>
    %dma_wait3A_128 = tpu.memref_squeeze %dma_wait3A_127 : memref<1x1024xf32, #tpu.memory_space<vmem>> -> memref<1024xf32, #tpu.memory_space<vmem>>
    %dma_wait3A_129 = tpu.memref_slice %arg3[%mul3A_95] : memref<3211264xf32, #tpu.memory_space<hbm>> -> memref<1024xf32, #tpu.memory_space<hbm>>
    tpu.wait_dma2 semaphore(%arg13 : memref<!tpu.dma_semaphore, #tpu.memory_space<semaphore_mem>>) src(%dma_wait3A_129 : memref<1024xf32, #tpu.memory_space<hbm>>) dst(%dma_wait3A_128 : memref<1024xf32, #tpu.memory_space<vmem>>)
    %dma_start3A_130 = arith.constant 0 : i32
    %dma_start3A_131 = arith.constant 0 : i32
    %dma_start3A_132 = arith.constant 0 : i32
    %dma_start3A_133 = arith.constant 0 : i32
    %dma_start3A_134 = arith.constant 0 : i32
    %dma_start3A_135 = tpu.memref_slice %arg11[%dma_start3A_132, %dma_start3A_133, %dma_start3A_134] : memref<2x1024x16xf32, #tpu.memory_space<vmem>> -> memref<1x128x16xf32, #tpu.memory_space<vmem>>
    %dma_start3A_136 = tpu.memref_squeeze %dma_start3A_135 : memref<1x128x16xf32, #tpu.memory_space<vmem>> -> memref<128x16xf32, #tpu.memory_space<vmem>>
    %dma_start3A_137 = arith.constant 0 : i32
    %dma_start3A_138 = tpu.memref_slice %arg8[%dma_start3A_130, %dma_start3A_131, %dma_start3A_137] : memref<3x8x128xi32, #tpu.memory_space<vmem>> -> memref<1x1x128xi32, #tpu.memory_space<vmem>>
    %dma_start3A_139 = tpu.memref_squeeze %dma_start3A_138 : memref<1x1x128xi32, #tpu.memory_space<vmem>> -> memref<128xi32, #tpu.memory_space<vmem>>
    %dma_start3A_140 = arith.constant 0 : i32
    %dma_start3A_141 = arith.constant 0 : i32
    %dma_start3A_142 = tpu.memref_slice %arg2[%dma_start3A_140, %dma_start3A_141] : memref<850000x16xf32, #tpu.memory_space<hbm>> -> memref<850000x16xf32, #tpu.memory_space<hbm>>
    tpu.enqueue_indirect_dma source(%dma_start3A_142 : memref<850000x16xf32, #tpu.memory_space<hbm>>) target(%dma_start3A_136 : memref<128x16xf32, #tpu.memory_space<vmem>>) offsets(%dma_start3A_139 : memref<128xi32, #tpu.memory_space<vmem>>) semaphore(%arg14 : memref<!tpu.dma_semaphore, #tpu.memory_space<semaphore_mem>>)
    %dma_start3A_143 = arith.constant 0 : i32
    %dma_start3A_144 = arith.constant 1 : i32
    %dma_start3A_145 = arith.constant 0 : i32
    %dma_start3A_146 = arith.constant 128 : i32
    %dma_start3A_147 = arith.constant 0 : i32
    %dma_start3A_148 = tpu.memref_slice %arg11[%dma_start3A_145, %dma_start3A_146, %dma_start3A_147] : memref<2x1024x16xf32, #tpu.memory_space<vmem>> -> memref<1x128x16xf32, #tpu.memory_space<vmem>>
    %dma_start3A_149 = tpu.memref_squeeze %dma_start3A_148 : memref<1x128x16xf32, #tpu.memory_space<vmem>> -> memref<128x16xf32, #tpu.memory_space<vmem>>
    %dma_start3A_150 = arith.constant 0 : i32
    %dma_start3A_151 = tpu.memref_slice %arg8[%dma_start3A_143, %dma_start3A_144, %dma_start3A_150] : memref<3x8x128xi32, #tpu.memory_space<vmem>> -> memref<1x1x128xi32, #tpu.memory_space<vmem>>
    %dma_start3A_152 = tpu.memref_squeeze %dma_start3A_151 : memref<1x1x128xi32, #tpu.memory_space<vmem>> -> memref<128xi32, #tpu.memory_space<vmem>>
    %dma_start3A_153 = arith.constant 0 : i32
    %dma_start3A_154 = arith.constant 0 : i32
    %dma_start3A_155 = tpu.memref_slice %arg2[%dma_start3A_153, %dma_start3A_154] : memref<850000x16xf32, #tpu.memory_space<hbm>> -> memref<850000x16xf32, #tpu.memory_space<hbm>>
    tpu.enqueue_indirect_dma source(%dma_start3A_155 : memref<850000x16xf32, #tpu.memory_space<hbm>>) target(%dma_start3A_149 : memref<128x16xf32, #tpu.memory_space<vmem>>) offsets(%dma_start3A_152 : memref<128xi32, #tpu.memory_space<vmem>>) semaphore(%arg14 : memref<!tpu.dma_semaphore, #tpu.memory_space<semaphore_mem>>)
    %dma_start3A_156 = arith.constant 0 : i32
    %dma_start3A_157 = arith.constant 2 : i32
    %dma_start3A_158 = arith.constant 0 : i32
    %dma_start3A_159 = arith.constant 256 : i32
    %dma_start3A_160 = arith.constant 0 : i32
    %dma_start3A_161 = tpu.memref_slice %arg11[%dma_start3A_158, %dma_start3A_159, %dma_start3A_160] : memref<2x1024x16xf32, #tpu.memory_space<vmem>> -> memref<1x128x16xf32, #tpu.memory_space<vmem>>
    %dma_start3A_162 = tpu.memref_squeeze %dma_start3A_161 : memref<1x128x16xf32, #tpu.memory_space<vmem>> -> memref<128x16xf32, #tpu.memory_space<vmem>>
    %dma_start3A_163 = arith.constant 0 : i32
    %dma_start3A_164 = tpu.memref_slice %arg8[%dma_start3A_156, %dma_start3A_157, %dma_start3A_163] : memref<3x8x128xi32, #tpu.memory_space<vmem>> -> memref<1x1x128xi32, #tpu.memory_space<vmem>>
    %dma_start3A_165 = tpu.memref_squeeze %dma_start3A_164 : memref<1x1x128xi32, #tpu.memory_space<vmem>> -> memref<128xi32, #tpu.memory_space<vmem>>
    %dma_start3A_166 = arith.constant 0 : i32
    %dma_start3A_167 = arith.constant 0 : i32
    %dma_start3A_168 = tpu.memref_slice %arg2[%dma_start3A_166, %dma_start3A_167] : memref<850000x16xf32, #tpu.memory_space<hbm>> -> memref<850000x16xf32, #tpu.memory_space<hbm>>
    tpu.enqueue_indirect_dma source(%dma_start3A_168 : memref<850000x16xf32, #tpu.memory_space<hbm>>) target(%dma_start3A_162 : memref<128x16xf32, #tpu.memory_space<vmem>>) offsets(%dma_start3A_165 : memref<128xi32, #tpu.memory_space<vmem>>) semaphore(%arg14 : memref<!tpu.dma_semaphore, #tpu.memory_space<semaphore_mem>>)
    %dma_start3A_169 = arith.constant 0 : i32
    %dma_start3A_170 = arith.constant 3 : i32
    %dma_start3A_171 = arith.constant 0 : i32
    %dma_start3A_172 = arith.constant 384 : i32
    %dma_start3A_173 = arith.constant 0 : i32
    %dma_start3A_174 = tpu.memref_slice %arg11[%dma_start3A_171, %dma_start3A_172, %dma_start3A_173] : memref<2x1024x16xf32, #tpu.memory_space<vmem>> -> memref<1x128x16xf32, #tpu.memory_space<vmem>>
    %dma_start3A_175 = tpu.memref_squeeze %dma_start3A_174 : memref<1x128x16xf32, #tpu.memory_space<vmem>> -> memref<128x16xf32, #tpu.memory_space<vmem>>
    %dma_start3A_176 = arith.constant 0 : i32
    %dma_start3A_177 = tpu.memref_slice %arg8[%dma_start3A_169, %dma_start3A_170, %dma_start3A_176] : memref<3x8x128xi32, #tpu.memory_space<vmem>> -> memref<1x1x128xi32, #tpu.memory_space<vmem>>
    %dma_start3A_178 = tpu.memref_squeeze %dma_start3A_177 : memref<1x1x128xi32, #tpu.memory_space<vmem>> -> memref<128xi32, #tpu.memory_space<vmem>>
    %dma_start3A_179 = arith.constant 0 : i32
    %dma_start3A_180 = arith.constant 0 : i32
    %dma_start3A_181 = tpu.memref_slice %arg2[%dma_start3A_179, %dma_start3A_180] : memref<850000x16xf32, #tpu.memory_space<hbm>> -> memref<850000x16xf32, #tpu.memory_space<hbm>>
    tpu.enqueue_indirect_dma source(%dma_start3A_181 : memref<850000x16xf32, #tpu.memory_space<hbm>>) target(%dma_start3A_175 : memref<128x16xf32, #tpu.memory_space<vmem>>) offsets(%dma_start3A_178 : memref<128xi32, #tpu.memory_space<vmem>>) semaphore(%arg14 : memref<!tpu.dma_semaphore, #tpu.memory_space<semaphore_mem>>)
    %dma_start3A_182 = arith.constant 0 : i32
    %dma_start3A_183 = arith.constant 4 : i32
    %dma_start3A_184 = arith.constant 0 : i32
    %dma_start3A_185 = arith.constant 512 : i32
    %dma_start3A_186 = arith.constant 0 : i32
    %dma_start3A_187 = tpu.memref_slice %arg11[%dma_start3A_184, %dma_start3A_185, %dma_start3A_186] : memref<2x1024x16xf32, #tpu.memory_space<vmem>> -> memref<1x128x16xf32, #tpu.memory_space<vmem>>
    %dma_start3A_188 = tpu.memref_squeeze %dma_start3A_187 : memref<1x128x16xf32, #tpu.memory_space<vmem>> -> memref<128x16xf32, #tpu.memory_space<vmem>>
    %dma_start3A_189 = arith.constant 0 : i32
    %dma_start3A_190 = tpu.memref_slice %arg8[%dma_start3A_182, %dma_start3A_183, %dma_start3A_189] : memref<3x8x128xi32, #tpu.memory_space<vmem>> -> memref<1x1x128xi32, #tpu.memory_space<vmem>>
    %dma_start3A_191 = tpu.memref_squeeze %dma_start3A_190 : memref<1x1x128xi32, #tpu.memory_space<vmem>> -> memref<128xi32, #tpu.memory_space<vmem>>
    %dma_start3A_192 = arith.constant 0 : i32
    %dma_start3A_193 = arith.constant 0 : i32
    %dma_start3A_194 = tpu.memref_slice %arg2[%dma_start3A_192, %dma_start3A_193] : memref<850000x16xf32, #tpu.memory_space<hbm>> -> memref<850000x16xf32, #tpu.memory_space<hbm>>
    tpu.enqueue_indirect_dma source(%dma_start3A_194 : memref<850000x16xf32, #tpu.memory_space<hbm>>) target(%dma_start3A_188 : memref<128x16xf32, #tpu.memory_space<vmem>>) offsets(%dma_start3A_191 : memref<128xi32, #tpu.memory_space<vmem>>) semaphore(%arg14 : memref<!tpu.dma_semaphore, #tpu.memory_space<semaphore_mem>>)
    %dma_start3A_195 = arith.constant 0 : i32
    %dma_start3A_196 = arith.constant 5 : i32
    %dma_start3A_197 = arith.constant 0 : i32
    %dma_start3A_198 = arith.constant 640 : i32
    %dma_start3A_199 = arith.constant 0 : i32
    %dma_start3A_200 = tpu.memref_slice %arg11[%dma_start3A_197, %dma_start3A_198, %dma_start3A_199] : memref<2x1024x16xf32, #tpu.memory_space<vmem>> -> memref<1x128x16xf32, #tpu.memory_space<vmem>>
    %dma_start3A_201 = tpu.memref_squeeze %dma_start3A_200 : memref<1x128x16xf32, #tpu.memory_space<vmem>> -> memref<128x16xf32, #tpu.memory_space<vmem>>
    %dma_start3A_202 = arith.constant 0 : i32
    %dma_start3A_203 = tpu.memref_slice %arg8[%dma_start3A_195, %dma_start3A_196, %dma_start3A_202] : memref<3x8x128xi32, #tpu.memory_space<vmem>> -> memref<1x1x128xi32, #tpu.memory_space<vmem>>
    %dma_start3A_204 = tpu.memref_squeeze %dma_start3A_203 : memref<1x1x128xi32, #tpu.memory_space<vmem>> -> memref<128xi32, #tpu.memory_space<vmem>>
    %dma_start3A_205 = arith.constant 0 : i32
    %dma_start3A_206 = arith.constant 0 : i32
    %dma_start3A_207 = tpu.memref_slice %arg2[%dma_start3A_205, %dma_start3A_206] : memref<850000x16xf32, #tpu.memory_space<hbm>> -> memref<850000x16xf32, #tpu.memory_space<hbm>>
    tpu.enqueue_indirect_dma source(%dma_start3A_207 : memref<850000x16xf32, #tpu.memory_space<hbm>>) target(%dma_start3A_201 : memref<128x16xf32, #tpu.memory_space<vmem>>) offsets(%dma_start3A_204 : memref<128xi32, #tpu.memory_space<vmem>>) semaphore(%arg14 : memref<!tpu.dma_semaphore, #tpu.memory_space<semaphore_mem>>)
    %dma_start3A_208 = arith.constant 0 : i32
    %dma_start3A_209 = arith.constant 6 : i32
    %dma_start3A_210 = arith.constant 0 : i32
    %dma_start3A_211 = arith.constant 768 : i32
    %dma_start3A_212 = arith.constant 0 : i32
    %dma_start3A_213 = tpu.memref_slice %arg11[%dma_start3A_210, %dma_start3A_211, %dma_start3A_212] : memref<2x1024x16xf32, #tpu.memory_space<vmem>> -> memref<1x128x16xf32, #tpu.memory_space<vmem>>
    %dma_start3A_214 = tpu.memref_squeeze %dma_start3A_213 : memref<1x128x16xf32, #tpu.memory_space<vmem>> -> memref<128x16xf32, #tpu.memory_space<vmem>>
    %dma_start3A_215 = arith.constant 0 : i32
    %dma_start3A_216 = tpu.memref_slice %arg8[%dma_start3A_208, %dma_start3A_209, %dma_start3A_215] : memref<3x8x128xi32, #tpu.memory_space<vmem>> -> memref<1x1x128xi32, #tpu.memory_space<vmem>>
    %dma_start3A_217 = tpu.memref_squeeze %dma_start3A_216 : memref<1x1x128xi32, #tpu.memory_space<vmem>> -> memref<128xi32, #tpu.memory_space<vmem>>
    %dma_start3A_218 = arith.constant 0 : i32
    %dma_start3A_219 = arith.constant 0 : i32
    %dma_start3A_220 = tpu.memref_slice %arg2[%dma_start3A_218, %dma_start3A_219] : memref<850000x16xf32, #tpu.memory_space<hbm>> -> memref<850000x16xf32, #tpu.memory_space<hbm>>
    tpu.enqueue_indirect_dma source(%dma_start3A_220 : memref<850000x16xf32, #tpu.memory_space<hbm>>) target(%dma_start3A_214 : memref<128x16xf32, #tpu.memory_space<vmem>>) offsets(%dma_start3A_217 : memref<128xi32, #tpu.memory_space<vmem>>) semaphore(%arg14 : memref<!tpu.dma_semaphore, #tpu.memory_space<semaphore_mem>>)
    %dma_start3A_221 = arith.constant 0 : i32
    %dma_start3A_222 = arith.constant 7 : i32
    %dma_start3A_223 = arith.constant 0 : i32
    %dma_start3A_224 = arith.constant 896 : i32
    %dma_start3A_225 = arith.constant 0 : i32
    %dma_start3A_226 = tpu.memref_slice %arg11[%dma_start3A_223, %dma_start3A_224, %dma_start3A_225] : memref<2x1024x16xf32, #tpu.memory_space<vmem>> -> memref<1x128x16xf32, #tpu.memory_space<vmem>>
    %dma_start3A_227 = tpu.memref_squeeze %dma_start3A_226 : memref<1x128x16xf32, #tpu.memory_space<vmem>> -> memref<128x16xf32, #tpu.memory_space<vmem>>
    %dma_start3A_228 = arith.constant 0 : i32
    %dma_start3A_229 = tpu.memref_slice %arg8[%dma_start3A_221, %dma_start3A_222, %dma_start3A_228] : memref<3x8x128xi32, #tpu.memory_space<vmem>> -> memref<1x1x128xi32, #tpu.memory_space<vmem>>
    %dma_start3A_230 = tpu.memref_squeeze %dma_start3A_229 : memref<1x1x128xi32, #tpu.memory_space<vmem>> -> memref<128xi32, #tpu.memory_space<vmem>>
    %dma_start3A_231 = arith.constant 0 : i32
    %dma_start3A_232 = arith.constant 0 : i32
    %dma_start3A_233 = tpu.memref_slice %arg2[%dma_start3A_231, %dma_start3A_232] : memref<850000x16xf32, #tpu.memory_space<hbm>> -> memref<850000x16xf32, #tpu.memory_space<hbm>>
    tpu.enqueue_indirect_dma source(%dma_start3A_233 : memref<850000x16xf32, #tpu.memory_space<hbm>>) target(%dma_start3A_227 : memref<128x16xf32, #tpu.memory_space<vmem>>) offsets(%dma_start3A_230 : memref<128xi32, #tpu.memory_space<vmem>>) semaphore(%arg14 : memref<!tpu.dma_semaphore, #tpu.memory_space<semaphore_mem>>)
    %scan3A = arith.constant 0 : i32
    %scan3A_234 = arith.constant 0 : i32
    %scan3A_235 = arith.constant 98 : i32
    %scan3A_236 = arith.addi %scan3A_234, %scan3A_235 : i32
    %scan3A_237 = arith.constant 1 : i32
    scf.for %scan3A_349 = %scan3A_234 to %scan3A_236 step %scan3A_237  : i32 {
      %jit3A = arith.constant 3 : i32
      %eq3A_350 = arith.constant 0 : i32
      %eq3A_351 = arith.cmpi eq, %jit3A, %eq3A_350 : i32
      %jit3A_352 = arith.constant 1 : i32
      %select_n3A = arith.select %eq3A_351, %jit3A_352, %jit3A : i32
      %rem3A = arith.remsi %scan3A_349, %select_n3A : i32
      %ne3A = arith.constant 0 : i32
      %ne3A_353 = arith.cmpi ne, %rem3A, %ne3A : i32
      %lt3A = arith.constant 0 : i32
      %lt3A_354 = arith.cmpi slt, %rem3A, %lt3A : i32
      %lt3A_355 = arith.constant 0 : i32
      %lt3A_356 = arith.cmpi slt, %select_n3A, %lt3A_355 : i32
      %ne3A_357 = arith.xori %lt3A_354, %lt3A_356 : i1
      %and3A = arith.andi %ne3A_357, %ne3A_353 : i1
      %add3A_358 = arith.addi %rem3A, %select_n3A : i32
      %select_n3A_359 = arith.select %and3A, %add3A_358, %rem3A : i32
      %and3A_360 = arith.constant 1 : i32
      %and3A_361 = arith.andi %scan3A_349, %and3A_360 : i32
      %add3A_362 = arith.constant 1 : i32
      %add3A_363 = arith.addi %scan3A_349, %add3A_362 : i32
      %jit3A_364 = arith.constant 3 : i32
      %eq3A_365 = arith.constant 0 : i32
      %eq3A_366 = arith.cmpi eq, %jit3A_364, %eq3A_365 : i32
      %jit3A_367 = arith.constant 1 : i32
      %select_n3A_368 = arith.select %eq3A_366, %jit3A_367, %jit3A_364 : i32
      %rem3A_369 = arith.remsi %add3A_363, %select_n3A_368 : i32
      %ne3A_370 = arith.constant 0 : i32
      %ne3A_371 = arith.cmpi ne, %rem3A_369, %ne3A_370 : i32
      %lt3A_372 = arith.constant 0 : i32
      %lt3A_373 = arith.cmpi slt, %rem3A_369, %lt3A_372 : i32
      %lt3A_374 = arith.constant 0 : i32
      %lt3A_375 = arith.cmpi slt, %select_n3A_368, %lt3A_374 : i32
      %ne3A_376 = arith.xori %lt3A_373, %lt3A_375 : i1
      %and3A_377 = arith.andi %ne3A_376, %ne3A_371 : i1
      %add3A_378 = arith.addi %rem3A_369, %select_n3A_368 : i32
      %select_n3A_379 = arith.select %and3A_377, %add3A_378, %rem3A_369 : i32
      %sub3A = arith.constant 1 : i32
      %sub3A_380 = arith.subi %sub3A, %and3A_361 : i32
      %dma_wait3A_381 = arith.constant 0 : i32
      %dma_wait3A_382 = arith.constant 0 : i32
      %dma_wait3A_383 = arith.constant 0 : i32
      %dma_wait3A_384 = tpu.memref_slice %arg11[%and3A_361, %dma_wait3A_382, %dma_wait3A_383] : memref<2x1024x16xf32, #tpu.memory_space<vmem>> -> memref<1x128x16xf32, #tpu.memory_space<vmem>>
      %dma_wait3A_385 = tpu.memref_squeeze %dma_wait3A_384 : memref<1x128x16xf32, #tpu.memory_space<vmem>> -> memref<128x16xf32, #tpu.memory_space<vmem>>
      %dma_wait3A_386 = arith.constant 0 : i32
      %dma_wait3A_387 = tpu.memref_slice %arg8[%select_n3A_359, %dma_wait3A_381, %dma_wait3A_386] : memref<3x8x128xi32, #tpu.memory_space<vmem>> -> memref<1x1x128xi32, #tpu.memory_space<vmem>>
      %dma_wait3A_388 = tpu.memref_squeeze %dma_wait3A_387 : memref<1x1x128xi32, #tpu.memory_space<vmem>> -> memref<128xi32, #tpu.memory_space<vmem>>
      %dma_wait3A_389 = arith.constant 0 : i32
      %dma_wait3A_390 = arith.constant 0 : i32
      %dma_wait3A_391 = tpu.memref_slice %arg2[%dma_wait3A_389, %dma_wait3A_390] : memref<850000x16xf32, #tpu.memory_space<hbm>> -> memref<850000x16xf32, #tpu.memory_space<hbm>>
      tpu.wait_indirect_dma semaphore(%arg14 : memref<!tpu.dma_semaphore, #tpu.memory_space<semaphore_mem>>) src(%dma_wait3A_391 : memref<850000x16xf32, #tpu.memory_space<hbm>>) dst(%dma_wait3A_385 : memref<128x16xf32, #tpu.memory_space<vmem>>)
      %dma_wait3A_392 = arith.constant 1 : i32
      %dma_wait3A_393 = arith.constant 128 : i32
      %dma_wait3A_394 = arith.constant 0 : i32
      %dma_wait3A_395 = tpu.memref_slice %arg11[%and3A_361, %dma_wait3A_393, %dma_wait3A_394] : memref<2x1024x16xf32, #tpu.memory_space<vmem>> -> memref<1x128x16xf32, #tpu.memory_space<vmem>>
      %dma_wait3A_396 = tpu.memref_squeeze %dma_wait3A_395 : memref<1x128x16xf32, #tpu.memory_space<vmem>> -> memref<128x16xf32, #tpu.memory_space<vmem>>
      %dma_wait3A_397 = arith.constant 0 : i32
      %dma_wait3A_398 = tpu.memref_slice %arg8[%select_n3A_359, %dma_wait3A_392, %dma_wait3A_397] : memref<3x8x128xi32, #tpu.memory_space<vmem>> -> memref<1x1x128xi32, #tpu.memory_space<vmem>>
      %dma_wait3A_399 = tpu.memref_squeeze %dma_wait3A_398 : memref<1x1x128xi32, #tpu.memory_space<vmem>> -> memref<128xi32, #tpu.memory_space<vmem>>
      %dma_wait3A_400 = arith.constant 0 : i32
      %dma_wait3A_401 = arith.constant 0 : i32
      %dma_wait3A_402 = tpu.memref_slice %arg2[%dma_wait3A_400, %dma_wait3A_401] : memref<850000x16xf32, #tpu.memory_space<hbm>> -> memref<850000x16xf32, #tpu.memory_space<hbm>>
      tpu.wait_indirect_dma semaphore(%arg14 : memref<!tpu.dma_semaphore, #tpu.memory_space<semaphore_mem>>) src(%dma_wait3A_402 : memref<850000x16xf32, #tpu.memory_space<hbm>>) dst(%dma_wait3A_396 : memref<128x16xf32, #tpu.memory_space<vmem>>)
      %dma_wait3A_403 = arith.constant 2 : i32
      %dma_wait3A_404 = arith.constant 256 : i32
      %dma_wait3A_405 = arith.constant 0 : i32
      %dma_wait3A_406 = tpu.memref_slice %arg11[%and3A_361, %dma_wait3A_404, %dma_wait3A_405] : memref<2x1024x16xf32, #tpu.memory_space<vmem>> -> memref<1x128x16xf32, #tpu.memory_space<vmem>>
      %dma_wait3A_407 = tpu.memref_squeeze %dma_wait3A_406 : memref<1x128x16xf32, #tpu.memory_space<vmem>> -> memref<128x16xf32, #tpu.memory_space<vmem>>
      %dma_wait3A_408 = arith.constant 0 : i32
      %dma_wait3A_409 = tpu.memref_slice %arg8[%select_n3A_359, %dma_wait3A_403, %dma_wait3A_408] : memref<3x8x128xi32, #tpu.memory_space<vmem>> -> memref<1x1x128xi32, #tpu.memory_space<vmem>>
      %dma_wait3A_410 = tpu.memref_squeeze %dma_wait3A_409 : memref<1x1x128xi32, #tpu.memory_space<vmem>> -> memref<128xi32, #tpu.memory_space<vmem>>
      %dma_wait3A_411 = arith.constant 0 : i32
      %dma_wait3A_412 = arith.constant 0 : i32
      %dma_wait3A_413 = tpu.memref_slice %arg2[%dma_wait3A_411, %dma_wait3A_412] : memref<850000x16xf32, #tpu.memory_space<hbm>> -> memref<850000x16xf32, #tpu.memory_space<hbm>>
      tpu.wait_indirect_dma semaphore(%arg14 : memref<!tpu.dma_semaphore, #tpu.memory_space<semaphore_mem>>) src(%dma_wait3A_413 : memref<850000x16xf32, #tpu.memory_space<hbm>>) dst(%dma_wait3A_407 : memref<128x16xf32, #tpu.memory_space<vmem>>)
      %dma_wait3A_414 = arith.constant 3 : i32
      %dma_wait3A_415 = arith.constant 384 : i32
      %dma_wait3A_416 = arith.constant 0 : i32
      %dma_wait3A_417 = tpu.memref_slice %arg11[%and3A_361, %dma_wait3A_415, %dma_wait3A_416] : memref<2x1024x16xf32, #tpu.memory_space<vmem>> -> memref<1x128x16xf32, #tpu.memory_space<vmem>>
      %dma_wait3A_418 = tpu.memref_squeeze %dma_wait3A_417 : memref<1x128x16xf32, #tpu.memory_space<vmem>> -> memref<128x16xf32, #tpu.memory_space<vmem>>
      %dma_wait3A_419 = arith.constant 0 : i32
      %dma_wait3A_420 = tpu.memref_slice %arg8[%select_n3A_359, %dma_wait3A_414, %dma_wait3A_419] : memref<3x8x128xi32, #tpu.memory_space<vmem>> -> memref<1x1x128xi32, #tpu.memory_space<vmem>>
      %dma_wait3A_421 = tpu.memref_squeeze %dma_wait3A_420 : memref<1x1x128xi32, #tpu.memory_space<vmem>> -> memref<128xi32, #tpu.memory_space<vmem>>
      %dma_wait3A_422 = arith.constant 0 : i32
      %dma_wait3A_423 = arith.constant 0 : i32
      %dma_wait3A_424 = tpu.memref_slice %arg2[%dma_wait3A_422, %dma_wait3A_423] : memref<850000x16xf32, #tpu.memory_space<hbm>> -> memref<850000x16xf32, #tpu.memory_space<hbm>>
      tpu.wait_indirect_dma semaphore(%arg14 : memref<!tpu.dma_semaphore, #tpu.memory_space<semaphore_mem>>) src(%dma_wait3A_424 : memref<850000x16xf32, #tpu.memory_space<hbm>>) dst(%dma_wait3A_418 : memref<128x16xf32, #tpu.memory_space<vmem>>)
      %dma_wait3A_425 = arith.constant 4 : i32
      %dma_wait3A_426 = arith.constant 512 : i32
      %dma_wait3A_427 = arith.constant 0 : i32
      %dma_wait3A_428 = tpu.memref_slice %arg11[%and3A_361, %dma_wait3A_426, %dma_wait3A_427] : memref<2x1024x16xf32, #tpu.memory_space<vmem>> -> memref<1x128x16xf32, #tpu.memory_space<vmem>>
      %dma_wait3A_429 = tpu.memref_squeeze %dma_wait3A_428 : memref<1x128x16xf32, #tpu.memory_space<vmem>> -> memref<128x16xf32, #tpu.memory_space<vmem>>
      %dma_wait3A_430 = arith.constant 0 : i32
      %dma_wait3A_431 = tpu.memref_slice %arg8[%select_n3A_359, %dma_wait3A_425, %dma_wait3A_430] : memref<3x8x128xi32, #tpu.memory_space<vmem>> -> memref<1x1x128xi32, #tpu.memory_space<vmem>>
      %dma_wait3A_432 = tpu.memref_squeeze %dma_wait3A_431 : memref<1x1x128xi32, #tpu.memory_space<vmem>> -> memref<128xi32, #tpu.memory_space<vmem>>
      %dma_wait3A_433 = arith.constant 0 : i32
      %dma_wait3A_434 = arith.constant 0 : i32
      %dma_wait3A_435 = tpu.memref_slice %arg2[%dma_wait3A_433, %dma_wait3A_434] : memref<850000x16xf32, #tpu.memory_space<hbm>> -> memref<850000x16xf32, #tpu.memory_space<hbm>>
      tpu.wait_indirect_dma semaphore(%arg14 : memref<!tpu.dma_semaphore, #tpu.memory_space<semaphore_mem>>) src(%dma_wait3A_435 : memref<850000x16xf32, #tpu.memory_space<hbm>>) dst(%dma_wait3A_429 : memref<128x16xf32, #tpu.memory_space<vmem>>)
      %dma_wait3A_436 = arith.constant 5 : i32
      %dma_wait3A_437 = arith.constant 640 : i32
      %dma_wait3A_438 = arith.constant 0 : i32
      %dma_wait3A_439 = tpu.memref_slice %arg11[%and3A_361, %dma_wait3A_437, %dma_wait3A_438] : memref<2x1024x16xf32, #tpu.memory_space<vmem>> -> memref<1x128x16xf32, #tpu.memory_space<vmem>>
      %dma_wait3A_440 = tpu.memref_squeeze %dma_wait3A_439 : memref<1x128x16xf32, #tpu.memory_space<vmem>> -> memref<128x16xf32, #tpu.memory_space<vmem>>
      %dma_wait3A_441 = arith.constant 0 : i32
      %dma_wait3A_442 = tpu.memref_slice %arg8[%select_n3A_359, %dma_wait3A_436, %dma_wait3A_441] : memref<3x8x128xi32, #tpu.memory_space<vmem>> -> memref<1x1x128xi32, #tpu.memory_space<vmem>>
      %dma_wait3A_443 = tpu.memref_squeeze %dma_wait3A_442 : memref<1x1x128xi32, #tpu.memory_space<vmem>> -> memref<128xi32, #tpu.memory_space<vmem>>
      %dma_wait3A_444 = arith.constant 0 : i32
      %dma_wait3A_445 = arith.constant 0 : i32
      %dma_wait3A_446 = tpu.memref_slice %arg2[%dma_wait3A_444, %dma_wait3A_445] : memref<850000x16xf32, #tpu.memory_space<hbm>> -> memref<850000x16xf32, #tpu.memory_space<hbm>>
      tpu.wait_indirect_dma semaphore(%arg14 : memref<!tpu.dma_semaphore, #tpu.memory_space<semaphore_mem>>) src(%dma_wait3A_446 : memref<850000x16xf32, #tpu.memory_space<hbm>>) dst(%dma_wait3A_440 : memref<128x16xf32, #tpu.memory_space<vmem>>)
      %dma_wait3A_447 = arith.constant 6 : i32
      %dma_wait3A_448 = arith.constant 768 : i32
      %dma_wait3A_449 = arith.constant 0 : i32
      %dma_wait3A_450 = tpu.memref_slice %arg11[%and3A_361, %dma_wait3A_448, %dma_wait3A_449] : memref<2x1024x16xf32, #tpu.memory_space<vmem>> -> memref<1x128x16xf32, #tpu.memory_space<vmem>>
      %dma_wait3A_451 = tpu.memref_squeeze %dma_wait3A_450 : memref<1x128x16xf32, #tpu.memory_space<vmem>> -> memref<128x16xf32, #tpu.memory_space<vmem>>
      %dma_wait3A_452 = arith.constant 0 : i32
      %dma_wait3A_453 = tpu.memref_slice %arg8[%select_n3A_359, %dma_wait3A_447, %dma_wait3A_452] : memref<3x8x128xi32, #tpu.memory_space<vmem>> -> memref<1x1x128xi32, #tpu.memory_space<vmem>>
      %dma_wait3A_454 = tpu.memref_squeeze %dma_wait3A_453 : memref<1x1x128xi32, #tpu.memory_space<vmem>> -> memref<128xi32, #tpu.memory_space<vmem>>
      %dma_wait3A_455 = arith.constant 0 : i32
      %dma_wait3A_456 = arith.constant 0 : i32
      %dma_wait3A_457 = tpu.memref_slice %arg2[%dma_wait3A_455, %dma_wait3A_456] : memref<850000x16xf32, #tpu.memory_space<hbm>> -> memref<850000x16xf32, #tpu.memory_space<hbm>>
      tpu.wait_indirect_dma semaphore(%arg14 : memref<!tpu.dma_semaphore, #tpu.memory_space<semaphore_mem>>) src(%dma_wait3A_457 : memref<850000x16xf32, #tpu.memory_space<hbm>>) dst(%dma_wait3A_451 : memref<128x16xf32, #tpu.memory_space<vmem>>)
      %dma_wait3A_458 = arith.constant 7 : i32
      %dma_wait3A_459 = arith.constant 896 : i32
      %dma_wait3A_460 = arith.constant 0 : i32
      %dma_wait3A_461 = tpu.memref_slice %arg11[%and3A_361, %dma_wait3A_459, %dma_wait3A_460] : memref<2x1024x16xf32, #tpu.memory_space<vmem>> -> memref<1x128x16xf32, #tpu.memory_space<vmem>>
      %dma_wait3A_462 = tpu.memref_squeeze %dma_wait3A_461 : memref<1x128x16xf32, #tpu.memory_space<vmem>> -> memref<128x16xf32, #tpu.memory_space<vmem>>
      %dma_wait3A_463 = arith.constant 0 : i32
      %dma_wait3A_464 = tpu.memref_slice %arg8[%select_n3A_359, %dma_wait3A_458, %dma_wait3A_463] : memref<3x8x128xi32, #tpu.memory_space<vmem>> -> memref<1x1x128xi32, #tpu.memory_space<vmem>>
      %dma_wait3A_465 = tpu.memref_squeeze %dma_wait3A_464 : memref<1x1x128xi32, #tpu.memory_space<vmem>> -> memref<128xi32, #tpu.memory_space<vmem>>
      %dma_wait3A_466 = arith.constant 0 : i32
      %dma_wait3A_467 = arith.constant 0 : i32
      %dma_wait3A_468 = tpu.memref_slice %arg2[%dma_wait3A_466, %dma_wait3A_467] : memref<850000x16xf32, #tpu.memory_space<hbm>> -> memref<850000x16xf32, #tpu.memory_space<hbm>>
      tpu.wait_indirect_dma semaphore(%arg14 : memref<!tpu.dma_semaphore, #tpu.memory_space<semaphore_mem>>) src(%dma_wait3A_468 : memref<850000x16xf32, #tpu.memory_space<hbm>>) dst(%dma_wait3A_462 : memref<128x16xf32, #tpu.memory_space<vmem>>)
      %scan3A_469 = arith.constant 0 : i32
      %scan3A_470 = arith.constant 0 : i32
      %scan3A_471 = arith.constant 64 : i32
      %scan3A_472 = arith.addi %scan3A_470, %scan3A_471 : i32
      %scan3A_473 = arith.constant 1 : i32
      scf.for %scan3A_581 = %scan3A_470 to %scan3A_472 step %scan3A_473  : i32 {
        %mul3A_582 = arith.constant 16 : i32
        %mul3A_583 = arith.muli %scan3A_581, %mul3A_582 : i32
        %get3A = arith.index_cast %select_n3A_359 : i32 to index
        %get3A_584 = arith.index_cast %mul3A_583 : i32 to index
        %get3A_585 = tpu.vector_load %arg10[%get3A, %get3A_584] {strides = array<i32>} : memref<3x1024xf32, #tpu.memory_space<vmem>>, vector<1x16xf32>,
        %get3A_586 = vector.shape_cast %get3A_585 : vector<1x16xf32> to vector<16xf32>
        %mul3A_587 = arith.constant 16 : i32
        %mul3A_588 = arith.muli %scan3A_581, %mul3A_587 : i32
        %add3A_589 = arith.constant 0 : i32
        %add3A_590 = arith.addi %mul3A_588, %add3A_589 : i32
        %get3A_591 = arith.index_cast %and3A_361 : i32 to index
        %get3A_592 = arith.index_cast %add3A_590 : i32 to index
        %get3A_593 = arith.constant 0 : index
        %get3A_594 = tpu.vector_load %arg11[%get3A_591, %get3A_592, %get3A_593] {strides = array<i32>} : memref<2x1024x16xf32, #tpu.memory_space<vmem>>, vector<1x1x16xf32>,
        %get3A_595 = vector.shape_cast %get3A_594 : vector<1x1x16xf32> to vector<16xf32>
        %slice3A = vector.extract_strided_slice %get3A_586 {offsets = [0], sizes = [1], strides = [1]} : vector<16xf32> to vector<1xf32>
        %squeeze3A = vector.extract %slice3A[0] : f32 from vector<1xf32>
        %mul3A_596 = vector.broadcast %squeeze3A : f32 to vector<16xf32>
        %mul3A_597 = arith.mulf %get3A_595, %mul3A_596 : vector<16xf32>
        %swap3A = arith.index_cast %and3A_361 : i32 to index
        %swap3A_598 = arith.index_cast %add3A_590 : i32 to index
        %swap3A_599 = arith.constant 0 : index
        %swap3A_600 = tpu.vector_load %arg11[%swap3A, %swap3A_598, %swap3A_599] {strides = array<i32>} : memref<2x1024x16xf32, #tpu.memory_space<vmem>>, vector<1x1x16xf32>,
        %swap3A_601 = vector.shape_cast %swap3A_600 : vector<1x1x16xf32> to vector<16xf32>
        %swap3A_602 = vector.shape_cast %mul3A_597 : vector<16xf32> to vector<1x1x16xf32>
        tpu.vector_store %arg11[%swap3A, %swap3A_598, %swap3A_599], %swap3A_602 {strides = array<i32>} : memref<2x1024x16xf32, #tpu.memory_space<vmem>>, vector<1x1x16xf32>,
        %mul3A_603 = arith.constant 16 : i32
        %mul3A_604 = arith.muli %scan3A_581, %mul3A_603 : i32
        %add3A_605 = arith.constant 1 : i32
        %add3A_606 = arith.addi %mul3A_604, %add3A_605 : i32
        %get3A_607 = arith.index_cast %and3A_361 : i32 to index
        %get3A_608 = arith.index_cast %add3A_606 : i32 to index
        %get3A_609 = arith.constant 0 : index
        %get3A_610 = tpu.vector_load %arg11[%get3A_607, %get3A_608, %get3A_609] {strides = array<i32>} : memref<2x1024x16xf32, #tpu.memory_space<vmem>>, vector<1x1x16xf32>,
        %get3A_611 = vector.shape_cast %get3A_610 : vector<1x1x16xf32> to vector<16xf32>
        %slice3A_612 = vector.extract_strided_slice %get3A_586 {offsets = [1], sizes = [1], strides = [1]} : vector<16xf32> to vector<1xf32>
        %squeeze3A_613 = vector.extract %slice3A_612[0] : f32 from vector<1xf32>
        %mul3A_614 = vector.broadcast %squeeze3A_613 : f32 to vector<16xf32>
        %mul3A_615 = arith.mulf %get3A_611, %mul3A_614 : vector<16xf32>
        %swap3A_616 = arith.index_cast %and3A_361 : i32 to index
        %swap3A_617 = arith.index_cast %add3A_606 : i32 to index
        %swap3A_618 = arith.constant 0 : index
        %swap3A_619 = tpu.vector_load %arg11[%swap3A_616, %swap3A_617, %swap3A_618] {strides = array<i32>} : memref<2x1024x16xf32, #tpu.memory_space<vmem>>, vector<1x1x16xf32>,
        %swap3A_620 = vector.shape_cast %swap3A_619 : vector<1x1x16xf32> to vector<16xf32>
        %swap3A_621 = vector.shape_cast %mul3A_615 : vector<16xf32> to vector<1x1x16xf32>
        tpu.vector_store %arg11[%swap3A_616, %swap3A_617, %swap3A_618], %swap3A_621 {strides = array<i32>} : memref<2x1024x16xf32, #tpu.memory_space<vmem>>, vector<1x1x16xf32>,
        %mul3A_622 = arith.constant 16 : i32
        %mul3A_623 = arith.muli %scan3A_581, %mul3A_622 : i32
        %add3A_624 = arith.constant 2 : i32
        %add3A_625 = arith.addi %mul3A_623, %add3A_624 : i32
        %get3A_626 = arith.index_cast %and3A_361 : i32 to index
        %get3A_627 = arith.index_cast %add3A_625 : i32 to index
        %get3A_628 = arith.constant 0 : index
        %get3A_629 = tpu.vector_load %arg11[%get3A_626, %get3A_627, %get3A_628] {strides = array<i32>} : memref<2x1024x16xf32, #tpu.memory_space<vmem>>, vector<1x1x16xf32>,
        %get3A_630 = vector.shape_cast %get3A_629 : vector<1x1x16xf32> to vector<16xf32>
        %slice3A_631 = vector.extract_strided_slice %get3A_586 {offsets = [2], sizes = [1], strides = [1]} : vector<16xf32> to vector<1xf32>
        %squeeze3A_632 = vector.extract %slice3A_631[0] : f32 from vector<1xf32>
        %mul3A_633 = vector.broadcast %squeeze3A_632 : f32 to vector<16xf32>
        %mul3A_634 = arith.mulf %get3A_630, %mul3A_633 : vector<16xf32>
        %swap3A_635 = arith.index_cast %and3A_361 : i32 to index
        %swap3A_636 = arith.index_cast %add3A_625 : i32 to index
        %swap3A_637 = arith.constant 0 : index
        %swap3A_638 = tpu.vector_load %arg11[%swap3A_635, %swap3A_636, %swap3A_637] {strides = array<i32>} : memref<2x1024x16xf32, #tpu.memory_space<vmem>>, vector<1x1x16xf32>,
        %swap3A_639 = vector.shape_cast %swap3A_638 : vector<1x1x16xf32> to vector<16xf32>
        %swap3A_640 = vector.shape_cast %mul3A_634 : vector<16xf32> to vector<1x1x16xf32>
        tpu.vector_store %arg11[%swap3A_635, %swap3A_636, %swap3A_637], %swap3A_640 {strides = array<i32>} : memref<2x1024x16xf32, #tpu.memory_space<vmem>>, vector<1x1x16xf32>,
        %mul3A_641 = arith.constant 16 : i32
        %mul3A_642 = arith.muli %scan3A_581, %mul3A_641 : i32
        %add3A_643 = arith.constant 3 : i32
        %add3A_644 = arith.addi %mul3A_642, %add3A_643 : i32
        %get3A_645 = arith.index_cast %and3A_361 : i32 to index
        %get3A_646 = arith.index_cast %add3A_644 : i32 to index
        %get3A_647 = arith.constant 0 : index
        %get3A_648 = tpu.vector_load %arg11[%get3A_645, %get3A_646, %get3A_647] {strides = array<i32>} : memref<2x1024x16xf32, #tpu.memory_space<vmem>>, vector<1x1x16xf32>,
        %get3A_649 = vector.shape_cast %get3A_648 : vector<1x1x16xf32> to vector<16xf32>
        %slice3A_650 = vector.extract_strided_slice %get3A_586 {offsets = [3], sizes = [1], strides = [1]} : vector<16xf32> to vector<1xf32>
        %squeeze3A_651 = vector.extract %slice3A_650[0] : f32 from vector<1xf32>
        %mul3A_652 = vector.broadcast %squeeze3A_651 : f32 to vector<16xf32>
        %mul3A_653 = arith.mulf %get3A_649, %mul3A_652 : vector<16xf32>
        %swap3A_654 = arith.index_cast %and3A_361 : i32 to index
        %swap3A_655 = arith.index_cast %add3A_644 : i32 to index
        %swap3A_656 = arith.constant 0 : index
        %swap3A_657 = tpu.vector_load %arg11[%swap3A_654, %swap3A_655, %swap3A_656] {strides = array<i32>} : memref<2x1024x16xf32, #tpu.memory_space<vmem>>, vector<1x1x16xf32>,
        %swap3A_658 = vector.shape_cast %swap3A_657 : vector<1x1x16xf32> to vector<16xf32>
        %swap3A_659 = vector.shape_cast %mul3A_653 : vector<16xf32> to vector<1x1x16xf32>
        tpu.vector_store %arg11[%swap3A_654, %swap3A_655, %swap3A_656], %swap3A_659 {strides = array<i32>} : memref<2x1024x16xf32, #tpu.memory_space<vmem>>, vector<1x1x16xf32>,
        %mul3A_660 = arith.constant 16 : i32
        %mul3A_661 = arith.muli %scan3A_581, %mul3A_660 : i32
        %add3A_662 = arith.constant 4 : i32
        %add3A_663 = arith.addi %mul3A_661, %add3A_662 : i32
        %get3A_664 = arith.index_cast %and3A_361 : i32 to index
        %get3A_665 = arith.index_cast %add3A_663 : i32 to index
        %get3A_666 = arith.constant 0 : index
        %get3A_667 = tpu.vector_load %arg11[%get3A_664, %get3A_665, %get3A_666] {strides = array<i32>} : memref<2x1024x16xf32, #tpu.memory_space<vmem>>, vector<1x1x16xf32>,
        %get3A_668 = vector.shape_cast %get3A_667 : vector<1x1x16xf32> to vector<16xf32>
        %slice3A_669 = vector.extract_strided_slice %get3A_586 {offsets = [4], sizes = [1], strides = [1]} : vector<16xf32> to vector<1xf32>
        %squeeze3A_670 = vector.extract %slice3A_669[0] : f32 from vector<1xf32>
        %mul3A_671 = vector.broadcast %squeeze3A_670 : f32 to vector<16xf32>
        %mul3A_672 = arith.mulf %get3A_668, %mul3A_671 : vector<16xf32>
        %swap3A_673 = arith.index_cast %and3A_361 : i32 to index
        %swap3A_674 = arith.index_cast %add3A_663 : i32 to index
        %swap3A_675 = arith.constant 0 : index
        %swap3A_676 = tpu.vector_load %arg11[%swap3A_673, %swap3A_674, %swap3A_675] {strides = array<i32>} : memref<2x1024x16xf32, #tpu.memory_space<vmem>>, vector<1x1x16xf32>,
        %swap3A_677 = vector.shape_cast %swap3A_676 : vector<1x1x16xf32> to vector<16xf32>
        %swap3A_678 = vector.shape_cast %mul3A_672 : vector<16xf32> to vector<1x1x16xf32>
        tpu.vector_store %arg11[%swap3A_673, %swap3A_674, %swap3A_675], %swap3A_678 {strides = array<i32>} : memref<2x1024x16xf32, #tpu.memory_space<vmem>>, vector<1x1x16xf32>,
        %mul3A_679 = arith.constant 16 : i32
        %mul3A_680 = arith.muli %scan3A_581, %mul3A_679 : i32
        %add3A_681 = arith.constant 5 : i32
        %add3A_682 = arith.addi %mul3A_680, %add3A_681 : i32
        %get3A_683 = arith.index_cast %and3A_361 : i32 to index
        %get3A_684 = arith.index_cast %add3A_682 : i32 to index
        %get3A_685 = arith.constant 0 : index
        %get3A_686 = tpu.vector_load %arg11[%get3A_683, %get3A_684, %get3A_685] {strides = array<i32>} : memref<2x1024x16xf32, #tpu.memory_space<vmem>>, vector<1x1x16xf32>,
        %get3A_687 = vector.shape_cast %get3A_686 : vector<1x1x16xf32> to vector<16xf32>
        %slice3A_688 = vector.extract_strided_slice %get3A_586 {offsets = [5], sizes = [1], strides = [1]} : vector<16xf32> to vector<1xf32>
        %squeeze3A_689 = vector.extract %slice3A_688[0] : f32 from vector<1xf32>
        %mul3A_690 = vector.broadcast %squeeze3A_689 : f32 to vector<16xf32>
        %mul3A_691 = arith.mulf %get3A_687, %mul3A_690 : vector<16xf32>
        %swap3A_692 = arith.index_cast %and3A_361 : i32 to index
        %swap3A_693 = arith.index_cast %add3A_682 : i32 to index
        %swap3A_694 = arith.constant 0 : index
        %swap3A_695 = tpu.vector_load %arg11[%swap3A_692, %swap3A_693, %swap3A_694] {strides = array<i32>} : memref<2x1024x16xf32, #tpu.memory_space<vmem>>, vector<1x1x16xf32>,
        %swap3A_696 = vector.shape_cast %swap3A_695 : vector<1x1x16xf32> to vector<16xf32>
        %swap3A_697 = vector.shape_cast %mul3A_691 : vector<16xf32> to vector<1x1x16xf32>
        tpu.vector_store %arg11[%swap3A_692, %swap3A_693, %swap3A_694], %swap3A_697 {strides = array<i32>} : memref<2x1024x16xf32, #tpu.memory_space<vmem>>, vector<1x1x16xf32>,
        %mul3A_698 = arith.constant 16 : i32
        %mul3A_699 = arith.muli %scan3A_581, %mul3A_698 : i32
        %add3A_700 = arith.constant 6 : i32
        %add3A_701 = arith.addi %mul3A_699, %add3A_700 : i32
        %get3A_702 = arith.index_cast %and3A_361 : i32 to index
        %get3A_703 = arith.index_cast %add3A_701 : i32 to index
        %get3A_704 = arith.constant 0 : index
        %get3A_705 = tpu.vector_load %arg11[%get3A_702, %get3A_703, %get3A_704] {strides = array<i32>} : memref<2x1024x16xf32, #tpu.memory_space<vmem>>, vector<1x1x16xf32>,
        %get3A_706 = vector.shape_cast %get3A_705 : vector<1x1x16xf32> to vector<16xf32>
        %slice3A_707 = vector.extract_strided_slice %get3A_586 {offsets = [6], sizes = [1], strides = [1]} : vector<16xf32> to vector<1xf32>
        %squeeze3A_708 = vector.extract %slice3A_707[0] : f32 from vector<1xf32>
        %mul3A_709 = vector.broadcast %squeeze3A_708 : f32 to vector<16xf32>
        %mul3A_710 = arith.mulf %get3A_706, %mul3A_709 : vector<16xf32>
        %swap3A_711 = arith.index_cast %and3A_361 : i32 to index
        %swap3A_712 = arith.index_cast %add3A_701 : i32 to index
        %swap3A_713 = arith.constant 0 : index
        %swap3A_714 = tpu.vector_load %arg11[%swap3A_711, %swap3A_712, %swap3A_713] {strides = array<i32>} : memref<2x1024x16xf32, #tpu.memory_space<vmem>>, vector<1x1x16xf32>,
        %swap3A_715 = vector.shape_cast %swap3A_714 : vector<1x1x16xf32> to vector<16xf32>
        %swap3A_716 = vector.shape_cast %mul3A_710 : vector<16xf32> to vector<1x1x16xf32>
        tpu.vector_store %arg11[%swap3A_711, %swap3A_712, %swap3A_713], %swap3A_716 {strides = array<i32>} : memref<2x1024x16xf32, #tpu.memory_space<vmem>>, vector<1x1x16xf32>,
        %mul3A_717 = arith.constant 16 : i32
        %mul3A_718 = arith.muli %scan3A_581, %mul3A_717 : i32
        %add3A_719 = arith.constant 7 : i32
        %add3A_720 = arith.addi %mul3A_718, %add3A_719 : i32
        %get3A_721 = arith.index_cast %and3A_361 : i32 to index
        %get3A_722 = arith.index_cast %add3A_720 : i32 to index
        %get3A_723 = arith.constant 0 : index
        %get3A_724 = tpu.vector_load %arg11[%get3A_721, %get3A_722, %get3A_723] {strides = array<i32>} : memref<2x1024x16xf32, #tpu.memory_space<vmem>>, vector<1x1x16xf32>,
        %get3A_725 = vector.shape_cast %get3A_724 : vector<1x1x16xf32> to vector<16xf32>
        %slice3A_726 = vector.extract_strided_slice %get3A_586 {offsets = [7], sizes = [1], strides = [1]} : vector<16xf32> to vector<1xf32>
        %squeeze3A_727 = vector.extract %slice3A_726[0] : f32 from vector<1xf32>
        %mul3A_728 = vector.broadcast %squeeze3A_727 : f32 to vector<16xf32>
        %mul3A_729 = arith.mulf %get3A_725, %mul3A_728 : vector<16xf32>
        %swap3A_730 = arith.index_cast %and3A_361 : i32 to index
        %swap3A_731 = arith.index_cast %add3A_720 : i32 to index
        %swap3A_732 = arith.constant 0 : index
        %swap3A_733 = tpu.vector_load %arg11[%swap3A_730, %swap3A_731, %swap3A_732] {strides = array<i32>} : memref<2x1024x16xf32, #tpu.memory_space<vmem>>, vector<1x1x16xf32>,
        %swap3A_734 = vector.shape_cast %swap3A_733 : vector<1x1x16xf32> to vector<16xf32>
        %swap3A_735 = vector.shape_cast %mul3A_729 : vector<16xf32> to vector<1x1x16xf32>
        tpu.vector_store %arg11[%swap3A_730, %swap3A_731, %swap3A_732], %swap3A_735 {strides = array<i32>} : memref<2x1024x16xf32, #tpu.memory_space<vmem>>, vector<1x1x16xf32>,
        %mul3A_736 = arith.constant 16 : i32
        %mul3A_737 = arith.muli %scan3A_581, %mul3A_736 : i32
        %add3A_738 = arith.constant 8 : i32
        %add3A_739 = arith.addi %mul3A_737, %add3A_738 : i32
        %get3A_740 = arith.index_cast %and3A_361 : i32 to index
        %get3A_741 = arith.index_cast %add3A_739 : i32 to index
        %get3A_742 = arith.constant 0 : index
        %get3A_743 = tpu.vector_load %arg11[%get3A_740, %get3A_741, %get3A_742] {strides = array<i32>} : memref<2x1024x16xf32, #tpu.memory_space<vmem>>, vector<1x1x16xf32>,
        %get3A_744 = vector.shape_cast %get3A_743 : vector<1x1x16xf32> to vector<16xf32>
        %slice3A_745 = vector.extract_strided_slice %get3A_586 {offsets = [8], sizes = [1], strides = [1]} : vector<16xf32> to vector<1xf32>
        %squeeze3A_746 = vector.extract %slice3A_745[0] : f32 from vector<1xf32>
        %mul3A_747 = vector.broadcast %squeeze3A_746 : f32 to vector<16xf32>
        %mul3A_748 = arith.mulf %get3A_744, %mul3A_747 : vector<16xf32>
        %swap3A_749 = arith.index_cast %and3A_361 : i32 to index
        %swap3A_750 = arith.index_cast %add3A_739 : i32 to index
        %swap3A_751 = arith.constant 0 : index
        %swap3A_752 = tpu.vector_load %arg11[%swap3A_749, %swap3A_750, %swap3A_751] {strides = array<i32>} : memref<2x1024x16xf32, #tpu.memory_space<vmem>>, vector<1x1x16xf32>,
        %swap3A_753 = vector.shape_cast %swap3A_752 : vector<1x1x16xf32> to vector<16xf32>
        %swap3A_754 = vector.shape_cast %mul3A_748 : vector<16xf32> to vector<1x1x16xf32>
        tpu.vector_store %arg11[%swap3A_749, %swap3A_750, %swap3A_751], %swap3A_754 {strides = array<i32>} : memref<2x1024x16xf32, #tpu.memory_space<vmem>>, vector<1x1x16xf32>,
        %mul3A_755 = arith.constant 16 : i32
        %mul3A_756 = arith.muli %scan3A_581, %mul3A_755 : i32
        %add3A_757 = arith.constant 9 : i32
        %add3A_758 = arith.addi %mul3A_756, %add3A_757 : i32
        %get3A_759 = arith.index_cast %and3A_361 : i32 to index
        %get3A_760 = arith.index_cast %add3A_758 : i32 to index
        %get3A_761 = arith.constant 0 : index
        %get3A_762 = tpu.vector_load %arg11[%get3A_759, %get3A_760, %get3A_761] {strides = array<i32>} : memref<2x1024x16xf32, #tpu.memory_space<vmem>>, vector<1x1x16xf32>,
        %get3A_763 = vector.shape_cast %get3A_762 : vector<1x1x16xf32> to vector<16xf32>
        %slice3A_764 = vector.extract_strided_slice %get3A_586 {offsets = [9], sizes = [1], strides = [1]} : vector<16xf32> to vector<1xf32>
        %squeeze3A_765 = vector.extract %slice3A_764[0] : f32 from vector<1xf32>
        %mul3A_766 = vector.broadcast %squeeze3A_765 : f32 to vector<16xf32>
        %mul3A_767 = arith.mulf %get3A_763, %mul3A_766 : vector<16xf32>
        %swap3A_768 = arith.index_cast %and3A_361 : i32 to index
        %swap3A_769 = arith.index_cast %add3A_758 : i32 to index
        %swap3A_770 = arith.constant 0 : index
        %swap3A_771 = tpu.vector_load %arg11[%swap3A_768, %swap3A_769, %swap3A_770] {strides = array<i32>} : memref<2x1024x16xf32, #tpu.memory_space<vmem>>, vector<1x1x16xf32>,
        %swap3A_772 = vector.shape_cast %swap3A_771 : vector<1x1x16xf32> to vector<16xf32>
        %swap3A_773 = vector.shape_cast %mul3A_767 : vector<16xf32> to vector<1x1x16xf32>
        tpu.vector_store %arg11[%swap3A_768, %swap3A_769, %swap3A_770], %swap3A_773 {strides = array<i32>} : memref<2x1024x16xf32, #tpu.memory_space<vmem>>, vector<1x1x16xf32>,
        %mul3A_774 = arith.constant 16 : i32
        %mul3A_775 = arith.muli %scan3A_581, %mul3A_774 : i32
        %add3A_776 = arith.constant 10 : i32
        %add3A_777 = arith.addi %mul3A_775, %add3A_776 : i32
        %get3A_778 = arith.index_cast %and3A_361 : i32 to index
        %get3A_779 = arith.index_cast %add3A_777 : i32 to index
        %get3A_780 = arith.constant 0 : index
        %get3A_781 = tpu.vector_load %arg11[%get3A_778, %get3A_779, %get3A_780] {strides = array<i32>} : memref<2x1024x16xf32, #tpu.memory_space<vmem>>, vector<1x1x16xf32>,
        %get3A_782 = vector.shape_cast %get3A_781 : vector<1x1x16xf32> to vector<16xf32>
        %slice3A_783 = vector.extract_strided_slice %get3A_586 {offsets = [10], sizes = [1], strides = [1]} : vector<16xf32> to vector<1xf32>
        %squeeze3A_784 = vector.extract %slice3A_783[0] : f32 from vector<1xf32>
        %mul3A_785 = vector.broadcast %squeeze3A_784 : f32 to vector<16xf32>
        %mul3A_786 = arith.mulf %get3A_782, %mul3A_785 : vector<16xf32>
        %swap3A_787 = arith.index_cast %and3A_361 : i32 to index
        %swap3A_788 = arith.index_cast %add3A_777 : i32 to index
        %swap3A_789 = arith.constant 0 : index
        %swap3A_790 = tpu.vector_load %arg11[%swap3A_787, %swap3A_788, %swap3A_789] {strides = array<i32>} : memref<2x1024x16xf32, #tpu.memory_space<vmem>>, vector<1x1x16xf32>,
        %swap3A_791 = vector.shape_cast %swap3A_790 : vector<1x1x16xf32> to vector<16xf32>
        %swap3A_792 = vector.shape_cast %mul3A_786 : vector<16xf32> to vector<1x1x16xf32>
        tpu.vector_store %arg11[%swap3A_787, %swap3A_788, %swap3A_789], %swap3A_792 {strides = array<i32>} : memref<2x1024x16xf32, #tpu.memory_space<vmem>>, vector<1x1x16xf32>,
        %mul3A_793 = arith.constant 16 : i32
        %mul3A_794 = arith.muli %scan3A_581, %mul3A_793 : i32
        %add3A_795 = arith.constant 11 : i32
        %add3A_796 = arith.addi %mul3A_794, %add3A_795 : i32
        %get3A_797 = arith.index_cast %and3A_361 : i32 to index
        %get3A_798 = arith.index_cast %add3A_796 : i32 to index
        %get3A_799 = arith.constant 0 : index
        %get3A_800 = tpu.vector_load %arg11[%get3A_797, %get3A_798, %get3A_799] {strides = array<i32>} : memref<2x1024x16xf32, #tpu.memory_space<vmem>>, vector<1x1x16xf32>,
        %get3A_801 = vector.shape_cast %get3A_800 : vector<1x1x16xf32> to vector<16xf32>
        %slice3A_802 = vector.extract_strided_slice %get3A_586 {offsets = [11], sizes = [1], strides = [1]} : vector<16xf32> to vector<1xf32>
        %squeeze3A_803 = vector.extract %slice3A_802[0] : f32 from vector<1xf32>
        %mul3A_804 = vector.broadcast %squeeze3A_803 : f32 to vector<16xf32>
        %mul3A_805 = arith.mulf %get3A_801, %mul3A_804 : vector<16xf32>
        %swap3A_806 = arith.index_cast %and3A_361 : i32 to index
        %swap3A_807 = arith.index_cast %add3A_796 : i32 to index
        %swap3A_808 = arith.constant 0 : index
        %swap3A_809 = tpu.vector_load %arg11[%swap3A_806, %swap3A_807, %swap3A_808] {strides = array<i32>} : memref<2x1024x16xf32, #tpu.memory_space<vmem>>, vector<1x1x16xf32>,
        %swap3A_810 = vector.shape_cast %swap3A_809 : vector<1x1x16xf32> to vector<16xf32>
        %swap3A_811 = vector.shape_cast %mul3A_805 : vector<16xf32> to vector<1x1x16xf32>
        tpu.vector_store %arg11[%swap3A_806, %swap3A_807, %swap3A_808], %swap3A_811 {strides = array<i32>} : memref<2x1024x16xf32, #tpu.memory_space<vmem>>, vector<1x1x16xf32>,
        %mul3A_812 = arith.constant 16 : i32
        %mul3A_813 = arith.muli %scan3A_581, %mul3A_812 : i32
        %add3A_814 = arith.constant 12 : i32
        %add3A_815 = arith.addi %mul3A_813, %add3A_814 : i32
        %get3A_816 = arith.index_cast %and3A_361 : i32 to index
        %get3A_817 = arith.index_cast %add3A_815 : i32 to index
        %get3A_818 = arith.constant 0 : index
        %get3A_819 = tpu.vector_load %arg11[%get3A_816, %get3A_817, %get3A_818] {strides = array<i32>} : memref<2x1024x16xf32, #tpu.memory_space<vmem>>, vector<1x1x16xf32>,
        %get3A_820 = vector.shape_cast %get3A_819 : vector<1x1x16xf32> to vector<16xf32>
        %slice3A_821 = vector.extract_strided_slice %get3A_586 {offsets = [12], sizes = [1], strides = [1]} : vector<16xf32> to vector<1xf32>
        %squeeze3A_822 = vector.extract %slice3A_821[0] : f32 from vector<1xf32>
        %mul3A_823 = vector.broadcast %squeeze3A_822 : f32 to vector<16xf32>
        %mul3A_824 = arith.mulf %get3A_820, %mul3A_823 : vector<16xf32>
        %swap3A_825 = arith.index_cast %and3A_361 : i32 to index
        %swap3A_826 = arith.index_cast %add3A_815 : i32 to index
        %swap3A_827 = arith.constant 0 : index
        %swap3A_828 = tpu.vector_load %arg11[%swap3A_825, %swap3A_826, %swap3A_827] {strides = array<i32>} : memref<2x1024x16xf32, #tpu.memory_space<vmem>>, vector<1x1x16xf32>,
        %swap3A_829 = vector.shape_cast %swap3A_828 : vector<1x1x16xf32> to vector<16xf32>
        %swap3A_830 = vector.shape_cast %mul3A_824 : vector<16xf32> to vector<1x1x16xf32>
        tpu.vector_store %arg11[%swap3A_825, %swap3A_826, %swap3A_827], %swap3A_830 {strides = array<i32>} : memref<2x1024x16xf32, #tpu.memory_space<vmem>>, vector<1x1x16xf32>,
        %mul3A_831 = arith.constant 16 : i32
        %mul3A_832 = arith.muli %scan3A_581, %mul3A_831 : i32
        %add3A_833 = arith.constant 13 : i32
        %add3A_834 = arith.addi %mul3A_832, %add3A_833 : i32
        %get3A_835 = arith.index_cast %and3A_361 : i32 to index
        %get3A_836 = arith.index_cast %add3A_834 : i32 to index
        %get3A_837 = arith.constant 0 : index
        %get3A_838 = tpu.vector_load %arg11[%get3A_835, %get3A_836, %get3A_837] {strides = array<i32>} : memref<2x1024x16xf32, #tpu.memory_space<vmem>>, vector<1x1x16xf32>,
        %get3A_839 = vector.shape_cast %get3A_838 : vector<1x1x16xf32> to vector<16xf32>
        %slice3A_840 = vector.extract_strided_slice %get3A_586 {offsets = [13], sizes = [1], strides = [1]} : vector<16xf32> to vector<1xf32>
        %squeeze3A_841 = vector.extract %slice3A_840[0] : f32 from vector<1xf32>
        %mul3A_842 = vector.broadcast %squeeze3A_841 : f32 to vector<16xf32>
        %mul3A_843 = arith.mulf %get3A_839, %mul3A_842 : vector<16xf32>
        %swap3A_844 = arith.index_cast %and3A_361 : i32 to index
        %swap3A_845 = arith.index_cast %add3A_834 : i32 to index
        %swap3A_846 = arith.constant 0 : index
        %swap3A_847 = tpu.vector_load %arg11[%swap3A_844, %swap3A_845, %swap3A_846] {strides = array<i32>} : memref<2x1024x16xf32, #tpu.memory_space<vmem>>, vector<1x1x16xf32>,
        %swap3A_848 = vector.shape_cast %swap3A_847 : vector<1x1x16xf32> to vector<16xf32>
        %swap3A_849 = vector.shape_cast %mul3A_843 : vector<16xf32> to vector<1x1x16xf32>
        tpu.vector_store %arg11[%swap3A_844, %swap3A_845, %swap3A_846], %swap3A_849 {strides = array<i32>} : memref<2x1024x16xf32, #tpu.memory_space<vmem>>, vector<1x1x16xf32>,
        %mul3A_850 = arith.constant 16 : i32
        %mul3A_851 = arith.muli %scan3A_581, %mul3A_850 : i32
        %add3A_852 = arith.constant 14 : i32
        %add3A_853 = arith.addi %mul3A_851, %add3A_852 : i32
        %get3A_854 = arith.index_cast %and3A_361 : i32 to index
        %get3A_855 = arith.index_cast %add3A_853 : i32 to index
        %get3A_856 = arith.constant 0 : index
        %get3A_857 = tpu.vector_load %arg11[%get3A_854, %get3A_855, %get3A_856] {strides = array<i32>} : memref<2x1024x16xf32, #tpu.memory_space<vmem>>, vector<1x1x16xf32>,
        %get3A_858 = vector.shape_cast %get3A_857 : vector<1x1x16xf32> to vector<16xf32>
        %slice3A_859 = vector.extract_strided_slice %get3A_586 {offsets = [14], sizes = [1], strides = [1]} : vector<16xf32> to vector<1xf32>
        %squeeze3A_860 = vector.extract %slice3A_859[0] : f32 from vector<1xf32>
        %mul3A_861 = vector.broadcast %squeeze3A_860 : f32 to vector<16xf32>
        %mul3A_862 = arith.mulf %get3A_858, %mul3A_861 : vector<16xf32>
        %swap3A_863 = arith.index_cast %and3A_361 : i32 to index
        %swap3A_864 = arith.index_cast %add3A_853 : i32 to index
        %swap3A_865 = arith.constant 0 : index
        %swap3A_866 = tpu.vector_load %arg11[%swap3A_863, %swap3A_864, %swap3A_865] {strides = array<i32>} : memref<2x1024x16xf32, #tpu.memory_space<vmem>>, vector<1x1x16xf32>,
        %swap3A_867 = vector.shape_cast %swap3A_866 : vector<1x1x16xf32> to vector<16xf32>
        %swap3A_868 = vector.shape_cast %mul3A_862 : vector<16xf32> to vector<1x1x16xf32>
        tpu.vector_store %arg11[%swap3A_863, %swap3A_864, %swap3A_865], %swap3A_868 {strides = array<i32>} : memref<2x1024x16xf32, #tpu.memory_space<vmem>>, vector<1x1x16xf32>,
        %mul3A_869 = arith.constant 16 : i32
        %mul3A_870 = arith.muli %scan3A_581, %mul3A_869 : i32
        %add3A_871 = arith.constant 15 : i32
        %add3A_872 = arith.addi %mul3A_870, %add3A_871 : i32
        %get3A_873 = arith.index_cast %and3A_361 : i32 to index
        %get3A_874 = arith.index_cast %add3A_872 : i32 to index
        %get3A_875 = arith.constant 0 : index
        %get3A_876 = tpu.vector_load %arg11[%get3A_873, %get3A_874, %get3A_875] {strides = array<i32>} : memref<2x1024x16xf32, #tpu.memory_space<vmem>>, vector<1x1x16xf32>,
        %get3A_877 = vector.shape_cast %get3A_876 : vector<1x1x16xf32> to vector<16xf32>
        %slice3A_878 = vector.extract_strided_slice %get3A_586 {offsets = [15], sizes = [1], strides = [1]} : vector<16xf32> to vector<1xf32>
        %squeeze3A_879 = vector.extract %slice3A_878[0] : f32 from vector<1xf32>
        %mul3A_880 = vector.broadcast %squeeze3A_879 : f32 to vector<16xf32>
        %mul3A_881 = arith.mulf %get3A_877, %mul3A_880 : vector<16xf32>
        %swap3A_882 = arith.index_cast %and3A_361 : i32 to index
        %swap3A_883 = arith.index_cast %add3A_872 : i32 to index
        %swap3A_884 = arith.constant 0 : index
        %swap3A_885 = tpu.vector_load %arg11[%swap3A_882, %swap3A_883, %swap3A_884] {strides = array<i32>} : memref<2x1024x16xf32, #tpu.memory_space<vmem>>, vector<1x1x16xf32>,
        %swap3A_886 = vector.shape_cast %swap3A_885 : vector<1x1x16xf32> to vector<16xf32>
        %swap3A_887 = vector.shape_cast %mul3A_881 : vector<16xf32> to vector<1x1x16xf32>
        tpu.vector_store %arg11[%swap3A_882, %swap3A_883, %swap3A_884], %swap3A_887 {strides = array<i32>} : memref<2x1024x16xf32, #tpu.memory_space<vmem>>, vector<1x1x16xf32>,
      }
      %scan3A_474 = arith.constant 64 : i32
      %ge3A = arith.constant 1 : i32
      %ge3A_475 = arith.cmpi sge, %scan3A_349, %ge3A : i32
      %convert_element_type3A_476 = arith.extui %ge3A_475 : i1 to i32
      %cond3A_477 = arith.constant 0 : i32
      %cond3A_478 = arith.cmpi ne, %convert_element_type3A_476, %cond3A_477 : i32
      scf.if %cond3A_478 {
        %sub3A_581 = arith.constant 1 : i32
        %sub3A_582 = arith.subi %scan3A_349, %sub3A_581 : i32
        %jit3A_583 = arith.constant 3 : i32
        %eq3A_584 = arith.constant 0 : i32
        %eq3A_585 = arith.cmpi eq, %jit3A_583, %eq3A_584 : i32
        %jit3A_586 = arith.constant 1 : i32
        %select_n3A_587 = arith.select %eq3A_585, %jit3A_586, %jit3A_583 : i32
        %rem3A_588 = arith.remsi %sub3A_582, %select_n3A_587 : i32
        %ne3A_589 = arith.constant 0 : i32
        %ne3A_590 = arith.cmpi ne, %rem3A_588, %ne3A_589 : i32
        %lt3A_591 = arith.constant 0 : i32
        %lt3A_592 = arith.cmpi slt, %rem3A_588, %lt3A_591 : i32
        %lt3A_593 = arith.constant 0 : i32
        %lt3A_594 = arith.cmpi slt, %select_n3A_587, %lt3A_593 : i32
        %ne3A_595 = arith.xori %lt3A_592, %lt3A_594 : i1
        %and3A_596 = arith.andi %ne3A_595, %ne3A_590 : i1
        %add3A_597 = arith.addi %rem3A_588, %select_n3A_587 : i32
        %select_n3A_598 = arith.select %and3A_596, %add3A_597, %rem3A_588 : i32
        %dma_wait3A_599 = arith.constant 0 : i32
        %dma_wait3A_600 = arith.constant 0 : i32
        %dma_wait3A_601 = arith.constant 0 : i32
        %dma_wait3A_602 = tpu.memref_slice %arg11[%sub3A_380, %dma_wait3A_600, %dma_wait3A_601] : memref<2x1024x16xf32, #tpu.memory_space<vmem>> -> memref<1x128x16xf32, #tpu.memory_space<vmem>>
        %dma_wait3A_603 = tpu.memref_squeeze %dma_wait3A_602 : memref<1x128x16xf32, #tpu.memory_space<vmem>> -> memref<128x16xf32, #tpu.memory_space<vmem>>
        %dma_wait3A_604 = arith.constant 0 : i32
        %dma_wait3A_605 = tpu.memref_slice %arg9[%select_n3A_598, %dma_wait3A_599, %dma_wait3A_604] : memref<3x8x128xi32, #tpu.memory_space<vmem>> -> memref<1x1x128xi32, #tpu.memory_space<vmem>>
        %dma_wait3A_606 = tpu.memref_squeeze %dma_wait3A_605 : memref<1x1x128xi32, #tpu.memory_space<vmem>> -> memref<128xi32, #tpu.memory_space<vmem>>
        %dma_wait3A_607 = arith.constant 0 : i32
        %dma_wait3A_608 = arith.constant 0 : i32
        %dma_wait3A_609 = tpu.memref_slice %arg12[%dma_wait3A_607, %dma_wait3A_608] : memref<50000x16xf32, #tpu.memory_space<vmem_shared>> -> memref<50000x16xf32, #tpu.memory_space<vmem_shared>>
        tpu.wait_indirect_dma semaphore(%arg15 : memref<!tpu.dma_semaphore, #tpu.memory_space<semaphore_mem>>) src(%dma_wait3A_603 : memref<128x16xf32, #tpu.memory_space<vmem>>) dst(%dma_wait3A_609 : memref<50000x16xf32, #tpu.memory_space<vmem_shared>>)
        %dma_wait3A_610 = arith.constant 1 : i32
        %dma_wait3A_611 = arith.constant 128 : i32
        %dma_wait3A_612 = arith.constant 0 : i32
        %dma_wait3A_613 = tpu.memref_slice %arg11[%sub3A_380, %dma_wait3A_611, %dma_wait3A_612] : memref<2x1024x16xf32, #tpu.memory_space<vmem>> -> memref<1x128x16xf32, #tpu.memory_space<vmem>>
        %dma_wait3A_614 = tpu.memref_squeeze %dma_wait3A_613 : memref<1x128x16xf32, #tpu.memory_space<vmem>> -> memref<128x16xf32, #tpu.memory_space<vmem>>
        %dma_wait3A_615 = arith.constant 0 : i32
        %dma_wait3A_616 = tpu.memref_slice %arg9[%select_n3A_598, %dma_wait3A_610, %dma_wait3A_615] : memref<3x8x128xi32, #tpu.memory_space<vmem>> -> memref<1x1x128xi32, #tpu.memory_space<vmem>>
        %dma_wait3A_617 = tpu.memref_squeeze %dma_wait3A_616 : memref<1x1x128xi32, #tpu.memory_space<vmem>> -> memref<128xi32, #tpu.memory_space<vmem>>
        %dma_wait3A_618 = arith.constant 0 : i32
        %dma_wait3A_619 = arith.constant 0 : i32
        %dma_wait3A_620 = tpu.memref_slice %arg12[%dma_wait3A_618, %dma_wait3A_619] : memref<50000x16xf32, #tpu.memory_space<vmem_shared>> -> memref<50000x16xf32, #tpu.memory_space<vmem_shared>>
        tpu.wait_indirect_dma semaphore(%arg15 : memref<!tpu.dma_semaphore, #tpu.memory_space<semaphore_mem>>) src(%dma_wait3A_614 : memref<128x16xf32, #tpu.memory_space<vmem>>) dst(%dma_wait3A_620 : memref<50000x16xf32, #tpu.memory_space<vmem_shared>>)
        %dma_wait3A_621 = arith.constant 2 : i32
        %dma_wait3A_622 = arith.constant 256 : i32
        %dma_wait3A_623 = arith.constant 0 : i32
        %dma_wait3A_624 = tpu.memref_slice %arg11[%sub3A_380, %dma_wait3A_622, %dma_wait3A_623] : memref<2x1024x16xf32, #tpu.memory_space<vmem>> -> memref<1x128x16xf32, #tpu.memory_space<vmem>>
        %dma_wait3A_625 = tpu.memref_squeeze %dma_wait3A_624 : memref<1x128x16xf32, #tpu.memory_space<vmem>> -> memref<128x16xf32, #tpu.memory_space<vmem>>
        %dma_wait3A_626 = arith.constant 0 : i32
        %dma_wait3A_627 = tpu.memref_slice %arg9[%select_n3A_598, %dma_wait3A_621, %dma_wait3A_626] : memref<3x8x128xi32, #tpu.memory_space<vmem>> -> memref<1x1x128xi32, #tpu.memory_space<vmem>>
        %dma_wait3A_628 = tpu.memref_squeeze %dma_wait3A_627 : memref<1x1x128xi32, #tpu.memory_space<vmem>> -> memref<128xi32, #tpu.memory_space<vmem>>
        %dma_wait3A_629 = arith.constant 0 : i32
        %dma_wait3A_630 = arith.constant 0 : i32
        %dma_wait3A_631 = tpu.memref_slice %arg12[%dma_wait3A_629, %dma_wait3A_630] : memref<50000x16xf32, #tpu.memory_space<vmem_shared>> -> memref<50000x16xf32, #tpu.memory_space<vmem_shared>>
        tpu.wait_indirect_dma semaphore(%arg15 : memref<!tpu.dma_semaphore, #tpu.memory_space<semaphore_mem>>) src(%dma_wait3A_625 : memref<128x16xf32, #tpu.memory_space<vmem>>) dst(%dma_wait3A_631 : memref<50000x16xf32, #tpu.memory_space<vmem_shared>>)
        %dma_wait3A_632 = arith.constant 3 : i32
        %dma_wait3A_633 = arith.constant 384 : i32
        %dma_wait3A_634 = arith.constant 0 : i32
        %dma_wait3A_635 = tpu.memref_slice %arg11[%sub3A_380, %dma_wait3A_633, %dma_wait3A_634] : memref<2x1024x16xf32, #tpu.memory_space<vmem>> -> memref<1x128x16xf32, #tpu.memory_space<vmem>>
        %dma_wait3A_636 = tpu.memref_squeeze %dma_wait3A_635 : memref<1x128x16xf32, #tpu.memory_space<vmem>> -> memref<128x16xf32, #tpu.memory_space<vmem>>
        %dma_wait3A_637 = arith.constant 0 : i32
        %dma_wait3A_638 = tpu.memref_slice %arg9[%select_n3A_598, %dma_wait3A_632, %dma_wait3A_637] : memref<3x8x128xi32, #tpu.memory_space<vmem>> -> memref<1x1x128xi32, #tpu.memory_space<vmem>>
        %dma_wait3A_639 = tpu.memref_squeeze %dma_wait3A_638 : memref<1x1x128xi32, #tpu.memory_space<vmem>> -> memref<128xi32, #tpu.memory_space<vmem>>
        %dma_wait3A_640 = arith.constant 0 : i32
        %dma_wait3A_641 = arith.constant 0 : i32
        %dma_wait3A_642 = tpu.memref_slice %arg12[%dma_wait3A_640, %dma_wait3A_641] : memref<50000x16xf32, #tpu.memory_space<vmem_shared>> -> memref<50000x16xf32, #tpu.memory_space<vmem_shared>>
        tpu.wait_indirect_dma semaphore(%arg15 : memref<!tpu.dma_semaphore, #tpu.memory_space<semaphore_mem>>) src(%dma_wait3A_636 : memref<128x16xf32, #tpu.memory_space<vmem>>) dst(%dma_wait3A_642 : memref<50000x16xf32, #tpu.memory_space<vmem_shared>>)
        %dma_wait3A_643 = arith.constant 4 : i32
        %dma_wait3A_644 = arith.constant 512 : i32
        %dma_wait3A_645 = arith.constant 0 : i32
        %dma_wait3A_646 = tpu.memref_slice %arg11[%sub3A_380, %dma_wait3A_644, %dma_wait3A_645] : memref<2x1024x16xf32, #tpu.memory_space<vmem>> -> memref<1x128x16xf32, #tpu.memory_space<vmem>>
        %dma_wait3A_647 = tpu.memref_squeeze %dma_wait3A_646 : memref<1x128x16xf32, #tpu.memory_space<vmem>> -> memref<128x16xf32, #tpu.memory_space<vmem>>
        %dma_wait3A_648 = arith.constant 0 : i32
        %dma_wait3A_649 = tpu.memref_slice %arg9[%select_n3A_598, %dma_wait3A_643, %dma_wait3A_648] : memref<3x8x128xi32, #tpu.memory_space<vmem>> -> memref<1x1x128xi32, #tpu.memory_space<vmem>>
        %dma_wait3A_650 = tpu.memref_squeeze %dma_wait3A_649 : memref<1x1x128xi32, #tpu.memory_space<vmem>> -> memref<128xi32, #tpu.memory_space<vmem>>
        %dma_wait3A_651 = arith.constant 0 : i32
        %dma_wait3A_652 = arith.constant 0 : i32
        %dma_wait3A_653 = tpu.memref_slice %arg12[%dma_wait3A_651, %dma_wait3A_652] : memref<50000x16xf32, #tpu.memory_space<vmem_shared>> -> memref<50000x16xf32, #tpu.memory_space<vmem_shared>>
        tpu.wait_indirect_dma semaphore(%arg15 : memref<!tpu.dma_semaphore, #tpu.memory_space<semaphore_mem>>) src(%dma_wait3A_647 : memref<128x16xf32, #tpu.memory_space<vmem>>) dst(%dma_wait3A_653 : memref<50000x16xf32, #tpu.memory_space<vmem_shared>>)
        %dma_wait3A_654 = arith.constant 5 : i32
        %dma_wait3A_655 = arith.constant 640 : i32
        %dma_wait3A_656 = arith.constant 0 : i32
        %dma_wait3A_657 = tpu.memref_slice %arg11[%sub3A_380, %dma_wait3A_655, %dma_wait3A_656] : memref<2x1024x16xf32, #tpu.memory_space<vmem>> -> memref<1x128x16xf32, #tpu.memory_space<vmem>>
        %dma_wait3A_658 = tpu.memref_squeeze %dma_wait3A_657 : memref<1x128x16xf32, #tpu.memory_space<vmem>> -> memref<128x16xf32, #tpu.memory_space<vmem>>
        %dma_wait3A_659 = arith.constant 0 : i32
        %dma_wait3A_660 = tpu.memref_slice %arg9[%select_n3A_598, %dma_wait3A_654, %dma_wait3A_659] : memref<3x8x128xi32, #tpu.memory_space<vmem>> -> memref<1x1x128xi32, #tpu.memory_space<vmem>>
        %dma_wait3A_661 = tpu.memref_squeeze %dma_wait3A_660 : memref<1x1x128xi32, #tpu.memory_space<vmem>> -> memref<128xi32, #tpu.memory_space<vmem>>
        %dma_wait3A_662 = arith.constant 0 : i32
        %dma_wait3A_663 = arith.constant 0 : i32
        %dma_wait3A_664 = tpu.memref_slice %arg12[%dma_wait3A_662, %dma_wait3A_663] : memref<50000x16xf32, #tpu.memory_space<vmem_shared>> -> memref<50000x16xf32, #tpu.memory_space<vmem_shared>>
        tpu.wait_indirect_dma semaphore(%arg15 : memref<!tpu.dma_semaphore, #tpu.memory_space<semaphore_mem>>) src(%dma_wait3A_658 : memref<128x16xf32, #tpu.memory_space<vmem>>) dst(%dma_wait3A_664 : memref<50000x16xf32, #tpu.memory_space<vmem_shared>>)
        %dma_wait3A_665 = arith.constant 6 : i32
        %dma_wait3A_666 = arith.constant 768 : i32
        %dma_wait3A_667 = arith.constant 0 : i32
        %dma_wait3A_668 = tpu.memref_slice %arg11[%sub3A_380, %dma_wait3A_666, %dma_wait3A_667] : memref<2x1024x16xf32, #tpu.memory_space<vmem>> -> memref<1x128x16xf32, #tpu.memory_space<vmem>>
        %dma_wait3A_669 = tpu.memref_squeeze %dma_wait3A_668 : memref<1x128x16xf32, #tpu.memory_space<vmem>> -> memref<128x16xf32, #tpu.memory_space<vmem>>
        %dma_wait3A_670 = arith.constant 0 : i32
        %dma_wait3A_671 = tpu.memref_slice %arg9[%select_n3A_598, %dma_wait3A_665, %dma_wait3A_670] : memref<3x8x128xi32, #tpu.memory_space<vmem>> -> memref<1x1x128xi32, #tpu.memory_space<vmem>>
        %dma_wait3A_672 = tpu.memref_squeeze %dma_wait3A_671 : memref<1x1x128xi32, #tpu.memory_space<vmem>> -> memref<128xi32, #tpu.memory_space<vmem>>
        %dma_wait3A_673 = arith.constant 0 : i32
        %dma_wait3A_674 = arith.constant 0 : i32
        %dma_wait3A_675 = tpu.memref_slice %arg12[%dma_wait3A_673, %dma_wait3A_674] : memref<50000x16xf32, #tpu.memory_space<vmem_shared>> -> memref<50000x16xf32, #tpu.memory_space<vmem_shared>>
        tpu.wait_indirect_dma semaphore(%arg15 : memref<!tpu.dma_semaphore, #tpu.memory_space<semaphore_mem>>) src(%dma_wait3A_669 : memref<128x16xf32, #tpu.memory_space<vmem>>) dst(%dma_wait3A_675 : memref<50000x16xf32, #tpu.memory_space<vmem_shared>>)
        %dma_wait3A_676 = arith.constant 7 : i32
        %dma_wait3A_677 = arith.constant 896 : i32
        %dma_wait3A_678 = arith.constant 0 : i32
        %dma_wait3A_679 = tpu.memref_slice %arg11[%sub3A_380, %dma_wait3A_677, %dma_wait3A_678] : memref<2x1024x16xf32, #tpu.memory_space<vmem>> -> memref<1x128x16xf32, #tpu.memory_space<vmem>>
        %dma_wait3A_680 = tpu.memref_squeeze %dma_wait3A_679 : memref<1x128x16xf32, #tpu.memory_space<vmem>> -> memref<128x16xf32, #tpu.memory_space<vmem>>
        %dma_wait3A_681 = arith.constant 0 : i32
        %dma_wait3A_682 = tpu.memref_slice %arg9[%select_n3A_598, %dma_wait3A_676, %dma_wait3A_681] : memref<3x8x128xi32, #tpu.memory_space<vmem>> -> memref<1x1x128xi32, #tpu.memory_space<vmem>>
        %dma_wait3A_683 = tpu.memref_squeeze %dma_wait3A_682 : memref<1x1x128xi32, #tpu.memory_space<vmem>> -> memref<128xi32, #tpu.memory_space<vmem>>
        %dma_wait3A_684 = arith.constant 0 : i32
        %dma_wait3A_685 = arith.constant 0 : i32
        %dma_wait3A_686 = tpu.memref_slice %arg12[%dma_wait3A_684, %dma_wait3A_685] : memref<50000x16xf32, #tpu.memory_space<vmem_shared>> -> memref<50000x16xf32, #tpu.memory_space<vmem_shared>>
        tpu.wait_indirect_dma semaphore(%arg15 : memref<!tpu.dma_semaphore, #tpu.memory_space<semaphore_mem>>) src(%dma_wait3A_680 : memref<128x16xf32, #tpu.memory_space<vmem>>) dst(%dma_wait3A_686 : memref<50000x16xf32, #tpu.memory_space<vmem_shared>>)
      } else {
      }
      %dma_start3A_479 = arith.constant 0 : i32
      %dma_start3A_480 = arith.constant 0 : i32
      %dma_start3A_481 = arith.constant 0 : i32
      %dma_start3A_482 = tpu.memref_slice %arg11[%and3A_361, %dma_start3A_480, %dma_start3A_481] : memref<2x1024x16xf32, #tpu.memory_space<vmem>> -> memref<1x128x16xf32, #tpu.memory_space<vmem>>
      %dma_start3A_483 = tpu.memref_squeeze %dma_start3A_482 : memref<1x128x16xf32, #tpu.memory_space<vmem>> -> memref<128x16xf32, #tpu.memory_space<vmem>>
      %dma_start3A_484 = arith.constant 0 : i32
      %dma_start3A_485 = tpu.memref_slice %arg9[%select_n3A_359, %dma_start3A_479, %dma_start3A_484] : memref<3x8x128xi32, #tpu.memory_space<vmem>> -> memref<1x1x128xi32, #tpu.memory_space<vmem>>
      %dma_start3A_486 = tpu.memref_squeeze %dma_start3A_485 : memref<1x1x128xi32, #tpu.memory_space<vmem>> -> memref<128xi32, #tpu.memory_space<vmem>>
      %dma_start3A_487 = arith.constant 0 : i32
      %dma_start3A_488 = arith.constant 0 : i32
      %dma_start3A_489 = tpu.memref_slice %arg12[%dma_start3A_487, %dma_start3A_488] : memref<50000x16xf32, #tpu.memory_space<vmem_shared>> -> memref<50000x16xf32, #tpu.memory_space<vmem_shared>>
      tpu.enqueue_indirect_dma source(%dma_start3A_483 : memref<128x16xf32, #tpu.memory_space<vmem>>) target(%dma_start3A_489 : memref<50000x16xf32, #tpu.memory_space<vmem_shared>>) offsets(%dma_start3A_486 : memref<128xi32, #tpu.memory_space<vmem>>) semaphore(%arg15 : memref<!tpu.dma_semaphore, #tpu.memory_space<semaphore_mem>>) {add = true}
      %dma_start3A_490 = arith.constant 1 : i32
      %dma_start3A_491 = arith.constant 128 : i32
      %dma_start3A_492 = arith.constant 0 : i32
      %dma_start3A_493 = tpu.memref_slice %arg11[%and3A_361, %dma_start3A_491, %dma_start3A_492] : memref<2x1024x16xf32, #tpu.memory_space<vmem>> -> memref<1x128x16xf32, #tpu.memory_space<vmem>>
      %dma_start3A_494 = tpu.memref_squeeze %dma_start3A_493 : memref<1x128x16xf32, #tpu.memory_space<vmem>> -> memref<128x16xf32, #tpu.memory_space<vmem>>
      %dma_start3A_495 = arith.constant 0 : i32
      %dma_start3A_496 = tpu.memref_slice %arg9[%select_n3A_359, %dma_start3A_490, %dma_start3A_495] : memref<3x8x128xi32, #tpu.memory_space<vmem>> -> memref<1x1x128xi32, #tpu.memory_space<vmem>>
      %dma_start3A_497 = tpu.memref_squeeze %dma_start3A_496 : memref<1x1x128xi32, #tpu.memory_space<vmem>> -> memref<128xi32, #tpu.memory_space<vmem>>
      %dma_start3A_498 = arith.constant 0 : i32
      %dma_start3A_499 = arith.constant 0 : i32
      %dma_start3A_500 = tpu.memref_slice %arg12[%dma_start3A_498, %dma_start3A_499] : memref<50000x16xf32, #tpu.memory_space<vmem_shared>> -> memref<50000x16xf32, #tpu.memory_space<vmem_shared>>
      tpu.enqueue_indirect_dma source(%dma_start3A_494 : memref<128x16xf32, #tpu.memory_space<vmem>>) target(%dma_start3A_500 : memref<50000x16xf32, #tpu.memory_space<vmem_shared>>) offsets(%dma_start3A_497 : memref<128xi32, #tpu.memory_space<vmem>>) semaphore(%arg15 : memref<!tpu.dma_semaphore, #tpu.memory_space<semaphore_mem>>) {add = true}
      %dma_start3A_501 = arith.constant 2 : i32
      %dma_start3A_502 = arith.constant 256 : i32
      %dma_start3A_503 = arith.constant 0 : i32
      %dma_start3A_504 = tpu.memref_slice %arg11[%and3A_361, %dma_start3A_502, %dma_start3A_503] : memref<2x1024x16xf32, #tpu.memory_space<vmem>> -> memref<1x128x16xf32, #tpu.memory_space<vmem>>
      %dma_start3A_505 = tpu.memref_squeeze %dma_start3A_504 : memref<1x128x16xf32, #tpu.memory_space<vmem>> -> memref<128x16xf32, #tpu.memory_space<vmem>>
      %dma_start3A_506 = arith.constant 0 : i32
      %dma_start3A_507 = tpu.memref_slice %arg9[%select_n3A_359, %dma_start3A_501, %dma_start3A_506] : memref<3x8x128xi32, #tpu.memory_space<vmem>> -> memref<1x1x128xi32, #tpu.memory_space<vmem>>
      %dma_start3A_508 = tpu.memref_squeeze %dma_start3A_507 : memref<1x1x128xi32, #tpu.memory_space<vmem>> -> memref<128xi32, #tpu.memory_space<vmem>>
      %dma_start3A_509 = arith.constant 0 : i32
      %dma_start3A_510 = arith.constant 0 : i32
      %dma_start3A_511 = tpu.memref_slice %arg12[%dma_start3A_509, %dma_start3A_510] : memref<50000x16xf32, #tpu.memory_space<vmem_shared>> -> memref<50000x16xf32, #tpu.memory_space<vmem_shared>>
      tpu.enqueue_indirect_dma source(%dma_start3A_505 : memref<128x16xf32, #tpu.memory_space<vmem>>) target(%dma_start3A_511 : memref<50000x16xf32, #tpu.memory_space<vmem_shared>>) offsets(%dma_start3A_508 : memref<128xi32, #tpu.memory_space<vmem>>) semaphore(%arg15 : memref<!tpu.dma_semaphore, #tpu.memory_space<semaphore_mem>>) {add = true}
      %dma_start3A_512 = arith.constant 3 : i32
      %dma_start3A_513 = arith.constant 384 : i32
      %dma_start3A_514 = arith.constant 0 : i32
      %dma_start3A_515 = tpu.memref_slice %arg11[%and3A_361, %dma_start3A_513, %dma_start3A_514] : memref<2x1024x16xf32, #tpu.memory_space<vmem>> -> memref<1x128x16xf32, #tpu.memory_space<vmem>>
      %dma_start3A_516 = tpu.memref_squeeze %dma_start3A_515 : memref<1x128x16xf32, #tpu.memory_space<vmem>> -> memref<128x16xf32, #tpu.memory_space<vmem>>
      %dma_start3A_517 = arith.constant 0 : i32
      %dma_start3A_518 = tpu.memref_slice %arg9[%select_n3A_359, %dma_start3A_512, %dma_start3A_517] : memref<3x8x128xi32, #tpu.memory_space<vmem>> -> memref<1x1x128xi32, #tpu.memory_space<vmem>>
      %dma_start3A_519 = tpu.memref_squeeze %dma_start3A_518 : memref<1x1x128xi32, #tpu.memory_space<vmem>> -> memref<128xi32, #tpu.memory_space<vmem>>
      %dma_start3A_520 = arith.constant 0 : i32
      %dma_start3A_521 = arith.constant 0 : i32
      %dma_start3A_522 = tpu.memref_slice %arg12[%dma_start3A_520, %dma_start3A_521] : memref<50000x16xf32, #tpu.memory_space<vmem_shared>> -> memref<50000x16xf32, #tpu.memory_space<vmem_shared>>
      tpu.enqueue_indirect_dma source(%dma_start3A_516 : memref<128x16xf32, #tpu.memory_space<vmem>>) target(%dma_start3A_522 : memref<50000x16xf32, #tpu.memory_space<vmem_shared>>) offsets(%dma_start3A_519 : memref<128xi32, #tpu.memory_space<vmem>>) semaphore(%arg15 : memref<!tpu.dma_semaphore, #tpu.memory_space<semaphore_mem>>) {add = true}
      %dma_start3A_523 = arith.constant 4 : i32
      %dma_start3A_524 = arith.constant 512 : i32
      %dma_start3A_525 = arith.constant 0 : i32
      %dma_start3A_526 = tpu.memref_slice %arg11[%and3A_361, %dma_start3A_524, %dma_start3A_525] : memref<2x1024x16xf32, #tpu.memory_space<vmem>> -> memref<1x128x16xf32, #tpu.memory_space<vmem>>
      %dma_start3A_527 = tpu.memref_squeeze %dma_start3A_526 : memref<1x128x16xf32, #tpu.memory_space<vmem>> -> memref<128x16xf32, #tpu.memory_space<vmem>>
      %dma_start3A_528 = arith.constant 0 : i32
      %dma_start3A_529 = tpu.memref_slice %arg9[%select_n3A_359, %dma_start3A_523, %dma_start3A_528] : memref<3x8x128xi32, #tpu.memory_space<vmem>> -> memref<1x1x128xi32, #tpu.memory_space<vmem>>
      %dma_start3A_530 = tpu.memref_squeeze %dma_start3A_529 : memref<1x1x128xi32, #tpu.memory_space<vmem>> -> memref<128xi32, #tpu.memory_space<vmem>>
      %dma_start3A_531 = arith.constant 0 : i32
      %dma_start3A_532 = arith.constant 0 : i32
      %dma_start3A_533 = tpu.memref_slice %arg12[%dma_start3A_531, %dma_start3A_532] : memref<50000x16xf32, #tpu.memory_space<vmem_shared>> -> memref<50000x16xf32, #tpu.memory_space<vmem_shared>>
      tpu.enqueue_indirect_dma source(%dma_start3A_527 : memref<128x16xf32, #tpu.memory_space<vmem>>) target(%dma_start3A_533 : memref<50000x16xf32, #tpu.memory_space<vmem_shared>>) offsets(%dma_start3A_530 : memref<128xi32, #tpu.memory_space<vmem>>) semaphore(%arg15 : memref<!tpu.dma_semaphore, #tpu.memory_space<semaphore_mem>>) {add = true}
      %dma_start3A_534 = arith.constant 5 : i32
      %dma_start3A_535 = arith.constant 640 : i32
      %dma_start3A_536 = arith.constant 0 : i32
      %dma_start3A_537 = tpu.memref_slice %arg11[%and3A_361, %dma_start3A_535, %dma_start3A_536] : memref<2x1024x16xf32, #tpu.memory_space<vmem>> -> memref<1x128x16xf32, #tpu.memory_space<vmem>>
      %dma_start3A_538 = tpu.memref_squeeze %dma_start3A_537 : memref<1x128x16xf32, #tpu.memory_space<vmem>> -> memref<128x16xf32, #tpu.memory_space<vmem>>
      %dma_start3A_539 = arith.constant 0 : i32
      %dma_start3A_540 = tpu.memref_slice %arg9[%select_n3A_359, %dma_start3A_534, %dma_start3A_539] : memref<3x8x128xi32, #tpu.memory_space<vmem>> -> memref<1x1x128xi32, #tpu.memory_space<vmem>>
      %dma_start3A_541 = tpu.memref_squeeze %dma_start3A_540 : memref<1x1x128xi32, #tpu.memory_space<vmem>> -> memref<128xi32, #tpu.memory_space<vmem>>
      %dma_start3A_542 = arith.constant 0 : i32
      %dma_start3A_543 = arith.constant 0 : i32
      %dma_start3A_544 = tpu.memref_slice %arg12[%dma_start3A_542, %dma_start3A_543] : memref<50000x16xf32, #tpu.memory_space<vmem_shared>> -> memref<50000x16xf32, #tpu.memory_space<vmem_shared>>
      tpu.enqueue_indirect_dma source(%dma_start3A_538 : memref<128x16xf32, #tpu.memory_space<vmem>>) target(%dma_start3A_544 : memref<50000x16xf32, #tpu.memory_space<vmem_shared>>) offsets(%dma_start3A_541 : memref<128xi32, #tpu.memory_space<vmem>>) semaphore(%arg15 : memref<!tpu.dma_semaphore, #tpu.memory_space<semaphore_mem>>) {add = true}
      %dma_start3A_545 = arith.constant 6 : i32
      %dma_start3A_546 = arith.constant 768 : i32
      %dma_start3A_547 = arith.constant 0 : i32
      %dma_start3A_548 = tpu.memref_slice %arg11[%and3A_361, %dma_start3A_546, %dma_start3A_547] : memref<2x1024x16xf32, #tpu.memory_space<vmem>> -> memref<1x128x16xf32, #tpu.memory_space<vmem>>
      %dma_start3A_549 = tpu.memref_squeeze %dma_start3A_548 : memref<1x128x16xf32, #tpu.memory_space<vmem>> -> memref<128x16xf32, #tpu.memory_space<vmem>>
      %dma_start3A_550 = arith.constant 0 : i32
      %dma_start3A_551 = tpu.memref_slice %arg9[%select_n3A_359, %dma_start3A_545, %dma_start3A_550] : memref<3x8x128xi32, #tpu.memory_space<vmem>> -> memref<1x1x128xi32, #tpu.memory_space<vmem>>
      %dma_start3A_552 = tpu.memref_squeeze %dma_start3A_551 : memref<1x1x128xi32, #tpu.memory_space<vmem>> -> memref<128xi32, #tpu.memory_space<vmem>>
      %dma_start3A_553 = arith.constant 0 : i32
      %dma_start3A_554 = arith.constant 0 : i32
      %dma_start3A_555 = tpu.memref_slice %arg12[%dma_start3A_553, %dma_start3A_554] : memref<50000x16xf32, #tpu.memory_space<vmem_shared>> -> memref<50000x16xf32, #tpu.memory_space<vmem_shared>>
      tpu.enqueue_indirect_dma source(%dma_start3A_549 : memref<128x16xf32, #tpu.memory_space<vmem>>) target(%dma_start3A_555 : memref<50000x16xf32, #tpu.memory_space<vmem_shared>>) offsets(%dma_start3A_552 : memref<128xi32, #tpu.memory_space<vmem>>) semaphore(%arg15 : memref<!tpu.dma_semaphore, #tpu.memory_space<semaphore_mem>>) {add = true}
      %dma_start3A_556 = arith.constant 7 : i32
      %dma_start3A_557 = arith.constant 896 : i32
      %dma_start3A_558 = arith.constant 0 : i32
      %dma_start3A_559 = tpu.memref_slice %arg11[%and3A_361, %dma_start3A_557, %dma_start3A_558] : memref<2x1024x16xf32, #tpu.memory_space<vmem>> -> memref<1x128x16xf32, #tpu.memory_space<vmem>>
      %dma_start3A_560 = tpu.memref_squeeze %dma_start3A_559 : memref<1x128x16xf32, #tpu.memory_space<vmem>> -> memref<128x16xf32, #tpu.memory_space<vmem>>
      %dma_start3A_561 = arith.constant 0 : i32
      %dma_start3A_562 = tpu.memref_slice %arg9[%select_n3A_359, %dma_start3A_556, %dma_start3A_561] : memref<3x8x128xi32, #tpu.memory_space<vmem>> -> memref<1x1x128xi32, #tpu.memory_space<vmem>>
      %dma_start3A_563 = tpu.memref_squeeze %dma_start3A_562 : memref<1x1x128xi32, #tpu.memory_space<vmem>> -> memref<128xi32, #tpu.memory_space<vmem>>
      %dma_start3A_564 = arith.constant 0 : i32
      %dma_start3A_565 = arith.constant 0 : i32
      %dma_start3A_566 = tpu.memref_slice %arg12[%dma_start3A_564, %dma_start3A_565] : memref<50000x16xf32, #tpu.memory_space<vmem_shared>> -> memref<50000x16xf32, #tpu.memory_space<vmem_shared>>
      tpu.enqueue_indirect_dma source(%dma_start3A_560 : memref<128x16xf32, #tpu.memory_space<vmem>>) target(%dma_start3A_566 : memref<50000x16xf32, #tpu.memory_space<vmem_shared>>) offsets(%dma_start3A_563 : memref<128xi32, #tpu.memory_space<vmem>>) semaphore(%arg15 : memref<!tpu.dma_semaphore, #tpu.memory_space<semaphore_mem>>) {add = true}
      %add3A_567 = arith.constant 1 : i32
      %add3A_568 = arith.addi %scan3A_349, %add3A_567 : i32
      %lt3A_569 = arith.constant 98 : i32
      %lt3A_570 = arith.cmpi slt, %add3A_568, %lt3A_569 : i32
      %convert_element_type3A_571 = arith.extui %lt3A_570 : i1 to i32
      %cond3A_572 = arith.constant 0 : i32
      %cond3A_573 = arith.cmpi ne, %convert_element_type3A_571, %cond3A_572 : i32
      scf.if %cond3A_573 {
        %add3A_581 = arith.constant 1 : i32
        %add3A_582 = arith.addi %scan3A_349, %add3A_581 : i32
        %mul3A_583 = arith.constant 98 : i32
        %mul3A_584 = arith.muli %add3A, %mul3A_583 : i32
        %add3A_585 = arith.addi %mul3A_584, %add3A_582 : i32
        %mul3A_586 = arith.constant 8 : i32
        %mul3A_587 = arith.muli %add3A_585, %mul3A_586 : i32
        %mul3A_588 = arith.constant 128 : i32
        %mul3A_589 = arith.muli %mul3A_587, %mul3A_588 : i32
        %dma_wait3A_590 = arith.constant 0 : i32
        %dma_wait3A_591 = arith.constant 0 : i32
        %dma_wait3A_592 = tpu.memref_slice %arg8[%select_n3A_379, %dma_wait3A_590, %dma_wait3A_591] : memref<3x8x128xi32, #tpu.memory_space<vmem>> -> memref<1x8x128xi32, #tpu.memory_space<vmem>>
        %dma_wait3A_593 = tpu.memref_squeeze %dma_wait3A_592 : memref<1x8x128xi32, #tpu.memory_space<vmem>> -> memref<8x128xi32, #tpu.memory_space<vmem>>
        %dma_wait3A_594 = arith.constant 0 : i32
        %dma_wait3A_595 = tpu.memref_slice %arg4[%mul3A_587, %dma_wait3A_594] : memref<25088x128xi32, #tpu.memory_space<hbm>> -> memref<8x128xi32, #tpu.memory_space<hbm>>
        %dma_wait3A_596 = arith.constant 0 : i32
        %dma_wait3A_597 = arith.constant 0 : i32
        %dma_wait3A_598 = tpu.memref_slice %arg8[%select_n3A_379, %dma_wait3A_596, %dma_wait3A_597] : memref<3x8x128xi32, #tpu.memory_space<vmem>> -> memref<1x8x128xi32, #tpu.memory_space<vmem>>
        %dma_wait3A_599 = tpu.memref_squeeze %dma_wait3A_598 : memref<1x8x128xi32, #tpu.memory_space<vmem>> -> memref<8x128xi32, #tpu.memory_space<vmem>>
        %dma_wait3A_600 = arith.constant 0 : i32
        %dma_wait3A_601 = tpu.memref_slice %arg4[%mul3A_587, %dma_wait3A_600] : memref<25088x128xi32, #tpu.memory_space<hbm>> -> memref<8x128xi32, #tpu.memory_space<hbm>>
        tpu.wait_dma2 semaphore(%arg13 : memref<!tpu.dma_semaphore, #tpu.memory_space<semaphore_mem>>) src(%dma_wait3A_601 : memref<8x128xi32, #tpu.memory_space<hbm>>) dst(%dma_wait3A_599 : memref<8x128xi32, #tpu.memory_space<vmem>>)
        %dma_wait3A_602 = arith.constant 0 : i32
        %dma_wait3A_603 = arith.constant 0 : i32
        %dma_wait3A_604 = tpu.memref_slice %arg9[%select_n3A_379, %dma_wait3A_602, %dma_wait3A_603] : memref<3x8x128xi32, #tpu.memory_space<vmem>> -> memref<1x8x128xi32, #tpu.memory_space<vmem>>
        %dma_wait3A_605 = tpu.memref_squeeze %dma_wait3A_604 : memref<1x8x128xi32, #tpu.memory_space<vmem>> -> memref<8x128xi32, #tpu.memory_space<vmem>>
        %dma_wait3A_606 = arith.constant 0 : i32
        %dma_wait3A_607 = tpu.memref_slice %arg5[%mul3A_587, %dma_wait3A_606] : memref<25088x128xi32, #tpu.memory_space<hbm>> -> memref<8x128xi32, #tpu.memory_space<hbm>>
        %dma_wait3A_608 = arith.constant 0 : i32
        %dma_wait3A_609 = arith.constant 0 : i32
        %dma_wait3A_610 = tpu.memref_slice %arg9[%select_n3A_379, %dma_wait3A_608, %dma_wait3A_609] : memref<3x8x128xi32, #tpu.memory_space<vmem>> -> memref<1x8x128xi32, #tpu.memory_space<vmem>>
        %dma_wait3A_611 = tpu.memref_squeeze %dma_wait3A_610 : memref<1x8x128xi32, #tpu.memory_space<vmem>> -> memref<8x128xi32, #tpu.memory_space<vmem>>
        %dma_wait3A_612 = arith.constant 0 : i32
        %dma_wait3A_613 = tpu.memref_slice %arg5[%mul3A_587, %dma_wait3A_612] : memref<25088x128xi32, #tpu.memory_space<hbm>> -> memref<8x128xi32, #tpu.memory_space<hbm>>
        tpu.wait_dma2 semaphore(%arg13 : memref<!tpu.dma_semaphore, #tpu.memory_space<semaphore_mem>>) src(%dma_wait3A_613 : memref<8x128xi32, #tpu.memory_space<hbm>>) dst(%dma_wait3A_611 : memref<8x128xi32, #tpu.memory_space<vmem>>)
        %dma_wait3A_614 = arith.constant 0 : i32
        %dma_wait3A_615 = tpu.memref_slice %arg10[%select_n3A_379, %dma_wait3A_614] : memref<3x1024xf32, #tpu.memory_space<vmem>> -> memref<1x1024xf32, #tpu.memory_space<vmem>>
        %dma_wait3A_616 = tpu.memref_squeeze %dma_wait3A_615 : memref<1x1024xf32, #tpu.memory_space<vmem>> -> memref<1024xf32, #tpu.memory_space<vmem>>
        %dma_wait3A_617 = tpu.memref_slice %arg3[%mul3A_589] : memref<3211264xf32, #tpu.memory_space<hbm>> -> memref<1024xf32, #tpu.memory_space<hbm>>
        %dma_wait3A_618 = arith.constant 0 : i32
        %dma_wait3A_619 = tpu.memref_slice %arg10[%select_n3A_379, %dma_wait3A_618] : memref<3x1024xf32, #tpu.memory_space<vmem>> -> memref<1x1024xf32, #tpu.memory_space<vmem>>
        %dma_wait3A_620 = tpu.memref_squeeze %dma_wait3A_619 : memref<1x1024xf32, #tpu.memory_space<vmem>> -> memref<1024xf32, #tpu.memory_space<vmem>>
        %dma_wait3A_621 = tpu.memref_slice %arg3[%mul3A_589] : memref<3211264xf32, #tpu.memory_space<hbm>> -> memref<1024xf32, #tpu.memory_space<hbm>>
        tpu.wait_dma2 semaphore(%arg13 : memref<!tpu.dma_semaphore, #tpu.memory_space<semaphore_mem>>) src(%dma_wait3A_621 : memref<1024xf32, #tpu.memory_space<hbm>>) dst(%dma_wait3A_620 : memref<1024xf32, #tpu.memory_space<vmem>>)
        %dma_start3A_622 = arith.constant 0 : i32
        %dma_start3A_623 = arith.constant 0 : i32
        %dma_start3A_624 = arith.constant 0 : i32
        %dma_start3A_625 = tpu.memref_slice %arg11[%sub3A_380, %dma_start3A_623, %dma_start3A_624] : memref<2x1024x16xf32, #tpu.memory_space<vmem>> -> memref<1x128x16xf32, #tpu.memory_space<vmem>>
        %dma_start3A_626 = tpu.memref_squeeze %dma_start3A_625 : memref<1x128x16xf32, #tpu.memory_space<vmem>> -> memref<128x16xf32, #tpu.memory_space<vmem>>
        %dma_start3A_627 = arith.constant 0 : i32
        %dma_start3A_628 = tpu.memref_slice %arg8[%select_n3A_379, %dma_start3A_622, %dma_start3A_627] : memref<3x8x128xi32, #tpu.memory_space<vmem>> -> memref<1x1x128xi32, #tpu.memory_space<vmem>>
        %dma_start3A_629 = tpu.memref_squeeze %dma_start3A_628 : memref<1x1x128xi32, #tpu.memory_space<vmem>> -> memref<128xi32, #tpu.memory_space<vmem>>
        %dma_start3A_630 = arith.constant 0 : i32
        %dma_start3A_631 = arith.constant 0 : i32
        %dma_start3A_632 = tpu.memref_slice %arg2[%dma_start3A_630, %dma_start3A_631] : memref<850000x16xf32, #tpu.memory_space<hbm>> -> memref<850000x16xf32, #tpu.memory_space<hbm>>
        tpu.enqueue_indirect_dma source(%dma_start3A_632 : memref<850000x16xf32, #tpu.memory_space<hbm>>) target(%dma_start3A_626 : memref<128x16xf32, #tpu.memory_space<vmem>>) offsets(%dma_start3A_629 : memref<128xi32, #tpu.memory_space<vmem>>) semaphore(%arg14 : memref<!tpu.dma_semaphore, #tpu.memory_space<semaphore_mem>>)
        %dma_start3A_633 = arith.constant 1 : i32
        %dma_start3A_634 = arith.constant 128 : i32
        %dma_start3A_635 = arith.constant 0 : i32
        %dma_start3A_636 = tpu.memref_slice %arg11[%sub3A_380, %dma_start3A_634, %dma_start3A_635] : memref<2x1024x16xf32, #tpu.memory_space<vmem>> -> memref<1x128x16xf32, #tpu.memory_space<vmem>>
        %dma_start3A_637 = tpu.memref_squeeze %dma_start3A_636 : memref<1x128x16xf32, #tpu.memory_space<vmem>> -> memref<128x16xf32, #tpu.memory_space<vmem>>
        %dma_start3A_638 = arith.constant 0 : i32
        %dma_start3A_639 = tpu.memref_slice %arg8[%select_n3A_379, %dma_start3A_633, %dma_start3A_638] : memref<3x8x128xi32, #tpu.memory_space<vmem>> -> memref<1x1x128xi32, #tpu.memory_space<vmem>>
        %dma_start3A_640 = tpu.memref_squeeze %dma_start3A_639 : memref<1x1x128xi32, #tpu.memory_space<vmem>> -> memref<128xi32, #tpu.memory_space<vmem>>
        %dma_start3A_641 = arith.constant 0 : i32
        %dma_start3A_642 = arith.constant 0 : i32
        %dma_start3A_643 = tpu.memref_slice %arg2[%dma_start3A_641, %dma_start3A_642] : memref<850000x16xf32, #tpu.memory_space<hbm>> -> memref<850000x16xf32, #tpu.memory_space<hbm>>
        tpu.enqueue_indirect_dma source(%dma_start3A_643 : memref<850000x16xf32, #tpu.memory_space<hbm>>) target(%dma_start3A_637 : memref<128x16xf32, #tpu.memory_space<vmem>>) offsets(%dma_start3A_640 : memref<128xi32, #tpu.memory_space<vmem>>) semaphore(%arg14 : memref<!tpu.dma_semaphore, #tpu.memory_space<semaphore_mem>>)
        %dma_start3A_644 = arith.constant 2 : i32
        %dma_start3A_645 = arith.constant 256 : i32
        %dma_start3A_646 = arith.constant 0 : i32
        %dma_start3A_647 = tpu.memref_slice %arg11[%sub3A_380, %dma_start3A_645, %dma_start3A_646] : memref<2x1024x16xf32, #tpu.memory_space<vmem>> -> memref<1x128x16xf32, #tpu.memory_space<vmem>>
        %dma_start3A_648 = tpu.memref_squeeze %dma_start3A_647 : memref<1x128x16xf32, #tpu.memory_space<vmem>> -> memref<128x16xf32, #tpu.memory_space<vmem>>
        %dma_start3A_649 = arith.constant 0 : i32
        %dma_start3A_650 = tpu.memref_slice %arg8[%select_n3A_379, %dma_start3A_644, %dma_start3A_649] : memref<3x8x128xi32, #tpu.memory_space<vmem>> -> memref<1x1x128xi32, #tpu.memory_space<vmem>>
        %dma_start3A_651 = tpu.memref_squeeze %dma_start3A_650 : memref<1x1x128xi32, #tpu.memory_space<vmem>> -> memref<128xi32, #tpu.memory_space<vmem>>
        %dma_start3A_652 = arith.constant 0 : i32
        %dma_start3A_653 = arith.constant 0 : i32
        %dma_start3A_654 = tpu.memref_slice %arg2[%dma_start3A_652, %dma_start3A_653] : memref<850000x16xf32, #tpu.memory_space<hbm>> -> memref<850000x16xf32, #tpu.memory_space<hbm>>
        tpu.enqueue_indirect_dma source(%dma_start3A_654 : memref<850000x16xf32, #tpu.memory_space<hbm>>) target(%dma_start3A_648 : memref<128x16xf32, #tpu.memory_space<vmem>>) offsets(%dma_start3A_651 : memref<128xi32, #tpu.memory_space<vmem>>) semaphore(%arg14 : memref<!tpu.dma_semaphore, #tpu.memory_space<semaphore_mem>>)
        %dma_start3A_655 = arith.constant 3 : i32
        %dma_start3A_656 = arith.constant 384 : i32
        %dma_start3A_657 = arith.constant 0 : i32
        %dma_start3A_658 = tpu.memref_slice %arg11[%sub3A_380, %dma_start3A_656, %dma_start3A_657] : memref<2x1024x16xf32, #tpu.memory_space<vmem>> -> memref<1x128x16xf32, #tpu.memory_space<vmem>>
        %dma_start3A_659 = tpu.memref_squeeze %dma_start3A_658 : memref<1x128x16xf32, #tpu.memory_space<vmem>> -> memref<128x16xf32, #tpu.memory_space<vmem>>
        %dma_start3A_660 = arith.constant 0 : i32
        %dma_start3A_661 = tpu.memref_slice %arg8[%select_n3A_379, %dma_start3A_655, %dma_start3A_660] : memref<3x8x128xi32, #tpu.memory_space<vmem>> -> memref<1x1x128xi32, #tpu.memory_space<vmem>>
        %dma_start3A_662 = tpu.memref_squeeze %dma_start3A_661 : memref<1x1x128xi32, #tpu.memory_space<vmem>> -> memref<128xi32, #tpu.memory_space<vmem>>
        %dma_start3A_663 = arith.constant 0 : i32
        %dma_start3A_664 = arith.constant 0 : i32
        %dma_start3A_665 = tpu.memref_slice %arg2[%dma_start3A_663, %dma_start3A_664] : memref<850000x16xf32, #tpu.memory_space<hbm>> -> memref<850000x16xf32, #tpu.memory_space<hbm>>
        tpu.enqueue_indirect_dma source(%dma_start3A_665 : memref<850000x16xf32, #tpu.memory_space<hbm>>) target(%dma_start3A_659 : memref<128x16xf32, #tpu.memory_space<vmem>>) offsets(%dma_start3A_662 : memref<128xi32, #tpu.memory_space<vmem>>) semaphore(%arg14 : memref<!tpu.dma_semaphore, #tpu.memory_space<semaphore_mem>>)
        %dma_start3A_666 = arith.constant 4 : i32
        %dma_start3A_667 = arith.constant 512 : i32
        %dma_start3A_668 = arith.constant 0 : i32
        %dma_start3A_669 = tpu.memref_slice %arg11[%sub3A_380, %dma_start3A_667, %dma_start3A_668] : memref<2x1024x16xf32, #tpu.memory_space<vmem>> -> memref<1x128x16xf32, #tpu.memory_space<vmem>>
        %dma_start3A_670 = tpu.memref_squeeze %dma_start3A_669 : memref<1x128x16xf32, #tpu.memory_space<vmem>> -> memref<128x16xf32, #tpu.memory_space<vmem>>
        %dma_start3A_671 = arith.constant 0 : i32
        %dma_start3A_672 = tpu.memref_slice %arg8[%select_n3A_379, %dma_start3A_666, %dma_start3A_671] : memref<3x8x128xi32, #tpu.memory_space<vmem>> -> memref<1x1x128xi32, #tpu.memory_space<vmem>>
        %dma_start3A_673 = tpu.memref_squeeze %dma_start3A_672 : memref<1x1x128xi32, #tpu.memory_space<vmem>> -> memref<128xi32, #tpu.memory_space<vmem>>
        %dma_start3A_674 = arith.constant 0 : i32
        %dma_start3A_675 = arith.constant 0 : i32
        %dma_start3A_676 = tpu.memref_slice %arg2[%dma_start3A_674, %dma_start3A_675] : memref<850000x16xf32, #tpu.memory_space<hbm>> -> memref<850000x16xf32, #tpu.memory_space<hbm>>
        tpu.enqueue_indirect_dma source(%dma_start3A_676 : memref<850000x16xf32, #tpu.memory_space<hbm>>) target(%dma_start3A_670 : memref<128x16xf32, #tpu.memory_space<vmem>>) offsets(%dma_start3A_673 : memref<128xi32, #tpu.memory_space<vmem>>) semaphore(%arg14 : memref<!tpu.dma_semaphore, #tpu.memory_space<semaphore_mem>>)
        %dma_start3A_677 = arith.constant 5 : i32
        %dma_start3A_678 = arith.constant 640 : i32
        %dma_start3A_679 = arith.constant 0 : i32
        %dma_start3A_680 = tpu.memref_slice %arg11[%sub3A_380, %dma_start3A_678, %dma_start3A_679] : memref<2x1024x16xf32, #tpu.memory_space<vmem>> -> memref<1x128x16xf32, #tpu.memory_space<vmem>>
        %dma_start3A_681 = tpu.memref_squeeze %dma_start3A_680 : memref<1x128x16xf32, #tpu.memory_space<vmem>> -> memref<128x16xf32, #tpu.memory_space<vmem>>
        %dma_start3A_682 = arith.constant 0 : i32
        %dma_start3A_683 = tpu.memref_slice %arg8[%select_n3A_379, %dma_start3A_677, %dma_start3A_682] : memref<3x8x128xi32, #tpu.memory_space<vmem>> -> memref<1x1x128xi32, #tpu.memory_space<vmem>>
        %dma_start3A_684 = tpu.memref_squeeze %dma_start3A_683 : memref<1x1x128xi32, #tpu.memory_space<vmem>> -> memref<128xi32, #tpu.memory_space<vmem>>
        %dma_start3A_685 = arith.constant 0 : i32
        %dma_start3A_686 = arith.constant 0 : i32
        %dma_start3A_687 = tpu.memref_slice %arg2[%dma_start3A_685, %dma_start3A_686] : memref<850000x16xf32, #tpu.memory_space<hbm>> -> memref<850000x16xf32, #tpu.memory_space<hbm>>
        tpu.enqueue_indirect_dma source(%dma_start3A_687 : memref<850000x16xf32, #tpu.memory_space<hbm>>) target(%dma_start3A_681 : memref<128x16xf32, #tpu.memory_space<vmem>>) offsets(%dma_start3A_684 : memref<128xi32, #tpu.memory_space<vmem>>) semaphore(%arg14 : memref<!tpu.dma_semaphore, #tpu.memory_space<semaphore_mem>>)
        %dma_start3A_688 = arith.constant 6 : i32
        %dma_start3A_689 = arith.constant 768 : i32
        %dma_start3A_690 = arith.constant 0 : i32
        %dma_start3A_691 = tpu.memref_slice %arg11[%sub3A_380, %dma_start3A_689, %dma_start3A_690] : memref<2x1024x16xf32, #tpu.memory_space<vmem>> -> memref<1x128x16xf32, #tpu.memory_space<vmem>>
        %dma_start3A_692 = tpu.memref_squeeze %dma_start3A_691 : memref<1x128x16xf32, #tpu.memory_space<vmem>> -> memref<128x16xf32, #tpu.memory_space<vmem>>
        %dma_start3A_693 = arith.constant 0 : i32
        %dma_start3A_694 = tpu.memref_slice %arg8[%select_n3A_379, %dma_start3A_688, %dma_start3A_693] : memref<3x8x128xi32, #tpu.memory_space<vmem>> -> memref<1x1x128xi32, #tpu.memory_space<vmem>>
        %dma_start3A_695 = tpu.memref_squeeze %dma_start3A_694 : memref<1x1x128xi32, #tpu.memory_space<vmem>> -> memref<128xi32, #tpu.memory_space<vmem>>
        %dma_start3A_696 = arith.constant 0 : i32
        %dma_start3A_697 = arith.constant 0 : i32
        %dma_start3A_698 = tpu.memref_slice %arg2[%dma_start3A_696, %dma_start3A_697] : memref<850000x16xf32, #tpu.memory_space<hbm>> -> memref<850000x16xf32, #tpu.memory_space<hbm>>
        tpu.enqueue_indirect_dma source(%dma_start3A_698 : memref<850000x16xf32, #tpu.memory_space<hbm>>) target(%dma_start3A_692 : memref<128x16xf32, #tpu.memory_space<vmem>>) offsets(%dma_start3A_695 : memref<128xi32, #tpu.memory_space<vmem>>) semaphore(%arg14 : memref<!tpu.dma_semaphore, #tpu.memory_space<semaphore_mem>>)
        %dma_start3A_699 = arith.constant 7 : i32
        %dma_start3A_700 = arith.constant 896 : i32
        %dma_start3A_701 = arith.constant 0 : i32
        %dma_start3A_702 = tpu.memref_slice %arg11[%sub3A_380, %dma_start3A_700, %dma_start3A_701] : memref<2x1024x16xf32, #tpu.memory_space<vmem>> -> memref<1x128x16xf32, #tpu.memory_space<vmem>>
        %dma_start3A_703 = tpu.memref_squeeze %dma_start3A_702 : memref<1x128x16xf32, #tpu.memory_space<vmem>> -> memref<128x16xf32, #tpu.memory_space<vmem>>
        %dma_start3A_704 = arith.constant 0 : i32
        %dma_start3A_705 = tpu.memref_slice %arg8[%select_n3A_379, %dma_start3A_699, %dma_start3A_704] : memref<3x8x128xi32, #tpu.memory_space<vmem>> -> memref<1x1x128xi32, #tpu.memory_space<vmem>>
        %dma_start3A_706 = tpu.memref_squeeze %dma_start3A_705 : memref<1x1x128xi32, #tpu.memory_space<vmem>> -> memref<128xi32, #tpu.memory_space<vmem>>
        %dma_start3A_707 = arith.constant 0 : i32
        %dma_start3A_708 = arith.constant 0 : i32
        %dma_start3A_709 = tpu.memref_slice %arg2[%dma_start3A_707, %dma_start3A_708] : memref<850000x16xf32, #tpu.memory_space<hbm>> -> memref<850000x16xf32, #tpu.memory_space<hbm>>
        tpu.enqueue_indirect_dma source(%dma_start3A_709 : memref<850000x16xf32, #tpu.memory_space<hbm>>) target(%dma_start3A_703 : memref<128x16xf32, #tpu.memory_space<vmem>>) offsets(%dma_start3A_706 : memref<128xi32, #tpu.memory_space<vmem>>) semaphore(%arg14 : memref<!tpu.dma_semaphore, #tpu.memory_space<semaphore_mem>>)
      } else {
      }
      %add3A_574 = arith.constant 2 : i32
      %add3A_575 = arith.addi %scan3A_349, %add3A_574 : i32
      %lt3A_576 = arith.constant 98 : i32
      %lt3A_577 = arith.cmpi slt, %add3A_575, %lt3A_576 : i32
      %convert_element_type3A_578 = arith.extui %lt3A_577 : i1 to i32
      %cond3A_579 = arith.constant 0 : i32
      %cond3A_580 = arith.cmpi ne, %convert_element_type3A_578, %cond3A_579 : i32
      scf.if %cond3A_580 {
        %add3A_581 = arith.constant 2 : i32
        %add3A_582 = arith.addi %scan3A_349, %add3A_581 : i32
        %add3A_583 = arith.constant 2 : i32
        %add3A_584 = arith.addi %scan3A_349, %add3A_583 : i32
        %jit3A_585 = arith.constant 3 : i32
        %eq3A_586 = arith.constant 0 : i32
        %eq3A_587 = arith.cmpi eq, %jit3A_585, %eq3A_586 : i32
        %jit3A_588 = arith.constant 1 : i32
        %select_n3A_589 = arith.select %eq3A_587, %jit3A_588, %jit3A_585 : i32
        %rem3A_590 = arith.remsi %add3A_584, %select_n3A_589 : i32
        %ne3A_591 = arith.constant 0 : i32
        %ne3A_592 = arith.cmpi ne, %rem3A_590, %ne3A_591 : i32
        %lt3A_593 = arith.constant 0 : i32
        %lt3A_594 = arith.cmpi slt, %rem3A_590, %lt3A_593 : i32
        %lt3A_595 = arith.constant 0 : i32
        %lt3A_596 = arith.cmpi slt, %select_n3A_589, %lt3A_595 : i32
        %ne3A_597 = arith.xori %lt3A_594, %lt3A_596 : i1
        %and3A_598 = arith.andi %ne3A_597, %ne3A_592 : i1
        %add3A_599 = arith.addi %rem3A_590, %select_n3A_589 : i32
        %select_n3A_600 = arith.select %and3A_598, %add3A_599, %rem3A_590 : i32
        %mul3A_601 = arith.constant 98 : i32
        %mul3A_602 = arith.muli %add3A, %mul3A_601 : i32
        %add3A_603 = arith.addi %mul3A_602, %add3A_582 : i32
        %mul3A_604 = arith.constant 8 : i32
        %mul3A_605 = arith.muli %add3A_603, %mul3A_604 : i32
        %mul3A_606 = arith.constant 128 : i32
        %mul3A_607 = arith.muli %mul3A_605, %mul3A_606 : i32
        %dma_start3A_608 = arith.constant 0 : i32
        %dma_start3A_609 = arith.constant 0 : i32
        %dma_start3A_610 = tpu.memref_slice %arg8[%select_n3A_600, %dma_start3A_608, %dma_start3A_609] : memref<3x8x128xi32, #tpu.memory_space<vmem>> -> memref<1x8x128xi32, #tpu.memory_space<vmem>>
        %dma_start3A_611 = tpu.memref_squeeze %dma_start3A_610 : memref<1x8x128xi32, #tpu.memory_space<vmem>> -> memref<8x128xi32, #tpu.memory_space<vmem>>
        %dma_start3A_612 = arith.constant 0 : i32
        %dma_start3A_613 = tpu.memref_slice %arg4[%mul3A_605, %dma_start3A_612] : memref<25088x128xi32, #tpu.memory_space<hbm>> -> memref<8x128xi32, #tpu.memory_space<hbm>>
        %dma_start3A_614 = arith.constant 0 : i32
        %dma_start3A_615 = arith.constant 0 : i32
        %dma_start3A_616 = tpu.memref_slice %arg8[%select_n3A_600, %dma_start3A_614, %dma_start3A_615] : memref<3x8x128xi32, #tpu.memory_space<vmem>> -> memref<1x8x128xi32, #tpu.memory_space<vmem>>
        %dma_start3A_617 = tpu.memref_squeeze %dma_start3A_616 : memref<1x8x128xi32, #tpu.memory_space<vmem>> -> memref<8x128xi32, #tpu.memory_space<vmem>>
        %dma_start3A_618 = arith.constant 0 : i32
        %dma_start3A_619 = tpu.memref_slice %arg4[%mul3A_605, %dma_start3A_618] : memref<25088x128xi32, #tpu.memory_space<hbm>> -> memref<8x128xi32, #tpu.memory_space<hbm>>
        tpu.enqueue_dma source(%dma_start3A_619 : memref<8x128xi32, #tpu.memory_space<hbm>>) target(%dma_start3A_617 : memref<8x128xi32, #tpu.memory_space<vmem>>) target_semaphore(%arg13 : memref<!tpu.dma_semaphore, #tpu.memory_space<semaphore_mem>>)
        %dma_start3A_620 = arith.constant 0 : i32
        %dma_start3A_621 = arith.constant 0 : i32
        %dma_start3A_622 = tpu.memref_slice %arg9[%select_n3A_600, %dma_start3A_620, %dma_start3A_621] : memref<3x8x128xi32, #tpu.memory_space<vmem>> -> memref<1x8x128xi32, #tpu.memory_space<vmem>>
        %dma_start3A_623 = tpu.memref_squeeze %dma_start3A_622 : memref<1x8x128xi32, #tpu.memory_space<vmem>> -> memref<8x128xi32, #tpu.memory_space<vmem>>
        %dma_start3A_624 = arith.constant 0 : i32
        %dma_start3A_625 = tpu.memref_slice %arg5[%mul3A_605, %dma_start3A_624] : memref<25088x128xi32, #tpu.memory_space<hbm>> -> memref<8x128xi32, #tpu.memory_space<hbm>>
        %dma_start3A_626 = arith.constant 0 : i32
        %dma_start3A_627 = arith.constant 0 : i32
        %dma_start3A_628 = tpu.memref_slice %arg9[%select_n3A_600, %dma_start3A_626, %dma_start3A_627] : memref<3x8x128xi32, #tpu.memory_space<vmem>> -> memref<1x8x128xi32, #tpu.memory_space<vmem>>
        %dma_start3A_629 = tpu.memref_squeeze %dma_start3A_628 : memref<1x8x128xi32, #tpu.memory_space<vmem>> -> memref<8x128xi32, #tpu.memory_space<vmem>>
        %dma_start3A_630 = arith.constant 0 : i32
        %dma_start3A_631 = tpu.memref_slice %arg5[%mul3A_605, %dma_start3A_630] : memref<25088x128xi32, #tpu.memory_space<hbm>> -> memref<8x128xi32, #tpu.memory_space<hbm>>
        tpu.enqueue_dma source(%dma_start3A_631 : memref<8x128xi32, #tpu.memory_space<hbm>>) target(%dma_start3A_629 : memref<8x128xi32, #tpu.memory_space<vmem>>) target_semaphore(%arg13 : memref<!tpu.dma_semaphore, #tpu.memory_space<semaphore_mem>>)
        %dma_start3A_632 = arith.constant 0 : i32
        %dma_start3A_633 = tpu.memref_slice %arg10[%select_n3A_600, %dma_start3A_632] : memref<3x1024xf32, #tpu.memory_space<vmem>> -> memref<1x1024xf32, #tpu.memory_space<vmem>>
        %dma_start3A_634 = tpu.memref_squeeze %dma_start3A_633 : memref<1x1024xf32, #tpu.memory_space<vmem>> -> memref<1024xf32, #tpu.memory_space<vmem>>
        %dma_start3A_635 = tpu.memref_slice %arg3[%mul3A_607] : memref<3211264xf32, #tpu.memory_space<hbm>> -> memref<1024xf32, #tpu.memory_space<hbm>>
        %dma_start3A_636 = arith.constant 0 : i32
        %dma_start3A_637 = tpu.memref_slice %arg10[%select_n3A_600, %dma_start3A_636] : memref<3x1024xf32, #tpu.memory_space<vmem>> -> memref<1x1024xf32, #tpu.memory_space<vmem>>
        %dma_start3A_638 = tpu.memref_squeeze %dma_start3A_637 : memref<1x1024xf32, #tpu.memory_space<vmem>> -> memref<1024xf32, #tpu.memory_space<vmem>>
        %dma_start3A_639 = tpu.memref_slice %arg3[%mul3A_607] : memref<3211264xf32, #tpu.memory_space<hbm>> -> memref<1024xf32, #tpu.memory_space<hbm>>
        tpu.enqueue_dma source(%dma_start3A_639 : memref<1024xf32, #tpu.memory_space<hbm>>) target(%dma_start3A_638 : memref<1024xf32, #tpu.memory_space<vmem>>) target_semaphore(%arg13 : memref<!tpu.dma_semaphore, #tpu.memory_space<semaphore_mem>>)
      } else {
      }
    }
    %scan3A_238 = arith.constant 98 : i32
    %dma_wait3A_239 = arith.constant 1 : i32
    %dma_wait3A_240 = arith.constant 1 : i32
    %dma_wait3A_241 = arith.constant 0 : i32
    %dma_wait3A_242 = arith.constant 0 : i32
    %dma_wait3A_243 = arith.constant 0 : i32
    %dma_wait3A_244 = tpu.memref_slice %arg11[%dma_wait3A_239, %dma_wait3A_242, %dma_wait3A_243] : memref<2x1024x16xf32, #tpu.memory_space<vmem>> -> memref<1x128x16xf32, #tpu.memory_space<vmem>>
    %dma_wait3A_245 = tpu.memref_squeeze %dma_wait3A_244 : memref<1x128x16xf32, #tpu.memory_space<vmem>> -> memref<128x16xf32, #tpu.memory_space<vmem>>
    %dma_wait3A_246 = arith.constant 0 : i32
    %dma_wait3A_247 = tpu.memref_slice %arg9[%dma_wait3A_240, %dma_wait3A_241, %dma_wait3A_246] : memref<3x8x128xi32, #tpu.memory_space<vmem>> -> memref<1x1x128xi32, #tpu.memory_space<vmem>>
    %dma_wait3A_248 = tpu.memref_squeeze %dma_wait3A_247 : memref<1x1x128xi32, #tpu.memory_space<vmem>> -> memref<128xi32, #tpu.memory_space<vmem>>
    %dma_wait3A_249 = arith.constant 0 : i32
    %dma_wait3A_250 = arith.constant 0 : i32
    %dma_wait3A_251 = tpu.memref_slice %arg12[%dma_wait3A_249, %dma_wait3A_250] : memref<50000x16xf32, #tpu.memory_space<vmem_shared>> -> memref<50000x16xf32, #tpu.memory_space<vmem_shared>>
    tpu.wait_indirect_dma semaphore(%arg15 : memref<!tpu.dma_semaphore, #tpu.memory_space<semaphore_mem>>) src(%dma_wait3A_245 : memref<128x16xf32, #tpu.memory_space<vmem>>) dst(%dma_wait3A_251 : memref<50000x16xf32, #tpu.memory_space<vmem_shared>>)
    %dma_wait3A_252 = arith.constant 1 : i32
    %dma_wait3A_253 = arith.constant 1 : i32
    %dma_wait3A_254 = arith.constant 1 : i32
    %dma_wait3A_255 = arith.constant 128 : i32
    %dma_wait3A_256 = arith.constant 0 : i32
    %dma_wait3A_257 = tpu.memref_slice %arg11[%dma_wait3A_252, %dma_wait3A_255, %dma_wait3A_256] : memref<2x1024x16xf32, #tpu.memory_space<vmem>> -> memref<1x128x16xf32, #tpu.memory_space<vmem>>
    %dma_wait3A_258 = tpu.memref_squeeze %dma_wait3A_257 : memref<1x128x16xf32, #tpu.memory_space<vmem>> -> memref<128x16xf32, #tpu.memory_space<vmem>>
    %dma_wait3A_259 = arith.constant 0 : i32
    %dma_wait3A_260 = tpu.memref_slice %arg9[%dma_wait3A_253, %dma_wait3A_254, %dma_wait3A_259] : memref<3x8x128xi32, #tpu.memory_space<vmem>> -> memref<1x1x128xi32, #tpu.memory_space<vmem>>
    %dma_wait3A_261 = tpu.memref_squeeze %dma_wait3A_260 : memref<1x1x128xi32, #tpu.memory_space<vmem>> -> memref<128xi32, #tpu.memory_space<vmem>>
    %dma_wait3A_262 = arith.constant 0 : i32
    %dma_wait3A_263 = arith.constant 0 : i32
    %dma_wait3A_264 = tpu.memref_slice %arg12[%dma_wait3A_262, %dma_wait3A_263] : memref<50000x16xf32, #tpu.memory_space<vmem_shared>> -> memref<50000x16xf32, #tpu.memory_space<vmem_shared>>
    tpu.wait_indirect_dma semaphore(%arg15 : memref<!tpu.dma_semaphore, #tpu.memory_space<semaphore_mem>>) src(%dma_wait3A_258 : memref<128x16xf32, #tpu.memory_space<vmem>>) dst(%dma_wait3A_264 : memref<50000x16xf32, #tpu.memory_space<vmem_shared>>)
    %dma_wait3A_265 = arith.constant 1 : i32
    %dma_wait3A_266 = arith.constant 1 : i32
    %dma_wait3A_267 = arith.constant 2 : i32
    %dma_wait3A_268 = arith.constant 256 : i32
    %dma_wait3A_269 = arith.constant 0 : i32
    %dma_wait3A_270 = tpu.memref_slice %arg11[%dma_wait3A_265, %dma_wait3A_268, %dma_wait3A_269] : memref<2x1024x16xf32, #tpu.memory_space<vmem>> -> memref<1x128x16xf32, #tpu.memory_space<vmem>>
    %dma_wait3A_271 = tpu.memref_squeeze %dma_wait3A_270 : memref<1x128x16xf32, #tpu.memory_space<vmem>> -> memref<128x16xf32, #tpu.memory_space<vmem>>
    %dma_wait3A_272 = arith.constant 0 : i32
    %dma_wait3A_273 = tpu.memref_slice %arg9[%dma_wait3A_266, %dma_wait3A_267, %dma_wait3A_272] : memref<3x8x128xi32, #tpu.memory_space<vmem>> -> memref<1x1x128xi32, #tpu.memory_space<vmem>>
    %dma_wait3A_274 = tpu.memref_squeeze %dma_wait3A_273 : memref<1x1x128xi32, #tpu.memory_space<vmem>> -> memref<128xi32, #tpu.memory_space<vmem>>
    %dma_wait3A_275 = arith.constant 0 : i32
    %dma_wait3A_276 = arith.constant 0 : i32
    %dma_wait3A_277 = tpu.memref_slice %arg12[%dma_wait3A_275, %dma_wait3A_276] : memref<50000x16xf32, #tpu.memory_space<vmem_shared>> -> memref<50000x16xf32, #tpu.memory_space<vmem_shared>>
    tpu.wait_indirect_dma semaphore(%arg15 : memref<!tpu.dma_semaphore, #tpu.memory_space<semaphore_mem>>) src(%dma_wait3A_271 : memref<128x16xf32, #tpu.memory_space<vmem>>) dst(%dma_wait3A_277 : memref<50000x16xf32, #tpu.memory_space<vmem_shared>>)
    %dma_wait3A_278 = arith.constant 1 : i32
    %dma_wait3A_279 = arith.constant 1 : i32
    %dma_wait3A_280 = arith.constant 3 : i32
    %dma_wait3A_281 = arith.constant 384 : i32
    %dma_wait3A_282 = arith.constant 0 : i32
    %dma_wait3A_283 = tpu.memref_slice %arg11[%dma_wait3A_278, %dma_wait3A_281, %dma_wait3A_282] : memref<2x1024x16xf32, #tpu.memory_space<vmem>> -> memref<1x128x16xf32, #tpu.memory_space<vmem>>
    %dma_wait3A_284 = tpu.memref_squeeze %dma_wait3A_283 : memref<1x128x16xf32, #tpu.memory_space<vmem>> -> memref<128x16xf32, #tpu.memory_space<vmem>>
    %dma_wait3A_285 = arith.constant 0 : i32
    %dma_wait3A_286 = tpu.memref_slice %arg9[%dma_wait3A_279, %dma_wait3A_280, %dma_wait3A_285] : memref<3x8x128xi32, #tpu.memory_space<vmem>> -> memref<1x1x128xi32, #tpu.memory_space<vmem>>
    %dma_wait3A_287 = tpu.memref_squeeze %dma_wait3A_286 : memref<1x1x128xi32, #tpu.memory_space<vmem>> -> memref<128xi32, #tpu.memory_space<vmem>>
    %dma_wait3A_288 = arith.constant 0 : i32
    %dma_wait3A_289 = arith.constant 0 : i32
    %dma_wait3A_290 = tpu.memref_slice %arg12[%dma_wait3A_288, %dma_wait3A_289] : memref<50000x16xf32, #tpu.memory_space<vmem_shared>> -> memref<50000x16xf32, #tpu.memory_space<vmem_shared>>
    tpu.wait_indirect_dma semaphore(%arg15 : memref<!tpu.dma_semaphore, #tpu.memory_space<semaphore_mem>>) src(%dma_wait3A_284 : memref<128x16xf32, #tpu.memory_space<vmem>>) dst(%dma_wait3A_290 : memref<50000x16xf32, #tpu.memory_space<vmem_shared>>)
    %dma_wait3A_291 = arith.constant 1 : i32
    %dma_wait3A_292 = arith.constant 1 : i32
    %dma_wait3A_293 = arith.constant 4 : i32
    %dma_wait3A_294 = arith.constant 512 : i32
    %dma_wait3A_295 = arith.constant 0 : i32
    %dma_wait3A_296 = tpu.memref_slice %arg11[%dma_wait3A_291, %dma_wait3A_294, %dma_wait3A_295] : memref<2x1024x16xf32, #tpu.memory_space<vmem>> -> memref<1x128x16xf32, #tpu.memory_space<vmem>>
    %dma_wait3A_297 = tpu.memref_squeeze %dma_wait3A_296 : memref<1x128x16xf32, #tpu.memory_space<vmem>> -> memref<128x16xf32, #tpu.memory_space<vmem>>
    %dma_wait3A_298 = arith.constant 0 : i32
    %dma_wait3A_299 = tpu.memref_slice %arg9[%dma_wait3A_292, %dma_wait3A_293, %dma_wait3A_298] : memref<3x8x128xi32, #tpu.memory_space<vmem>> -> memref<1x1x128xi32, #tpu.memory_space<vmem>>
    %dma_wait3A_300 = tpu.memref_squeeze %dma_wait3A_299 : memref<1x1x128xi32, #tpu.memory_space<vmem>> -> memref<128xi32, #tpu.memory_space<vmem>>
    %dma_wait3A_301 = arith.constant 0 : i32
    %dma_wait3A_302 = arith.constant 0 : i32
    %dma_wait3A_303 = tpu.memref_slice %arg12[%dma_wait3A_301, %dma_wait3A_302] : memref<50000x16xf32, #tpu.memory_space<vmem_shared>> -> memref<50000x16xf32, #tpu.memory_space<vmem_shared>>
    tpu.wait_indirect_dma semaphore(%arg15 : memref<!tpu.dma_semaphore, #tpu.memory_space<semaphore_mem>>) src(%dma_wait3A_297 : memref<128x16xf32, #tpu.memory_space<vmem>>) dst(%dma_wait3A_303 : memref<50000x16xf32, #tpu.memory_space<vmem_shared>>)
    %dma_wait3A_304 = arith.constant 1 : i32
    %dma_wait3A_305 = arith.constant 1 : i32
    %dma_wait3A_306 = arith.constant 5 : i32
    %dma_wait3A_307 = arith.constant 640 : i32
    %dma_wait3A_308 = arith.constant 0 : i32
    %dma_wait3A_309 = tpu.memref_slice %arg11[%dma_wait3A_304, %dma_wait3A_307, %dma_wait3A_308] : memref<2x1024x16xf32, #tpu.memory_space<vmem>> -> memref<1x128x16xf32, #tpu.memory_space<vmem>>
    %dma_wait3A_310 = tpu.memref_squeeze %dma_wait3A_309 : memref<1x128x16xf32, #tpu.memory_space<vmem>> -> memref<128x16xf32, #tpu.memory_space<vmem>>
    %dma_wait3A_311 = arith.constant 0 : i32
    %dma_wait3A_312 = tpu.memref_slice %arg9[%dma_wait3A_305, %dma_wait3A_306, %dma_wait3A_311] : memref<3x8x128xi32, #tpu.memory_space<vmem>> -> memref<1x1x128xi32, #tpu.memory_space<vmem>>
    %dma_wait3A_313 = tpu.memref_squeeze %dma_wait3A_312 : memref<1x1x128xi32, #tpu.memory_space<vmem>> -> memref<128xi32, #tpu.memory_space<vmem>>
    %dma_wait3A_314 = arith.constant 0 : i32
    %dma_wait3A_315 = arith.constant 0 : i32
    %dma_wait3A_316 = tpu.memref_slice %arg12[%dma_wait3A_314, %dma_wait3A_315] : memref<50000x16xf32, #tpu.memory_space<vmem_shared>> -> memref<50000x16xf32, #tpu.memory_space<vmem_shared>>
    tpu.wait_indirect_dma semaphore(%arg15 : memref<!tpu.dma_semaphore, #tpu.memory_space<semaphore_mem>>) src(%dma_wait3A_310 : memref<128x16xf32, #tpu.memory_space<vmem>>) dst(%dma_wait3A_316 : memref<50000x16xf32, #tpu.memory_space<vmem_shared>>)
    %dma_wait3A_317 = arith.constant 1 : i32
    %dma_wait3A_318 = arith.constant 1 : i32
    %dma_wait3A_319 = arith.constant 6 : i32
    %dma_wait3A_320 = arith.constant 768 : i32
    %dma_wait3A_321 = arith.constant 0 : i32
    %dma_wait3A_322 = tpu.memref_slice %arg11[%dma_wait3A_317, %dma_wait3A_320, %dma_wait3A_321] : memref<2x1024x16xf32, #tpu.memory_space<vmem>> -> memref<1x128x16xf32, #tpu.memory_space<vmem>>
    %dma_wait3A_323 = tpu.memref_squeeze %dma_wait3A_322 : memref<1x128x16xf32, #tpu.memory_space<vmem>> -> memref<128x16xf32, #tpu.memory_space<vmem>>
    %dma_wait3A_324 = arith.constant 0 : i32
    %dma_wait3A_325 = tpu.memref_slice %arg9[%dma_wait3A_318, %dma_wait3A_319, %dma_wait3A_324] : memref<3x8x128xi32, #tpu.memory_space<vmem>> -> memref<1x1x128xi32, #tpu.memory_space<vmem>>
    %dma_wait3A_326 = tpu.memref_squeeze %dma_wait3A_325 : memref<1x1x128xi32, #tpu.memory_space<vmem>> -> memref<128xi32, #tpu.memory_space<vmem>>
    %dma_wait3A_327 = arith.constant 0 : i32
    %dma_wait3A_328 = arith.constant 0 : i32
    %dma_wait3A_329 = tpu.memref_slice %arg12[%dma_wait3A_327, %dma_wait3A_328] : memref<50000x16xf32, #tpu.memory_space<vmem_shared>> -> memref<50000x16xf32, #tpu.memory_space<vmem_shared>>
    tpu.wait_indirect_dma semaphore(%arg15 : memref<!tpu.dma_semaphore, #tpu.memory_space<semaphore_mem>>) src(%dma_wait3A_323 : memref<128x16xf32, #tpu.memory_space<vmem>>) dst(%dma_wait3A_329 : memref<50000x16xf32, #tpu.memory_space<vmem_shared>>)
    %dma_wait3A_330 = arith.constant 1 : i32
    %dma_wait3A_331 = arith.constant 1 : i32
    %dma_wait3A_332 = arith.constant 7 : i32
    %dma_wait3A_333 = arith.constant 896 : i32
    %dma_wait3A_334 = arith.constant 0 : i32
    %dma_wait3A_335 = tpu.memref_slice %arg11[%dma_wait3A_330, %dma_wait3A_333, %dma_wait3A_334] : memref<2x1024x16xf32, #tpu.memory_space<vmem>> -> memref<1x128x16xf32, #tpu.memory_space<vmem>>
    %dma_wait3A_336 = tpu.memref_squeeze %dma_wait3A_335 : memref<1x128x16xf32, #tpu.memory_space<vmem>> -> memref<128x16xf32, #tpu.memory_space<vmem>>
    %dma_wait3A_337 = arith.constant 0 : i32
    %dma_wait3A_338 = tpu.memref_slice %arg9[%dma_wait3A_331, %dma_wait3A_332, %dma_wait3A_337] : memref<3x8x128xi32, #tpu.memory_space<vmem>> -> memref<1x1x128xi32, #tpu.memory_space<vmem>>
    %dma_wait3A_339 = tpu.memref_squeeze %dma_wait3A_338 : memref<1x1x128xi32, #tpu.memory_space<vmem>> -> memref<128xi32, #tpu.memory_space<vmem>>
    %dma_wait3A_340 = arith.constant 0 : i32
    %dma_wait3A_341 = arith.constant 0 : i32
    %dma_wait3A_342 = tpu.memref_slice %arg12[%dma_wait3A_340, %dma_wait3A_341] : memref<50000x16xf32, #tpu.memory_space<vmem_shared>> -> memref<50000x16xf32, #tpu.memory_space<vmem_shared>>
    tpu.wait_indirect_dma semaphore(%arg15 : memref<!tpu.dma_semaphore, #tpu.memory_space<semaphore_mem>>) src(%dma_wait3A_336 : memref<128x16xf32, #tpu.memory_space<vmem>>) dst(%dma_wait3A_342 : memref<50000x16xf32, #tpu.memory_space<vmem_shared>>)
    %barrier3A_343 = arith.constant 0 : index
    tpu.barrier barrier_id(%barrier3A_343)
    %eq3A_344 = arith.constant 0 : i32
    %eq3A_345 = arith.cmpi eq, %arg1, %eq3A_344 : i32
    %convert_element_type3A_346 = arith.extui %eq3A_345 : i1 to i32
    %cond3A_347 = arith.constant 0 : i32
    %cond3A_348 = arith.cmpi ne, %convert_element_type3A_346, %cond3A_347 : i32
    scf.if %cond3A_348 {
      "tpu.region"() ({
        %run_scoped3A = tpu.sem_alloc : memref<!tpu.dma_semaphore, #tpu.memory_space<semaphore_mem>>
        %dma_start3A_349 = arith.constant 0 : i32
        %dma_start3A_350 = arith.constant 0 : i32
        %dma_start3A_351 = tpu.memref_slice %arg7[%arg0, %dma_start3A_349, %dma_start3A_350] : memref<2x50000x16xf32, #tpu.memory_space<hbm>> -> memref<1x50000x16xf32, #tpu.memory_space<hbm>>
        %dma_start3A_352 = tpu.memref_squeeze %dma_start3A_351 : memref<1x50000x16xf32, #tpu.memory_space<hbm>> -> memref<50000x16xf32, #tpu.memory_space<hbm>>
        tpu.enqueue_dma source(%arg12 : memref<50000x16xf32, #tpu.memory_space<vmem_shared>>) target(%dma_start3A_352 : memref<50000x16xf32, #tpu.memory_space<hbm>>) target_semaphore(%run_scoped3A : memref<!tpu.dma_semaphore, #tpu.memory_space<semaphore_mem>>)
        %dma_wait3A_353 = arith.constant 0 : i32
        %dma_wait3A_354 = arith.constant 0 : i32
        %dma_wait3A_355 = tpu.memref_slice %arg7[%arg0, %dma_wait3A_353, %dma_wait3A_354] : memref<2x50000x16xf32, #tpu.memory_space<hbm>> -> memref<1x50000x16xf32, #tpu.memory_space<hbm>>
        %dma_wait3A_356 = tpu.memref_squeeze %dma_wait3A_355 : memref<1x50000x16xf32, #tpu.memory_space<hbm>> -> memref<50000x16xf32, #tpu.memory_space<hbm>>
        tpu.wait_dma2 semaphore(%run_scoped3A : memref<!tpu.dma_semaphore, #tpu.memory_space<semaphore_mem>>) src(%arg12 : memref<50000x16xf32, #tpu.memory_space<vmem_shared>>) dst(%dma_wait3A_356 : memref<50000x16xf32, #tpu.memory_space<hbm>>)
        tpu.yield
      }) : () -> ()
    } else {
    }
    return
  }
}

module attributes {stable_mosaic.version = 14 : i64} {
  func.func @body(%arg0: i32, %arg1: i32, %arg2: memref<640x128xf32, #tpu.memory_space<vmem>>, %arg3: memref<640x128xf32, #tpu.memory_space<vmem>>, %arg4: memref<640x128xf32, #tpu.memory_space<vmem>>, %arg5: memref<1x128xf32, #tpu.memory_space<vmem>>, %arg6: memref<1x128x128xf32, #tpu.memory_space<vmem>>, %arg7: memref<1x640x128xf32, #tpu.memory_space<vmem>>) attributes {dimension_semantics = [#tpu.dimension_semantics<arbitrary>, #tpu.dimension_semantics<arbitrary>], iteration_bounds = array<i64: 10, 17>, scalar_prefetch = 0 : i64, scratch_operands = 0 : i64, tpu.core_type = #tpu.core_type<tc>, window_params = [{transform_indices = @transform_0, window_bounds = array<i64: 640, 128>}, {transform_indices = @transform_1, window_bounds = array<i64: 640, 128>}, {transform_indices = @transform_2, window_bounds = array<i64: 640, 128>}, {pipeline_mode = #tpu.pipeline_mode<synchronous>, transform_indices = @transform_3, window_bounds = array<i64: 1, 128>}, {transform_indices = @transform_4, window_bounds = array<i64: 1, 128, 128>}, {transform_indices = @transform_5, window_bounds = array<i64: 1, 640, 128>}]} {
    %get3A = arith.constant 0 : index
    %get3A_0 = arith.constant 0 : index
    %get3A_1 = vector.load %arg2[%get3A, %get3A_0] : memref<640x128xf32, #tpu.memory_space<vmem>>, vector<640x128xf32>
    %get3A_2 = arith.constant 0 : index
    %get3A_3 = arith.constant 0 : index
    %get3A_4 = vector.load %arg3[%get3A_2, %get3A_3] : memref<640x128xf32, #tpu.memory_space<vmem>>, vector<640x128xf32>
    %add3A = arith.addf %get3A_1, %get3A_4 : vector<640x128xf32>
    %get3A_5 = arith.constant 0 : index
    %get3A_6 = arith.constant 0 : index
    %get3A_7 = vector.load %arg4[%get3A_5, %get3A_6] : memref<640x128xf32, #tpu.memory_space<vmem>>, vector<640x128xf32>
    %add3A_8 = arith.addf %add3A, %get3A_7 : vector<640x128xf32>
    %get3A_9 = arith.constant 0 : index
    %get3A_10 = arith.constant 0 : index
    %get3A_11 = vector.load %arg5[%get3A_9, %get3A_10] : memref<1x128xf32, #tpu.memory_space<vmem>>, vector<1x128xf32>
    %get3A_12 = vector.shape_cast %get3A_11 : vector<1x128xf32> to vector<128xf32>
    %broadcast_in_dim3A = vector.shape_cast %get3A_12 : vector<128xf32> to vector<1x128xf32>
    %add3A_13 = vector.broadcast %broadcast_in_dim3A : vector<1x128xf32> to vector<640x128xf32>
    %add3A_14 = arith.addf %add3A_8, %add3A_13 : vector<640x128xf32>
    %max3A = arith.constant 0.000000e+00 : f32
    %max3A_15 = vector.broadcast %max3A : f32 to vector<640x128xf32>
    %max3A_16 = arith.maximumf %add3A_14, %max3A_15 : vector<640x128xf32>
    %get3A_17 = arith.constant 0 : index
    %get3A_18 = arith.constant 0 : index
    %get3A_19 = arith.constant 0 : index
    %get3A_20 = vector.load %arg6[%get3A_17, %get3A_18, %get3A_19] : memref<1x128x128xf32, #tpu.memory_space<vmem>>, vector<1x128x128xf32>
    %get3A_21 = vector.shape_cast %get3A_20 : vector<1x128x128xf32> to vector<128x128xf32>
    %dot_general3A = arith.constant dense<0.000000e+00> : vector<640x128xf32>
    %dot_general3A_22 = tpu.matmul %max3A_16, %get3A_21, %dot_general3A {dimension_numbers = #tpu.dot_dimension_numbers<[1], [0], [0], [1], [0, 0, 1, 1], [], []>, transpose_lhs_hint = false} : vector<640x128xf32>, vector<128x128xf32>, vector<640x128xf32> -> vector<640x128xf32>
    %swap3A = arith.constant 0 : index
    %swap3A_23 = arith.constant 0 : index
    %swap3A_24 = arith.constant 0 : index
    %swap3A_25 = vector.load %arg7[%swap3A, %swap3A_23, %swap3A_24] : memref<1x640x128xf32, #tpu.memory_space<vmem>>, vector<1x640x128xf32>
    %swap3A_26 = vector.shape_cast %swap3A_25 : vector<1x640x128xf32> to vector<640x128xf32>
    %swap3A_27 = vector.shape_cast %dot_general3A_22 : vector<640x128xf32> to vector<1x640x128xf32>
    tpu.vector_store %arg7[%swap3A, %swap3A_23, %swap3A_24], %swap3A_27 {strides = array<i32>} : memref<1x640x128xf32, #tpu.memory_space<vmem>>, vector<1x640x128xf32>,
    return
  }
  func.func @transform_0(%arg0: i32, %arg1: i32) -> (i32, i32) {
    %c0_i32 = arith.constant 0 : i32
    %c0_i32_0 = arith.constant 0 : i32
    return %arg0, %c0_i32 : i32, i32
  }
  func.func @transform_1(%arg0: i32, %arg1: i32) -> (i32, i32) {
    %c0_i32 = arith.constant 0 : i32
    %c0_i32_0 = arith.constant 0 : i32
    return %arg0, %c0_i32 : i32, i32
  }
  func.func @transform_2(%arg0: i32, %arg1: i32) -> (i32, i32) {
    %c0_i32 = arith.constant 0 : i32
    %c0_i32_0 = arith.constant 0 : i32
    return %arg0, %c0_i32 : i32, i32
  }
  func.func @transform_3(%arg0: i32, %arg1: i32) -> (i32, i32) {
    %c0_i32 = arith.constant 0 : i32
    %c0_i32_0 = arith.constant 0 : i32
    %c0_i32_1 = arith.constant 0 : i32
    return %c0_i32, %c0_i32_0 : i32, i32
  }
  func.func @transform_4(%arg0: i32, %arg1: i32) -> (i32, i32, i32) {
    %c0_i32 = arith.constant 0 : i32
    %c0_i32_0 = arith.constant 0 : i32
    %c0_i32_1 = arith.constant 0 : i32
    return %arg1, %c0_i32, %c0_i32_0 : i32, i32, i32
  }
  func.func @transform_5(%arg0: i32, %arg1: i32) -> (i32, i32, i32) {
    %c0_i32 = arith.constant 0 : i32
    %c0_i32_0 = arith.constant 0 : i32
    return %arg1, %arg0, %c0_i32 : i32, i32, i32
  }
}

module attributes {stable_mosaic.version = 14 : i64} {
  func.func @body(%arg0: i32, %arg1: memref<2000x16xf32, #tpu.memory_space<vmem>>, %arg2: memref<2000x16xf32, #tpu.memory_space<vmem>>, %arg3: memref<2000x16xf32, #tpu.memory_space<vmem>>, %arg4: memref<1x8xf32, #tpu.memory_space<vmem>>, %arg5: memref<2000x8xf32, #tpu.memory_space<vmem>>) attributes {dimension_semantics = [#tpu.dimension_semantics<arbitrary>], iteration_bounds = array<i64: 25>, scalar_prefetch = 0 : i64, scratch_operands = 0 : i64, tpu.core_type = #tpu.core_type<tc>, window_params = [{transform_indices = @transform_0, window_bounds = array<i64: 2000, 16>}, {transform_indices = @transform_1, window_bounds = array<i64: 2000, 16>}, {transform_indices = @transform_2, window_bounds = array<i64: 2000, 16>}, {pipeline_mode = #tpu.pipeline_mode<synchronous>, transform_indices = @transform_3, window_bounds = array<i64: 1, 8>}, {transform_indices = @transform_4, window_bounds = array<i64: 2000, 8>}]} {
    %get3A = arith.constant 0 : index
    %get3A_0 = arith.constant 0 : index
    %get3A_1 = vector.load %arg1[%get3A, %get3A_0] : memref<2000x16xf32, #tpu.memory_space<vmem>>, vector<2000x16xf32>
    %get3A_2 = arith.constant 0 : index
    %get3A_3 = arith.constant 0 : index
    %get3A_4 = vector.load %arg2[%get3A_2, %get3A_3] : memref<2000x16xf32, #tpu.memory_space<vmem>>, vector<2000x16xf32>
    %add3A = arith.addf %get3A_1, %get3A_4 : vector<2000x16xf32>
    %get3A_5 = arith.constant 0 : index
    %get3A_6 = arith.constant 0 : index
    %get3A_7 = vector.load %arg3[%get3A_5, %get3A_6] : memref<2000x16xf32, #tpu.memory_space<vmem>>, vector<2000x16xf32>
    %add3A_8 = arith.addf %add3A, %get3A_7 : vector<2000x16xf32>
    %slice3A = vector.extract_strided_slice %add3A_8 {offsets = [0, 0], sizes = [2000, 8], strides = [1, 1]} : vector<2000x16xf32> to vector<2000x8xf32>
    %get3A_9 = arith.constant 0 : index
    %get3A_10 = arith.constant 0 : index
    %get3A_11 = vector.load %arg4[%get3A_9, %get3A_10] : memref<1x8xf32, #tpu.memory_space<vmem>>, vector<1x8xf32>
    %get3A_12 = vector.shape_cast %get3A_11 : vector<1x8xf32> to vector<8xf32>
    %broadcast_in_dim3A = vector.shape_cast %get3A_12 : vector<8xf32> to vector<1x8xf32>
    %add3A_13 = vector.broadcast %broadcast_in_dim3A : vector<1x8xf32> to vector<2000x8xf32>
    %add3A_14 = arith.addf %slice3A, %add3A_13 : vector<2000x8xf32>
    %swap3A = arith.constant 0 : index
    %swap3A_15 = arith.constant 0 : index
    %swap3A_16 = vector.load %arg5[%swap3A, %swap3A_15] : memref<2000x8xf32, #tpu.memory_space<vmem>>, vector<2000x8xf32>
    tpu.vector_store %arg5[%swap3A, %swap3A_15], %add3A_14 {strides = array<i32>} : memref<2000x8xf32, #tpu.memory_space<vmem>>, vector<2000x8xf32>,
    return
  }
  func.func @transform_0(%arg0: i32) -> (i32, i32) {
    %c0_i32 = arith.constant 0 : i32
    %c0_i32_0 = arith.constant 0 : i32
    return %arg0, %c0_i32 : i32, i32
  }
  func.func @transform_1(%arg0: i32) -> (i32, i32) {
    %c0_i32 = arith.constant 0 : i32
    %c0_i32_0 = arith.constant 0 : i32
    return %arg0, %c0_i32 : i32, i32
  }
  func.func @transform_2(%arg0: i32) -> (i32, i32) {
    %c0_i32 = arith.constant 0 : i32
    %c0_i32_0 = arith.constant 0 : i32
    return %arg0, %c0_i32 : i32, i32
  }
  func.func @transform_3(%arg0: i32) -> (i32, i32) {
    %c0_i32 = arith.constant 0 : i32
    %c0_i32_0 = arith.constant 0 : i32
    %c0_i32_1 = arith.constant 0 : i32
    return %c0_i32, %c0_i32_0 : i32, i32
  }
  func.func @transform_4(%arg0: i32) -> (i32, i32) {
    %c0_i32 = arith.constant 0 : i32
    %c0_i32_0 = arith.constant 0 : i32
    return %arg0, %c0_i32 : i32, i32
  }
}

</mosaic_0001>

<sc_bundles>
// kernel: kernel.10.cloned.1.call-start
scs
__scs_entry_jumppad:
0x0: {  	(pc) =	sbr.rel $0x88, $3  }
0x1: {  	(tag) =	ssettag $0x0;
	lr =	simm.s32 $0x1  }
0x2: {  	[smem:$0x3F9A] =	sst lr;
	_ =	strace $0xD0000000  }
0x3: {  	_ = 	snop  }
0x4: {  	_ = 	snop  }
0x5: {  	_ = 	snop  }
0x6: {  	_ = 	snop  }
0x7: {  	_ = 	snop  }
__scs_overlays_trampoline_lowered:
0x8: {  	[smem:$0x3FA9] =	sst s0  }
0x9: {  	[smem:$0x3FAA] =	sst s1  }
0xa: {  	[smem:$0x3FAB] =	sst s2  }
0xb: {  	[smem:$0x3FAC] =	sst s3  }
0xc: {  	[smem:$0x3FAD] =	sst s4  }
0xd: {  	[smem:$0x3FAE] =	sst s5  }
0xe: {  	[smem:$0x3FAF] =	sst s6  }
0xf: {  	[smem:$0x3FB0] =	sst s7  }
0x10: {  	[smem:$0x3FB1] =	sst s8  }
0x11: {  	[smem:$0x3FB2] =	sst s9;
	s0 =	simm.s32 @!p0 $0x0  }
0x12: {  	s1 =	sld [smem:$0x3F98];
	s0 =	simm.s32 @p0 $0x1  }
0x13: {  	[smem:$0x3FB3] =	sst s0;
	s0 =	simm.s32 @!p1 $0x0  }
0x14: {  	s2 =	sld [smem:$0x3F97];
	s0 =	simm.s32 @p1 $0x1  }
0x15: {  	[smem:$0x3FB4] =	sst s0;
	s0 =	simm.s32 @!p2 $0x0  }
0x16: {  	s3 =	sld [smem:$0x3FDB];
	s0 =	simm.s32 @p2 $0x1  }
0x17: {  	s4 =	simm.s32 $0x1BF5;
	[smem:$0x3FB6] =	sst s0  }
0x18: {  	s0 =	sld [smem:$0x3F99];
	_ =	swait.ge [sflag:s4], $0x0  }
0x19: {  	s7 =	sld [smem:$0x3F9A]  }
0x1a: {  	s8 =	sadd.s32 $0xFFFFE003, lr  }
0x1b: {  	s9 =	sadd.s32 $0xFFFFFEF7, lr;
	s5 =	simm.s32 $0xFFFFFFFF;
	p2 =	slt.u32 s8, $0xFFFFF086  }
0x1c: {  	p1 =	slt.u32 s9, $0xF7A;
	s5 =	simm.s32 @!p2 $0x0  }
0x1d: {  	s5 =	simm.s32 @p1 $0x1;
	p0 =	seq.s32 s7, s2  }
0x1e: {  	s7 =	smul.u32 @!p0 $0xF7A, s2;
	p2 =	seq.s32 @!p0 s5, $0x0  }
0x1f: {  	s9 =	smul.u32 $0xF7A, s1;
	s8 =	simm.s32 @!p0 $0x1BF5;
	p2 =	por !p2, p0  }
0x20: {  	[sflag:s8] =	ssyncset.s32 @!p0 $0xFFFFF086;
	s6 =	sadd.s32 @!p0 s3, s7;
	s7 =	simm.s32 @!p0 $0x108  }
0x21: {  	s3 =	sadd.s32 s3, s9;
	s6 =	sadd.s32 @!p0 $0x88, s6;
	s7 =	simm.s32 @p2 $0x1082  }
0x22: {  	[simem:s7], [sflag:s8] =	dma.local @!p0 [hbm:s6], $0xF7A  }
0x23: {  	s9 =	sor.u32 $0xD0000000, s2;
	s6 =	simm.s32 $0x108;
	_ =	swait.ge @!p0 [sflag:s8], $0x0  }
0x24: {  	s3 =	sadd.s32 $0x88, s3;
	s6 =	simm.s32 @!p1 $0x1082;
	[sflag:s4] =	ssyncset.s32 $0xFFFFF086  }
0x25: {  	[simem:s6], [sflag:s4] =	dma.local [hbm:s3], $0xF7A  }
0x26: {  	[smem:$0x3F9A] =	sst s1;
	(tag) =	ssettag s2;
	_ =	strace s9  }
0x27: {  	s1 =	sld [smem:$0x3FAA]  }
0x28: {  	s2 =	sld [smem:$0x3FAB]  }
0x29: {  	s4 =	sld [smem:$0x3FAD]  }
0x2a: {  	p0 =	seq.s32 s5, $0x0;
	s5 =	sld [smem:$0x3FAE]  }
0x2b: {  	s6 =	sld [smem:$0x3FAF]  }
0x2c: {  	s7 =	sld [smem:$0x3FB0]  }
0x2d: {  	s3 =	simm.s32 $0x108;
	s8 =	sld [smem:$0x3FB1]  }
0x2e: {  	s3 =	simm.s32 @!p0 $0x1082;
	s9 =	sld [smem:$0x3FB2]  }
0x2f: {  	lr =	sadd.s32 s0, s3;
	s0 =	sld [smem:$0x3FA9]  }
0x30: {  	s3 =	sld [smem:$0x3FAC]  }
0x31: {  	[smem:$0x3FB5] =	sst s10  }
0x32: {  	s10 =	sld [smem:$0x3FB3];
	_ =	sdelay $0x3  }
0x33: {  	p0 =	seq.s32 s10, $0x1;
	s10 =	sld [smem:$0x3FB5];
	_ =	sdelay $0x3  }
0x34: {  	[smem:$0x3FB5] =	sst s10  }
0x35: {  	s10 =	sld [smem:$0x3FB4];
	_ =	sdelay $0x3  }
0x36: {  	p1 =	seq.s32 s10, $0x1;
	s10 =	sld [smem:$0x3FB5];
	_ =	sdelay $0x3  }
0x37: {  	[smem:$0x3FB5] =	sst s10  }
0x38: {  	s10 =	sld [smem:$0x3FB6]  }
0x39: {  	_ = 	snop;
	(pc) =	sbr.ind lr, $3  }
0x3a: {  	_ = 	snop  }
0x3b: {  	_ = 	snop  }
0x3c: {  	p2 =	seq.s32 s10, $0x1;
	s10 =	sld [smem:$0x3FB5]  }
0x3d: {  	_ =	shalt  }
0x3e: {  	_ =	shalt  }
0x3f: {  	_ =	shalt  }
0x40: {  	_ =	shalt  }
0x41: {  	_ =	shalt  }
0x42: {  	_ =	shalt  }
0x43: {  	_ =	shalt  }
0x44: {  	_ =	shalt  }
0x45: {  	_ =	shalt  }
0x46: {  	_ =	shalt  }
0x47: {  	_ =	shalt  }
0x48: {  	_ =	shalt  }
0x49: {  	_ =	shalt  }
0x4a: {  	_ =	shalt  }
0x4b: {  	_ =	shalt  }
0x4c: {  	_ =	shalt  }
0x4d: {  	_ =	shalt  }
0x4e: {  	_ =	shalt  }
0x4f: {  	_ =	shalt  }
0x50: {  	_ =	shalt  }
0x51: {  	_ =	shalt  }
0x52: {  	_ =	shalt  }
0x53: {  	_ =	shalt  }
0x54: {  	_ =	shalt  }
0x55: {  	_ =	shalt  }
0x56: {  	_ =	shalt  }
0x57: {  	_ =	shalt  }
0x58: {  	_ =	shalt  }
0x59: {  	_ =	shalt  }
0x5a: {  	_ =	shalt  }
0x5b: {  	_ =	shalt  }
0x5c: {  	_ =	shalt  }
0x5d: {  	_ =	shalt  }
0x5e: {  	_ =	shalt  }
0x5f: {  	_ =	shalt  }
0x60: {  	_ =	shalt  }
0x61: {  	_ =	shalt  }
0x62: {  	_ =	shalt  }
0x63: {  	_ =	shalt  }
0x64: {  	_ =	shalt  }
0x65: {  	_ =	shalt  }
0x66: {  	_ =	shalt  }
0x67: {  	_ =	shalt  }
0x68: {  	_ =	shalt  }
0x69: {  	_ =	shalt  }
0x6a: {  	_ =	shalt  }
0x6b: {  	_ =	shalt  }
0x6c: {  	_ =	shalt  }
0x6d: {  	_ =	shalt  }
0x6e: {  	_ =	shalt  }
0x6f: {  	_ =	shalt  }
0x70: {  	_ =	shalt  }
0x71: {  	_ =	shalt  }
0x72: {  	_ =	shalt  }
0x73: {  	_ =	shalt  }
0x74: {  	_ =	shalt  }
0x75: {  	_ =	shalt  }
0x76: {  	_ =	shalt  }
0x77: {  	_ =	shalt  }
0x78: {  	_ =	shalt  }
0x79: {  	_ =	shalt  }
0x7a: {  	_ =	shalt  }
0x7b: {  	_ =	shalt  }
0x7c: {  	_ =	shalt  }
0x7d: {  	_ =	shalt  }
0x7e: {  	_ =	shalt  }
0x7f: {  	_ =	shalt  }
0x80: {  	_ =	shalt  }
0x81: {  	_ =	shalt  }
0x82: {  	_ =	shalt  }
0x83: {  	_ =	shalt  }
0x84: {  	_ =	shalt  }
0x85: {  	_ =	shalt  }
0x86: {  	_ =	shalt  }
0x87: {  	_ =	shalt  }
.Lfunc_end0:
.L_simem_size_0:
called_computation.1_lowered:
.L_overlay_start_0:
0x88: {  	s2 =	sld [smem:$0x3FD9]  }
0x89: {  	s3 =	sld [smem:$0x3FFE];
	_ =	sdelay $0x1  }
0x8a: {  	s1 =	srdreg.scid  }
0x8b: {  	s0 =	sand.u32 $0x1, s1  }
0x8c: {  	s16 =	sshll.u32 s0, $0xA;
	s2 =	sadd.s32 s3, s2  }
0x8d: {  	s2 =	sadd.s32 s2, s16  }
0x8e: {  	[smem:$0x3FC1] =	sst s2  }
0x8f: {  	_ = 	snop  }
0x90: {  	(tm) =	ssettm $0x1  }
0x91: {  	s17 =	sld [smem:$0x3FFB];
	_ =	sdelay $0x3  }
0x92: {  	_ =	strace s17  }
0x93: {  	s2 =	sld [smem:$0x3FFC];
	_ =	sdelay $0x3  }
0x94: {  	_ =	strace s2  }
0x95: {  	s2 =	sld [smem:$0x3FFD];
	_ =	sdelay $0x3  }
0x96: {  	_ =	strace s2  }
0x97: {  	_ =	strace $0x8FFFFFFF  }
0x98: {  	s18 =	sld [smem:$0x3FDB];
	_ =	sdelay $0x1  }
0x99: {  	s19 =	simm.s32 $_scs_section_size  }
0x9a: {  	s4 =	simm.s32 $_size__tile_overlayer_lowered;
	s5 =	simm.s32 $_tile_overlayer_lowered  }
0x9b: {  	s22 =	simm.s32 $0x1BFF;
	s21 =	sshll.u32 s5, $0x1;
	s2 =	sadd.s32 s19, s18  }
0x9c: {  	s6 =	simm.s32 $0x0;
	s20 =	sshll.u32 s4, $0x1;
	s4 =	sadd.s32 s21, s2  }
0x9d: {  	[timem:s6], [sflag:s22] =	dma.local [hbm:s4], s20  }
0x9e: {  	_ =	swait.ge [sflag:s22], s20  }
0x9f: {  	s3 =	ssub.s32 $0x0, s20;
	[sflag:s22] =	ssyncset.done $0x0  }
0xa0: {  	[sflag:s22] =	ssyncadd.s32 s3;
	_ =	sdelay $0x1  }
0xa1: {  	s23 =	simm.s32 $0x1B8B  }
0xa2: {  	_ =	swait.ge [sflag:s23], $0x1  }
0xa3: {  	[sflag:s23] =	ssyncset.done $0x0  }
0xa4: {  	s25 =	simm.s32 $0x1B8E;
	s24 =	sld [smem:$0x3FFE];
	[sflag:s23] =	ssyncadd.s32 $0xFFFFFFFF  }
0xa5: {  	s26 =	simm.s32 $execute0_lowered;
	[smem:$0x3FD2] =	sst s25  }
0xa6: {  	s4 =	sshll.u32 s26, $0x1;
	_ =	strace $0x80000049;
	[dreg:$0x1] =	wrdreg $0xFFFFFFFF  }
0xa7: {  	s28 =	simm.s32 $_size_execute0_lowered;
	s2 =	sadd.s32 s2, s4;
	[dreg:$0x0] =	wrdreg $0x0  }
0xa8: {  	s4 =	sshll.u32 s28, $0x1;
	[dreg:$0x2] =	wrdreg s2  }
0xa9: {  	[dreg:$0x3] =	wrdreg s4  }
0xaa: {  	[dreg:$0x4] =	wrdreg $0xC0  }
0xab: {  	_ =	task [dreg:s6], $0x5FFFF  }
0xac: {  	[dreg:$0x1] =	wrdreg $0xFFFFFFFF  }
0xad: {  	[dreg:$0x0] =	wrdreg $0x60  }
0xae: {  	[dreg:$0x2] =	wrdreg s24  }
0xaf: {  	[dreg:$0x3] =	wrdreg $0xA4000  }
0xb0: {  	[dreg:$0x4] =	wrdreg $0x9  }
0xb1: {  	_ =	task.clear_ibuf [dreg:s6], $0x5FFFF;
	_ =	strace $0x90000049  }
0xb2: {  	s29 =	simm.s32 $0x9;
	_ =	strace $0x8000004B  }
0xb3: {  	_ =	swait.ge [sflag:s29], $0x1  }
0xb4: {  	[sflag:s29] =	ssyncadd.s32 $0xFFFFFFFF  }
0xb5: {  	_ =	strace $0x9000004B  }
0xb6: {  	_ =	sfence  }
0xb7: {  	s30 =	sld [smem:$0x0];
	_ =	sdelay $0x2  }
0xb8: {  	s31 =	sshll.u32 s1, $0xD;
	s1 =	sshrl.u32 s1, $0x2  }
0xb9: {  	s3 =	sand.u32 $0x4000, s31;
	s1 =	sadd.s32 s1, s30  }
0xba: {  	s0 =	sor.u32 s3, s0;
	s1 =	sshll.u32 s1, $0x11  }
0xbb: {  	s0 =	sor.u32 s1, s0  }
0xbc: {  	s0 =	sadd.s32 $0x8F2B, s0  }
0xbd: {  	[sflag:s0] =	ssyncadd.remote.s32 $0x1  }
0xbe: {  	_ =	sfence.sel $0xFFFF  }
0xbf: {  	[dreg:$0x0] =	wrdreg $0xFFFFFFFF;
	(pc) =	sbr.abs _section_cstart, $3  }
0xc0: {  	[dreg:$0x1] =	wrdreg $0xFFFFFFFF  }
0xc1: {  	_ =	task.clear_ibuf [dreg:s6], $0x2FFFF;
	_ =	strace $0x9FFFFFFF  }
0xc2: {  	(tm) =	ssettm $0x7FFFFFFF  }
0xc3: {  	_ =	shalt  }
tec
execute0_lowered:
.L_overlay_start_1:
0x0: {  	(tag) =	ssettag $0x1  }
0x1: {  	s0 =	rddreg [dreg:$0x0]  }
0x2: {  	s1 =	rddreg [dreg:$0x1];
	s2 =	simm.s32 $0x0  }
0x3: {  	s4 =	srdreg.scid;
	s17 =	stileid.u32;
	s22 =	simm.s32 $0x1  }
0x4: {  	s23 =	simm.s32 $0x80;
	s25 =	simm.s32 $0x5C00;
	s26 =	simm.s32 $0x2  }
0x5: {  	s28 =	simm.s32 $0x3;
	s29 =	simm.s32 $0x0;
	[smem:$0x7FF] =	sst s2  }
0x6: {  	s3 =	sadd.s32 $0xE9AE00, s0;
	s7 =	sand.u32 $0x1, s4;
	s4 =	sadd.s32 $0x140800, s0  }
0x7: {  	s5 =	sadd.s32 $0x2800, s0;
	p0 =	sne.s32 s17, $0x0;
	_ =	strace $0x8000004A  }
0x8: {  	s6 =	sshll.u32 s7, $0x4;
	s8 =	smul.u32 $0x186A0, s7;
	s9 =	ssub.s32 $0x2, s7  }
0x9: {  	s7 =	sadd.s32 $0x64800, s0;
	s11 =	sor.u32 s17, s6;
	s6 =	sadd.s32 $0x1A2800, s0  }
0xa: {  	s31 =	sshrl.u32 s9, $0x1;
	s17 =	sshrl.u32 @!p0 s1, $0x3;
	s12 =	smul.u32 $0x3100, s11  }
0xb: {  	s0 =	sadd.s32 s8, s0;
	s16 =	ssub.s32 s9, s31;
	s11 =	smul.u32 $0x62, s11  }
0xc: {  	s15 =	sadd.s32 $0x7D000, s0;
	s16 =	smax.u32 s16, $0x1;
	s8 =	sadd.s32 s5, s12  }
0xd: {  	s9 =	sadd.s32 s6, s12;
	s10 =	sadd.s32 s4, s12;
	s14 =	sor.u32 $0x80, s12  }
0xe: {  	s12 =	sadd.s32 s5, s14;
	s13 =	sadd.s32 s6, s14;
	s14 =	sadd.s32 s4, s14  }
.LBB2_1:
0xf: {  	s0 =	simm.s32 @!p0 $0x1C04  }
0x10: {  	[spmem:s17], [sflag:s0] =	dma.local @!p0 [hbm:s7], $0x186A0  }
0x11: {  	s0 =	simm.s32 @!p0 $0x4  }
0x12: {  	_ =	swait.ge @!p0 [sflag:s0], $0x186A0  }
0x13: {  	[sflag:s0] =	ssyncset.done @!p0 $0x0  }
0x14: {  	[sflag:s0] =	ssyncadd.s32 @!p0 $0xFFFE7960  }
0x15: {  	[bflag:$0x0] =	sbarrier.arrive $0xFFFF  }
0x16: {  	[tilespmem:s2], [sflag:$0x1] =	stream.linear.gather [hbm4b:s8+s2], $0x400, $0x38;
	[tilespmem:$0x16750] =	vst v63  }
0x17: {  	s21 =	simm.s32 $0xC00  }
0x18: {  	[tilespmem:s21], [sflag:$0x1] =	stream.linear.gather [hbm4b:s9+s2], $0x400, $0x38;
	[tilespmem:$0x16750] =	vst v63  }
0x19: {  	s30 =	simm.s32 $0x1800  }
0x1a: {  	[tilespmem:s30], [sflag:$0x1] =	stream.linear.gather [hbm4b:s10+s2], $0x400, $0x38;
	[tilespmem:$0x16750] =	vst v63  }
0x1b: {  	s24 =	simm.s32 $0x400  }
0x1c: {  	[tilespmem:s24], [sflag:$0x1] =	stream.linear.gather [hbm4b:s12+s2], $0x400, $0x38;
	[tilespmem:$0x16750] =	vst v63  }
0x1d: {  	s18 =	simm.s32 $0x1000  }
0x1e: {  	[tilespmem:s18], [sflag:$0x1] =	stream.linear.gather [hbm4b:s13+s2], $0x400, $0x38;
	[tilespmem:$0x16750] =	vst v63  }
0x1f: {  	s19 =	simm.s32 $0x1C00  }
0x20: {  	[tilespmem:s19], [sflag:$0x1] =	stream.linear.gather [hbm4b:s14+s2], $0x400, $0x38;
	[tilespmem:$0x16750] =	vst v63  }
0x21: {  	_ =	swait.ge [sflag:s22], $0x400  }
0x22: {  	[sflag:s22] =	ssyncset.done $0x0  }
0x23: {  	[sflag:s22] =	ssyncadd.s32 $0xFFFFFC00  }
0x24: {  	_ =	swait.ge [sflag:s22], $0x400  }
0x25: {  	[sflag:s22] =	ssyncset.done $0x0  }
0x26: {  	[sflag:s22] =	ssyncadd.s32 $0xFFFFFC00  }
0x27: {  	_ =	swait.ge [sflag:s22], $0x400  }
0x28: {  	[sflag:s22] =	ssyncset.done $0x0  }
0x29: {  	s20 =	simm.s32 $0x2400;
	[sflag:s22] =	ssyncadd.s32 $0xFFFFFC00  }
0x2a: {  	[tilespmem:s20], [sflag:$0x2] =	stream.indirect.gather [hbm4b:s3+s23], $0x10, s2, s23, $0xb8;
	[tilespmem:$0x16750] =	vst v63  }
0x2b: {  	s21 =	simm.s32 $0x2C00  }
0x2c: {  	[tilespmem:s21], [sflag:$0x2] =	stream.indirect.gather [hbm4b:s3+s23], $0x10, s23, s23, $0xb8;
	[tilespmem:$0x16750] =	vst v63  }
0x2d: {  	s24 =	simm.s32 $0x100;
	s18 =	simm.s32 $0x3400  }
0x2e: {  	[tilespmem:s18], [sflag:$0x2] =	stream.indirect.gather [hbm4b:s3+s23], $0x10, s24, s23, $0xb8;
	[tilespmem:$0x16750] =	vst v63  }
0x2f: {  	s19 =	simm.s32 $0x180;
	s20 =	simm.s32 $0x3C00  }
0x30: {  	[tilespmem:s20], [sflag:$0x2] =	stream.indirect.gather [hbm4b:s3+s23], $0x10, s19, s23, $0xb8;
	[tilespmem:$0x16750] =	vst v63  }
0x31: {  	s21 =	simm.s32 $0x200;
	s24 =	simm.s32 $0x4400  }
0x32: {  	[tilespmem:s24], [sflag:$0x2] =	stream.indirect.gather [hbm4b:s3+s23], $0x10, s21, s23, $0xb8;
	[tilespmem:$0x16750] =	vst v63  }
0x33: {  	s18 =	simm.s32 $0x280;
	s19 =	simm.s32 $0x4C00  }
0x34: {  	[tilespmem:s19], [sflag:$0x2] =	stream.indirect.gather [hbm4b:s3+s23], $0x10, s18, s23, $0xb8;
	[tilespmem:$0x16750] =	vst v63  }
0x35: {  	s20 =	simm.s32 $0x300;
	s21 =	simm.s32 $0x5400  }
0x36: {  	[tilespmem:s21], [sflag:$0x2] =	stream.indirect.gather [hbm4b:s3+s23], $0x10, s20, s23, $0xb8;
	[tilespmem:$0x16750] =	vst v63  }
0x37: {  	p1 =	por $0x0, $0x0;
	s31 =	simm.s32 $0x0;
	s24 =	simm.s32 $0x380  }
0x38: {  	[tilespmem:s25], [sflag:$0x2] =	stream.indirect.gather [hbm4b:s3+s23], $0x10, s24, s23, $0xb8;
	[tilespmem:$0x16750] =	vst v63  }
.LBB2_2:
0x39: {  	_ =	swait.ge [sflag:s26], $0x800  }
0x3a: {  	[sflag:s26] =	ssyncset.done $0x0  }
0x3b: {  	[sflag:s26] =	ssyncadd.s32 $0xFFFFF800  }
0x3c: {  	_ =	swait.ge [sflag:s26], $0x800  }
0x3d: {  	[sflag:s26] =	ssyncset.done $0x0  }
0x3e: {  	[sflag:s26] =	ssyncadd.s32 $0xFFFFF800  }
0x3f: {  	_ =	swait.ge [sflag:s26], $0x800  }
0x40: {  	[sflag:s26] =	ssyncset.done $0x0  }
0x41: {  	[sflag:s26] =	ssyncadd.s32 $0xFFFFF800  }
0x42: {  	_ =	swait.ge [sflag:s26], $0x800  }
0x43: {  	[sflag:s26] =	ssyncset.done $0x0  }
0x44: {  	[sflag:s26] =	ssyncadd.s32 $0xFFFFF800  }
0x45: {  	s0 =	smulhi.u32 $0xAAAAAAAB, s31;
	_ =	swait.ge [sflag:s26], $0x800  }
0x46: {  	[sflag:s26] =	ssyncset.done $0x0  }
0x47: {  	s0 =	sshrl.u32 s0, $0x1;
	[sflag:s26] =	ssyncadd.s32 $0xFFFFF800  }
0x48: {  	s0 =	smul.u32 $0xFFFFD000, s0;
	_ =	swait.ge [sflag:s26], $0x800  }
0x49: {  	[sflag:s26] =	ssyncset.done $0x0  }
0x4a: {  	s0 =	sshra.s32 s0, $0x2;
	[sflag:s26] =	ssyncadd.s32 $0xFFFFF800  }
0x4b: {  	s0 =	sadd.s32 s0, s30;
	_ =	swait.ge [sflag:s26], $0x800  }
0x4c: {  	v0 =	vmov s0;
	[sflag:s26] =	ssyncset.done $0x0  }
0x4d: {  	[sflag:s26] =	ssyncadd.s32 $0xFFFFF800  }
0x4e: {  	_ =	swait.ge [sflag:s26], $0x800  }
0x4f: {  	s0 =	simm.s32 $0x1;
	[sflag:s26] =	ssyncset.done $0x0  }
0x50: {  	s18 =	simm.s32 $0x0;
	s0 =	simm.s32 @!p1 $0x0;
	[sflag:s26] =	ssyncadd.s32 $0xFFFFF800  }
0x51: {  	s0 =	sshll.u32 s0, $0xE;
	v1 =	vld.idx.msk [tilespmem:v0+s18+$0x0 ss:$0x1], $0xffff  }
0x52: {  	s20 =	sor.u32 $0x2480, s0  }
0x53: {  	v2 =	vld [tilespmem:s20+$0xFFFFFF80]  }
0x54: {  	v3 =	vld [tilespmem:s20+$0xFFFFFF90]  }
0x55: {  	v4 =	vld [tilespmem:s20+$0xFFFFFFA0]  }
0x56: {  	v5 =	vld [tilespmem:s20+$0xFFFFFFB0];
	v6 =	vbroadcast v1, $0x0  }
0x57: {  	v9 =	vld [tilespmem:s20+$0xFFFFFFD0];
	v7 =	vbroadcast v1, $0x1  }
0x58: {  	v8 =	vld [tilespmem:s20+$0xFFFFFFC0];
	v10 =	vbroadcast v1, $0x2;
	v2 =	vmul.f32 v6, v2  }
0x59: {  	v49 =	vld [tilespmem:s20+$0xFFFFFFE0];
	v48 =	vbroadcast v1, $0x3;
	v3 =	vmul.f32 v3, v7  }
0x5a: {  	v51 =	vld [tilespmem:s20+$0x10];
	v50 =	vbroadcast v1, $0x5;
	v4 =	vmul.f32 v4, v10;
	[tilespmem:s20+$0xFFFFFF80] =	vst v2  }
0x5b: {  	v11 =	vld [tilespmem:s20+$0xFFFFFFF0];
	v5 =	vmul.f32 v5, v48;
	v2 =	vbroadcast v1, $0x4;
	[tilespmem:s20+$0xFFFFFF90] =	vst v3  }
0x5c: {  	v12 =	vbroadcast v1, $0x6;
	v6 =	vmul.f32 v9, v50;
	v3 =	vld [tilespmem:s20+$0x0];
	[tilespmem:s20+$0xFFFFFFA0] =	vst v4  }
0x5d: {  	v57 =	vld [tilespmem:s20+$0x50];
	v55 =	vbroadcast v1, $0x9;
	[tilespmem:s20+$0xFFFFFFB0] =	vst v5;
	v2 =	vmul.f32 v8, v2  }
0x5e: {  	v53 =	vld [tilespmem:s20+$0x20];
	v52 =	vbroadcast v1, $0x7;
	v7 =	vmul.f32 v49, v12;
	[tilespmem:s20+$0xFFFFFFD0] =	vst v6  }
0x5f: {  	v54 =	vld [tilespmem:s20+$0x30];
	v59 =	vmul.f32 v51, v55;
	[tilespmem:s20+$0xFFFFFFC0] =	vst v2;
	v2 =	vbroadcast v1, $0x8  }
0x60: {  	v56 =	vld [tilespmem:s20+$0x40];
	v62 =	vbroadcast v1, $0xD;
	v4 =	vmul.f32 v11, v52;
	[tilespmem:s20+$0xFFFFFFE0] =	vst v7  }
0x61: {  	s21 =	smul.u32 $0xAB, s31;
	v60 =	vld [tilespmem:s20+$0x60];
	v58 =	vbroadcast v1, $0xA;
	[tilespmem:s20+$0x10] =	vst v59;
	v2 =	vmul.f32 v3, v2  }
0x62: {  	v61 =	vld [tilespmem:s20+$0x70];
	v5 =	vmul.f32 v57, v62;
	[tilespmem:s20+$0xFFFFFFF0] =	vst v4;
	v3 =	vbroadcast v1, $0xB  }
0x63: {  	s0 =	sshrl.u32 s21, $0x9;
	v8 =	vmul.f32 v53, v58;
	[tilespmem:s20+$0x0] =	vst v2;
	v2 =	vbroadcast v1, $0xC  }
0x64: {  	s0 =	sand.u32 $0x7F, s0;
	v63 =	vbroadcast v1, $0xE;
	[tilespmem:s20+$0x50] =	vst v5;
	v3 =	vmul.f32 v54, v3  }
0x65: {  	s0 =	smul.u32 $0x3, s0;
	[tilespmem:s20+$0x20] =	vst v8;
	v1 =	vbroadcast v1, $0xF;
	v2 =	vmul.f32 v56, v2  }
0x66: {  	[tilespmem:s20+$0x30] =	vst v3;
	v3 =	vmul.f32 v60, v63  }
0x67: {  	s24 =	sshll.u32 s31, $0xE;
	s19 =	ssub.s32 s31, s0;
	v1 =	vmul.f32 v61, v1;
	[tilespmem:s20+$0x40] =	vst v2  }
0x68: {  	s21 =	simm.s32 $0x80;
	s0 =	sand.u32 $0x4000, s24;
	s19 =	sand.u32 $0xFF, s19;
	[tilespmem:s20+$0x60] =	vst v3  }
0x69: {  	s24 =	simm.s32 $0x10;
	s19 =	sshll.u32 s19, $0xC;
	s18 =	sor.u32 $0x2400, s0;
	[tilespmem:s20+$0x70] =	vst v1  }
.LBB2_3:
0x6a: {  	p2 =	sne.s32 s21, $0xFC0;
	v1 =	vld.idx.msk [tilespmem:v0+s24+$0x0 ss:$0x1], $0xffff;
	s20 =	sadd.s32 $0x100, s20  }
0x6b: {  	v2 =	vld [tilespmem:s20+$0xFFFFFFB0]  }
0x6c: {  	v3 =	vld [tilespmem:s20+$0xFFFFFF90]  }
0x6d: {  	v4 =	vld [tilespmem:s20+$0xFFFFFF80]  }
0x6e: {  	v5 =	vld [tilespmem:s20+$0xFFFFFFA0]  }
0x6f: {  	v6 =	vld [tilespmem:s20+$0xFFFFFFF0]  }
0x70: {  	v7 =	vbroadcast v1, $0x0;
	v8 =	vbroadcast v1, $0x1;
	v9 =	vld [tilespmem:s20+$0xFFFFFFD0]  }
0x71: {  	v10 =	vbroadcast v1, $0x2;
	v11 =	vbroadcast v1, $0x3;
	v12 =	vld [tilespmem:s20+$0xFFFFFFC0]  }
0x72: {  	v3 =	vmul.f32 v3, v8;
	v4 =	vmul.f32 v7, v4;
	v7 =	vld [tilespmem:s20+$0xFFFFFFE0]  }
0x73: {  	v2 =	vmul.f32 v2, v11;
	v5 =	vmul.f32 v5, v10;
	v8 =	vld [tilespmem:s20+$0x30]  }
0x74: {  	v10 =	vbroadcast v1, $0x5;
	[tilespmem:s20+$0xFFFFFF80] =	vst v4;
	v4 =	vbroadcast v1, $0x4;
	v11 =	vld [tilespmem:s20+$0x10]  }
0x75: {  	v13 =	vbroadcast v1, $0x7;
	[tilespmem:s20+$0xFFFFFF90] =	vst v3;
	v3 =	vbroadcast v1, $0x6;
	v14 =	vld [tilespmem:s20+$0x0]  }
0x76: {  	[tilespmem:s20+$0xFFFFFFA0] =	vst v5;
	v4 =	vmul.f32 v12, v4;
	v5 =	vmul.f32 v9, v10;
	v9 =	vld [tilespmem:s20+$0x20]  }
0x77: {  	[tilespmem:s20+$0xFFFFFFB0] =	vst v2;
	v2 =	vmul.f32 v7, v3;
	v3 =	vmul.f32 v6, v13;
	v6 =	vld [tilespmem:s20+$0x70]  }
0x78: {  	v7 =	vbroadcast v1, $0x9;
	[tilespmem:s20+$0xFFFFFFC0] =	vst v4;
	v4 =	vbroadcast v1, $0x8;
	v10 =	vld [tilespmem:s20+$0x50]  }
0x79: {  	v12 =	vbroadcast v1, $0xB;
	[tilespmem:s20+$0xFFFFFFD0] =	vst v5;
	v5 =	vbroadcast v1, $0xA;
	v13 =	vld [tilespmem:s20+$0x40]  }
0x7a: {  	[tilespmem:s20+$0xFFFFFFE0] =	vst v2;
	v2 =	vmul.f32 v14, v4;
	v4 =	vmul.f32 v11, v7;
	v7 =	vld [tilespmem:s20+$0x60]  }
0x7b: {  	[tilespmem:s20+$0xFFFFFFF0] =	vst v3;
	v3 =	vmul.f32 v9, v5;
	v5 =	vmul.f32 v8, v12  }
0x7c: {  	v8 =	vbroadcast v1, $0xD;
	[tilespmem:s20+$0x0] =	vst v2;
	v2 =	vbroadcast v1, $0xC  }
0x7d: {  	[tilespmem:s20+$0x10] =	vst v4;
	v4 =	vbroadcast v1, $0xE;
	v1 =	vbroadcast v1, $0xF  }
0x7e: {  	[tilespmem:s20+$0x20] =	vst v3;
	v2 =	vmul.f32 v13, v2;
	v3 =	vmul.f32 v10, v8  }
.Ltmp0:
0x7f: {  	[tilespmem:s20+$0x30] =	vst v5;
	v4 =	vmul.f32 v7, v4;
	v1 =	vmul.f32 v6, v1;
	(pc) =	sbr.rel @p2 .LBB2_3-.Ltmp0, $4  }
0x80: {  	[tilespmem:s20+$0x40] =	vst v2  }
0x81: {  	[tilespmem:s20+$0x50] =	vst v3  }
0x82: {  	[tilespmem:s20+$0x60] =	vst v4  }
0x83: {  	s24 =	sshra.s32 s21, $0x2;
	s21 =	sadd.s32 $0x40, s21;
	[tilespmem:s20+$0x70] =	vst v1  }
0x84: {  	_ =	sdelay $0x3  }
0x85: {  	v0 =	vld.idx.msk [tilespmem:v0+s24+$0x0 ss:$0x1], $0xffff;
	_ =	sdelay $0x3  }
0x86: {  	s20 =	sadd.s32 $0x100, s20  }
0x87: {  	v1 =	vld [tilespmem:s20+$0xFFFFFF80];
	v5 =	vbroadcast v0, $0x0  }
0x88: {  	v2 =	vld [tilespmem:s20+$0xFFFFFF90];
	v6 =	vbroadcast v0, $0x1;
	v9 =	vbroadcast v0, $0x2  }
0x89: {  	v3 =	vld [tilespmem:s20+$0xFFFFFFA0];
	v42 =	vbroadcast v0, $0x3;
	v44 =	vbroadcast v0, $0x4  }
0x8a: {  	v4 =	vld [tilespmem:s20+$0xFFFFFFB0];
	v45 =	vbroadcast v0, $0x5;
	v11 =	vbroadcast v0, $0x6  }
0x8b: {  	v8 =	vld [tilespmem:s20+$0xFFFFFFD0];
	v48 =	vbroadcast v0, $0x7;
	v51 =	vbroadcast v0, $0x8  }
0x8c: {  	v43 =	vld [tilespmem:s20+$0xFFFFFFE0];
	v52 =	vbroadcast v0, $0x9;
	v1 =	vmul.f32 v5, v1  }
0x8d: {  	v47 =	vld [tilespmem:s20+$0x10];
	v55 =	vbroadcast v0, $0xA;
	v2 =	vmul.f32 v2, v6  }
0x8e: {  	v58 =	vld [tilespmem:s20+$0x60];
	v56 =	vbroadcast v0, $0xB;
	v3 =	vmul.f32 v3, v9;
	[tilespmem:s20+$0xFFFFFF80] =	vst v1  }
0x8f: {  	v59 =	vld [tilespmem:s20+$0x70];
	v60 =	vbroadcast v0, $0xC;
	v4 =	vmul.f32 v4, v42;
	[tilespmem:s20+$0xFFFFFF90] =	vst v2  }
0x90: {  	v7 =	vld [tilespmem:s20+$0xFFFFFFC0];
	v61 =	vbroadcast v0, $0xD;
	v5 =	vmul.f32 v8, v45;
	[tilespmem:s20+$0xFFFFFFA0] =	vst v3  }
0x91: {  	v10 =	vld [tilespmem:s20+$0xFFFFFFF0];
	v62 =	vbroadcast v0, $0xE;
	v6 =	vmul.f32 v43, v11;
	[tilespmem:s20+$0xFFFFFFB0] =	vst v4  }
0x92: {  	v49 =	vld [tilespmem:s20+$0x20];
	v0 =	vbroadcast v0, $0xF;
	v57 =	vmul.f32 v47, v52;
	[tilespmem:s20+$0xFFFFFFD0] =	vst v5  }
0x93: {  	v50 =	vld [tilespmem:s20+$0x30];
	v63 =	vmul.f32 v58, v62;
	[tilespmem:s20+$0xFFFFFFE0] =	vst v6  }
0x94: {  	v46 =	vld [tilespmem:s20+$0x0];
	v0 =	vmul.f32 v59, v0;
	[tilespmem:s20+$0x10] =	vst v57  }
0x95: {  	v54 =	vld [tilespmem:s20+$0x50];
	v1 =	vmul.f32 v7, v44;
	[tilespmem:s20+$0x60] =	vst v63  }
0x96: {  	v53 =	vld [tilespmem:s20+$0x40];
	v3 =	vmul.f32 v10, v48;
	[tilespmem:s20+$0x70] =	vst v0  }
0x97: {  	v7 =	vmul.f32 v49, v55;
	[tilespmem:s20+$0xFFFFFFC0] =	vst v1  }
0x98: {  	v2 =	vmul.f32 v50, v56;
	[tilespmem:s20+$0xFFFFFFF0] =	vst v3  }
0x99: {  	v1 =	vmul.f32 v46, v51;
	[tilespmem:s20+$0x20] =	vst v7  }
0x9a: {  	v4 =	vmul.f32 v54, v61;
	[tilespmem:s20+$0x30] =	vst v2  }
0x9b: {  	[tilespmem:s20+$0x0] =	vst v1;
	v1 =	vmul.f32 v53, v60  }
0x9c: {  	p2 =	seq.s32 s31, $0x0;
	[tilespmem:s20+$0x50] =	vst v4  }
0x9d: {  	[tilespmem:s20+$0x40] =	vst v1;
	s20 =	simm.s32 @!p2 $0x3  }
0x9e: {  	_ =	swait.ge @!p2 [sflag:s20], $0x800  }
0x9f: {  	[sflag:s20] =	ssyncset.done @!p2 $0x0  }
0xa0: {  	[sflag:s20] =	ssyncadd.s32 @!p2 $0xFFFFF800  }
0xa1: {  	_ =	swait.ge @!p2 [sflag:s20], $0x800  }
0xa2: {  	[sflag:s20] =	ssyncset.done @!p2 $0x0  }
0xa3: {  	[sflag:s20] =	ssyncadd.s32 @!p2 $0xFFFFF800  }
0xa4: {  	_ =	swait.ge @!p2 [sflag:s20], $0x800  }
0xa5: {  	[sflag:s20] =	ssyncset.done @!p2 $0x0  }
0xa6: {  	[sflag:s20] =	ssyncadd.s32 @!p2 $0xFFFFF800  }
0xa7: {  	_ =	swait.ge @!p2 [sflag:s20], $0x800  }
0xa8: {  	[sflag:s20] =	ssyncset.done @!p2 $0x0  }
0xa9: {  	[sflag:s20] =	ssyncadd.s32 @!p2 $0xFFFFF800  }
0xaa: {  	_ =	swait.ge @!p2 [sflag:s20], $0x800  }
0xab: {  	[sflag:s20] =	ssyncset.done @!p2 $0x0  }
0xac: {  	[sflag:s20] =	ssyncadd.s32 @!p2 $0xFFFFF800  }
0xad: {  	_ =	swait.ge @!p2 [sflag:s20], $0x800  }
0xae: {  	[sflag:s20] =	ssyncset.done @!p2 $0x0  }
0xaf: {  	[sflag:s20] =	ssyncadd.s32 @!p2 $0xFFFFF800  }
0xb0: {  	_ =	swait.ge @!p2 [sflag:s20], $0x800  }
0xb1: {  	[sflag:s20] =	ssyncset.done @!p2 $0x0  }
0xb2: {  	[sflag:s20] =	ssyncadd.s32 @!p2 $0xFFFFF800  }
0xb3: {  	_ =	swait.ge @!p2 [sflag:s20], $0x800  }
0xb4: {  	s19 =	sshrl.u32 s19, $0x2;
	[sflag:s20] =	ssyncset.done @!p2 $0x0  }
0xb5: {  	s24 =	sadd.s32 $0xC00, s19;
	[sflag:s20] =	ssyncadd.s32 @!p2 $0xFFFFF800  }
0xb6: {  	[spmem:s1] =	stream.indirect.scatter.add.f32 [tilespmem:s18], [sflag:$0x3], $0x10, s24, s23, $0xb8;
	[tilespmem:$0x16750] =	vst v63  }
0xb7: {  	s21 =	sadd.s32 $0x2C00, s0;
	s24 =	sadd.s32 $0xC80, s19  }
0xb8: {  	[spmem:s1] =	stream.indirect.scatter.add.f32 [tilespmem:s21], [sflag:$0x3], $0x10, s24, s23, $0xb8;
	[tilespmem:$0x16750] =	vst v63  }
0xb9: {  	s21 =	sadd.s32 $0x3400, s0;
	s24 =	sadd.s32 $0xD00, s19  }
0xba: {  	[spmem:s1] =	stream.indirect.scatter.add.f32 [tilespmem:s21], [sflag:$0x3], $0x10, s24, s23, $0xb8;
	[tilespmem:$0x16750] =	vst v63  }
0xbb: {  	s21 =	sadd.s32 $0x3C00, s0;
	s24 =	sadd.s32 $0xD80, s19  }
0xbc: {  	[spmem:s1] =	stream.indirect.scatter.add.f32 [tilespmem:s21], [sflag:$0x3], $0x10, s24, s23, $0xb8;
	[tilespmem:$0x16750] =	vst v63  }
0xbd: {  	s21 =	sadd.s32 $0x4400, s0;
	s24 =	sadd.s32 $0xE00, s19  }
0xbe: {  	[spmem:s1] =	stream.indirect.scatter.add.f32 [tilespmem:s21], [sflag:$0x3], $0x10, s24, s23, $0xb8;
	[tilespmem:$0x16750] =	vst v63  }
0xbf: {  	s21 =	sadd.s32 $0x4C00, s0;
	s24 =	sadd.s32 $0xE80, s19  }
0xc0: {  	[spmem:s1] =	stream.indirect.scatter.add.f32 [tilespmem:s21], [sflag:$0x3], $0x10, s24, s23, $0xb8;
	[tilespmem:$0x16750] =	vst v63  }
0xc1: {  	s21 =	sadd.s32 $0x5400, s0;
	s24 =	sadd.s32 $0xF00, s19  }
0xc2: {  	[spmem:s1] =	stream.indirect.scatter.add.f32 [tilespmem:s21], [sflag:$0x3], $0x10, s24, s23, $0xb8;
	[tilespmem:$0x16750] =	vst v63  }
0xc3: {  	p2 =	seq.s32 s31, $0x61;
	s19 =	sadd.s32 $0xF80, s19;
	s21 =	sadd.s32 $0x5C00, s0  }
0xc4: {  	[spmem:s1] =	stream.indirect.scatter.add.f32 [tilespmem:s21], [sflag:$0x3], $0x10, s19, s23, $0xb8;
	[tilespmem:$0x16750] =	vst v63  }
0xc5: {  	s19 =	simm.s32 @!p2 $0x1  }
0xc6: {  	s18 =	sadd.s32 $0x1, s31;
	_ =	swait.ge @!p2 [sflag:s19], $0x400  }
0xc7: {  	s24 =	smul.u32 $0xAB, s18;
	[sflag:s19] =	ssyncset.done @!p2 $0x0  }
0xc8: {  	[sflag:s19] =	ssyncadd.s32 @!p2 $0xFFFFFC00  }
0xc9: {  	s20 =	sshrl.u32 s24, $0x9;
	_ =	swait.ge @!p2 [sflag:s19], $0x400  }
0xca: {  	s20 =	sand.u32 $0x7F, s20;
	[sflag:s19] =	ssyncset.done @!p2 $0x0  }
0xcb: {  	s20 =	smul.u32 $0x3, s20;
	[sflag:s19] =	ssyncadd.s32 @!p2 $0xFFFFFC00  }
0xcc: {  	_ =	swait.ge @!p2 [sflag:s19], $0x400  }
0xcd: {  	s20 =	ssub.s32 s18, s20;
	[sflag:s19] =	ssyncset.done @!p2 $0x0  }
0xce: {  	s20 =	sand.u32 $0xFF, s20;
	[sflag:s19] =	ssyncadd.s32 @!p2 $0xFFFFFC00;
	s19 =	sxor.u32 @!p2 $0x4000, s0  }
0xcf: {  	s21 =	simm.s32 @!p2 $0x80;
	s20 =	sshll.u32 @!p2 s20, $0xA;
	s19 =	sadd.s32 @!p2 $0x2400, s19  }
0xd0: {  	[tilespmem:s19], [sflag:$0x2] =	stream.indirect.gather @!p2 [hbm4b:s3+s21], $0x10, s20, s21, $0xb8;
	[tilespmem:$0x16750] =	vst v63  }
0xd1: {  	s24 =	sor.u32 @!p2 $0x80, s20;
	s19 =	ssub.s32 @!p2 $0x6C00, s0  }
0xd2: {  	[tilespmem:s19], [sflag:$0x2] =	stream.indirect.gather @!p2 [hbm4b:s3+s21], $0x10, s24, s21, $0xb8;
	[tilespmem:$0x16750] =	vst v63  }
0xd3: {  	s19 =	ssub.s32 @!p2 $0x7400, s0;
	s24 =	sor.u32 @!p2 $0x100, s20  }
0xd4: {  	[tilespmem:s19], [sflag:$0x2] =	stream.indirect.gather @!p2 [hbm4b:s3+s21], $0x10, s24, s21, $0xb8;
	[tilespmem:$0x16750] =	vst v63  }
0xd5: {  	s19 =	ssub.s32 @!p2 $0x7C00, s0;
	s24 =	sor.u32 @!p2 $0x180, s20  }
0xd6: {  	[tilespmem:s19], [sflag:$0x2] =	stream.indirect.gather @!p2 [hbm4b:s3+s21], $0x10, s24, s21, $0xb8;
	[tilespmem:$0x16750] =	vst v63  }
0xd7: {  	s19 =	ssub.s32 @!p2 $0x8400, s0;
	s24 =	sor.u32 @!p2 $0x200, s20  }
0xd8: {  	[tilespmem:s19], [sflag:$0x2] =	stream.indirect.gather @!p2 [hbm4b:s3+s21], $0x10, s24, s21, $0xb8;
	[tilespmem:$0x16750] =	vst v63  }
0xd9: {  	p3 =	sgt.u32 @!p2 s31, $0x5F;
	s19 =	ssub.s32 @!p2 $0x8C00, s0;
	s24 =	sor.u32 @!p2 $0x280, s20  }
0xda: {  	[tilespmem:s19], [sflag:$0x2] =	stream.indirect.gather @!p2 [hbm4b:s3+s21], $0x10, s24, s21, $0xb8;
	[tilespmem:$0x16750] =	vst v63  }
0xdb: {  	p3 =	por p3, p2;
	s19 =	ssub.s32 @!p2 $0x9400, s0;
	s24 =	sor.u32 @!p2 $0x300, s20  }
0xdc: {  	[tilespmem:s19], [sflag:$0x2] =	stream.indirect.gather @!p2 [hbm4b:s3+s21], $0x10, s24, s21, $0xb8;
	[tilespmem:$0x16750] =	vst v63  }
0xdd: {  	s19 =	sadd.s32 @!p3 $0x2, s31  }
0xde: {  	s0 =	ssub.s32 @!p2 $0x9C00, s0;
	s20 =	sor.u32 @!p2 $0x380, s20;
	s24 =	smul.u32 @!p3 $0xAB, s19  }
0xdf: {  	[tilespmem:s0], [sflag:$0x2] =	stream.indirect.gather @!p2 [hbm4b:s3+s21], $0x10, s20, s21, $0xb8;
	[tilespmem:$0x16750] =	vst v63  }
0xe0: {  	s0 =	sshrl.u32 @!p3 s24, $0x9  }
0xe1: {  	s0 =	sand.u32 @!p3 $0x7F, s0  }
0xe2: {  	s0 =	smul.u32 @!p3 $0x3, s0  }
0xe3: {  	s20 =	sadd.s32 @!p3 s11, s19  }
0xe4: {  	s0 =	ssub.s32 @!p3 s19, s0;
	s19 =	sshll.u32 @!p3 s20, $0x7  }
0xe5: {  	s0 =	sand.u32 @!p3 $0xFF, s0;
	s19 =	sand.u32 @!p3 $0x1FFFFF80, s19  }
0xe6: {  	s21 =	simm.s32 @!p3 $0x0;
	s0 =	sshll.u32 @!p3 s0, $0xA;
	s20 =	sadd.s32 @!p3 s5, s19  }
0xe7: {  	[tilespmem:s0], [sflag:$0x1] =	stream.linear.gather @!p3 [hbm4b:s20+s21], $0x400, $0x38;
	[tilespmem:$0x16750] =	vst v63  }
0xe8: {  	s24 =	sadd.s32 @!p3 s6, s19;
	s20 =	sadd.s32 @!p3 $0xC00, s0  }
0xe9: {  	[tilespmem:s20], [sflag:$0x1] =	stream.linear.gather @!p3 [hbm4b:s24+s21], $0x400, $0x38;
	[tilespmem:$0x16750] =	vst v63  }
0xea: {  	s19 =	sadd.s32 @!p3 s4, s19;
	s0 =	sadd.s32 @!p3 $0x1800, s0  }
0xeb: {  	[tilespmem:s0], [sflag:$0x1] =	stream.linear.gather @!p3 [hbm4b:s19+s21], $0x400, $0x38;
	[tilespmem:$0x16750] =	vst v63  }
0xec: {  	p3 =	sne.s32 @!p2 s18, $0x62  }
0xed: {  	p3 =	por p2, !p3  }
.Ltmp1:
0xee: {  	_ = 	snop;
	(pc) =	sbr.rel @!p3 .LBB2_2-.Ltmp1, $2  }
0xef: {  	_ =	sdelay $0x2  }
0xf0: {  	s30 =	sadd.s32 @!p2 $0x400, s30;
	p1 =	por @!p2 !p1, !p1;
	s31 =	smov.u32 s18  }
0xf1: {  	_ =	swait.ge [sflag:s28], $0x800  }
0xf2: {  	[sflag:s28] =	ssyncset.done $0x0  }
0xf3: {  	[sflag:s28] =	ssyncadd.s32 $0xFFFFF800  }
0xf4: {  	_ =	swait.ge [sflag:s28], $0x800  }
0xf5: {  	[sflag:s28] =	ssyncset.done $0x0  }
0xf6: {  	[sflag:s28] =	ssyncadd.s32 $0xFFFFF800  }
0xf7: {  	_ =	swait.ge [sflag:s28], $0x800  }
0xf8: {  	[sflag:s28] =	ssyncset.done $0x0  }
0xf9: {  	[sflag:s28] =	ssyncadd.s32 $0xFFFFF800  }
0xfa: {  	_ =	swait.ge [sflag:s28], $0x800  }
0xfb: {  	[sflag:s28] =	ssyncset.done $0x0  }
0xfc: {  	[sflag:s28] =	ssyncadd.s32 $0xFFFFF800  }
0xfd: {  	_ =	swait.ge [sflag:s28], $0x800  }
0xfe: {  	[sflag:s28] =	ssyncset.done $0x0  }
0xff: {  	[sflag:s28] =	ssyncadd.s32 $0xFFFFF800  }
0x100: {  	_ =	swait.ge [sflag:s28], $0x800  }
0x101: {  	[sflag:s28] =	ssyncset.done $0x0  }
0x102: {  	[sflag:s28] =	ssyncadd.s32 $0xFFFFF800  }
0x103: {  	_ =	swait.ge [sflag:s28], $0x800  }
0x104: {  	[sflag:s28] =	ssyncset.done $0x0  }
0x105: {  	[sflag:s28] =	ssyncadd.s32 $0xFFFFF800  }
0x106: {  	_ =	swait.ge [sflag:s28], $0x800  }
0x107: {  	[sflag:s28] =	ssyncset.done $0x0  }
0x108: {  	s29 =	sadd.s32 $0x1, s29;
	[sflag:s28] =	ssyncadd.s32 $0xFFFFF800  }
0x109: {  	s0 =	simm.s32 @!p0 $0x1C04;
	p1 =	sne.s32 s29, s16;
	[bflag:$0x0] =	sbarrier.arrive $0xFFFF  }
0x10a: {  	[hbm:s15], [sflag:s0] =	dma.local @!p0 [spmem:s17], $0x186A0  }
.Ltmp2:
0x10b: {  	_ = 	snop;
	(pc) =	sbr.rel @p1 .LBB2_1-.Ltmp2, $4  }
0x10c: {  	s0 =	simm.s32 @!p0 $0x4  }
0x10d: {  	_ =	swait.ge @!p0 [sflag:s0], $0x186A0  }
0x10e: {  	[sflag:s0] =	ssyncset.done @!p0 $0x0  }
0x10f: {  	[sflag:s0] =	ssyncadd.s32 @!p0 $0xFFFE7960  }
0x110: {  	_ =	sfence.sel $0x180000  }
0x111: {  	[bflag:$0x0] =	sbarrier.arrive $0xFFFF  }
0x112: {  	_ =	strace $0x9000004A  }
0x113: {  	[bflag:$0x2] =	sbarrier.arrive $0xFFFF  }
0x114: {  	s0 =	rddreg [dreg:$0x2]  }
0x115: {  	s0 =	sadd.s32 @!p0 $0x100000, s0  }
0x116: {  	[sflag:s0] =	ssyncadd.tile.s32 @!p0 $0x1;
	_ =	shalt  }
.Lfunc_end2:
_tile_overlayer_lowered:
.L_overlay_start_2:
0x117: {  	(tag) =	ssettag $0x2  }
0x118: {  	s0 =	rddreg [dreg:$0x0];
	s2 =	stileid.u32  }
0x119: {  	s1 =	rddreg [dreg:$0x1];
	p0 =	sne.s32 s2, $0x0  }
0x11a: {  	s3 =	rddreg [dreg:$0x2];
	[bflag:$0x3] =	sbarrier.arrive $0xFFFF;
	s2 =	simm.s32 @!p0 $0x1C04  }
0x11b: {  	[timem:s3], [sflag:s2] =	dma.local @!p0 [hbm:s0], s1  }
0x11c: {  	s0 =	simm.s32 @!p0 $0x4  }
0x11d: {  	_ =	swait.ge @!p0 [sflag:s0], s1  }
0x11e: {  	s1 =	ssub.s32 @!p0 $0x0, s1;
	[sflag:s0] =	ssyncset.done @!p0 $0x0  }
0x11f: {  	[sflag:s0] =	ssyncadd.s32 @!p0 s1  }
0x120: {  	[bflag:$0x3] =	sbarrier.arrive $0xFFFF  }
0x121: {  	_ =	shalt  }

// kernel: kernel.13.cloned.1.call-start
scs
__scs_entry_jumppad:
0x0: {  	(pc) =	sbr.rel $0x88, $3  }
0x1: {  	(tag) =	ssettag $0x0;
	lr =	simm.s32 $0x1  }
0x2: {  	[smem:$0x3F9A] =	sst lr;
	_ =	strace $0xD0000000  }
0x3: {  	_ = 	snop  }
0x4: {  	_ = 	snop  }
0x5: {  	_ = 	snop  }
0x6: {  	_ = 	snop  }
0x7: {  	_ = 	snop  }
__scs_overlays_trampoline_lowered:
0x8: {  	[smem:$0x3FA9] =	sst s0  }
0x9: {  	[smem:$0x3FAA] =	sst s1  }
0xa: {  	[smem:$0x3FAB] =	sst s2  }
0xb: {  	[smem:$0x3FAC] =	sst s3  }
0xc: {  	[smem:$0x3FAD] =	sst s4  }
0xd: {  	[smem:$0x3FAE] =	sst s5  }
0xe: {  	[smem:$0x3FAF] =	sst s6  }
0xf: {  	[smem:$0x3FB0] =	sst s7  }
0x10: {  	[smem:$0x3FB1] =	sst s8  }
0x11: {  	[smem:$0x3FB2] =	sst s9;
	s0 =	simm.s32 @!p0 $0x0  }
0x12: {  	s1 =	sld [smem:$0x3F98];
	s0 =	simm.s32 @p0 $0x1  }
0x13: {  	[smem:$0x3FB3] =	sst s0;
	s0 =	simm.s32 @!p1 $0x0  }
0x14: {  	s2 =	sld [smem:$0x3F97];
	s0 =	simm.s32 @p1 $0x1  }
0x15: {  	[smem:$0x3FB4] =	sst s0;
	s0 =	simm.s32 @!p2 $0x0  }
0x16: {  	s3 =	sld [smem:$0x3FDB];
	s0 =	simm.s32 @p2 $0x1  }
0x17: {  	s4 =	simm.s32 $0x1BF5;
	[smem:$0x3FB6] =	sst s0  }
0x18: {  	s0 =	sld [smem:$0x3F99];
	_ =	swait.ge [sflag:s4], $0x0  }
0x19: {  	s7 =	sld [smem:$0x3F9A]  }
0x1a: {  	s8 =	sadd.s32 $0xFFFFE003, lr  }
0x1b: {  	s9 =	sadd.s32 $0xFFFFFEF7, lr;
	s5 =	simm.s32 $0xFFFFFFFF;
	p2 =	slt.u32 s8, $0xFFFFF086  }
0x1c: {  	p1 =	slt.u32 s9, $0xF7A;
	s5 =	simm.s32 @!p2 $0x0  }
0x1d: {  	s5 =	simm.s32 @p1 $0x1;
	p0 =	seq.s32 s7, s2  }
0x1e: {  	s7 =	smul.u32 @!p0 $0xF7A, s2;
	p2 =	seq.s32 @!p0 s5, $0x0  }
0x1f: {  	s9 =	smul.u32 $0xF7A, s1;
	s8 =	simm.s32 @!p0 $0x1BF5;
	p2 =	por !p2, p0  }
0x20: {  	[sflag:s8] =	ssyncset.s32 @!p0 $0xFFFFF086;
	s6 =	sadd.s32 @!p0 s3, s7;
	s7 =	simm.s32 @!p0 $0x108  }
0x21: {  	s3 =	sadd.s32 s3, s9;
	s6 =	sadd.s32 @!p0 $0x88, s6;
	s7 =	simm.s32 @p2 $0x1082  }
0x22: {  	[simem:s7], [sflag:s8] =	dma.local @!p0 [hbm:s6], $0xF7A  }
0x23: {  	s9 =	sor.u32 $0xD0000000, s2;
	s6 =	simm.s32 $0x108;
	_ =	swait.ge @!p0 [sflag:s8], $0x0  }
0x24: {  	s3 =	sadd.s32 $0x88, s3;
	s6 =	simm.s32 @!p1 $0x1082;
	[sflag:s4] =	ssyncset.s32 $0xFFFFF086  }
0x25: {  	[simem:s6], [sflag:s4] =	dma.local [hbm:s3], $0xF7A  }
0x26: {  	[smem:$0x3F9A] =	sst s1;
	(tag) =	ssettag s2;
	_ =	strace s9  }
0x27: {  	s1 =	sld [smem:$0x3FAA]  }
0x28: {  	s2 =	sld [smem:$0x3FAB]  }
0x29: {  	s4 =	sld [smem:$0x3FAD]  }
0x2a: {  	p0 =	seq.s32 s5, $0x0;
	s5 =	sld [smem:$0x3FAE]  }
0x2b: {  	s6 =	sld [smem:$0x3FAF]  }
0x2c: {  	s7 =	sld [smem:$0x3FB0]  }
0x2d: {  	s3 =	simm.s32 $0x108;
	s8 =	sld [smem:$0x3FB1]  }
0x2e: {  	s3 =	simm.s32 @!p0 $0x1082;
	s9 =	sld [smem:$0x3FB2]  }
0x2f: {  	lr =	sadd.s32 s0, s3;
	s0 =	sld [smem:$0x3FA9]  }
0x30: {  	s3 =	sld [smem:$0x3FAC]  }
0x31: {  	[smem:$0x3FB5] =	sst s10  }
0x32: {  	s10 =	sld [smem:$0x3FB3];
	_ =	sdelay $0x3  }
0x33: {  	p0 =	seq.s32 s10, $0x1;
	s10 =	sld [smem:$0x3FB5];
	_ =	sdelay $0x3  }
0x34: {  	[smem:$0x3FB5] =	sst s10  }
0x35: {  	s10 =	sld [smem:$0x3FB4];
	_ =	sdelay $0x3  }
0x36: {  	p1 =	seq.s32 s10, $0x1;
	s10 =	sld [smem:$0x3FB5];
	_ =	sdelay $0x3  }
0x37: {  	[smem:$0x3FB5] =	sst s10  }
0x38: {  	s10 =	sld [smem:$0x3FB6]  }
0x39: {  	_ = 	snop;
	(pc) =	sbr.ind lr, $3  }
0x3a: {  	_ = 	snop  }
0x3b: {  	_ = 	snop  }
0x3c: {  	p2 =	seq.s32 s10, $0x1;
	s10 =	sld [smem:$0x3FB5]  }
0x3d: {  	_ =	shalt  }
0x3e: {  	_ =	shalt  }
0x3f: {  	_ =	shalt  }
0x40: {  	_ =	shalt  }
0x41: {  	_ =	shalt  }
0x42: {  	_ =	shalt  }
0x43: {  	_ =	shalt  }
0x44: {  	_ =	shalt  }
0x45: {  	_ =	shalt  }
0x46: {  	_ =	shalt  }
0x47: {  	_ =	shalt  }
0x48: {  	_ =	shalt  }
0x49: {  	_ =	shalt  }
0x4a: {  	_ =	shalt  }
0x4b: {  	_ =	shalt  }
0x4c: {  	_ =	shalt  }
0x4d: {  	_ =	shalt  }
0x4e: {  	_ =	shalt  }
0x4f: {  	_ =	shalt  }
0x50: {  	_ =	shalt  }
0x51: {  	_ =	shalt  }
0x52: {  	_ =	shalt  }
0x53: {  	_ =	shalt  }
0x54: {  	_ =	shalt  }
0x55: {  	_ =	shalt  }
0x56: {  	_ =	shalt  }
0x57: {  	_ =	shalt  }
0x58: {  	_ =	shalt  }
0x59: {  	_ =	shalt  }
0x5a: {  	_ =	shalt  }
0x5b: {  	_ =	shalt  }
0x5c: {  	_ =	shalt  }
0x5d: {  	_ =	shalt  }
0x5e: {  	_ =	shalt  }
0x5f: {  	_ =	shalt  }
0x60: {  	_ =	shalt  }
0x61: {  	_ =	shalt  }
0x62: {  	_ =	shalt  }
0x63: {  	_ =	shalt  }
0x64: {  	_ =	shalt  }
0x65: {  	_ =	shalt  }
0x66: {  	_ =	shalt  }
0x67: {  	_ =	shalt  }
0x68: {  	_ =	shalt  }
0x69: {  	_ =	shalt  }
0x6a: {  	_ =	shalt  }
0x6b: {  	_ =	shalt  }
0x6c: {  	_ =	shalt  }
0x6d: {  	_ =	shalt  }
0x6e: {  	_ =	shalt  }
0x6f: {  	_ =	shalt  }
0x70: {  	_ =	shalt  }
0x71: {  	_ =	shalt  }
0x72: {  	_ =	shalt  }
0x73: {  	_ =	shalt  }
0x74: {  	_ =	shalt  }
0x75: {  	_ =	shalt  }
0x76: {  	_ =	shalt  }
0x77: {  	_ =	shalt  }
0x78: {  	_ =	shalt  }
0x79: {  	_ =	shalt  }
0x7a: {  	_ =	shalt  }
0x7b: {  	_ =	shalt  }
0x7c: {  	_ =	shalt  }
0x7d: {  	_ =	shalt  }
0x7e: {  	_ =	shalt  }
0x7f: {  	_ =	shalt  }
0x80: {  	_ =	shalt  }
0x81: {  	_ =	shalt  }
0x82: {  	_ =	shalt  }
0x83: {  	_ =	shalt  }
0x84: {  	_ =	shalt  }
0x85: {  	_ =	shalt  }
0x86: {  	_ =	shalt  }
0x87: {  	_ =	shalt  }
.Lfunc_end0:
.L_simem_size_0:
called_computation.2_lowered:
.L_overlay_start_0:
0x88: {  	s2 =	sld [smem:$0x3FD9]  }
0x89: {  	s3 =	sld [smem:$0x3FFE];
	_ =	sdelay $0x1  }
0x8a: {  	s1 =	srdreg.scid  }
0x8b: {  	s0 =	sand.u32 $0x1, s1  }
0x8c: {  	s16 =	sshll.u32 s0, $0xA;
	s2 =	sadd.s32 s3, s2  }
0x8d: {  	s2 =	sadd.s32 s2, s16  }
0x8e: {  	[smem:$0x3FC1] =	sst s2  }
0x8f: {  	_ = 	snop  }
0x90: {  	(tm) =	ssettm $0x1  }
0x91: {  	s17 =	sld [smem:$0x3FFB];
	_ =	sdelay $0x3  }
0x92: {  	_ =	strace s17  }
0x93: {  	s2 =	sld [smem:$0x3FFC];
	_ =	sdelay $0x3  }
0x94: {  	_ =	strace s2  }
0x95: {  	s2 =	sld [smem:$0x3FFD];
	_ =	sdelay $0x3  }
0x96: {  	_ =	strace s2  }
0x97: {  	_ =	strace $0x8FFFFFFF  }
0x98: {  	s18 =	sld [smem:$0x3FDB];
	_ =	sdelay $0x1  }
0x99: {  	s19 =	simm.s32 $_scs_section_size  }
0x9a: {  	s4 =	simm.s32 $_size__tile_overlayer_lowered;
	s5 =	simm.s32 $_tile_overlayer_lowered  }
0x9b: {  	s22 =	simm.s32 $0x1BFF;
	s21 =	sshll.u32 s5, $0x1;
	s2 =	sadd.s32 s19, s18  }
0x9c: {  	s6 =	simm.s32 $0x0;
	s20 =	sshll.u32 s4, $0x1;
	s4 =	sadd.s32 s21, s2  }
0x9d: {  	[timem:s6], [sflag:s22] =	dma.local [hbm:s4], s20  }
0x9e: {  	_ =	swait.ge [sflag:s22], s20  }
0x9f: {  	s3 =	ssub.s32 $0x0, s20;
	[sflag:s22] =	ssyncset.done $0x0  }
0xa0: {  	[sflag:s22] =	ssyncadd.s32 s3;
	_ =	sdelay $0x1  }
0xa1: {  	s23 =	simm.s32 $0x1B8B  }
0xa2: {  	_ =	swait.ge [sflag:s23], $0x1  }
0xa3: {  	[sflag:s23] =	ssyncset.done $0x0  }
0xa4: {  	s25 =	simm.s32 $0x1B8E;
	s24 =	sld [smem:$0x3FFE];
	[sflag:s23] =	ssyncadd.s32 $0xFFFFFFFF  }
0xa5: {  	s26 =	simm.s32 $execute0_lowered;
	[smem:$0x3FD2] =	sst s25  }
0xa6: {  	s4 =	sshll.u32 s26, $0x1;
	_ =	strace $0x8000004C;
	[dreg:$0x1] =	wrdreg $0xFFFFFFFF  }
0xa7: {  	s28 =	simm.s32 $_size_execute0_lowered;
	s2 =	sadd.s32 s2, s4;
	[dreg:$0x0] =	wrdreg $0x0  }
0xa8: {  	s4 =	sshll.u32 s28, $0x1;
	[dreg:$0x2] =	wrdreg s2  }
0xa9: {  	[dreg:$0x3] =	wrdreg s4  }
0xaa: {  	[dreg:$0x4] =	wrdreg $0xC0  }
0xab: {  	_ =	task [dreg:s6], $0x5FFFF  }
0xac: {  	[dreg:$0x1] =	wrdreg $0xFFFFFFFF  }
0xad: {  	[dreg:$0x0] =	wrdreg $0x60  }
0xae: {  	[dreg:$0x2] =	wrdreg s24  }
0xaf: {  	[dreg:$0x3] =	wrdreg $0xA4000  }
0xb0: {  	[dreg:$0x4] =	wrdreg $0x9  }
0xb1: {  	_ =	task.clear_ibuf [dreg:s6], $0x5FFFF;
	_ =	strace $0x9000004C  }
0xb2: {  	s29 =	simm.s32 $0x9;
	_ =	strace $0x8000004E  }
0xb3: {  	_ =	swait.ge [sflag:s29], $0x1  }
0xb4: {  	[sflag:s29] =	ssyncadd.s32 $0xFFFFFFFF  }
0xb5: {  	_ =	strace $0x9000004E  }
0xb6: {  	_ =	sfence  }
0xb7: {  	s30 =	sld [smem:$0x0];
	_ =	sdelay $0x2  }
0xb8: {  	s31 =	sshll.u32 s1, $0xD;
	s1 =	sshrl.u32 s1, $0x2  }
0xb9: {  	s3 =	sand.u32 $0x4000, s31;
	s1 =	sadd.s32 s1, s30  }
0xba: {  	s0 =	sor.u32 s3, s0;
	s1 =	sshll.u32 s1, $0x11  }
0xbb: {  	s0 =	sor.u32 s1, s0  }
0xbc: {  	s0 =	sadd.s32 $0x8F2B, s0  }
0xbd: {  	[sflag:s0] =	ssyncadd.remote.s32 $0x1  }
0xbe: {  	_ =	sfence.sel $0xFFFF  }
0xbf: {  	[dreg:$0x0] =	wrdreg $0xFFFFFFFF;
	(pc) =	sbr.abs _section_cstart, $3  }
0xc0: {  	[dreg:$0x1] =	wrdreg $0xFFFFFFFF  }
0xc1: {  	_ =	task.clear_ibuf [dreg:s6], $0x2FFFF;
	_ =	strace $0x9FFFFFFF  }
0xc2: {  	(tm) =	ssettm $0x7FFFFFFF  }
0xc3: {  	_ =	shalt  }
tec
execute0_lowered:
.L_overlay_start_1:
0x0: {  	(tag) =	ssettag $0x1  }
0x1: {  	s0 =	rddreg [dreg:$0x0]  }
0x2: {  	s1 =	rddreg [dreg:$0x1];
	s2 =	simm.s32 $0x0  }
0x3: {  	s4 =	srdreg.scid;
	s17 =	stileid.u32;
	s22 =	simm.s32 $0x1  }
0x4: {  	s23 =	simm.s32 $0x80;
	s25 =	simm.s32 $0x5C00;
	s26 =	simm.s32 $0x2  }
0x5: {  	s28 =	simm.s32 $0x3;
	s29 =	simm.s32 $0x0;
	[smem:$0x7FF] =	sst s2  }
0x6: {  	s3 =	sadd.s32 $0x266800, s0;
	s7 =	sand.u32 $0x1, s4;
	s4 =	sadd.s32 $0x140800, s0  }
0x7: {  	s5 =	sadd.s32 $0x204800, s0;
	p0 =	sne.s32 s17, $0x0;
	_ =	strace $0x8000004D  }
0x8: {  	s6 =	sshll.u32 s7, $0x4;
	s8 =	smul.u32 $0x186A0, s7;
	s9 =	ssub.s32 $0x2, s7  }
0x9: {  	s7 =	sadd.s32 $0x64800, s0;
	s11 =	sor.u32 s17, s6;
	s6 =	sadd.s32 $0x1A2800, s0  }
0xa: {  	s31 =	sshrl.u32 s9, $0x1;
	s17 =	sshrl.u32 @!p0 s1, $0x3;
	s12 =	smul.u32 $0x3100, s11  }
0xb: {  	s0 =	sadd.s32 s8, s0;
	s16 =	ssub.s32 s9, s31;
	s11 =	smul.u32 $0x62, s11  }
0xc: {  	s15 =	sadd.s32 $0x2800, s0;
	s16 =	smax.u32 s16, $0x1;
	s8 =	sadd.s32 s5, s12  }
0xd: {  	s9 =	sadd.s32 s6, s12;
	s10 =	sadd.s32 s4, s12;
	s14 =	sor.u32 $0x80, s12  }
0xe: {  	s12 =	sadd.s32 s5, s14;
	s13 =	sadd.s32 s6, s14;
	s14 =	sadd.s32 s4, s14  }
.LBB2_1:
0xf: {  	s0 =	simm.s32 @!p0 $0x1C04  }
0x10: {  	[spmem:s17], [sflag:s0] =	dma.local @!p0 [hbm:s7], $0x186A0  }
0x11: {  	s0 =	simm.s32 @!p0 $0x4  }
0x12: {  	_ =	swait.ge @!p0 [sflag:s0], $0x186A0  }
0x13: {  	[sflag:s0] =	ssyncset.done @!p0 $0x0  }
0x14: {  	[sflag:s0] =	ssyncadd.s32 @!p0 $0xFFFE7960  }
0x15: {  	[bflag:$0x0] =	sbarrier.arrive $0xFFFF  }
0x16: {  	[tilespmem:s2], [sflag:$0x1] =	stream.linear.gather [hbm4b:s8+s2], $0x400, $0x38;
	[tilespmem:$0x16750] =	vst v63  }
0x17: {  	s21 =	simm.s32 $0xC00  }
0x18: {  	[tilespmem:s21], [sflag:$0x1] =	stream.linear.gather [hbm4b:s9+s2], $0x400, $0x38;
	[tilespmem:$0x16750] =	vst v63  }
0x19: {  	s30 =	simm.s32 $0x1800  }
0x1a: {  	[tilespmem:s30], [sflag:$0x1] =	stream.linear.gather [hbm4b:s10+s2], $0x400, $0x38;
	[tilespmem:$0x16750] =	vst v63  }
0x1b: {  	s24 =	simm.s32 $0x400  }
0x1c: {  	[tilespmem:s24], [sflag:$0x1] =	stream.linear.gather [hbm4b:s12+s2], $0x400, $0x38;
	[tilespmem:$0x16750] =	vst v63  }
0x1d: {  	s18 =	simm.s32 $0x1000  }
0x1e: {  	[tilespmem:s18], [sflag:$0x1] =	stream.linear.gather [hbm4b:s13+s2], $0x400, $0x38;
	[tilespmem:$0x16750] =	vst v63  }
0x1f: {  	s19 =	simm.s32 $0x1C00  }
0x20: {  	[tilespmem:s19], [sflag:$0x1] =	stream.linear.gather [hbm4b:s14+s2], $0x400, $0x38;
	[tilespmem:$0x16750] =	vst v63  }
0x21: {  	_ =	swait.ge [sflag:s22], $0x400  }
0x22: {  	[sflag:s22] =	ssyncset.done $0x0  }
0x23: {  	[sflag:s22] =	ssyncadd.s32 $0xFFFFFC00  }
0x24: {  	_ =	swait.ge [sflag:s22], $0x400  }
0x25: {  	[sflag:s22] =	ssyncset.done $0x0  }
0x26: {  	[sflag:s22] =	ssyncadd.s32 $0xFFFFFC00  }
0x27: {  	_ =	swait.ge [sflag:s22], $0x400  }
0x28: {  	[sflag:s22] =	ssyncset.done $0x0  }
0x29: {  	s20 =	simm.s32 $0x2400;
	[sflag:s22] =	ssyncadd.s32 $0xFFFFFC00  }
0x2a: {  	[tilespmem:s20], [sflag:$0x2] =	stream.indirect.gather [hbm4b:s3+s23], $0x10, s2, s23, $0xb8;
	[tilespmem:$0x16750] =	vst v63  }
0x2b: {  	s21 =	simm.s32 $0x2C00  }
0x2c: {  	[tilespmem:s21], [sflag:$0x2] =	stream.indirect.gather [hbm4b:s3+s23], $0x10, s23, s23, $0xb8;
	[tilespmem:$0x16750] =	vst v63  }
0x2d: {  	s24 =	simm.s32 $0x100;
	s18 =	simm.s32 $0x3400  }
0x2e: {  	[tilespmem:s18], [sflag:$0x2] =	stream.indirect.gather [hbm4b:s3+s23], $0x10, s24, s23, $0xb8;
	[tilespmem:$0x16750] =	vst v63  }
0x2f: {  	s19 =	simm.s32 $0x180;
	s20 =	simm.s32 $0x3C00  }
0x30: {  	[tilespmem:s20], [sflag:$0x2] =	stream.indirect.gather [hbm4b:s3+s23], $0x10, s19, s23, $0xb8;
	[tilespmem:$0x16750] =	vst v63  }
0x31: {  	s21 =	simm.s32 $0x200;
	s24 =	simm.s32 $0x4400  }
0x32: {  	[tilespmem:s24], [sflag:$0x2] =	stream.indirect.gather [hbm4b:s3+s23], $0x10, s21, s23, $0xb8;
	[tilespmem:$0x16750] =	vst v63  }
0x33: {  	s18 =	simm.s32 $0x280;
	s19 =	simm.s32 $0x4C00  }
0x34: {  	[tilespmem:s19], [sflag:$0x2] =	stream.indirect.gather [hbm4b:s3+s23], $0x10, s18, s23, $0xb8;
	[tilespmem:$0x16750] =	vst v63  }
0x35: {  	s20 =	simm.s32 $0x300;
	s21 =	simm.s32 $0x5400  }
0x36: {  	[tilespmem:s21], [sflag:$0x2] =	stream.indirect.gather [hbm4b:s3+s23], $0x10, s20, s23, $0xb8;
	[tilespmem:$0x16750] =	vst v63  }
0x37: {  	p1 =	por $0x0, $0x0;
	s31 =	simm.s32 $0x0;
	s24 =	simm.s32 $0x380  }
0x38: {  	[tilespmem:s25], [sflag:$0x2] =	stream.indirect.gather [hbm4b:s3+s23], $0x10, s24, s23, $0xb8;
	[tilespmem:$0x16750] =	vst v63  }
.LBB2_2:
0x39: {  	_ =	swait.ge [sflag:s26], $0x800  }
0x3a: {  	[sflag:s26] =	ssyncset.done $0x0  }
0x3b: {  	[sflag:s26] =	ssyncadd.s32 $0xFFFFF800  }
0x3c: {  	_ =	swait.ge [sflag:s26], $0x800  }
0x3d: {  	[sflag:s26] =	ssyncset.done $0x0  }
0x3e: {  	[sflag:s26] =	ssyncadd.s32 $0xFFFFF800  }
0x3f: {  	_ =	swait.ge [sflag:s26], $0x800  }
0x40: {  	[sflag:s26] =	ssyncset.done $0x0  }
0x41: {  	[sflag:s26] =	ssyncadd.s32 $0xFFFFF800  }
0x42: {  	_ =	swait.ge [sflag:s26], $0x800  }
0x43: {  	[sflag:s26] =	ssyncset.done $0x0  }
0x44: {  	[sflag:s26] =	ssyncadd.s32 $0xFFFFF800  }
0x45: {  	s0 =	smulhi.u32 $0xAAAAAAAB, s31;
	_ =	swait.ge [sflag:s26], $0x800  }
0x46: {  	[sflag:s26] =	ssyncset.done $0x0  }
0x47: {  	s0 =	sshrl.u32 s0, $0x1;
	[sflag:s26] =	ssyncadd.s32 $0xFFFFF800  }
0x48: {  	s0 =	smul.u32 $0xFFFFD000, s0;
	_ =	swait.ge [sflag:s26], $0x800  }
0x49: {  	[sflag:s26] =	ssyncset.done $0x0  }
0x4a: {  	s0 =	sshra.s32 s0, $0x2;
	[sflag:s26] =	ssyncadd.s32 $0xFFFFF800  }
0x4b: {  	s0 =	sadd.s32 s0, s30;
	_ =	swait.ge [sflag:s26], $0x800  }
0x4c: {  	v0 =	vmov s0;
	[sflag:s26] =	ssyncset.done $0x0  }
0x4d: {  	[sflag:s26] =	ssyncadd.s32 $0xFFFFF800  }
0x4e: {  	_ =	swait.ge [sflag:s26], $0x800  }
0x4f: {  	s0 =	simm.s32 $0x1;
	[sflag:s26] =	ssyncset.done $0x0  }
0x50: {  	s18 =	simm.s32 $0x0;
	s0 =	simm.s32 @!p1 $0x0;
	[sflag:s26] =	ssyncadd.s32 $0xFFFFF800  }
0x51: {  	s0 =	sshll.u32 s0, $0xE;
	v1 =	vld.idx.msk [tilespmem:v0+s18+$0x0 ss:$0x1], $0xffff  }
0x52: {  	s20 =	sor.u32 $0x2480, s0  }
0x53: {  	v2 =	vld [tilespmem:s20+$0xFFFFFF80]  }
0x54: {  	v3 =	vld [tilespmem:s20+$0xFFFFFF90]  }
0x55: {  	v4 =	vld [tilespmem:s20+$0xFFFFFFA0]  }
0x56: {  	v5 =	vld [tilespmem:s20+$0xFFFFFFB0];
	v6 =	vbroadcast v1, $0x0  }
0x57: {  	v9 =	vld [tilespmem:s20+$0xFFFFFFD0];
	v7 =	vbroadcast v1, $0x1  }
0x58: {  	v8 =	vld [tilespmem:s20+$0xFFFFFFC0];
	v10 =	vbroadcast v1, $0x2;
	v2 =	vmul.f32 v6, v2  }
0x59: {  	v49 =	vld [tilespmem:s20+$0xFFFFFFE0];
	v48 =	vbroadcast v1, $0x3;
	v3 =	vmul.f32 v3, v7  }
0x5a: {  	v51 =	vld [tilespmem:s20+$0x10];
	v50 =	vbroadcast v1, $0x5;
	v4 =	vmul.f32 v4, v10;
	[tilespmem:s20+$0xFFFFFF80] =	vst v2  }
0x5b: {  	v11 =	vld [tilespmem:s20+$0xFFFFFFF0];
	v5 =	vmul.f32 v5, v48;
	v2 =	vbroadcast v1, $0x4;
	[tilespmem:s20+$0xFFFFFF90] =	vst v3  }
0x5c: {  	v12 =	vbroadcast v1, $0x6;
	v6 =	vmul.f32 v9, v50;
	v3 =	vld [tilespmem:s20+$0x0];
	[tilespmem:s20+$0xFFFFFFA0] =	vst v4  }
0x5d: {  	v57 =	vld [tilespmem:s20+$0x50];
	v55 =	vbroadcast v1, $0x9;
	[tilespmem:s20+$0xFFFFFFB0] =	vst v5;
	v2 =	vmul.f32 v8, v2  }
0x5e: {  	v53 =	vld [tilespmem:s20+$0x20];
	v52 =	vbroadcast v1, $0x7;
	v7 =	vmul.f32 v49, v12;
	[tilespmem:s20+$0xFFFFFFD0] =	vst v6  }
0x5f: {  	v54 =	vld [tilespmem:s20+$0x30];
	v59 =	vmul.f32 v51, v55;
	[tilespmem:s20+$0xFFFFFFC0] =	vst v2;
	v2 =	vbroadcast v1, $0x8  }
0x60: {  	v56 =	vld [tilespmem:s20+$0x40];
	v62 =	vbroadcast v1, $0xD;
	v4 =	vmul.f32 v11, v52;
	[tilespmem:s20+$0xFFFFFFE0] =	vst v7  }
0x61: {  	s21 =	smul.u32 $0xAB, s31;
	v60 =	vld [tilespmem:s20+$0x60];
	v58 =	vbroadcast v1, $0xA;
	[tilespmem:s20+$0x10] =	vst v59;
	v2 =	vmul.f32 v3, v2  }
0x62: {  	v61 =	vld [tilespmem:s20+$0x70];
	v5 =	vmul.f32 v57, v62;
	[tilespmem:s20+$0xFFFFFFF0] =	vst v4;
	v3 =	vbroadcast v1, $0xB  }
0x63: {  	s0 =	sshrl.u32 s21, $0x9;
	v8 =	vmul.f32 v53, v58;
	[tilespmem:s20+$0x0] =	vst v2;
	v2 =	vbroadcast v1, $0xC  }
0x64: {  	s0 =	sand.u32 $0x7F, s0;
	v63 =	vbroadcast v1, $0xE;
	[tilespmem:s20+$0x50] =	vst v5;
	v3 =	vmul.f32 v54, v3  }
0x65: {  	s0 =	smul.u32 $0x3, s0;
	[tilespmem:s20+$0x20] =	vst v8;
	v1 =	vbroadcast v1, $0xF;
	v2 =	vmul.f32 v56, v2  }
0x66: {  	[tilespmem:s20+$0x30] =	vst v3;
	v3 =	vmul.f32 v60, v63  }
0x67: {  	s24 =	sshll.u32 s31, $0xE;
	s19 =	ssub.s32 s31, s0;
	v1 =	vmul.f32 v61, v1;
	[tilespmem:s20+$0x40] =	vst v2  }
0x68: {  	s21 =	simm.s32 $0x80;
	s0 =	sand.u32 $0x4000, s24;
	s19 =	sand.u32 $0xFF, s19;
	[tilespmem:s20+$0x60] =	vst v3  }
0x69: {  	s24 =	simm.s32 $0x10;
	s19 =	sshll.u32 s19, $0xC;
	s18 =	sor.u32 $0x2400, s0;
	[tilespmem:s20+$0x70] =	vst v1  }
.LBB2_3:
0x6a: {  	p2 =	sne.s32 s21, $0xFC0;
	v1 =	vld.idx.msk [tilespmem:v0+s24+$0x0 ss:$0x1], $0xffff;
	s20 =	sadd.s32 $0x100, s20  }
0x6b: {  	v2 =	vld [tilespmem:s20+$0xFFFFFFB0]  }
0x6c: {  	v3 =	vld [tilespmem:s20+$0xFFFFFF90]  }
0x6d: {  	v4 =	vld [tilespmem:s20+$0xFFFFFF80]  }
0x6e: {  	v5 =	vld [tilespmem:s20+$0xFFFFFFA0]  }
0x6f: {  	v6 =	vld [tilespmem:s20+$0xFFFFFFF0]  }
0x70: {  	v7 =	vbroadcast v1, $0x0;
	v8 =	vbroadcast v1, $0x1;
	v9 =	vld [tilespmem:s20+$0xFFFFFFD0]  }
0x71: {  	v10 =	vbroadcast v1, $0x2;
	v11 =	vbroadcast v1, $0x3;
	v12 =	vld [tilespmem:s20+$0xFFFFFFC0]  }
0x72: {  	v3 =	vmul.f32 v3, v8;
	v4 =	vmul.f32 v7, v4;
	v7 =	vld [tilespmem:s20+$0xFFFFFFE0]  }
0x73: {  	v2 =	vmul.f32 v2, v11;
	v5 =	vmul.f32 v5, v10;
	v8 =	vld [tilespmem:s20+$0x30]  }
0x74: {  	v10 =	vbroadcast v1, $0x5;
	[tilespmem:s20+$0xFFFFFF80] =	vst v4;
	v4 =	vbroadcast v1, $0x4;
	v11 =	vld [tilespmem:s20+$0x10]  }
0x75: {  	v13 =	vbroadcast v1, $0x7;
	[tilespmem:s20+$0xFFFFFF90] =	vst v3;
	v3 =	vbroadcast v1, $0x6;
	v14 =	vld [tilespmem:s20+$0x0]  }
0x76: {  	[tilespmem:s20+$0xFFFFFFA0] =	vst v5;
	v4 =	vmul.f32 v12, v4;
	v5 =	vmul.f32 v9, v10;
	v9 =	vld [tilespmem:s20+$0x20]  }
0x77: {  	[tilespmem:s20+$0xFFFFFFB0] =	vst v2;
	v2 =	vmul.f32 v7, v3;
	v3 =	vmul.f32 v6, v13;
	v6 =	vld [tilespmem:s20+$0x70]  }
0x78: {  	v7 =	vbroadcast v1, $0x9;
	[tilespmem:s20+$0xFFFFFFC0] =	vst v4;
	v4 =	vbroadcast v1, $0x8;
	v10 =	vld [tilespmem:s20+$0x50]  }
0x79: {  	v12 =	vbroadcast v1, $0xB;
	[tilespmem:s20+$0xFFFFFFD0] =	vst v5;
	v5 =	vbroadcast v1, $0xA;
	v13 =	vld [tilespmem:s20+$0x40]  }
0x7a: {  	[tilespmem:s20+$0xFFFFFFE0] =	vst v2;
	v2 =	vmul.f32 v14, v4;
	v4 =	vmul.f32 v11, v7;
	v7 =	vld [tilespmem:s20+$0x60]  }
0x7b: {  	[tilespmem:s20+$0xFFFFFFF0] =	vst v3;
	v3 =	vmul.f32 v9, v5;
	v5 =	vmul.f32 v8, v12  }
0x7c: {  	v8 =	vbroadcast v1, $0xD;
	[tilespmem:s20+$0x0] =	vst v2;
	v2 =	vbroadcast v1, $0xC  }
0x7d: {  	[tilespmem:s20+$0x10] =	vst v4;
	v4 =	vbroadcast v1, $0xE;
	v1 =	vbroadcast v1, $0xF  }
0x7e: {  	[tilespmem:s20+$0x20] =	vst v3;
	v2 =	vmul.f32 v13, v2;
	v3 =	vmul.f32 v10, v8  }
.Ltmp0:
0x7f: {  	[tilespmem:s20+$0x30] =	vst v5;
	v4 =	vmul.f32 v7, v4;
	v1 =	vmul.f32 v6, v1;
	(pc) =	sbr.rel @p2 .LBB2_3-.Ltmp0, $4  }
0x80: {  	[tilespmem:s20+$0x40] =	vst v2  }
0x81: {  	[tilespmem:s20+$0x50] =	vst v3  }
0x82: {  	[tilespmem:s20+$0x60] =	vst v4  }
0x83: {  	s24 =	sshra.s32 s21, $0x2;
	s21 =	sadd.s32 $0x40, s21;
	[tilespmem:s20+$0x70] =	vst v1  }
0x84: {  	_ =	sdelay $0x3  }
0x85: {  	v0 =	vld.idx.msk [tilespmem:v0+s24+$0x0 ss:$0x1], $0xffff;
	_ =	sdelay $0x3  }
0x86: {  	s20 =	sadd.s32 $0x100, s20  }
0x87: {  	v1 =	vld [tilespmem:s20+$0xFFFFFF80];
	v5 =	vbroadcast v0, $0x0  }
0x88: {  	v2 =	vld [tilespmem:s20+$0xFFFFFF90];
	v6 =	vbroadcast v0, $0x1;
	v9 =	vbroadcast v0, $0x2  }
0x89: {  	v3 =	vld [tilespmem:s20+$0xFFFFFFA0];
	v42 =	vbroadcast v0, $0x3;
	v44 =	vbroadcast v0, $0x4  }
0x8a: {  	v4 =	vld [tilespmem:s20+$0xFFFFFFB0];
	v45 =	vbroadcast v0, $0x5;
	v11 =	vbroadcast v0, $0x6  }
0x8b: {  	v8 =	vld [tilespmem:s20+$0xFFFFFFD0];
	v48 =	vbroadcast v0, $0x7;
	v51 =	vbroadcast v0, $0x8  }
0x8c: {  	v43 =	vld [tilespmem:s20+$0xFFFFFFE0];
	v52 =	vbroadcast v0, $0x9;
	v1 =	vmul.f32 v5, v1  }
0x8d: {  	v47 =	vld [tilespmem:s20+$0x10];
	v55 =	vbroadcast v0, $0xA;
	v2 =	vmul.f32 v2, v6  }
0x8e: {  	v58 =	vld [tilespmem:s20+$0x60];
	v56 =	vbroadcast v0, $0xB;
	v3 =	vmul.f32 v3, v9;
	[tilespmem:s20+$0xFFFFFF80] =	vst v1  }
0x8f: {  	v59 =	vld [tilespmem:s20+$0x70];
	v60 =	vbroadcast v0, $0xC;
	v4 =	vmul.f32 v4, v42;
	[tilespmem:s20+$0xFFFFFF90] =	vst v2  }
0x90: {  	v7 =	vld [tilespmem:s20+$0xFFFFFFC0];
	v61 =	vbroadcast v0, $0xD;
	v5 =	vmul.f32 v8, v45;
	[tilespmem:s20+$0xFFFFFFA0] =	vst v3  }
0x91: {  	v10 =	vld [tilespmem:s20+$0xFFFFFFF0];
	v62 =	vbroadcast v0, $0xE;
	v6 =	vmul.f32 v43, v11;
	[tilespmem:s20+$0xFFFFFFB0] =	vst v4  }
0x92: {  	v49 =	vld [tilespmem:s20+$0x20];
	v0 =	vbroadcast v0, $0xF;
	v57 =	vmul.f32 v47, v52;
	[tilespmem:s20+$0xFFFFFFD0] =	vst v5  }
0x93: {  	v50 =	vld [tilespmem:s20+$0x30];
	v63 =	vmul.f32 v58, v62;
	[tilespmem:s20+$0xFFFFFFE0] =	vst v6  }
0x94: {  	v46 =	vld [tilespmem:s20+$0x0];
	v0 =	vmul.f32 v59, v0;
	[tilespmem:s20+$0x10] =	vst v57  }
0x95: {  	v54 =	vld [tilespmem:s20+$0x50];
	v1 =	vmul.f32 v7, v44;
	[tilespmem:s20+$0x60] =	vst v63  }
0x96: {  	v53 =	vld [tilespmem:s20+$0x40];
	v3 =	vmul.f32 v10, v48;
	[tilespmem:s20+$0x70] =	vst v0  }
0x97: {  	v7 =	vmul.f32 v49, v55;
	[tilespmem:s20+$0xFFFFFFC0] =	vst v1  }
0x98: {  	v2 =	vmul.f32 v50, v56;
	[tilespmem:s20+$0xFFFFFFF0] =	vst v3  }
0x99: {  	v1 =	vmul.f32 v46, v51;
	[tilespmem:s20+$0x20] =	vst v7  }
0x9a: {  	v4 =	vmul.f32 v54, v61;
	[tilespmem:s20+$0x30] =	vst v2  }
0x9b: {  	[tilespmem:s20+$0x0] =	vst v1;
	v1 =	vmul.f32 v53, v60  }
0x9c: {  	p2 =	seq.s32 s31, $0x0;
	[tilespmem:s20+$0x50] =	vst v4  }
0x9d: {  	[tilespmem:s20+$0x40] =	vst v1;
	s20 =	simm.s32 @!p2 $0x3  }
0x9e: {  	_ =	swait.ge @!p2 [sflag:s20], $0x800  }
0x9f: {  	[sflag:s20] =	ssyncset.done @!p2 $0x0  }
0xa0: {  	[sflag:s20] =	ssyncadd.s32 @!p2 $0xFFFFF800  }
0xa1: {  	_ =	swait.ge @!p2 [sflag:s20], $0x800  }
0xa2: {  	[sflag:s20] =	ssyncset.done @!p2 $0x0  }
0xa3: {  	[sflag:s20] =	ssyncadd.s32 @!p2 $0xFFFFF800  }
0xa4: {  	_ =	swait.ge @!p2 [sflag:s20], $0x800  }
0xa5: {  	[sflag:s20] =	ssyncset.done @!p2 $0x0  }
0xa6: {  	[sflag:s20] =	ssyncadd.s32 @!p2 $0xFFFFF800  }
0xa7: {  	_ =	swait.ge @!p2 [sflag:s20], $0x800  }
0xa8: {  	[sflag:s20] =	ssyncset.done @!p2 $0x0  }
0xa9: {  	[sflag:s20] =	ssyncadd.s32 @!p2 $0xFFFFF800  }
0xaa: {  	_ =	swait.ge @!p2 [sflag:s20], $0x800  }
0xab: {  	[sflag:s20] =	ssyncset.done @!p2 $0x0  }
0xac: {  	[sflag:s20] =	ssyncadd.s32 @!p2 $0xFFFFF800  }
0xad: {  	_ =	swait.ge @!p2 [sflag:s20], $0x800  }
0xae: {  	[sflag:s20] =	ssyncset.done @!p2 $0x0  }
0xaf: {  	[sflag:s20] =	ssyncadd.s32 @!p2 $0xFFFFF800  }
0xb0: {  	_ =	swait.ge @!p2 [sflag:s20], $0x800  }
0xb1: {  	[sflag:s20] =	ssyncset.done @!p2 $0x0  }
0xb2: {  	[sflag:s20] =	ssyncadd.s32 @!p2 $0xFFFFF800  }
0xb3: {  	_ =	swait.ge @!p2 [sflag:s20], $0x800  }
0xb4: {  	s19 =	sshrl.u32 s19, $0x2;
	[sflag:s20] =	ssyncset.done @!p2 $0x0  }
0xb5: {  	s24 =	sadd.s32 $0xC00, s19;
	[sflag:s20] =	ssyncadd.s32 @!p2 $0xFFFFF800  }
0xb6: {  	[spmem:s1] =	stream.indirect.scatter.add.f32 [tilespmem:s18], [sflag:$0x3], $0x10, s24, s23, $0xb8;
	[tilespmem:$0x16750] =	vst v63  }
0xb7: {  	s21 =	sadd.s32 $0x2C00, s0;
	s24 =	sadd.s32 $0xC80, s19  }
0xb8: {  	[spmem:s1] =	stream.indirect.scatter.add.f32 [tilespmem:s21], [sflag:$0x3], $0x10, s24, s23, $0xb8;
	[tilespmem:$0x16750] =	vst v63  }
0xb9: {  	s21 =	sadd.s32 $0x3400, s0;
	s24 =	sadd.s32 $0xD00, s19  }
0xba: {  	[spmem:s1] =	stream.indirect.scatter.add.f32 [tilespmem:s21], [sflag:$0x3], $0x10, s24, s23, $0xb8;
	[tilespmem:$0x16750] =	vst v63  }
0xbb: {  	s21 =	sadd.s32 $0x3C00, s0;
	s24 =	sadd.s32 $0xD80, s19  }
0xbc: {  	[spmem:s1] =	stream.indirect.scatter.add.f32 [tilespmem:s21], [sflag:$0x3], $0x10, s24, s23, $0xb8;
	[tilespmem:$0x16750] =	vst v63  }
0xbd: {  	s21 =	sadd.s32 $0x4400, s0;
	s24 =	sadd.s32 $0xE00, s19  }
0xbe: {  	[spmem:s1] =	stream.indirect.scatter.add.f32 [tilespmem:s21], [sflag:$0x3], $0x10, s24, s23, $0xb8;
	[tilespmem:$0x16750] =	vst v63  }
0xbf: {  	s21 =	sadd.s32 $0x4C00, s0;
	s24 =	sadd.s32 $0xE80, s19  }
0xc0: {  	[spmem:s1] =	stream.indirect.scatter.add.f32 [tilespmem:s21], [sflag:$0x3], $0x10, s24, s23, $0xb8;
	[tilespmem:$0x16750] =	vst v63  }
0xc1: {  	s21 =	sadd.s32 $0x5400, s0;
	s24 =	sadd.s32 $0xF00, s19  }
0xc2: {  	[spmem:s1] =	stream.indirect.scatter.add.f32 [tilespmem:s21], [sflag:$0x3], $0x10, s24, s23, $0xb8;
	[tilespmem:$0x16750] =	vst v63  }
0xc3: {  	p2 =	seq.s32 s31, $0x61;
	s19 =	sadd.s32 $0xF80, s19;
	s21 =	sadd.s32 $0x5C00, s0  }
0xc4: {  	[spmem:s1] =	stream.indirect.scatter.add.f32 [tilespmem:s21], [sflag:$0x3], $0x10, s19, s23, $0xb8;
	[tilespmem:$0x16750] =	vst v63  }
0xc5: {  	s19 =	simm.s32 @!p2 $0x1  }
0xc6: {  	s18 =	sadd.s32 $0x1, s31;
	_ =	swait.ge @!p2 [sflag:s19], $0x400  }
0xc7: {  	s24 =	smul.u32 $0xAB, s18;
	[sflag:s19] =	ssyncset.done @!p2 $0x0  }
0xc8: {  	[sflag:s19] =	ssyncadd.s32 @!p2 $0xFFFFFC00  }
0xc9: {  	s20 =	sshrl.u32 s24, $0x9;
	_ =	swait.ge @!p2 [sflag:s19], $0x400  }
0xca: {  	s20 =	sand.u32 $0x7F, s20;
	[sflag:s19] =	ssyncset.done @!p2 $0x0  }
0xcb: {  	s20 =	smul.u32 $0x3, s20;
	[sflag:s19] =	ssyncadd.s32 @!p2 $0xFFFFFC00  }
0xcc: {  	_ =	swait.ge @!p2 [sflag:s19], $0x400  }
0xcd: {  	s20 =	ssub.s32 s18, s20;
	[sflag:s19] =	ssyncset.done @!p2 $0x0  }
0xce: {  	s20 =	sand.u32 $0xFF, s20;
	[sflag:s19] =	ssyncadd.s32 @!p2 $0xFFFFFC00;
	s19 =	sxor.u32 @!p2 $0x4000, s0  }
0xcf: {  	s21 =	simm.s32 @!p2 $0x80;
	s20 =	sshll.u32 @!p2 s20, $0xA;
	s19 =	sadd.s32 @!p2 $0x2400, s19  }
0xd0: {  	[tilespmem:s19], [sflag:$0x2] =	stream.indirect.gather @!p2 [hbm4b:s3+s21], $0x10, s20, s21, $0xb8;
	[tilespmem:$0x16750] =	vst v63  }
0xd1: {  	s24 =	sor.u32 @!p2 $0x80, s20;
	s19 =	ssub.s32 @!p2 $0x6C00, s0  }
0xd2: {  	[tilespmem:s19], [sflag:$0x2] =	stream.indirect.gather @!p2 [hbm4b:s3+s21], $0x10, s24, s21, $0xb8;
	[tilespmem:$0x16750] =	vst v63  }
0xd3: {  	s19 =	ssub.s32 @!p2 $0x7400, s0;
	s24 =	sor.u32 @!p2 $0x100, s20  }
0xd4: {  	[tilespmem:s19], [sflag:$0x2] =	stream.indirect.gather @!p2 [hbm4b:s3+s21], $0x10, s24, s21, $0xb8;
	[tilespmem:$0x16750] =	vst v63  }
0xd5: {  	s19 =	ssub.s32 @!p2 $0x7C00, s0;
	s24 =	sor.u32 @!p2 $0x180, s20  }
0xd6: {  	[tilespmem:s19], [sflag:$0x2] =	stream.indirect.gather @!p2 [hbm4b:s3+s21], $0x10, s24, s21, $0xb8;
	[tilespmem:$0x16750] =	vst v63  }
0xd7: {  	s19 =	ssub.s32 @!p2 $0x8400, s0;
	s24 =	sor.u32 @!p2 $0x200, s20  }
0xd8: {  	[tilespmem:s19], [sflag:$0x2] =	stream.indirect.gather @!p2 [hbm4b:s3+s21], $0x10, s24, s21, $0xb8;
	[tilespmem:$0x16750] =	vst v63  }
0xd9: {  	p3 =	sgt.u32 @!p2 s31, $0x5F;
	s19 =	ssub.s32 @!p2 $0x8C00, s0;
	s24 =	sor.u32 @!p2 $0x280, s20  }
0xda: {  	[tilespmem:s19], [sflag:$0x2] =	stream.indirect.gather @!p2 [hbm4b:s3+s21], $0x10, s24, s21, $0xb8;
	[tilespmem:$0x16750] =	vst v63  }
0xdb: {  	p3 =	por p3, p2;
	s19 =	ssub.s32 @!p2 $0x9400, s0;
	s24 =	sor.u32 @!p2 $0x300, s20  }
0xdc: {  	[tilespmem:s19], [sflag:$0x2] =	stream.indirect.gather @!p2 [hbm4b:s3+s21], $0x10, s24, s21, $0xb8;
	[tilespmem:$0x16750] =	vst v63  }
0xdd: {  	s19 =	sadd.s32 @!p3 $0x2, s31  }
0xde: {  	s0 =	ssub.s32 @!p2 $0x9C00, s0;
	s20 =	sor.u32 @!p2 $0x380, s20;
	s24 =	smul.u32 @!p3 $0xAB, s19  }
0xdf: {  	[tilespmem:s0], [sflag:$0x2] =	stream.indirect.gather @!p2 [hbm4b:s3+s21], $0x10, s20, s21, $0xb8;
	[tilespmem:$0x16750] =	vst v63  }
0xe0: {  	s0 =	sshrl.u32 @!p3 s24, $0x9  }
0xe1: {  	s0 =	sand.u32 @!p3 $0x7F, s0  }
0xe2: {  	s0 =	smul.u32 @!p3 $0x3, s0  }
0xe3: {  	s20 =	sadd.s32 @!p3 s11, s19  }
0xe4: {  	s0 =	ssub.s32 @!p3 s19, s0;
	s19 =	sshll.u32 @!p3 s20, $0x7  }
0xe5: {  	s0 =	sand.u32 @!p3 $0xFF, s0;
	s19 =	sand.u32 @!p3 $0x1FFFFF80, s19  }
0xe6: {  	s21 =	simm.s32 @!p3 $0x0;
	s0 =	sshll.u32 @!p3 s0, $0xA;
	s20 =	sadd.s32 @!p3 s5, s19  }
0xe7: {  	[tilespmem:s0], [sflag:$0x1] =	stream.linear.gather @!p3 [hbm4b:s20+s21], $0x400, $0x38;
	[tilespmem:$0x16750] =	vst v63  }
0xe8: {  	s24 =	sadd.s32 @!p3 s6, s19;
	s20 =	sadd.s32 @!p3 $0xC00, s0  }
0xe9: {  	[tilespmem:s20], [sflag:$0x1] =	stream.linear.gather @!p3 [hbm4b:s24+s21], $0x400, $0x38;
	[tilespmem:$0x16750] =	vst v63  }
0xea: {  	s19 =	sadd.s32 @!p3 s4, s19;
	s0 =	sadd.s32 @!p3 $0x1800, s0  }
0xeb: {  	[tilespmem:s0], [sflag:$0x1] =	stream.linear.gather @!p3 [hbm4b:s19+s21], $0x400, $0x38;
	[tilespmem:$0x16750] =	vst v63  }
0xec: {  	p3 =	sne.s32 @!p2 s18, $0x62  }
0xed: {  	p3 =	por p2, !p3  }
.Ltmp1:
0xee: {  	_ = 	snop;
	(pc) =	sbr.rel @!p3 .LBB2_2-.Ltmp1, $2  }
0xef: {  	_ =	sdelay $0x2  }
0xf0: {  	s30 =	sadd.s32 @!p2 $0x400, s30;
	p1 =	por @!p2 !p1, !p1;
	s31 =	smov.u32 s18  }
0xf1: {  	_ =	swait.ge [sflag:s28], $0x800  }
0xf2: {  	[sflag:s28] =	ssyncset.done $0x0  }
0xf3: {  	[sflag:s28] =	ssyncadd.s32 $0xFFFFF800  }
0xf4: {  	_ =	swait.ge [sflag:s28], $0x800  }
0xf5: {  	[sflag:s28] =	ssyncset.done $0x0  }
0xf6: {  	[sflag:s28] =	ssyncadd.s32 $0xFFFFF800  }
0xf7: {  	_ =	swait.ge [sflag:s28], $0x800  }
0xf8: {  	[sflag:s28] =	ssyncset.done $0x0  }
0xf9: {  	[sflag:s28] =	ssyncadd.s32 $0xFFFFF800  }
0xfa: {  	_ =	swait.ge [sflag:s28], $0x800  }
0xfb: {  	[sflag:s28] =	ssyncset.done $0x0  }
0xfc: {  	[sflag:s28] =	ssyncadd.s32 $0xFFFFF800  }
0xfd: {  	_ =	swait.ge [sflag:s28], $0x800  }
0xfe: {  	[sflag:s28] =	ssyncset.done $0x0  }
0xff: {  	[sflag:s28] =	ssyncadd.s32 $0xFFFFF800  }
0x100: {  	_ =	swait.ge [sflag:s28], $0x800  }
0x101: {  	[sflag:s28] =	ssyncset.done $0x0  }
0x102: {  	[sflag:s28] =	ssyncadd.s32 $0xFFFFF800  }
0x103: {  	_ =	swait.ge [sflag:s28], $0x800  }
0x104: {  	[sflag:s28] =	ssyncset.done $0x0  }
0x105: {  	[sflag:s28] =	ssyncadd.s32 $0xFFFFF800  }
0x106: {  	_ =	swait.ge [sflag:s28], $0x800  }
0x107: {  	[sflag:s28] =	ssyncset.done $0x0  }
0x108: {  	s29 =	sadd.s32 $0x1, s29;
	[sflag:s28] =	ssyncadd.s32 $0xFFFFF800  }
0x109: {  	s0 =	simm.s32 @!p0 $0x1C04;
	p1 =	sne.s32 s29, s16;
	[bflag:$0x0] =	sbarrier.arrive $0xFFFF  }
0x10a: {  	[hbm:s15], [sflag:s0] =	dma.local @!p0 [spmem:s17], $0x186A0  }
.Ltmp2:
0x10b: {  	_ = 	snop;
	(pc) =	sbr.rel @p1 .LBB2_1-.Ltmp2, $4  }
0x10c: {  	s0 =	simm.s32 @!p0 $0x4  }
0x10d: {  	_ =	swait.ge @!p0 [sflag:s0], $0x186A0  }
0x10e: {  	[sflag:s0] =	ssyncset.done @!p0 $0x0  }
0x10f: {  	[sflag:s0] =	ssyncadd.s32 @!p0 $0xFFFE7960  }
0x110: {  	_ =	sfence.sel $0x180000  }
0x111: {  	[bflag:$0x0] =	sbarrier.arrive $0xFFFF  }
0x112: {  	_ =	strace $0x9000004D  }
0x113: {  	[bflag:$0x2] =	sbarrier.arrive $0xFFFF  }
0x114: {  	s0 =	rddreg [dreg:$0x2]  }
0x115: {  	s0 =	sadd.s32 @!p0 $0x100000, s0  }
0x116: {  	[sflag:s0] =	ssyncadd.tile.s32 @!p0 $0x1;
	_ =	shalt  }
.Lfunc_end2:
_tile_overlayer_lowered:
.L_overlay_start_2:
0x117: {  	(tag) =	ssettag $0x2  }
0x118: {  	s0 =	rddreg [dreg:$0x0];
	s2 =	stileid.u32  }
0x119: {  	s1 =	rddreg [dreg:$0x1];
	p0 =	sne.s32 s2, $0x0  }
0x11a: {  	s3 =	rddreg [dreg:$0x2];
	[bflag:$0x3] =	sbarrier.arrive $0xFFFF;
	s2 =	simm.s32 @!p0 $0x1C04  }
0x11b: {  	[timem:s3], [sflag:s2] =	dma.local @!p0 [hbm:s0], s1  }
0x11c: {  	s0 =	simm.s32 @!p0 $0x4  }
0x11d: {  	_ =	swait.ge @!p0 [sflag:s0], s1  }
0x11e: {  	s1 =	ssub.s32 @!p0 $0x0, s1;
	[sflag:s0] =	ssyncset.done @!p0 $0x0  }
0x11f: {  	[sflag:s0] =	ssyncadd.s32 @!p0 s1  }
0x120: {  	[bflag:$0x3] =	sbarrier.arrive $0xFFFF  }
0x121: {  	_ =	shalt  }

// kernel: kernel.7.cloned.1.call-start
scs
__scs_entry_jumppad:
0x0: {  	(pc) =	sbr.rel $0x88, $3  }
0x1: {  	(tag) =	ssettag $0x0;
	lr =	simm.s32 $0x1  }
0x2: {  	[smem:$0x3F9A] =	sst lr;
	_ =	strace $0xD0000000  }
0x3: {  	_ = 	snop  }
0x4: {  	_ = 	snop  }
0x5: {  	_ = 	snop  }
0x6: {  	_ = 	snop  }
0x7: {  	_ = 	snop  }
__scs_overlays_trampoline_lowered:
0x8: {  	[smem:$0x3FA9] =	sst s0  }
0x9: {  	[smem:$0x3FAA] =	sst s1  }
0xa: {  	[smem:$0x3FAB] =	sst s2  }
0xb: {  	[smem:$0x3FAC] =	sst s3  }
0xc: {  	[smem:$0x3FAD] =	sst s4  }
0xd: {  	[smem:$0x3FAE] =	sst s5  }
0xe: {  	[smem:$0x3FAF] =	sst s6  }
0xf: {  	[smem:$0x3FB0] =	sst s7  }
0x10: {  	[smem:$0x3FB1] =	sst s8  }
0x11: {  	[smem:$0x3FB2] =	sst s9;
	s0 =	simm.s32 @!p0 $0x0  }
0x12: {  	s1 =	sld [smem:$0x3F98];
	s0 =	simm.s32 @p0 $0x1  }
0x13: {  	[smem:$0x3FB3] =	sst s0;
	s0 =	simm.s32 @!p1 $0x0  }
0x14: {  	s2 =	sld [smem:$0x3F97];
	s0 =	simm.s32 @p1 $0x1  }
0x15: {  	[smem:$0x3FB4] =	sst s0;
	s0 =	simm.s32 @!p2 $0x0  }
0x16: {  	s3 =	sld [smem:$0x3FDB];
	s0 =	simm.s32 @p2 $0x1  }
0x17: {  	s4 =	simm.s32 $0x1BF5;
	[smem:$0x3FB6] =	sst s0  }
0x18: {  	s0 =	sld [smem:$0x3F99];
	_ =	swait.ge [sflag:s4], $0x0  }
0x19: {  	s7 =	sld [smem:$0x3F9A]  }
0x1a: {  	s8 =	sadd.s32 $0xFFFFE003, lr  }
0x1b: {  	s9 =	sadd.s32 $0xFFFFFEF7, lr;
	s5 =	simm.s32 $0xFFFFFFFF;
	p2 =	slt.u32 s8, $0xFFFFF086  }
0x1c: {  	p1 =	slt.u32 s9, $0xF7A;
	s5 =	simm.s32 @!p2 $0x0  }
0x1d: {  	s5 =	simm.s32 @p1 $0x1;
	p0 =	seq.s32 s7, s2  }
0x1e: {  	s7 =	smul.u32 @!p0 $0xF7A, s2;
	p2 =	seq.s32 @!p0 s5, $0x0  }
0x1f: {  	s9 =	smul.u32 $0xF7A, s1;
	s8 =	simm.s32 @!p0 $0x1BF5;
	p2 =	por !p2, p0  }
0x20: {  	[sflag:s8] =	ssyncset.s32 @!p0 $0xFFFFF086;
	s6 =	sadd.s32 @!p0 s3, s7;
	s7 =	simm.s32 @!p0 $0x108  }
0x21: {  	s3 =	sadd.s32 s3, s9;
	s6 =	sadd.s32 @!p0 $0x88, s6;
	s7 =	simm.s32 @p2 $0x1082  }
0x22: {  	[simem:s7], [sflag:s8] =	dma.local @!p0 [hbm:s6], $0xF7A  }
0x23: {  	s9 =	sor.u32 $0xD0000000, s2;
	s6 =	simm.s32 $0x108;
	_ =	swait.ge @!p0 [sflag:s8], $0x0  }
0x24: {  	s3 =	sadd.s32 $0x88, s3;
	s6 =	simm.s32 @!p1 $0x1082;
	[sflag:s4] =	ssyncset.s32 $0xFFFFF086  }
0x25: {  	[simem:s6], [sflag:s4] =	dma.local [hbm:s3], $0xF7A  }
0x26: {  	[smem:$0x3F9A] =	sst s1;
	(tag) =	ssettag s2;
	_ =	strace s9  }
0x27: {  	s1 =	sld [smem:$0x3FAA]  }
0x28: {  	s2 =	sld [smem:$0x3FAB]  }
0x29: {  	s4 =	sld [smem:$0x3FAD]  }
0x2a: {  	p0 =	seq.s32 s5, $0x0;
	s5 =	sld [smem:$0x3FAE]  }
0x2b: {  	s6 =	sld [smem:$0x3FAF]  }
0x2c: {  	s7 =	sld [smem:$0x3FB0]  }
0x2d: {  	s3 =	simm.s32 $0x108;
	s8 =	sld [smem:$0x3FB1]  }
0x2e: {  	s3 =	simm.s32 @!p0 $0x1082;
	s9 =	sld [smem:$0x3FB2]  }
0x2f: {  	lr =	sadd.s32 s0, s3;
	s0 =	sld [smem:$0x3FA9]  }
0x30: {  	s3 =	sld [smem:$0x3FAC]  }
0x31: {  	[smem:$0x3FB5] =	sst s10  }
0x32: {  	s10 =	sld [smem:$0x3FB3];
	_ =	sdelay $0x3  }
0x33: {  	p0 =	seq.s32 s10, $0x1;
	s10 =	sld [smem:$0x3FB5];
	_ =	sdelay $0x3  }
0x34: {  	[smem:$0x3FB5] =	sst s10  }
0x35: {  	s10 =	sld [smem:$0x3FB4];
	_ =	sdelay $0x3  }
0x36: {  	p1 =	seq.s32 s10, $0x1;
	s10 =	sld [smem:$0x3FB5];
	_ =	sdelay $0x3  }
0x37: {  	[smem:$0x3FB5] =	sst s10  }
0x38: {  	s10 =	sld [smem:$0x3FB6]  }
0x39: {  	_ = 	snop;
	(pc) =	sbr.ind lr, $3  }
0x3a: {  	_ = 	snop  }
0x3b: {  	_ = 	snop  }
0x3c: {  	p2 =	seq.s32 s10, $0x1;
	s10 =	sld [smem:$0x3FB5]  }
0x3d: {  	_ =	shalt  }
0x3e: {  	_ =	shalt  }
0x3f: {  	_ =	shalt  }
0x40: {  	_ =	shalt  }
0x41: {  	_ =	shalt  }
0x42: {  	_ =	shalt  }
0x43: {  	_ =	shalt  }
0x44: {  	_ =	shalt  }
0x45: {  	_ =	shalt  }
0x46: {  	_ =	shalt  }
0x47: {  	_ =	shalt  }
0x48: {  	_ =	shalt  }
0x49: {  	_ =	shalt  }
0x4a: {  	_ =	shalt  }
0x4b: {  	_ =	shalt  }
0x4c: {  	_ =	shalt  }
0x4d: {  	_ =	shalt  }
0x4e: {  	_ =	shalt  }
0x4f: {  	_ =	shalt  }
0x50: {  	_ =	shalt  }
0x51: {  	_ =	shalt  }
0x52: {  	_ =	shalt  }
0x53: {  	_ =	shalt  }
0x54: {  	_ =	shalt  }
0x55: {  	_ =	shalt  }
0x56: {  	_ =	shalt  }
0x57: {  	_ =	shalt  }
0x58: {  	_ =	shalt  }
0x59: {  	_ =	shalt  }
0x5a: {  	_ =	shalt  }
0x5b: {  	_ =	shalt  }
0x5c: {  	_ =	shalt  }
0x5d: {  	_ =	shalt  }
0x5e: {  	_ =	shalt  }
0x5f: {  	_ =	shalt  }
0x60: {  	_ =	shalt  }
0x61: {  	_ =	shalt  }
0x62: {  	_ =	shalt  }
0x63: {  	_ =	shalt  }
0x64: {  	_ =	shalt  }
0x65: {  	_ =	shalt  }
0x66: {  	_ =	shalt  }
0x67: {  	_ =	shalt  }
0x68: {  	_ =	shalt  }
0x69: {  	_ =	shalt  }
0x6a: {  	_ =	shalt  }
0x6b: {  	_ =	shalt  }
0x6c: {  	_ =	shalt  }
0x6d: {  	_ =	shalt  }
0x6e: {  	_ =	shalt  }
0x6f: {  	_ =	shalt  }
0x70: {  	_ =	shalt  }
0x71: {  	_ =	shalt  }
0x72: {  	_ =	shalt  }
0x73: {  	_ =	shalt  }
0x74: {  	_ =	shalt  }
0x75: {  	_ =	shalt  }
0x76: {  	_ =	shalt  }
0x77: {  	_ =	shalt  }
0x78: {  	_ =	shalt  }
0x79: {  	_ =	shalt  }
0x7a: {  	_ =	shalt  }
0x7b: {  	_ =	shalt  }
0x7c: {  	_ =	shalt  }
0x7d: {  	_ =	shalt  }
0x7e: {  	_ =	shalt  }
0x7f: {  	_ =	shalt  }
0x80: {  	_ =	shalt  }
0x81: {  	_ =	shalt  }
0x82: {  	_ =	shalt  }
0x83: {  	_ =	shalt  }
0x84: {  	_ =	shalt  }
0x85: {  	_ =	shalt  }
0x86: {  	_ =	shalt  }
0x87: {  	_ =	shalt  }
.Lfunc_end0:
.L_simem_size_0:
called_computation_lowered:
.L_overlay_start_0:
0x88: {  	s2 =	sld [smem:$0x3FD9]  }
0x89: {  	s3 =	sld [smem:$0x3FFE];
	_ =	sdelay $0x1  }
0x8a: {  	s1 =	srdreg.scid  }
0x8b: {  	s0 =	sand.u32 $0x1, s1  }
0x8c: {  	s16 =	sshll.u32 s0, $0xA;
	s2 =	sadd.s32 s3, s2  }
0x8d: {  	s2 =	sadd.s32 s2, s16  }
0x8e: {  	[smem:$0x3FC1] =	sst s2  }
0x8f: {  	_ = 	snop  }
0x90: {  	(tm) =	ssettm $0x1  }
0x91: {  	s17 =	sld [smem:$0x3FFB];
	_ =	sdelay $0x3  }
0x92: {  	_ =	strace s17  }
0x93: {  	s2 =	sld [smem:$0x3FFC];
	_ =	sdelay $0x3  }
0x94: {  	_ =	strace s2  }
0x95: {  	s2 =	sld [smem:$0x3FFD];
	_ =	sdelay $0x3  }
0x96: {  	_ =	strace s2  }
0x97: {  	_ =	strace $0x8FFFFFFF  }
0x98: {  	s18 =	sld [smem:$0x3FDB];
	_ =	sdelay $0x1  }
0x99: {  	s19 =	simm.s32 $_scs_section_size  }
0x9a: {  	s4 =	simm.s32 $_size__tile_overlayer_lowered;
	s5 =	simm.s32 $_tile_overlayer_lowered  }
0x9b: {  	s22 =	simm.s32 $0x1BFF;
	s21 =	sshll.u32 s5, $0x1;
	s2 =	sadd.s32 s19, s18  }
0x9c: {  	s6 =	simm.s32 $0x0;
	s20 =	sshll.u32 s4, $0x1;
	s4 =	sadd.s32 s21, s2  }
0x9d: {  	[timem:s6], [sflag:s22] =	dma.local [hbm:s4], s20  }
0x9e: {  	_ =	swait.ge [sflag:s22], s20  }
0x9f: {  	s3 =	ssub.s32 $0x0, s20;
	[sflag:s22] =	ssyncset.done $0x0  }
0xa0: {  	[sflag:s22] =	ssyncadd.s32 s3;
	_ =	sdelay $0x1  }
0xa1: {  	s23 =	simm.s32 $0x1B8B  }
0xa2: {  	_ =	swait.ge [sflag:s23], $0x1  }
0xa3: {  	[sflag:s23] =	ssyncset.done $0x0  }
0xa4: {  	s25 =	simm.s32 $0x1B8E;
	s24 =	sld [smem:$0x3FFE];
	[sflag:s23] =	ssyncadd.s32 $0xFFFFFFFF  }
0xa5: {  	s26 =	simm.s32 $execute0_lowered;
	[smem:$0x3FD2] =	sst s25  }
0xa6: {  	s4 =	sshll.u32 s26, $0x1;
	_ =	strace $0x80000046;
	[dreg:$0x1] =	wrdreg $0xFFFFFFFF  }
0xa7: {  	s28 =	simm.s32 $_size_execute0_lowered;
	s2 =	sadd.s32 s2, s4;
	[dreg:$0x0] =	wrdreg $0x0  }
0xa8: {  	s4 =	sshll.u32 s28, $0x1;
	[dreg:$0x2] =	wrdreg s2  }
0xa9: {  	[dreg:$0x3] =	wrdreg s4  }
0xaa: {  	[dreg:$0x4] =	wrdreg $0xC0  }
0xab: {  	_ =	task [dreg:s6], $0x5FFFF  }
0xac: {  	[dreg:$0x1] =	wrdreg $0xFFFFFFFF  }
0xad: {  	[dreg:$0x0] =	wrdreg $0x60  }
0xae: {  	[dreg:$0x2] =	wrdreg s24  }
0xaf: {  	[dreg:$0x3] =	wrdreg $0x14800  }
0xb0: {  	[dreg:$0x4] =	wrdreg $0x9  }
0xb1: {  	_ =	task.clear_ibuf [dreg:s6], $0x5FFFF;
	_ =	strace $0x90000046  }
0xb2: {  	s29 =	simm.s32 $0x9;
	_ =	strace $0x80000048  }
0xb3: {  	_ =	swait.ge [sflag:s29], $0x1  }
0xb4: {  	[sflag:s29] =	ssyncadd.s32 $0xFFFFFFFF  }
0xb5: {  	_ =	strace $0x90000048  }
0xb6: {  	_ =	sfence  }
0xb7: {  	s30 =	sld [smem:$0x0];
	_ =	sdelay $0x2  }
0xb8: {  	s31 =	sshll.u32 s1, $0xD;
	s1 =	sshrl.u32 s1, $0x2  }
0xb9: {  	s3 =	sand.u32 $0x4000, s31;
	s1 =	sadd.s32 s1, s30  }
0xba: {  	s0 =	sor.u32 s3, s0;
	s1 =	sshll.u32 s1, $0x11  }
0xbb: {  	s0 =	sor.u32 s1, s0  }
0xbc: {  	s0 =	sadd.s32 $0x8F2B, s0  }
0xbd: {  	[sflag:s0] =	ssyncadd.remote.s32 $0x1  }
0xbe: {  	_ =	sfence.sel $0xFFFF  }
0xbf: {  	[dreg:$0x0] =	wrdreg $0xFFFFFFFF;
	(pc) =	sbr.abs _section_cstart, $3  }
0xc0: {  	[dreg:$0x1] =	wrdreg $0xFFFFFFFF  }
0xc1: {  	_ =	task.clear_ibuf [dreg:s6], $0x2FFFF;
	_ =	strace $0x9FFFFFFF  }
0xc2: {  	(tm) =	ssettm $0x7FFFFFFF  }
0xc3: {  	_ =	shalt  }
tec
execute0_lowered:
.L_overlay_start_1:
0x0: {  	(tag) =	ssettag $0x1  }
0x1: {  	s0 =	rddreg [dreg:$0x0]  }
0x2: {  	s1 =	rddreg [dreg:$0x1];
	s2 =	simm.s32 $0x0;
	s4 =	srdreg.scid  }
0x3: {  	s12 =	stileid.u32;
	s15 =	simm.s32 $0x400;
	s16 =	simm.s32 $0x1  }
0x4: {  	s17 =	simm.s32 $0x80;
	s18 =	simm.s32 $0x1400;
	s19 =	simm.s32 $0x3  }
0x5: {  	s22 =	simm.s32 $0x2;
	s23 =	simm.s32 $0x4;
	s24 =	simm.s32 $0x0  }
0x6: {  	[smem:$0x7FF] =	sst s2;
	s3 =	sadd.s32 $0xC6000, s0;
	s8 =	smul.u32 $0x6200, s12  }
0x7: {  	s9 =	sand.u32 $0x1, s4;
	s30 =	sadd.s32 $0x128000, s0;
	s31 =	smul.u32 $0x18800, s12  }
0x8: {  	p0 =	sne.s32 s12, $0x0;
	_ =	strace $0x80000047;
	[dreg:$0x3] =	wrdreg s30  }
0x9: {  	s5 =	sshll.u32 s9, $0x4;
	s6 =	ssub.s32 $0x2, s9;
	s14 =	smul.u32 $0x188000, s9  }
0xa: {  	s7 =	sor.u32 s12, s5;
	s5 =	sadd.s32 $0x140800, s0;
	s10 =	sshrl.u32 s6, $0x1  }
0xb: {  	s0 =	sadd.s32 $0xC6080, s0;
	s11 =	smul.u32 $0x3100, s7;
	s13 =	ssub.s32 s6, s10  }
0xc: {  	s6 =	smul.u32 $0x62, s7;
	s7 =	sadd.s32 s3, s8;
	s8 =	sadd.s32 s8, s0  }
0xd: {  	s25 =	sadd.s32 s31, s14;
	s14 =	sshrl.u32 @!p0 s1, $0x3;
	s28 =	sadd.s32 $0x100, s7  }
0xe: {  	v0 =	vimm.f32 $1.000000000e+00;
	s9 =	sadd.s32 s3, s11;
	s10 =	sadd.s32 s11, s0;
	s11 =	smax.u32 s13, $0x1  }
.LBB2_1:
0xf: {  	s0 =	simm.s32 @!p0 $0x1C05;
	s4 =	rddreg [dreg:$0x3]  }
0x10: {  	[spmem:s14], [sflag:s0] =	dma.local @!p0 [hbm:s4], $0x186A2  }
0x11: {  	s0 =	simm.s32 @!p0 $0x5  }
0x12: {  	_ =	swait.ge @!p0 [sflag:s0], $0x186A2  }
0x13: {  	[sflag:s0] =	ssyncset.done @!p0 $0x0  }
0x14: {  	[sflag:s0] =	ssyncadd.s32 @!p0 $0xFFFE795E  }
0x15: {  	[tilespmem:$0x1400] =	vst v0  }
0x16: {  	[tilespmem:$0x1410] =	vst v0  }
0x17: {  	[tilespmem:$0x1420] =	vst v0  }
0x18: {  	[tilespmem:$0x1430] =	vst v0  }
0x19: {  	[tilespmem:$0x1440] =	vst v0  }
0x1a: {  	[tilespmem:$0x1450] =	vst v0  }
0x1b: {  	[tilespmem:$0x1460] =	vst v0  }
0x1c: {  	[tilespmem:$0x1470] =	vst v0  }
0x1d: {  	[bflag:$0x0] =	sbarrier.arrive $0xFFFF  }
0x1e: {  	[tilespmem:s2], [sflag:$0x1] =	stream.linear.gather [hbm4b:s7+s2], $0x400, $0x38;
	[tilespmem:$0xD7D8] =	vst v63  }
0x1f: {  	_ = 	snop  }
0x20: {  	[tilespmem:s15], [sflag:$0x1] =	stream.linear.gather [hbm4b:s8+s2], $0x400, $0x38;
	[tilespmem:$0xD7D8] =	vst v63  }
0x21: {  	_ =	swait.ge [sflag:s16], $0x400  }
0x22: {  	p1 =	por $0x1, $0x1;
	[sflag:s16] =	ssyncset.done $0x0  }
0x23: {  	s0 =	simm.s32 @!p1 $0x3;
	[sflag:s16] =	ssyncadd.s32 $0xFFFFFC00  }
0x24: {  	_ =	swait.ge @!p1 [sflag:s0], $0x80  }
0x25: {  	[sflag:s0] =	ssyncset.done @!p1 $0x0  }
0x26: {  	[sflag:s0] =	ssyncadd.s32 @!p1 $0xFFFFFF80  }
0x27: {  	_ =	swait.ge @!p1 [sflag:s0], $0x80  }
0x28: {  	[sflag:s0] =	ssyncset.done @!p1 $0x0  }
0x29: {  	[sflag:s0] =	ssyncadd.s32 @!p1 $0xFFFFFF80  }
0x2a: {  	_ =	swait.ge @!p1 [sflag:s0], $0x80  }
0x2b: {  	[sflag:s0] =	ssyncset.done @!p1 $0x0  }
0x2c: {  	[sflag:s0] =	ssyncadd.s32 @!p1 $0xFFFFFF80  }
0x2d: {  	_ =	swait.ge @!p1 [sflag:s0], $0x80  }
0x2e: {  	[sflag:s0] =	ssyncset.done @!p1 $0x0  }
0x2f: {  	[sflag:s0] =	ssyncadd.s32 @!p1 $0xFFFFFF80  }
0x30: {  	_ =	swait.ge @!p1 [sflag:s0], $0x80  }
0x31: {  	[sflag:s0] =	ssyncset.done @!p1 $0x0  }
0x32: {  	[sflag:s0] =	ssyncadd.s32 @!p1 $0xFFFFFF80  }
0x33: {  	s12 =	smul.u32 $0xAB, s2;
	_ =	swait.ge @!p1 [sflag:s0], $0x80  }
0x34: {  	[sflag:s0] =	ssyncset.done @!p1 $0x0  }
0x35: {  	s12 =	sshrl.u32 s12, $0x9;
	[sflag:s0] =	ssyncadd.s32 @!p1 $0xFFFFFF80  }
0x36: {  	s12 =	sand.u32 $0x7F, s12;
	_ =	swait.ge @!p1 [sflag:s0], $0x80  }
0x37: {  	s12 =	smul.u32 $0x3, s12;
	[sflag:s0] =	ssyncset.done @!p1 $0x0  }
0x38: {  	[sflag:s0] =	ssyncadd.s32 @!p1 $0xFFFFFF80  }
0x39: {  	s12 =	ssub.s32 $0x0, s12;
	_ =	swait.ge @!p1 [sflag:s0], $0x80  }
0x3a: {  	s12 =	sand.u32 $0xFF, s12;
	[sflag:s0] =	ssyncset.done @!p1 $0x0  }
0x3b: {  	s30 =	sshll.u32 s12, $0xA;
	[sflag:s0] =	ssyncadd.s32 @!p1 $0xFFFFFF80  }
0x3c: {  	[spmem:s1] =	stream.indirect.scatter.add.f32 [tilespmem:s18], [sflag:$0x3], $0x1, s30, s17, $0xb8;
	[tilespmem:$0xD7D8] =	vst v63  }
0x3d: {  	p2 =	por $0x0, $0x0;
	s20 =	sor.u32 $0x80, s30  }
0x3e: {  	[spmem:s1] =	stream.indirect.scatter.add.f32 [tilespmem:s18], [sflag:$0x3], $0x1, s20, s17, $0xb8;
	[tilespmem:$0xD7D8] =	vst v63  }
0x3f: {  	s21 =	sor.u32 $0x100, s30;
	s0 =	simm.s32 @!p2 $0x2  }
0x40: {  	[spmem:s1] =	stream.indirect.scatter.add.f32 [tilespmem:s18], [sflag:$0x3], $0x1, s21, s17, $0xb8;
	[tilespmem:$0xD7D8] =	vst v63  }
0x41: {  	s12 =	sor.u32 $0x180, s30;
	s26 =	sor.u32 $0x200, s30;
	s13 =	smul.u32 @!p2 $0xAB, s0  }
0x42: {  	[spmem:s1] =	stream.indirect.scatter.add.f32 [tilespmem:s18], [sflag:$0x3], $0x1, s12, s17, $0xb8;
	[tilespmem:$0xD7D8] =	vst v63  }
0x43: {  	s31 =	sor.u32 $0x300, s30;
	s20 =	sor.u32 $0x280, s30;
	s29 =	sshrl.u32 @!p2 s13, $0x9  }
0x44: {  	[spmem:s1] =	stream.indirect.scatter.add.f32 [tilespmem:s18], [sflag:$0x3], $0x1, s26, s17, $0xb8;
	[tilespmem:$0xD7D8] =	vst v63  }
0x45: {  	s13 =	smov.u32 s28;
	s12 =	smov.u32 s28;
	s26 =	simm.s32 $0x1  }
.LBB2_2:
0x46: {  	s21 =	sand.u32 @!p2 $0x7F, s29  }
0x47: {  	s12 =	sadd.s32 $0x80, s12;
	s29 =	smov.u32 s26;
	s26 =	sadd.s32 $0x1, s26  }
0x48: {  	[spmem:s1] =	stream.indirect.scatter.add.f32 [tilespmem:s18], [sflag:$0x3], $0x1, s20, s17, $0xb8;
	[tilespmem:$0xD7D8] =	vst v63  }
0x49: {  	p1 =	sne.s32 s26, $0xC4;
	s20 =	smul.u32 @!p2 $0x3, s21  }
0x4a: {  	[spmem:s1] =	stream.indirect.scatter.add.f32 [tilespmem:s18], [sflag:$0x3], $0x1, s31, s17, $0xb8;
	[tilespmem:$0xD7D8] =	vst v63  }
0x4b: {  	s21 =	sor.u32 $0x380, s30;
	s0 =	ssub.s32 @!p2 s0, s20  }
0x4c: {  	[spmem:s1] =	stream.indirect.scatter.add.f32 [tilespmem:s18], [sflag:$0x3], $0x1, s21, s17, $0xb8;
	[tilespmem:$0xD7D8] =	vst v63  }
0x4d: {  	s20 =	simm.s32 @!p2 $0x0;
	s0 =	sand.u32 @!p2 $0xFF, s0  }
0x4e: {  	p3 =	seq.s32 s29, $0x0;
	s0 =	sshll.u32 @!p2 s0, $0xA  }
0x4f: {  	[tilespmem:s0], [sflag:$0x1] =	stream.linear.gather @!p2 [hbm4b:s13+s20], $0x400, $0x38;
	[tilespmem:$0xD7D8] =	vst v63  }
0x50: {  	s0 =	simm.s32 @!p3 $0x3;
	s13 =	smov.u32 s12;
	_ =	swait.ge [sflag:s16], $0x400  }
0x51: {  	[sflag:s16] =	ssyncset.done $0x0  }
0x52: {  	[sflag:s16] =	ssyncadd.s32 $0xFFFFFC00  }
0x53: {  	_ =	swait.ge @!p3 [sflag:s0], $0x80  }
0x54: {  	[sflag:s0] =	ssyncset.done @!p3 $0x0  }
0x55: {  	[sflag:s0] =	ssyncadd.s32 @!p3 $0xFFFFFF80  }
0x56: {  	_ =	swait.ge @!p3 [sflag:s0], $0x80  }
0x57: {  	[sflag:s0] =	ssyncset.done @!p3 $0x0  }
0x58: {  	[sflag:s0] =	ssyncadd.s32 @!p3 $0xFFFFFF80  }
0x59: {  	_ =	swait.ge @!p3 [sflag:s0], $0x80  }
0x5a: {  	[sflag:s0] =	ssyncset.done @!p3 $0x0  }
0x5b: {  	s20 =	smul.u32 $0xAB, s29;
	[sflag:s0] =	ssyncadd.s32 @!p3 $0xFFFFFF80  }
0x5c: {  	_ =	swait.ge @!p3 [sflag:s0], $0x80  }
0x5d: {  	s20 =	sshrl.u32 s20, $0x9;
	[sflag:s0] =	ssyncset.done @!p3 $0x0  }
0x5e: {  	s20 =	sand.u32 $0x7F, s20;
	[sflag:s0] =	ssyncadd.s32 @!p3 $0xFFFFFF80  }
0x5f: {  	s20 =	smul.u32 $0x3, s20;
	_ =	swait.ge @!p3 [sflag:s0], $0x80  }
0x60: {  	[sflag:s0] =	ssyncset.done @!p3 $0x0  }
0x61: {  	s20 =	ssub.s32 s29, s20;
	[sflag:s0] =	ssyncadd.s32 @!p3 $0xFFFFFF80  }
0x62: {  	s20 =	sand.u32 $0xFF, s20;
	_ =	swait.ge @!p3 [sflag:s0], $0x80  }
0x63: {  	s30 =	sshll.u32 s20, $0xA;
	[sflag:s0] =	ssyncset.done @!p3 $0x0  }
0x64: {  	s31 =	sor.u32 $0x300, s30;
	[sflag:s0] =	ssyncadd.s32 @!p3 $0xFFFFFF80  }
0x65: {  	_ =	swait.ge @!p3 [sflag:s0], $0x80  }
0x66: {  	[sflag:s0] =	ssyncset.done @!p3 $0x0  }
0x67: {  	[sflag:s0] =	ssyncadd.s32 @!p3 $0xFFFFFF80  }
0x68: {  	_ =	swait.ge @!p3 [sflag:s0], $0x80  }
0x69: {  	[sflag:s0] =	ssyncset.done @!p3 $0x0  }
0x6a: {  	[sflag:s0] =	ssyncadd.s32 @!p3 $0xFFFFFF80;
	s0 =	sor.u32 $0x80, s30  }
0x6b: {  	[spmem:s1] =	stream.indirect.scatter.add.f32 [tilespmem:s18], [sflag:$0x3], $0x1, s30, s17, $0xb8;
	[tilespmem:$0xD7D8] =	vst v63  }
0x6c: {  	p2 =	sgt.u32 s29, $0xC1;
	s20 =	sor.u32 $0x100, s30  }
0x6d: {  	[spmem:s1] =	stream.indirect.scatter.add.f32 [tilespmem:s18], [sflag:$0x3], $0x1, s0, s17, $0xb8;
	[tilespmem:$0xD7D8] =	vst v63  }
0x6e: {  	s21 =	sor.u32 $0x180, s30;
	s0 =	sadd.s32 @!p2 $0x2, s29  }
0x6f: {  	[spmem:s1] =	stream.indirect.scatter.add.f32 [tilespmem:s18], [sflag:$0x3], $0x1, s20, s17, $0xb8;
	[tilespmem:$0xD7D8] =	vst v63  }
.Ltmp0:
0x70: {  	_ = 	snop;
	(pc) =	sbr.rel @p1 .LBB2_2-.Ltmp0, $4  }
0x71: {  	s4 =	sor.u32 $0x200, s30;
	s29 =	smul.u32 @!p2 $0xAB, s0  }
0x72: {  	[spmem:s1] =	stream.indirect.scatter.add.f32 [tilespmem:s18], [sflag:$0x3], $0x1, s21, s17, $0xb8;
	[tilespmem:$0xD7D8] =	vst v63  }
0x73: {  	s20 =	sor.u32 $0x280, s30;
	s29 =	sshrl.u32 @!p2 s29, $0x9  }
0x74: {  	[spmem:s1] =	stream.indirect.scatter.add.f32 [tilespmem:s18], [sflag:$0x3], $0x1, s4, s17, $0xb8;
	[tilespmem:$0xD7D8] =	vst v63  }
0x75: {  	[spmem:s1] =	stream.indirect.scatter.add.f32 [tilespmem:s18], [sflag:$0x3], $0x1, s20, s17, $0xb8;
	[tilespmem:$0xD7D8] =	vst v63  }
0x76: {  	s4 =	sand.u32 @!p2 $0x7F, s29  }
0x77: {  	s4 =	smul.u32 @!p2 $0x3, s4  }
0x78: {  	[spmem:s1] =	stream.indirect.scatter.add.f32 [tilespmem:s18], [sflag:$0x3], $0x1, s31, s17, $0xb8;
	[tilespmem:$0xD7D8] =	vst v63  }
0x79: {  	s12 =	sor.u32 $0x380, s30;
	s0 =	ssub.s32 @!p2 s0, s4  }
0x7a: {  	[spmem:s1] =	stream.indirect.scatter.add.f32 [tilespmem:s18], [sflag:$0x3], $0x1, s12, s17, $0xb8;
	[tilespmem:$0xD7D8] =	vst v63  }
0x7b: {  	s0 =	sand.u32 @!p2 $0xFF, s0  }
0x7c: {  	s4 =	simm.s32 @!p2 $0x0;
	s0 =	sshll.u32 @!p2 s0, $0xA  }
0x7d: {  	[tilespmem:s0], [sflag:$0x1] =	stream.linear.gather @!p2 [hbm4b:s13+s4], $0x400, $0x38;
	[tilespmem:$0xD7D8] =	vst v63  }
0x7e: {  	_ =	swait.ge [sflag:s19], $0x80  }
0x7f: {  	[sflag:s19] =	ssyncset.done $0x0  }
0x80: {  	[sflag:s19] =	ssyncadd.s32 $0xFFFFFF80  }
0x81: {  	_ =	swait.ge [sflag:s19], $0x80  }
0x82: {  	[sflag:s19] =	ssyncset.done $0x0  }
0x83: {  	[sflag:s19] =	ssyncadd.s32 $0xFFFFFF80  }
0x84: {  	_ =	swait.ge [sflag:s19], $0x80  }
0x85: {  	[sflag:s19] =	ssyncset.done $0x0  }
0x86: {  	[sflag:s19] =	ssyncadd.s32 $0xFFFFFF80  }
0x87: {  	_ =	swait.ge [sflag:s19], $0x80  }
0x88: {  	[sflag:s19] =	ssyncset.done $0x0  }
0x89: {  	[sflag:s19] =	ssyncadd.s32 $0xFFFFFF80  }
0x8a: {  	_ =	swait.ge [sflag:s19], $0x80  }
0x8b: {  	[sflag:s19] =	ssyncset.done $0x0  }
0x8c: {  	[sflag:s19] =	ssyncadd.s32 $0xFFFFFF80  }
0x8d: {  	_ =	swait.ge [sflag:s19], $0x80  }
0x8e: {  	[sflag:s19] =	ssyncset.done $0x0  }
0x8f: {  	[sflag:s19] =	ssyncadd.s32 $0xFFFFFF80  }
0x90: {  	_ =	swait.ge [sflag:s19], $0x80  }
0x91: {  	[sflag:s19] =	ssyncset.done $0x0  }
0x92: {  	[sflag:s19] =	ssyncadd.s32 $0xFFFFFF80  }
0x93: {  	_ =	swait.ge [sflag:s19], $0x80  }
0x94: {  	[sflag:s19] =	ssyncset.done $0x0  }
0x95: {  	[sflag:s19] =	ssyncadd.s32 $0xFFFFFF80  }
0x96: {  	s26 =	simm.s32 $0x0;
	[bflag:$0x0] =	sbarrier.arrive $0xFFFF  }
0x97: {  	[tilespmem:s26], [sflag:$0x1] =	stream.linear.gather [hbm4b:s9+s26], $0x400, $0x38;
	[tilespmem:$0xD7D8] =	vst v63  }
0x98: {  	_ = 	snop  }
0x99: {  	[tilespmem:s15], [sflag:$0x1] =	stream.linear.gather [hbm4b:s10+s26], $0x400, $0x38;
	[tilespmem:$0xD7D8] =	vst v63  }
0x9a: {  	_ =	swait.ge [sflag:s16], $0x400  }
0x9b: {  	[sflag:s16] =	ssyncset.done $0x0  }
0x9c: {  	s13 =	simm.s32 $0xC00;
	[sflag:s16] =	ssyncadd.s32 $0xFFFFFC00  }
0x9d: {  	[tilespmem:s13], [sflag:$0x2] =	stream.indirect.gather [spmem:s1], $0x1, s26, s17, $0xb8;
	[tilespmem:$0xD7D8] =	vst v63  }
0x9e: {  	s20 =	simm.s32 $0xC80  }
0x9f: {  	[tilespmem:s20], [sflag:$0x2] =	stream.indirect.gather [spmem:s1], $0x1, s17, s17, $0xb8;
	[tilespmem:$0xD7D8] =	vst v63  }
0xa0: {  	s21 =	simm.s32 $0x100;
	s29 =	simm.s32 $0xD00  }
0xa1: {  	[tilespmem:s29], [sflag:$0x2] =	stream.indirect.gather [spmem:s1], $0x1, s21, s17, $0xb8;
	[tilespmem:$0xD7D8] =	vst v63  }
0xa2: {  	s30 =	simm.s32 $0x180;
	s31 =	simm.s32 $0xD80  }
0xa3: {  	[tilespmem:s31], [sflag:$0x2] =	stream.indirect.gather [spmem:s1], $0x1, s30, s17, $0xb8;
	[tilespmem:$0xD7D8] =	vst v63  }
0xa4: {  	s12 =	simm.s32 $0xE00;
	s4 =	simm.s32 $0x200  }
0xa5: {  	[tilespmem:s12], [sflag:$0x2] =	stream.indirect.gather [spmem:s1], $0x1, s4, s17, $0xb8;
	[tilespmem:$0xD7D8] =	vst v63  }
0xa6: {  	s13 =	simm.s32 $0x280;
	s20 =	simm.s32 $0xE80  }
0xa7: {  	[tilespmem:s20], [sflag:$0x2] =	stream.indirect.gather [spmem:s1], $0x1, s13, s17, $0xb8;
	[tilespmem:$0xD7D8] =	vst v63  }
0xa8: {  	p1 =	por $0x0, $0x0;
	s21 =	simm.s32 $0x300;
	s29 =	simm.s32 $0xF00  }
0xa9: {  	[tilespmem:s29], [sflag:$0x2] =	stream.indirect.gather [spmem:s1], $0x1, s21, s17, $0xb8;
	[tilespmem:$0xD7D8] =	vst v63  }
0xaa: {  	s30 =	simm.s32 $0x380;
	s31 =	simm.s32 $0xF80;
	s13 =	smov.u32 s25  }
0xab: {  	[tilespmem:s31], [sflag:$0x2] =	stream.indirect.gather [spmem:s1], $0x1, s30, s17, $0xb8;
	[tilespmem:$0xD7D8] =	vst v63  }
.LBB2_4:
0xac: {  	_ =	swait.ge [sflag:s22], $0x80  }
0xad: {  	[sflag:s22] =	ssyncset.done $0x0  }
0xae: {  	[sflag:s22] =	ssyncadd.s32 $0xFFFFFF80  }
0xaf: {  	_ =	swait.ge [sflag:s22], $0x80  }
0xb0: {  	[sflag:s22] =	ssyncset.done $0x0  }
0xb1: {  	[sflag:s22] =	ssyncadd.s32 $0xFFFFFF80  }
0xb2: {  	_ =	swait.ge [sflag:s22], $0x80  }
0xb3: {  	[sflag:s22] =	ssyncset.done $0x0  }
0xb4: {  	[sflag:s22] =	ssyncadd.s32 $0xFFFFFF80  }
0xb5: {  	_ =	swait.ge [sflag:s22], $0x80  }
0xb6: {  	[sflag:s22] =	ssyncset.done $0x0  }
0xb7: {  	[sflag:s22] =	ssyncadd.s32 $0xFFFFFF80  }
0xb8: {  	_ =	swait.ge [sflag:s22], $0x80  }
0xb9: {  	[sflag:s22] =	ssyncset.done $0x0  }
0xba: {  	[sflag:s22] =	ssyncadd.s32 $0xFFFFFF80  }
0xbb: {  	s0 =	simm.s32 $0x1;
	_ =	swait.ge [sflag:s22], $0x80  }
0xbc: {  	s0 =	simm.s32 @!p1 $0x0;
	[sflag:s22] =	ssyncset.done $0x0  }
0xbd: {  	s0 =	sshll.u32 s0, $0xA;
	[sflag:s22] =	ssyncadd.s32 $0xFFFFFF80  }
0xbe: {  	s0 =	sadd.s32 $0xC00, s0;
	_ =	swait.ge [sflag:s22], $0x80  }
0xbf: {  	v1 =	vmov s0;
	[sflag:s22] =	ssyncset.done $0x0  }
0xc0: {  	[sflag:s22] =	ssyncadd.s32 $0xFFFFFF80  }
0xc1: {  	_ =	swait.ge [sflag:s22], $0x80  }
0xc2: {  	[sflag:s22] =	ssyncset.done $0x0  }
0xc3: {  	s4 =	simm.s32 $0x0;
	[sflag:s22] =	ssyncadd.s32 $0xFFFFFF80  }
0xc4: {  	v2 =	vld.idx.msk [tilespmem:v1+s4+$0x0 ss:$0x1], $0xffff;
	_ =	sdelay $0x4  }
0xc5: {  	(erf) = vrcp.f32 v2;
	_ =	sdelay $0x8  }
0xc6: {  	s12 =	sand.u32 $0x1, s26;
	p2 =	slt.u32 s13, $0x30D400;
	v2 =	vpop (erf)  }
0xc7: {  	s31 =	sadd.s32 s6, s26;
	s20 =	simm.s32 $0x80;
	s21 =	sshll.u32 s12, $0xA;
	v2 =	vpsel !p2, $0x0, v2  }
0xc8: {  	s29 =	smov.u32 s13;
	s30 =	sadd.s32 $0xC00, s21;
	s0 =	simm.s32 $0x10;
	[tilespmem:v1+s4+$0x0 ss:$0x1] =	vst.idx.msk $0xffff, v2  }
.LBB2_5:
0xc9: {  	p2 =	sne.s32 s20, $0xFC0;
	v2 =	vld.idx.msk [tilespmem:v1+s0+$0x0 ss:$0x1], $0xffff;
	_ =	sdelay $0x5  }
0xca: {  	(erf) = vrcp.f32 v2;
	_ =	sdelay $0x6  }
.Ltmp1:
0xcb: {  	(pc) =	sbr.rel @p2 .LBB2_5-.Ltmp1, $4  }
0xcc: {  	s29 =	sadd.s32 $0x10, s29  }
0xcd: {  	p3 =	slt.u32 s29, $0x30D400;
	v2 =	vpop (erf)  }
0xce: {  	v2 =	vpsel !p3, $0x0, v2  }
0xcf: {  	[tilespmem:v1+s0+$0x0 ss:$0x1] =	vst.idx.msk $0xffff, v2;
	s0 =	sshra.s32 s20, $0x2;
	s20 =	sadd.s32 $0x40, s20  }
0xd0: {  	_ =	sdelay $0x3  }
0xd1: {  	v2 =	vld.idx.msk [tilespmem:v1+s0+$0x0 ss:$0x1], $0xffff;
	_ =	sdelay $0x4  }
0xd2: {  	(erf) = vrcp.f32 v2;
	_ =	sdelay $0x7  }
0xd3: {  	s4 =	sadd.s32 $0x10, s29  }
0xd4: {  	p2 =	slt.u32 s4, $0x30D400;
	v2 =	vpop (erf)  }
0xd5: {  	s29 =	sadd.s32 $0x1, s26;
	v2 =	vpsel !p2, $0x0, v2;
	p2 =	seq.s32 s26, $0x0  }
0xd6: {  	s21 =	smul.u32 $0xAB, s29;
	[tilespmem:v1+s0+$0x0 ss:$0x1] =	vst.idx.msk $0xffff, v2;
	s0 =	simm.s32 @!p2 $0x4  }
0xd7: {  	s20 =	sshll.u32 s31, $0x7;
	_ =	swait.ge @!p2 [sflag:s0], $0x400  }
0xd8: {  	s4 =	sshrl.u32 s21, $0x9;
	s21 =	sadd.s32 s5, s20;
	[sflag:s0] =	ssyncset.done @!p2 $0x0  }
0xd9: {  	s31 =	sand.u32 $0x7F, s4;
	[sflag:s0] =	ssyncadd.s32 @!p2 $0xFFFFFC00;
	p2 =	seq.s32 s26, $0x61  }
0xda: {  	[hbm4b:s21+s2] =	stream.linear.scatter [tilespmem:s30], [sflag:$0x4], $0x400, $0x38;
	[tilespmem:$0xD7D8] =	vst v63  }
0xdb: {  	s0 =	smul.u32 $0x3, s31;
	s4 =	simm.s32 @!p2 $0x1  }
0xdc: {  	_ =	swait.ge @!p2 [sflag:s4], $0x400  }
0xdd: {  	s12 =	sshll.u32 @!p2 s12, $0xA;
	s0 =	ssub.s32 s29, s0;
	[sflag:s4] =	ssyncset.done @!p2 $0x0  }
0xde: {  	s0 =	sand.u32 $0xFF, s0;
	[sflag:s4] =	ssyncadd.s32 @!p2 $0xFFFFFC00;
	s4 =	sxor.u32 @!p2 $0x400, s12  }
0xdf: {  	s20 =	simm.s32 @!p2 $0x80;
	s0 =	sshll.u32 @!p2 s0, $0xA;
	s4 =	sadd.s32 @!p2 $0xC00, s4  }
0xe0: {  	[tilespmem:s4], [sflag:$0x2] =	stream.indirect.gather @!p2 [spmem:s1], $0x1, s0, s20, $0xb8;
	[tilespmem:$0xD7D8] =	vst v63  }
0xe1: {  	s21 =	sor.u32 @!p2 $0x80, s0;
	s4 =	ssub.s32 @!p2 $0x1080, s12  }
0xe2: {  	[tilespmem:s4], [sflag:$0x2] =	stream.indirect.gather @!p2 [spmem:s1], $0x1, s21, s20, $0xb8;
	[tilespmem:$0xD7D8] =	vst v63  }
0xe3: {  	s4 =	ssub.s32 @!p2 $0x1100, s12;
	s21 =	sor.u32 @!p2 $0x100, s0  }
0xe4: {  	[tilespmem:s4], [sflag:$0x2] =	stream.indirect.gather @!p2 [spmem:s1], $0x1, s21, s20, $0xb8;
	[tilespmem:$0xD7D8] =	vst v63  }
0xe5: {  	s4 =	ssub.s32 @!p2 $0x1180, s12;
	s21 =	sor.u32 @!p2 $0x180, s0  }
0xe6: {  	[tilespmem:s4], [sflag:$0x2] =	stream.indirect.gather @!p2 [spmem:s1], $0x1, s21, s20, $0xb8;
	[tilespmem:$0xD7D8] =	vst v63  }
0xe7: {  	s4 =	ssub.s32 @!p2 $0x1200, s12;
	s21 =	sor.u32 @!p2 $0x200, s0  }
0xe8: {  	[tilespmem:s4], [sflag:$0x2] =	stream.indirect.gather @!p2 [spmem:s1], $0x1, s21, s20, $0xb8;
	[tilespmem:$0xD7D8] =	vst v63  }
0xe9: {  	p3 =	sgt.u32 @!p2 s26, $0x5F;
	s4 =	ssub.s32 @!p2 $0x1280, s12;
	s21 =	sor.u32 @!p2 $0x280, s0  }
0xea: {  	[tilespmem:s4], [sflag:$0x2] =	stream.indirect.gather @!p2 [spmem:s1], $0x1, s21, s20, $0xb8;
	[tilespmem:$0xD7D8] =	vst v63  }
0xeb: {  	p3 =	por p3, p2;
	s4 =	ssub.s32 @!p2 $0x1300, s12;
	s21 =	sor.u32 @!p2 $0x300, s0  }
0xec: {  	[tilespmem:s4], [sflag:$0x2] =	stream.indirect.gather @!p2 [spmem:s1], $0x1, s21, s20, $0xb8;
	[tilespmem:$0xD7D8] =	vst v63  }
0xed: {  	s4 =	sadd.s32 @!p3 $0x2, s26  }
0xee: {  	s12 =	ssub.s32 @!p2 $0x1380, s12;
	s0 =	sor.u32 @!p2 $0x380, s0;
	s21 =	smul.u32 @!p3 $0xAB, s4  }
0xef: {  	[tilespmem:s12], [sflag:$0x2] =	stream.indirect.gather @!p2 [spmem:s1], $0x1, s0, s20, $0xb8;
	[tilespmem:$0xD7D8] =	vst v63  }
0xf0: {  	s0 =	sshrl.u32 @!p3 s21, $0x9  }
0xf1: {  	s0 =	sand.u32 @!p3 $0x7F, s0  }
0xf2: {  	s0 =	smul.u32 @!p3 $0x3, s0  }
0xf3: {  	s12 =	sadd.s32 @!p3 s6, s4  }
0xf4: {  	s0 =	ssub.s32 @!p3 s4, s0;
	s4 =	sshll.u32 @!p3 s12, $0x7  }
0xf5: {  	s0 =	sand.u32 @!p3 $0xFF, s0;
	s4 =	sand.u32 @!p3 $0x1FFFFF80, s4  }
0xf6: {  	s12 =	simm.s32 @!p3 $0x0;
	s0 =	sshll.u32 @!p3 s0, $0xA;
	s4 =	sadd.s32 @!p3 s3, s4  }
0xf7: {  	[tilespmem:s0], [sflag:$0x1] =	stream.linear.gather @!p3 [hbm4b:s4+s12], $0x400, $0x38;
	[tilespmem:$0xD7D8] =	vst v63  }
0xf8: {  	p3 =	sne.s32 @!p2 s29, $0x62  }
0xf9: {  	p3 =	por p2, !p3  }
.Ltmp2:
0xfa: {  	_ = 	snop;
	(pc) =	sbr.rel @!p3 .LBB2_4-.Ltmp2, $2  }
0xfb: {  	_ =	sdelay $0x2  }
0xfc: {  	s13 =	sadd.s32 @!p2 $0x400, s13;
	p1 =	por @!p2 !p1, !p1;
	s26 =	smov.u32 s29  }
0xfd: {  	s24 =	sadd.s32 $0x1, s24  }
0xfe: {  	p1 =	sne.s32 s24, s11  }
.Ltmp3:
0xff: {  	_ = 	snop;
	(pc) =	sbr.rel @p1 .LBB2_1-.Ltmp3, $4  }
0x100: {  	_ = 	snop  }
0x101: {  	_ =	swait.ge [sflag:s23], $0x400  }
0x102: {  	[sflag:s23] =	ssyncset.done $0x0  }
0x103: {  	[sflag:s23] =	ssyncadd.s32 $0xFFFFFC00  }
0x104: {  	_ =	sfence.sel $0x180000  }
0x105: {  	[bflag:$0x0] =	sbarrier.arrive $0xFFFF  }
0x106: {  	_ =	strace $0x90000047  }
0x107: {  	[bflag:$0x2] =	sbarrier.arrive $0xFFFF  }
0x108: {  	s0 =	rddreg [dreg:$0x2]  }
0x109: {  	s0 =	sadd.s32 @!p0 $0x100000, s0  }
0x10a: {  	[sflag:s0] =	ssyncadd.tile.s32 @!p0 $0x1;
	_ =	shalt  }
.Lfunc_end2:
_tile_overlayer_lowered:
.L_overlay_start_2:
0x10b: {  	(tag) =	ssettag $0x2  }
0x10c: {  	s0 =	rddreg [dreg:$0x0];
	s2 =	stileid.u32  }
0x10d: {  	s1 =	rddreg [dreg:$0x1];
	p0 =	sne.s32 s2, $0x0  }
0x10e: {  	s3 =	rddreg [dreg:$0x2];
	[bflag:$0x3] =	sbarrier.arrive $0xFFFF;
	s2 =	simm.s32 @!p0 $0x1C05  }
0x10f: {  	[timem:s3], [sflag:s2] =	dma.local @!p0 [hbm:s0], s1  }
0x110: {  	s0 =	simm.s32 @!p0 $0x5  }
0x111: {  	_ =	swait.ge @!p0 [sflag:s0], s1  }
0x112: {  	s1 =	ssub.s32 @!p0 $0x0, s1;
	[sflag:s0] =	ssyncset.done @!p0 $0x0  }
0x113: {  	[sflag:s0] =	ssyncadd.s32 @!p0 s1  }
0x114: {  	[bflag:$0x3] =	sbarrier.arrive $0xFFFF  }
0x115: {  	_ =	shalt  }

</sc_bundles>
